<compile_context>
chip_gen: v7x
topology: tpu7x:2x2x1
jax: 0.10.2.dev20260603
libtpu: 0.0.44.dev20260713+nightly
codegen_flags: <defaults>
</compile_context>

<pallas_src>
import functools

import jax
import jax.numpy as jnp
from jax import lax
from jax.experimental import pallas as pl
from jax.experimental.pallas import tpu as pltpu
from jax.experimental.pallas import tpu_sc as plsc

B, S, D = 4, 4096, 1024
BS = 2048

_NC, _NS = 2, 16
_NW = _NC * _NS
_SEQ_W = S // _NW
_R = 32
_CHUNKS = _SEQ_W // _R
_CH = _R * D
_NVEC = _CH // 16


def _tc_body(x_ref, pe_ref, o_ref):
    o_ref[0] = x_ref[0] + pe_ref[...]


def _tc_kernel(x, pos_emb):
    grid = (S // BS, B)
    return pl.pallas_call(
        _tc_body,
        grid=grid,
        in_specs=[
            pl.BlockSpec((1, BS, D), lambda s, b: (b, s, 0)),
            pl.BlockSpec((BS, D), lambda s, b: (s, 0)),
        ],
        out_specs=pl.BlockSpec((1, BS, D), lambda s, b: (b, s, 0)),
        out_shape=jax.ShapeDtypeStruct((B, S, D), x.dtype),
    )(x, pos_emb)


def _sc_body(x_hbm, pe_hbm, out_hbm, xb0, xb1, pebuf, si0, si1, so0, so1):
    xb = (xb0, xb1)
    si = (si0, si1)
    so = (so0, so1)
    wid = lax.axis_index("s") * _NC + lax.axis_index("c")
    seq0 = wid * _SEQ_W
    pieces = [(c, b) for c in range(_CHUNKS) for b in range(B)]

    h_in = [None, None]
    h_out = [None, None]

    def start_in(idx, q):
        c, b = pieces[idx]
        return pltpu.async_copy(
            x_hbm.at[b, pl.ds(seq0 + c * _R, _R)], xb[q], si[q]
        )

    h_in[0] = start_in(0, 0)
    for idx, (c, b) in enumerate(pieces):
        p = idx % 2
        if b == 0:
            pltpu.sync_copy(pe_hbm.at[pl.ds(seq0 + c * _R, _R)], pebuf)
        h_in[p].wait()
        if idx + 1 < len(pieces):
            q = (idx + 1) % 2
            if h_out[q] is not None:
                h_out[q].wait()
            h_in[q] = start_in(idx + 1, q)

        @pl.loop(0, _R)
        def _row(r):
            @pl.loop(0, D // 16, unroll=8)
            def _add(i):
                sl = pl.ds(i * 16, 16)
                plsc.addupdate(xb[p].at[r, sl], pebuf[r, sl])

        h_out[p] = pltpu.async_copy(
            xb[p], out_hbm.at[b, pl.ds(seq0 + c * _R, _R)], so[p]
        )
    h_out[0].wait()
    h_out[1].wait()


def _sc_kernel(x, pos_emb):
    mesh = plsc.VectorSubcoreMesh(core_axis_name="c", subcore_axis_name="s")
    out = pl.kernel(
        _sc_body,
        out_type=jax.ShapeDtypeStruct((B, S, D), jnp.float32),
        mesh=mesh,
        scratch_types=[
            pltpu.VMEM((_R, D), jnp.float32),
            pltpu.VMEM((_R, D), jnp.float32),
            pltpu.VMEM((_R, D), jnp.float32),
            pltpu.SemaphoreType.DMA,
            pltpu.SemaphoreType.DMA,
            pltpu.SemaphoreType.DMA,
            pltpu.SemaphoreType.DMA,
        ],
        compiler_params=pltpu.CompilerParams(use_tc_tiling_on_sc=True),
    )(x, pos_emb)
    return out


def kernel(x, pos_emb):
    return _sc_kernel(x, pos_emb)

# --- scband reference (transcript-rebuilt; emitter-appended) ---
"""Pipeline reference for scband-learnable-positional-encoding-30296699306478 (READ-ONLY COPY).

The authoritative reference and input builder live on the scoring server;
editing this copy changes nothing except your own understanding.
"""

import jax, jax.numpy as jnp
import numpy as np

B, S, D = 4, 4096, 1024
MAX_LEN = 8192

def setup_inputs(seed: int = 0) -> dict:
    key = jax.random.key(seed)
    k1, k2 = jax.random.split(key)
    x = jax.random.normal(k1, (B, S, D), dtype=jnp.float32)
    pos_emb = jax.random.normal(k2, (MAX_LEN, D), dtype=jnp.float32) * 0.02
    return {"x": x, "pos_emb": pos_emb}

def reference(x, pos_emb):
    # positions = arange(S) expanded over batch; embedding lookup then add
    positions = jnp.arange(x.shape[1], dtype=jnp.int32)
    pe = jnp.take(pos_emb, positions, axis=0)  # [S, D]
    return x + pe[None, :, :]

if __name__ == "__main__":
    import jax
    _d = setup_inputs()
    print(jax.jit(kernel)(*tuple(_d.values())))

</pallas_src>

<mosaic_0001>
#map = affine_map<(d0, d1) -> (0, 0, 0)>
#map1 = affine_map<(d0, d1) -> (0, 0)>
module attributes {stable_mosaic.version = 14 : i64} {
  func.func @_sc_body(%arg0: i32, %arg1: i32, %arg2: memref<4x4096x1024xf32, #tpu.memory_space<hbm>>, %arg3: memref<8192x1024xf32, #tpu.memory_space<hbm>>, %arg4: memref<4x4096x1024xf32, #tpu.memory_space<hbm>>, %arg5: memref<32x1024xf32, #tpu.memory_space<vmem>>, %arg6: memref<32x1024xf32, #tpu.memory_space<vmem>>, %arg7: memref<32x1024xf32, #tpu.memory_space<vmem>>, %arg8: memref<!tpu.dma_semaphore, #tpu.memory_space<semaphore_mem>>, %arg9: memref<!tpu.dma_semaphore, #tpu.memory_space<semaphore_mem>>, %arg10: memref<!tpu.dma_semaphore, #tpu.memory_space<semaphore_mem>>, %arg11: memref<!tpu.dma_semaphore, #tpu.memory_space<semaphore_mem>>) attributes {dimension_semantics = [#tpu.dimension_semantics<core_parallel>, #tpu.dimension_semantics<subcore_parallel>], iteration_bounds = array<i64: 2, 16>, scalar_prefetch = 0 : i64, scratch_operands = 7 : i64, tpu.core_type = #tpu.core_type<sc_vector_subcore>, window_params = [{transform_indices = #map}, {transform_indices = #map1}, {transform_indices = #map}]} {
    %mul3A = arith.constant 2 : i32
    %mul3A_0 = arith.muli %arg1, %mul3A : i32
    %add3A = arith.addi %mul3A_0, %arg0 : i32
    %mul3A_1 = arith.constant 128 : i32
    %mul3A_2 = arith.muli %add3A, %mul3A_1 : i32
    %add3A_3 = arith.constant 0 : i32
    %add3A_4 = arith.addi %mul3A_2, %add3A_3 : i32
    %dma_start3A = arith.constant 0 : i32
    %dma_start3A_5 = arith.constant 0 : i32
    %dma_start3A_6 = tpu.memref_slice %arg2[%dma_start3A, %add3A_4, %dma_start3A_5] : memref<4x4096x1024xf32, #tpu.memory_space<hbm>> -> memref<1x32x1024xf32, #tpu.memory_space<hbm>>
    %dma_start3A_7 = tpu.memref_squeeze %dma_start3A_6 : memref<1x32x1024xf32, #tpu.memory_space<hbm>> -> memref<32x1024xf32, #tpu.memory_space<hbm>>
    %dma_start3A_8 = arith.constant 0 : i32
    %dma_start3A_9 = tpu.memref_slice %arg2[%dma_start3A, %add3A_4, %dma_start3A_8] : memref<4x4096x1024xf32, #tpu.memory_space<hbm>> -> memref<1x32x1024xf32, #tpu.memory_space<hbm>>
    %dma_start3A_10 = tpu.memref_squeeze %dma_start3A_9 : memref<1x32x1024xf32, #tpu.memory_space<hbm>> -> memref<32x1024xf32, #tpu.memory_space<hbm>>
    tpu.enqueue_dma source(%dma_start3A_10 : memref<32x1024xf32, #tpu.memory_space<hbm>>) target(%arg5 : memref<32x1024xf32, #tpu.memory_space<vmem>>) target_semaphore(%arg8 : memref<!tpu.dma_semaphore, #tpu.memory_space<semaphore_mem>>)
    %add3A_11 = arith.constant 0 : i32
    %add3A_12 = arith.addi %mul3A_2, %add3A_11 : i32
    "tpu.region"() ({
      %run_scoped3A = tpu.sem_alloc : memref<!tpu.dma_semaphore, #tpu.memory_space<semaphore_mem>>
      %dma_start3A_600 = arith.constant 0 : i32
      %dma_start3A_601 = tpu.memref_slice %arg3[%add3A_12, %dma_start3A_600] : memref<8192x1024xf32, #tpu.memory_space<hbm>> -> memref<32x1024xf32, #tpu.memory_space<hbm>>
      %dma_start3A_602 = arith.constant 0 : i32
      %dma_start3A_603 = tpu.memref_slice %arg3[%add3A_12, %dma_start3A_602] : memref<8192x1024xf32, #tpu.memory_space<hbm>> -> memref<32x1024xf32, #tpu.memory_space<hbm>>
      tpu.enqueue_dma source(%dma_start3A_603 : memref<32x1024xf32, #tpu.memory_space<hbm>>) target(%arg7 : memref<32x1024xf32, #tpu.memory_space<vmem>>) target_semaphore(%run_scoped3A : memref<!tpu.dma_semaphore, #tpu.memory_space<semaphore_mem>>)
      %dma_wait3A_604 = arith.constant 0 : i32
      %dma_wait3A_605 = tpu.memref_slice %arg3[%add3A_12, %dma_wait3A_604] : memref<8192x1024xf32, #tpu.memory_space<hbm>> -> memref<32x1024xf32, #tpu.memory_space<hbm>>
      %dma_wait3A_606 = arith.constant 0 : i32
      %dma_wait3A_607 = tpu.memref_slice %arg3[%add3A_12, %dma_wait3A_606] : memref<8192x1024xf32, #tpu.memory_space<hbm>> -> memref<32x1024xf32, #tpu.memory_space<hbm>>
      tpu.wait_dma2 semaphore(%run_scoped3A : memref<!tpu.dma_semaphore, #tpu.memory_space<semaphore_mem>>) src(%dma_wait3A_607 : memref<32x1024xf32, #tpu.memory_space<hbm>>) dst(%arg7 : memref<32x1024xf32, #tpu.memory_space<vmem>>)
      tpu.yield
    }) : () -> ()
    %dma_wait3A = arith.constant 0 : i32
    %dma_wait3A_13 = arith.constant 0 : i32
    %dma_wait3A_14 = tpu.memref_slice %arg2[%dma_wait3A, %add3A_4, %dma_wait3A_13] : memref<4x4096x1024xf32, #tpu.memory_space<hbm>> -> memref<1x32x1024xf32, #tpu.memory_space<hbm>>
    %dma_wait3A_15 = tpu.memref_squeeze %dma_wait3A_14 : memref<1x32x1024xf32, #tpu.memory_space<hbm>> -> memref<32x1024xf32, #tpu.memory_space<hbm>>
    %dma_wait3A_16 = arith.constant 0 : i32
    %dma_wait3A_17 = tpu.memref_slice %arg2[%dma_wait3A, %add3A_4, %dma_wait3A_16] : memref<4x4096x1024xf32, #tpu.memory_space<hbm>> -> memref<1x32x1024xf32, #tpu.memory_space<hbm>>
    %dma_wait3A_18 = tpu.memref_squeeze %dma_wait3A_17 : memref<1x32x1024xf32, #tpu.memory_space<hbm>> -> memref<32x1024xf32, #tpu.memory_space<hbm>>
    tpu.wait_dma2 semaphore(%arg8 : memref<!tpu.dma_semaphore, #tpu.memory_space<semaphore_mem>>) src(%dma_wait3A_18 : memref<32x1024xf32, #tpu.memory_space<hbm>>) dst(%arg5 : memref<32x1024xf32, #tpu.memory_space<vmem>>)
    %add3A_19 = arith.constant 0 : i32
    %add3A_20 = arith.addi %mul3A_2, %add3A_19 : i32
    %dma_start3A_21 = arith.constant 1 : i32
    %dma_start3A_22 = arith.constant 0 : i32
    %dma_start3A_23 = tpu.memref_slice %arg2[%dma_start3A_21, %add3A_20, %dma_start3A_22] : memref<4x4096x1024xf32, #tpu.memory_space<hbm>> -> memref<1x32x1024xf32, #tpu.memory_space<hbm>>
    %dma_start3A_24 = tpu.memref_squeeze %dma_start3A_23 : memref<1x32x1024xf32, #tpu.memory_space<hbm>> -> memref<32x1024xf32, #tpu.memory_space<hbm>>
    %dma_start3A_25 = arith.constant 0 : i32
    %dma_start3A_26 = tpu.memref_slice %arg2[%dma_start3A_21, %add3A_20, %dma_start3A_25] : memref<4x4096x1024xf32, #tpu.memory_space<hbm>> -> memref<1x32x1024xf32, #tpu.memory_space<hbm>>
    %dma_start3A_27 = tpu.memref_squeeze %dma_start3A_26 : memref<1x32x1024xf32, #tpu.memory_space<hbm>> -> memref<32x1024xf32, #tpu.memory_space<hbm>>
    tpu.enqueue_dma source(%dma_start3A_27 : memref<32x1024xf32, #tpu.memory_space<hbm>>) target(%arg6 : memref<32x1024xf32, #tpu.memory_space<vmem>>) target_semaphore(%arg9 : memref<!tpu.dma_semaphore, #tpu.memory_space<semaphore_mem>>)
    %scan3A = arith.constant 0 : i32
    %scan3A_28 = arith.constant 32 : i32
    %scan3A_29 = arith.addi %scan3A, %scan3A_28 : i32
    %scan3A_30 = arith.constant 1 : i32
    scf.for %scan3A_600 = %scan3A to %scan3A_29 step %scan3A_30  : i32 {
      %mul3A_601 = arith.constant 1 : i32
      %mul3A_602 = arith.muli %scan3A_600, %mul3A_601 : i32
      %add3A_603 = arith.constant 0 : i32
      %add3A_604 = arith.addi %add3A_603, %mul3A_602 : i32
      %scan3A_605 = arith.constant 0 : i32
      %scan3A_606 = arith.constant 64 : i32
      %scan3A_607 = arith.addi %scan3A_605, %scan3A_606 : i32
      %scan3A_608 = arith.constant 8 : i32
      scf.for %scan3A_610 = %scan3A_605 to %scan3A_607 step %scan3A_608  : i32 {
        %mul3A_611 = arith.constant 1 : i32
        %mul3A_612 = arith.muli %scan3A_610, %mul3A_611 : i32
        %add3A_613 = arith.constant 0 : i32
        %add3A_614 = arith.addi %add3A_613, %mul3A_612 : i32
        %mul3A_615 = arith.constant 16 : i32
        %mul3A_616 = arith.muli %add3A_614, %mul3A_615 : i32
        %get3A = arith.index_cast %add3A_604 : i32 to index
        %get3A_617 = arith.index_cast %mul3A_616 : i32 to index
        %get3A_618 = tpu.vector_load %arg7[%get3A, %get3A_617] {strides = array<i32>} : memref<32x1024xf32, #tpu.memory_space<vmem>>, vector<1x16xf32>,
        %get3A_619 = vector.shape_cast %get3A_618 : vector<1x16xf32> to vector<16xf32>
        %swap3A = arith.index_cast %add3A_604 : i32 to index
        %swap3A_620 = arith.index_cast %mul3A_616 : i32 to index
        %swap3A_621 = tpu.vector_load %arg5[%swap3A, %swap3A_620] {strides = array<i32>} : memref<32x1024xf32, #tpu.memory_space<vmem>>, vector<1x16xf32>,
        %swap3A_622 = vector.shape_cast %swap3A_621 : vector<1x16xf32> to vector<16xf32>
        %swap3A_623 = vector.shape_cast %get3A_619 : vector<16xf32> to vector<1x16xf32>
        tpu.vector_store %arg5[%swap3A, %swap3A_620], %swap3A_623 {add = true, strides = array<i32>} : memref<32x1024xf32, #tpu.memory_space<vmem>>, vector<1x16xf32>,
        %scan3A_624 = arith.constant 1 : i32
        %scan3A_625 = arith.addi %scan3A_610, %scan3A_624 : i32
        %mul3A_626 = arith.constant 1 : i32
        %mul3A_627 = arith.muli %scan3A_625, %mul3A_626 : i32
        %add3A_628 = arith.constant 0 : i32
        %add3A_629 = arith.addi %add3A_628, %mul3A_627 : i32
        %mul3A_630 = arith.constant 16 : i32
        %mul3A_631 = arith.muli %add3A_629, %mul3A_630 : i32
        %get3A_632 = arith.index_cast %add3A_604 : i32 to index
        %get3A_633 = arith.index_cast %mul3A_631 : i32 to index
        %get3A_634 = tpu.vector_load %arg7[%get3A_632, %get3A_633] {strides = array<i32>} : memref<32x1024xf32, #tpu.memory_space<vmem>>, vector<1x16xf32>,
        %get3A_635 = vector.shape_cast %get3A_634 : vector<1x16xf32> to vector<16xf32>
        %swap3A_636 = arith.index_cast %add3A_604 : i32 to index
        %swap3A_637 = arith.index_cast %mul3A_631 : i32 to index
        %swap3A_638 = tpu.vector_load %arg5[%swap3A_636, %swap3A_637] {strides = array<i32>} : memref<32x1024xf32, #tpu.memory_space<vmem>>, vector<1x16xf32>,
        %swap3A_639 = vector.shape_cast %swap3A_638 : vector<1x16xf32> to vector<16xf32>
        %swap3A_640 = vector.shape_cast %get3A_635 : vector<16xf32> to vector<1x16xf32>
        tpu.vector_store %arg5[%swap3A_636, %swap3A_637], %swap3A_640 {add = true, strides = array<i32>} : memref<32x1024xf32, #tpu.memory_space<vmem>>, vector<1x16xf32>,
        %scan3A_641 = arith.constant 2 : i32
        %scan3A_642 = arith.addi %scan3A_610, %scan3A_641 : i32
        %mul3A_643 = arith.constant 1 : i32
        %mul3A_644 = arith.muli %scan3A_642, %mul3A_643 : i32
        %add3A_645 = arith.constant 0 : i32
        %add3A_646 = arith.addi %add3A_645, %mul3A_644 : i32
        %mul3A_647 = arith.constant 16 : i32
        %mul3A_648 = arith.muli %add3A_646, %mul3A_647 : i32
        %get3A_649 = arith.index_cast %add3A_604 : i32 to index
        %get3A_650 = arith.index_cast %mul3A_648 : i32 to index
        %get3A_651 = tpu.vector_load %arg7[%get3A_649, %get3A_650] {strides = array<i32>} : memref<32x1024xf32, #tpu.memory_space<vmem>>, vector<1x16xf32>,
        %get3A_652 = vector.shape_cast %get3A_651 : vector<1x16xf32> to vector<16xf32>
        %swap3A_653 = arith.index_cast %add3A_604 : i32 to index
        %swap3A_654 = arith.index_cast %mul3A_648 : i32 to index
        %swap3A_655 = tpu.vector_load %arg5[%swap3A_653, %swap3A_654] {strides = array<i32>} : memref<32x1024xf32, #tpu.memory_space<vmem>>, vector<1x16xf32>,
        %swap3A_656 = vector.shape_cast %swap3A_655 : vector<1x16xf32> to vector<16xf32>
        %swap3A_657 = vector.shape_cast %get3A_652 : vector<16xf32> to vector<1x16xf32>
        tpu.vector_store %arg5[%swap3A_653, %swap3A_654], %swap3A_657 {add = true, strides = array<i32>} : memref<32x1024xf32, #tpu.memory_space<vmem>>, vector<1x16xf32>,
        %scan3A_658 = arith.constant 3 : i32
        %scan3A_659 = arith.addi %scan3A_610, %scan3A_658 : i32
        %mul3A_660 = arith.constant 1 : i32
        %mul3A_661 = arith.muli %scan3A_659, %mul3A_660 : i32
        %add3A_662 = arith.constant 0 : i32
        %add3A_663 = arith.addi %add3A_662, %mul3A_661 : i32
        %mul3A_664 = arith.constant 16 : i32
        %mul3A_665 = arith.muli %add3A_663, %mul3A_664 : i32
        %get3A_666 = arith.index_cast %add3A_604 : i32 to index
        %get3A_667 = arith.index_cast %mul3A_665 : i32 to index
        %get3A_668 = tpu.vector_load %arg7[%get3A_666, %get3A_667] {strides = array<i32>} : memref<32x1024xf32, #tpu.memory_space<vmem>>, vector<1x16xf32>,
        %get3A_669 = vector.shape_cast %get3A_668 : vector<1x16xf32> to vector<16xf32>
        %swap3A_670 = arith.index_cast %add3A_604 : i32 to index
        %swap3A_671 = arith.index_cast %mul3A_665 : i32 to index
        %swap3A_672 = tpu.vector_load %arg5[%swap3A_670, %swap3A_671] {strides = array<i32>} : memref<32x1024xf32, #tpu.memory_space<vmem>>, vector<1x16xf32>,
        %swap3A_673 = vector.shape_cast %swap3A_672 : vector<1x16xf32> to vector<16xf32>
        %swap3A_674 = vector.shape_cast %get3A_669 : vector<16xf32> to vector<1x16xf32>
        tpu.vector_store %arg5[%swap3A_670, %swap3A_671], %swap3A_674 {add = true, strides = array<i32>} : memref<32x1024xf32, #tpu.memory_space<vmem>>, vector<1x16xf32>,
        %scan3A_675 = arith.constant 4 : i32
        %scan3A_676 = arith.addi %scan3A_610, %scan3A_675 : i32
        %mul3A_677 = arith.constant 1 : i32
        %mul3A_678 = arith.muli %scan3A_676, %mul3A_677 : i32
        %add3A_679 = arith.constant 0 : i32
        %add3A_680 = arith.addi %add3A_679, %mul3A_678 : i32
        %mul3A_681 = arith.constant 16 : i32
        %mul3A_682 = arith.muli %add3A_680, %mul3A_681 : i32
        %get3A_683 = arith.index_cast %add3A_604 : i32 to index
        %get3A_684 = arith.index_cast %mul3A_682 : i32 to index
        %get3A_685 = tpu.vector_load %arg7[%get3A_683, %get3A_684] {strides = array<i32>} : memref<32x1024xf32, #tpu.memory_space<vmem>>, vector<1x16xf32>,
        %get3A_686 = vector.shape_cast %get3A_685 : vector<1x16xf32> to vector<16xf32>
        %swap3A_687 = arith.index_cast %add3A_604 : i32 to index
        %swap3A_688 = arith.index_cast %mul3A_682 : i32 to index
        %swap3A_689 = tpu.vector_load %arg5[%swap3A_687, %swap3A_688] {strides = array<i32>} : memref<32x1024xf32, #tpu.memory_space<vmem>>, vector<1x16xf32>,
        %swap3A_690 = vector.shape_cast %swap3A_689 : vector<1x16xf32> to vector<16xf32>
        %swap3A_691 = vector.shape_cast %get3A_686 : vector<16xf32> to vector<1x16xf32>
        tpu.vector_store %arg5[%swap3A_687, %swap3A_688], %swap3A_691 {add = true, strides = array<i32>} : memref<32x1024xf32, #tpu.memory_space<vmem>>, vector<1x16xf32>,
        %scan3A_692 = arith.constant 5 : i32
        %scan3A_693 = arith.addi %scan3A_610, %scan3A_692 : i32
        %mul3A_694 = arith.constant 1 : i32
        %mul3A_695 = arith.muli %scan3A_693, %mul3A_694 : i32
        %add3A_696 = arith.constant 0 : i32
        %add3A_697 = arith.addi %add3A_696, %mul3A_695 : i32
        %mul3A_698 = arith.constant 16 : i32
        %mul3A_699 = arith.muli %add3A_697, %mul3A_698 : i32
        %get3A_700 = arith.index_cast %add3A_604 : i32 to index
        %get3A_701 = arith.index_cast %mul3A_699 : i32 to index
        %get3A_702 = tpu.vector_load %arg7[%get3A_700, %get3A_701] {strides = array<i32>} : memref<32x1024xf32, #tpu.memory_space<vmem>>, vector<1x16xf32>,
        %get3A_703 = vector.shape_cast %get3A_702 : vector<1x16xf32> to vector<16xf32>
        %swap3A_704 = arith.index_cast %add3A_604 : i32 to index
        %swap3A_705 = arith.index_cast %mul3A_699 : i32 to index
        %swap3A_706 = tpu.vector_load %arg5[%swap3A_704, %swap3A_705] {strides = array<i32>} : memref<32x1024xf32, #tpu.memory_space<vmem>>, vector<1x16xf32>,
        %swap3A_707 = vector.shape_cast %swap3A_706 : vector<1x16xf32> to vector<16xf32>
        %swap3A_708 = vector.shape_cast %get3A_703 : vector<16xf32> to vector<1x16xf32>
        tpu.vector_store %arg5[%swap3A_704, %swap3A_705], %swap3A_708 {add = true, strides = array<i32>} : memref<32x1024xf32, #tpu.memory_space<vmem>>, vector<1x16xf32>,
        %scan3A_709 = arith.constant 6 : i32
        %scan3A_710 = arith.addi %scan3A_610, %scan3A_709 : i32
        %mul3A_711 = arith.constant 1 : i32
        %mul3A_712 = arith.muli %scan3A_710, %mul3A_711 : i32
        %add3A_713 = arith.constant 0 : i32
        %add3A_714 = arith.addi %add3A_713, %mul3A_712 : i32
        %mul3A_715 = arith.constant 16 : i32
        %mul3A_716 = arith.muli %add3A_714, %mul3A_715 : i32
        %get3A_717 = arith.index_cast %add3A_604 : i32 to index
        %get3A_718 = arith.index_cast %mul3A_716 : i32 to index
        %get3A_719 = tpu.vector_load %arg7[%get3A_717, %get3A_718] {strides = array<i32>} : memref<32x1024xf32, #tpu.memory_space<vmem>>, vector<1x16xf32>,
        %get3A_720 = vector.shape_cast %get3A_719 : vector<1x16xf32> to vector<16xf32>
        %swap3A_721 = arith.index_cast %add3A_604 : i32 to index
        %swap3A_722 = arith.index_cast %mul3A_716 : i32 to index
        %swap3A_723 = tpu.vector_load %arg5[%swap3A_721, %swap3A_722] {strides = array<i32>} : memref<32x1024xf32, #tpu.memory_space<vmem>>, vector<1x16xf32>,
        %swap3A_724 = vector.shape_cast %swap3A_723 : vector<1x16xf32> to vector<16xf32>
        %swap3A_725 = vector.shape_cast %get3A_720 : vector<16xf32> to vector<1x16xf32>
        tpu.vector_store %arg5[%swap3A_721, %swap3A_722], %swap3A_725 {add = true, strides = array<i32>} : memref<32x1024xf32, #tpu.memory_space<vmem>>, vector<1x16xf32>,
        %scan3A_726 = arith.constant 7 : i32
        %scan3A_727 = arith.addi %scan3A_610, %scan3A_726 : i32
        %mul3A_728 = arith.constant 1 : i32
        %mul3A_729 = arith.muli %scan3A_727, %mul3A_728 : i32
        %add3A_730 = arith.constant 0 : i32
        %add3A_731 = arith.addi %add3A_730, %mul3A_729 : i32
        %mul3A_732 = arith.constant 16 : i32
        %mul3A_733 = arith.muli %add3A_731, %mul3A_732 : i32
        %get3A_734 = arith.index_cast %add3A_604 : i32 to index
        %get3A_735 = arith.index_cast %mul3A_733 : i32 to index
        %get3A_736 = tpu.vector_load %arg7[%get3A_734, %get3A_735] {strides = array<i32>} : memref<32x1024xf32, #tpu.memory_space<vmem>>, vector<1x16xf32>,
        %get3A_737 = vector.shape_cast %get3A_736 : vector<1x16xf32> to vector<16xf32>
        %swap3A_738 = arith.index_cast %add3A_604 : i32 to index
        %swap3A_739 = arith.index_cast %mul3A_733 : i32 to index
        %swap3A_740 = tpu.vector_load %arg5[%swap3A_738, %swap3A_739] {strides = array<i32>} : memref<32x1024xf32, #tpu.memory_space<vmem>>, vector<1x16xf32>,
        %swap3A_741 = vector.shape_cast %swap3A_740 : vector<1x16xf32> to vector<16xf32>
        %swap3A_742 = vector.shape_cast %get3A_737 : vector<16xf32> to vector<1x16xf32>
        tpu.vector_store %arg5[%swap3A_738, %swap3A_739], %swap3A_742 {add = true, strides = array<i32>} : memref<32x1024xf32, #tpu.memory_space<vmem>>, vector<1x16xf32>,
      }
      %scan3A_609 = arith.constant 64 : i32
    }
    %scan3A_31 = arith.constant 32 : i32
    %add3A_32 = arith.constant 0 : i32
    %add3A_33 = arith.addi %mul3A_2, %add3A_32 : i32
    %dma_start3A_34 = arith.constant 0 : i32
    %dma_start3A_35 = arith.constant 0 : i32
    %dma_start3A_36 = tpu.memref_slice %arg4[%dma_start3A_34, %add3A_33, %dma_start3A_35] : memref<4x4096x1024xf32, #tpu.memory_space<hbm>> -> memref<1x32x1024xf32, #tpu.memory_space<hbm>>
    %dma_start3A_37 = tpu.memref_squeeze %dma_start3A_36 : memref<1x32x1024xf32, #tpu.memory_space<hbm>> -> memref<32x1024xf32, #tpu.memory_space<hbm>>
    %dma_start3A_38 = arith.constant 0 : i32
    %dma_start3A_39 = tpu.memref_slice %arg4[%dma_start3A_34, %add3A_33, %dma_start3A_38] : memref<4x4096x1024xf32, #tpu.memory_space<hbm>> -> memref<1x32x1024xf32, #tpu.memory_space<hbm>>
    %dma_start3A_40 = tpu.memref_squeeze %dma_start3A_39 : memref<1x32x1024xf32, #tpu.memory_space<hbm>> -> memref<32x1024xf32, #tpu.memory_space<hbm>>
    tpu.enqueue_dma source(%arg5 : memref<32x1024xf32, #tpu.memory_space<vmem>>) target(%dma_start3A_40 : memref<32x1024xf32, #tpu.memory_space<hbm>>) target_semaphore(%arg10 : memref<!tpu.dma_semaphore, #tpu.memory_space<semaphore_mem>>)
    %dma_wait3A_41 = arith.constant 1 : i32
    %dma_wait3A_42 = arith.constant 0 : i32
    %dma_wait3A_43 = tpu.memref_slice %arg2[%dma_wait3A_41, %add3A_20, %dma_wait3A_42] : memref<4x4096x1024xf32, #tpu.memory_space<hbm>> -> memref<1x32x1024xf32, #tpu.memory_space<hbm>>
    %dma_wait3A_44 = tpu.memref_squeeze %dma_wait3A_43 : memref<1x32x1024xf32, #tpu.memory_space<hbm>> -> memref<32x1024xf32, #tpu.memory_space<hbm>>
    %dma_wait3A_45 = arith.constant 0 : i32
    %dma_wait3A_46 = tpu.memref_slice %arg2[%dma_wait3A_41, %add3A_20, %dma_wait3A_45] : memref<4x4096x1024xf32, #tpu.memory_space<hbm>> -> memref<1x32x1024xf32, #tpu.memory_space<hbm>>
    %dma_wait3A_47 = tpu.memref_squeeze %dma_wait3A_46 : memref<1x32x1024xf32, #tpu.memory_space<hbm>> -> memref<32x1024xf32, #tpu.memory_space<hbm>>
    tpu.wait_dma2 semaphore(%arg9 : memref<!tpu.dma_semaphore, #tpu.memory_space<semaphore_mem>>) src(%dma_wait3A_47 : memref<32x1024xf32, #tpu.memory_space<hbm>>) dst(%arg6 : memref<32x1024xf32, #tpu.memory_space<vmem>>)
    %dma_wait3A_48 = arith.constant 0 : i32
    %dma_wait3A_49 = arith.constant 0 : i32
    %dma_wait3A_50 = tpu.memref_slice %arg4[%dma_wait3A_48, %add3A_33, %dma_wait3A_49] : memref<4x4096x1024xf32, #tpu.memory_space<hbm>> -> memref<1x32x1024xf32, #tpu.memory_space<hbm>>
    %dma_wait3A_51 = tpu.memref_squeeze %dma_wait3A_50 : memref<1x32x1024xf32, #tpu.memory_space<hbm>> -> memref<32x1024xf32, #tpu.memory_space<hbm>>
    %dma_wait3A_52 = arith.constant 0 : i32
    %dma_wait3A_53 = tpu.memref_slice %arg4[%dma_wait3A_48, %add3A_33, %dma_wait3A_52] : memref<4x4096x1024xf32, #tpu.memory_space<hbm>> -> memref<1x32x1024xf32, #tpu.memory_space<hbm>>
    %dma_wait3A_54 = tpu.memref_squeeze %dma_wait3A_53 : memref<1x32x1024xf32, #tpu.memory_space<hbm>> -> memref<32x1024xf32, #tpu.memory_space<hbm>>
    tpu.wait_dma2 semaphore(%arg10 : memref<!tpu.dma_semaphore, #tpu.memory_space<semaphore_mem>>) src(%arg5 : memref<32x1024xf32, #tpu.memory_space<vmem>>) dst(%dma_wait3A_54 : memref<32x1024xf32, #tpu.memory_space<hbm>>)
    %add3A_55 = arith.constant 0 : i32
    %add3A_56 = arith.addi %mul3A_2, %add3A_55 : i32
    %dma_start3A_57 = arith.constant 2 : i32
    %dma_start3A_58 = arith.constant 0 : i32
    %dma_start3A_59 = tpu.memref_slice %arg2[%dma_start3A_57, %add3A_56, %dma_start3A_58] : memref<4x4096x1024xf32, #tpu.memory_space<hbm>> -> memref<1x32x1024xf32, #tpu.memory_space<hbm>>
    %dma_start3A_60 = tpu.memref_squeeze %dma_start3A_59 : memref<1x32x1024xf32, #tpu.memory_space<hbm>> -> memref<32x1024xf32, #tpu.memory_space<hbm>>
    %dma_start3A_61 = arith.constant 0 : i32
    %dma_start3A_62 = tpu.memref_slice %arg2[%dma_start3A_57, %add3A_56, %dma_start3A_61] : memref<4x4096x1024xf32, #tpu.memory_space<hbm>> -> memref<1x32x1024xf32, #tpu.memory_space<hbm>>
    %dma_start3A_63 = tpu.memref_squeeze %dma_start3A_62 : memref<1x32x1024xf32, #tpu.memory_space<hbm>> -> memref<32x1024xf32, #tpu.memory_space<hbm>>
    tpu.enqueue_dma source(%dma_start3A_63 : memref<32x1024xf32, #tpu.memory_space<hbm>>) target(%arg5 : memref<32x1024xf32, #tpu.memory_space<vmem>>) target_semaphore(%arg8 : memref<!tpu.dma_semaphore, #tpu.memory_space<semaphore_mem>>)
    %scan3A_64 = arith.constant 0 : i32
    %scan3A_65 = arith.constant 32 : i32
    %scan3A_66 = arith.addi %scan3A_64, %scan3A_65 : i32
    %scan3A_67 = arith.constant 1 : i32
    scf.for %scan3A_600 = %scan3A_64 to %scan3A_66 step %scan3A_67  : i32 {
      %mul3A_601 = arith.constant 1 : i32
      %mul3A_602 = arith.muli %scan3A_600, %mul3A_601 : i32
      %add3A_603 = arith.constant 0 : i32
      %add3A_604 = arith.addi %add3A_603, %mul3A_602 : i32
      %scan3A_605 = arith.constant 0 : i32
      %scan3A_606 = arith.constant 64 : i32
      %scan3A_607 = arith.addi %scan3A_605, %scan3A_606 : i32
      %scan3A_608 = arith.constant 8 : i32
      scf.for %scan3A_610 = %scan3A_605 to %scan3A_607 step %scan3A_608  : i32 {
        %mul3A_611 = arith.constant 1 : i32
        %mul3A_612 = arith.muli %scan3A_610, %mul3A_611 : i32
        %add3A_613 = arith.constant 0 : i32
        %add3A_614 = arith.addi %add3A_613, %mul3A_612 : i32
        %mul3A_615 = arith.constant 16 : i32
        %mul3A_616 = arith.muli %add3A_614, %mul3A_615 : i32
        %get3A = arith.index_cast %add3A_604 : i32 to index
        %get3A_617 = arith.index_cast %mul3A_616 : i32 to index
        %get3A_618 = tpu.vector_load %arg7[%get3A, %get3A_617] {strides = array<i32>} : memref<32x1024xf32, #tpu.memory_space<vmem>>, vector<1x16xf32>,
        %get3A_619 = vector.shape_cast %get3A_618 : vector<1x16xf32> to vector<16xf32>
        %swap3A = arith.index_cast %add3A_604 : i32 to index
        %swap3A_620 = arith.index_cast %mul3A_616 : i32 to index
        %swap3A_621 = tpu.vector_load %arg6[%swap3A, %swap3A_620] {strides = array<i32>} : memref<32x1024xf32, #tpu.memory_space<vmem>>, vector<1x16xf32>,
        %swap3A_622 = vector.shape_cast %swap3A_621 : vector<1x16xf32> to vector<16xf32>
        %swap3A_623 = vector.shape_cast %get3A_619 : vector<16xf32> to vector<1x16xf32>
        tpu.vector_store %arg6[%swap3A, %swap3A_620], %swap3A_623 {add = true, strides = array<i32>} : memref<32x1024xf32, #tpu.memory_space<vmem>>, vector<1x16xf32>,
        %scan3A_624 = arith.constant 1 : i32
        %scan3A_625 = arith.addi %scan3A_610, %scan3A_624 : i32
        %mul3A_626 = arith.constant 1 : i32
        %mul3A_627 = arith.muli %scan3A_625, %mul3A_626 : i32
        %add3A_628 = arith.constant 0 : i32
        %add3A_629 = arith.addi %add3A_628, %mul3A_627 : i32
        %mul3A_630 = arith.constant 16 : i32
        %mul3A_631 = arith.muli %add3A_629, %mul3A_630 : i32
        %get3A_632 = arith.index_cast %add3A_604 : i32 to index
        %get3A_633 = arith.index_cast %mul3A_631 : i32 to index
        %get3A_634 = tpu.vector_load %arg7[%get3A_632, %get3A_633] {strides = array<i32>} : memref<32x1024xf32, #tpu.memory_space<vmem>>, vector<1x16xf32>,
        %get3A_635 = vector.shape_cast %get3A_634 : vector<1x16xf32> to vector<16xf32>
        %swap3A_636 = arith.index_cast %add3A_604 : i32 to index
        %swap3A_637 = arith.index_cast %mul3A_631 : i32 to index
        %swap3A_638 = tpu.vector_load %arg6[%swap3A_636, %swap3A_637] {strides = array<i32>} : memref<32x1024xf32, #tpu.memory_space<vmem>>, vector<1x16xf32>,
        %swap3A_639 = vector.shape_cast %swap3A_638 : vector<1x16xf32> to vector<16xf32>
        %swap3A_640 = vector.shape_cast %get3A_635 : vector<16xf32> to vector<1x16xf32>
        tpu.vector_store %arg6[%swap3A_636, %swap3A_637], %swap3A_640 {add = true, strides = array<i32>} : memref<32x1024xf32, #tpu.memory_space<vmem>>, vector<1x16xf32>,
        %scan3A_641 = arith.constant 2 : i32
        %scan3A_642 = arith.addi %scan3A_610, %scan3A_641 : i32
        %mul3A_643 = arith.constant 1 : i32
        %mul3A_644 = arith.muli %scan3A_642, %mul3A_643 : i32
        %add3A_645 = arith.constant 0 : i32
        %add3A_646 = arith.addi %add3A_645, %mul3A_644 : i32
        %mul3A_647 = arith.constant 16 : i32
        %mul3A_648 = arith.muli %add3A_646, %mul3A_647 : i32
        %get3A_649 = arith.index_cast %add3A_604 : i32 to index
        %get3A_650 = arith.index_cast %mul3A_648 : i32 to index
        %get3A_651 = tpu.vector_load %arg7[%get3A_649, %get3A_650] {strides = array<i32>} : memref<32x1024xf32, #tpu.memory_space<vmem>>, vector<1x16xf32>,
        %get3A_652 = vector.shape_cast %get3A_651 : vector<1x16xf32> to vector<16xf32>
        %swap3A_653 = arith.index_cast %add3A_604 : i32 to index
        %swap3A_654 = arith.index_cast %mul3A_648 : i32 to index
        %swap3A_655 = tpu.vector_load %arg6[%swap3A_653, %swap3A_654] {strides = array<i32>} : memref<32x1024xf32, #tpu.memory_space<vmem>>, vector<1x16xf32>,
        %swap3A_656 = vector.shape_cast %swap3A_655 : vector<1x16xf32> to vector<16xf32>
        %swap3A_657 = vector.shape_cast %get3A_652 : vector<16xf32> to vector<1x16xf32>
        tpu.vector_store %arg6[%swap3A_653, %swap3A_654], %swap3A_657 {add = true, strides = array<i32>} : memref<32x1024xf32, #tpu.memory_space<vmem>>, vector<1x16xf32>,
        %scan3A_658 = arith.constant 3 : i32
        %scan3A_659 = arith.addi %scan3A_610, %scan3A_658 : i32
        %mul3A_660 = arith.constant 1 : i32
        %mul3A_661 = arith.muli %scan3A_659, %mul3A_660 : i32
        %add3A_662 = arith.constant 0 : i32
        %add3A_663 = arith.addi %add3A_662, %mul3A_661 : i32
        %mul3A_664 = arith.constant 16 : i32
        %mul3A_665 = arith.muli %add3A_663, %mul3A_664 : i32
        %get3A_666 = arith.index_cast %add3A_604 : i32 to index
        %get3A_667 = arith.index_cast %mul3A_665 : i32 to index
        %get3A_668 = tpu.vector_load %arg7[%get3A_666, %get3A_667] {strides = array<i32>} : memref<32x1024xf32, #tpu.memory_space<vmem>>, vector<1x16xf32>,
        %get3A_669 = vector.shape_cast %get3A_668 : vector<1x16xf32> to vector<16xf32>
        %swap3A_670 = arith.index_cast %add3A_604 : i32 to index
        %swap3A_671 = arith.index_cast %mul3A_665 : i32 to index
        %swap3A_672 = tpu.vector_load %arg6[%swap3A_670, %swap3A_671] {strides = array<i32>} : memref<32x1024xf32, #tpu.memory_space<vmem>>, vector<1x16xf32>,
        %swap3A_673 = vector.shape_cast %swap3A_672 : vector<1x16xf32> to vector<16xf32>
        %swap3A_674 = vector.shape_cast %get3A_669 : vector<16xf32> to vector<1x16xf32>
        tpu.vector_store %arg6[%swap3A_670, %swap3A_671], %swap3A_674 {add = true, strides = array<i32>} : memref<32x1024xf32, #tpu.memory_space<vmem>>, vector<1x16xf32>,
        %scan3A_675 = arith.constant 4 : i32
        %scan3A_676 = arith.addi %scan3A_610, %scan3A_675 : i32
        %mul3A_677 = arith.constant 1 : i32
        %mul3A_678 = arith.muli %scan3A_676, %mul3A_677 : i32
        %add3A_679 = arith.constant 0 : i32
        %add3A_680 = arith.addi %add3A_679, %mul3A_678 : i32
        %mul3A_681 = arith.constant 16 : i32
        %mul3A_682 = arith.muli %add3A_680, %mul3A_681 : i32
        %get3A_683 = arith.index_cast %add3A_604 : i32 to index
        %get3A_684 = arith.index_cast %mul3A_682 : i32 to index
        %get3A_685 = tpu.vector_load %arg7[%get3A_683, %get3A_684] {strides = array<i32>} : memref<32x1024xf32, #tpu.memory_space<vmem>>, vector<1x16xf32>,
        %get3A_686 = vector.shape_cast %get3A_685 : vector<1x16xf32> to vector<16xf32>
        %swap3A_687 = arith.index_cast %add3A_604 : i32 to index
        %swap3A_688 = arith.index_cast %mul3A_682 : i32 to index
        %swap3A_689 = tpu.vector_load %arg6[%swap3A_687, %swap3A_688] {strides = array<i32>} : memref<32x1024xf32, #tpu.memory_space<vmem>>, vector<1x16xf32>,
        %swap3A_690 = vector.shape_cast %swap3A_689 : vector<1x16xf32> to vector<16xf32>
        %swap3A_691 = vector.shape_cast %get3A_686 : vector<16xf32> to vector<1x16xf32>
        tpu.vector_store %arg6[%swap3A_687, %swap3A_688], %swap3A_691 {add = true, strides = array<i32>} : memref<32x1024xf32, #tpu.memory_space<vmem>>, vector<1x16xf32>,
        %scan3A_692 = arith.constant 5 : i32
        %scan3A_693 = arith.addi %scan3A_610, %scan3A_692 : i32
        %mul3A_694 = arith.constant 1 : i32
        %mul3A_695 = arith.muli %scan3A_693, %mul3A_694 : i32
        %add3A_696 = arith.constant 0 : i32
        %add3A_697 = arith.addi %add3A_696, %mul3A_695 : i32
        %mul3A_698 = arith.constant 16 : i32
        %mul3A_699 = arith.muli %add3A_697, %mul3A_698 : i32
        %get3A_700 = arith.index_cast %add3A_604 : i32 to index
        %get3A_701 = arith.index_cast %mul3A_699 : i32 to index
        %get3A_702 = tpu.vector_load %arg7[%get3A_700, %get3A_701] {strides = array<i32>} : memref<32x1024xf32, #tpu.memory_space<vmem>>, vector<1x16xf32>,
        %get3A_703 = vector.shape_cast %get3A_702 : vector<1x16xf32> to vector<16xf32>
        %swap3A_704 = arith.index_cast %add3A_604 : i32 to index
        %swap3A_705 = arith.index_cast %mul3A_699 : i32 to index
        %swap3A_706 = tpu.vector_load %arg6[%swap3A_704, %swap3A_705] {strides = array<i32>} : memref<32x1024xf32, #tpu.memory_space<vmem>>, vector<1x16xf32>,
        %swap3A_707 = vector.shape_cast %swap3A_706 : vector<1x16xf32> to vector<16xf32>
        %swap3A_708 = vector.shape_cast %get3A_703 : vector<16xf32> to vector<1x16xf32>
        tpu.vector_store %arg6[%swap3A_704, %swap3A_705], %swap3A_708 {add = true, strides = array<i32>} : memref<32x1024xf32, #tpu.memory_space<vmem>>, vector<1x16xf32>,
        %scan3A_709 = arith.constant 6 : i32
        %scan3A_710 = arith.addi %scan3A_610, %scan3A_709 : i32
        %mul3A_711 = arith.constant 1 : i32
        %mul3A_712 = arith.muli %scan3A_710, %mul3A_711 : i32
        %add3A_713 = arith.constant 0 : i32
        %add3A_714 = arith.addi %add3A_713, %mul3A_712 : i32
        %mul3A_715 = arith.constant 16 : i32
        %mul3A_716 = arith.muli %add3A_714, %mul3A_715 : i32
        %get3A_717 = arith.index_cast %add3A_604 : i32 to index
        %get3A_718 = arith.index_cast %mul3A_716 : i32 to index
        %get3A_719 = tpu.vector_load %arg7[%get3A_717, %get3A_718] {strides = array<i32>} : memref<32x1024xf32, #tpu.memory_space<vmem>>, vector<1x16xf32>,
        %get3A_720 = vector.shape_cast %get3A_719 : vector<1x16xf32> to vector<16xf32>
        %swap3A_721 = arith.index_cast %add3A_604 : i32 to index
        %swap3A_722 = arith.index_cast %mul3A_716 : i32 to index
        %swap3A_723 = tpu.vector_load %arg6[%swap3A_721, %swap3A_722] {strides = array<i32>} : memref<32x1024xf32, #tpu.memory_space<vmem>>, vector<1x16xf32>,
        %swap3A_724 = vector.shape_cast %swap3A_723 : vector<1x16xf32> to vector<16xf32>
        %swap3A_725 = vector.shape_cast %get3A_720 : vector<16xf32> to vector<1x16xf32>
        tpu.vector_store %arg6[%swap3A_721, %swap3A_722], %swap3A_725 {add = true, strides = array<i32>} : memref<32x1024xf32, #tpu.memory_space<vmem>>, vector<1x16xf32>,
        %scan3A_726 = arith.constant 7 : i32
        %scan3A_727 = arith.addi %scan3A_610, %scan3A_726 : i32
        %mul3A_728 = arith.constant 1 : i32
        %mul3A_729 = arith.muli %scan3A_727, %mul3A_728 : i32
        %add3A_730 = arith.constant 0 : i32
        %add3A_731 = arith.addi %add3A_730, %mul3A_729 : i32
        %mul3A_732 = arith.constant 16 : i32
        %mul3A_733 = arith.muli %add3A_731, %mul3A_732 : i32
        %get3A_734 = arith.index_cast %add3A_604 : i32 to index
        %get3A_735 = arith.index_cast %mul3A_733 : i32 to index
        %get3A_736 = tpu.vector_load %arg7[%get3A_734, %get3A_735] {strides = array<i32>} : memref<32x1024xf32, #tpu.memory_space<vmem>>, vector<1x16xf32>,
        %get3A_737 = vector.shape_cast %get3A_736 : vector<1x16xf32> to vector<16xf32>
        %swap3A_738 = arith.index_cast %add3A_604 : i32 to index
        %swap3A_739 = arith.index_cast %mul3A_733 : i32 to index
        %swap3A_740 = tpu.vector_load %arg6[%swap3A_738, %swap3A_739] {strides = array<i32>} : memref<32x1024xf32, #tpu.memory_space<vmem>>, vector<1x16xf32>,
        %swap3A_741 = vector.shape_cast %swap3A_740 : vector<1x16xf32> to vector<16xf32>
        %swap3A_742 = vector.shape_cast %get3A_737 : vector<16xf32> to vector<1x16xf32>
        tpu.vector_store %arg6[%swap3A_738, %swap3A_739], %swap3A_742 {add = true, strides = array<i32>} : memref<32x1024xf32, #tpu.memory_space<vmem>>, vector<1x16xf32>,
      }
      %scan3A_609 = arith.constant 64 : i32
    }
    %scan3A_68 = arith.constant 32 : i32
    %add3A_69 = arith.constant 0 : i32
    %add3A_70 = arith.addi %mul3A_2, %add3A_69 : i32
    %dma_start3A_71 = arith.constant 1 : i32
    %dma_start3A_72 = arith.constant 0 : i32
    %dma_start3A_73 = tpu.memref_slice %arg4[%dma_start3A_71, %add3A_70, %dma_start3A_72] : memref<4x4096x1024xf32, #tpu.memory_space<hbm>> -> memref<1x32x1024xf32, #tpu.memory_space<hbm>>
    %dma_start3A_74 = tpu.memref_squeeze %dma_start3A_73 : memref<1x32x1024xf32, #tpu.memory_space<hbm>> -> memref<32x1024xf32, #tpu.memory_space<hbm>>
    %dma_start3A_75 = arith.constant 0 : i32
    %dma_start3A_76 = tpu.memref_slice %arg4[%dma_start3A_71, %add3A_70, %dma_start3A_75] : memref<4x4096x1024xf32, #tpu.memory_space<hbm>> -> memref<1x32x1024xf32, #tpu.memory_space<hbm>>
    %dma_start3A_77 = tpu.memref_squeeze %dma_start3A_76 : memref<1x32x1024xf32, #tpu.memory_space<hbm>> -> memref<32x1024xf32, #tpu.memory_space<hbm>>
    tpu.enqueue_dma source(%arg6 : memref<32x1024xf32, #tpu.memory_space<vmem>>) target(%dma_start3A_77 : memref<32x1024xf32, #tpu.memory_space<hbm>>) target_semaphore(%arg11 : memref<!tpu.dma_semaphore, #tpu.memory_space<semaphore_mem>>)
    %dma_wait3A_78 = arith.constant 2 : i32
    %dma_wait3A_79 = arith.constant 0 : i32
    %dma_wait3A_80 = tpu.memref_slice %arg2[%dma_wait3A_78, %add3A_56, %dma_wait3A_79] : memref<4x4096x1024xf32, #tpu.memory_space<hbm>> -> memref<1x32x1024xf32, #tpu.memory_space<hbm>>
    %dma_wait3A_81 = tpu.memref_squeeze %dma_wait3A_80 : memref<1x32x1024xf32, #tpu.memory_space<hbm>> -> memref<32x1024xf32, #tpu.memory_space<hbm>>
    %dma_wait3A_82 = arith.constant 0 : i32
    %dma_wait3A_83 = tpu.memref_slice %arg2[%dma_wait3A_78, %add3A_56, %dma_wait3A_82] : memref<4x4096x1024xf32, #tpu.memory_space<hbm>> -> memref<1x32x1024xf32, #tpu.memory_space<hbm>>
    %dma_wait3A_84 = tpu.memref_squeeze %dma_wait3A_83 : memref<1x32x1024xf32, #tpu.memory_space<hbm>> -> memref<32x1024xf32, #tpu.memory_space<hbm>>
    tpu.wait_dma2 semaphore(%arg8 : memref<!tpu.dma_semaphore, #tpu.memory_space<semaphore_mem>>) src(%dma_wait3A_84 : memref<32x1024xf32, #tpu.memory_space<hbm>>) dst(%arg5 : memref<32x1024xf32, #tpu.memory_space<vmem>>)
    %dma_wait3A_85 = arith.constant 1 : i32
    %dma_wait3A_86 = arith.constant 0 : i32
    %dma_wait3A_87 = tpu.memref_slice %arg4[%dma_wait3A_85, %add3A_70, %dma_wait3A_86] : memref<4x4096x1024xf32, #tpu.memory_space<hbm>> -> memref<1x32x1024xf32, #tpu.memory_space<hbm>>
    %dma_wait3A_88 = tpu.memref_squeeze %dma_wait3A_87 : memref<1x32x1024xf32, #tpu.memory_space<hbm>> -> memref<32x1024xf32, #tpu.memory_space<hbm>>
    %dma_wait3A_89 = arith.constant 0 : i32
    %dma_wait3A_90 = tpu.memref_slice %arg4[%dma_wait3A_85, %add3A_70, %dma_wait3A_89] : memref<4x4096x1024xf32, #tpu.memory_space<hbm>> -> memref<1x32x1024xf32, #tpu.memory_space<hbm>>
    %dma_wait3A_91 = tpu.memref_squeeze %dma_wait3A_90 : memref<1x32x1024xf32, #tpu.memory_space<hbm>> -> memref<32x1024xf32, #tpu.memory_space<hbm>>
    tpu.wait_dma2 semaphore(%arg11 : memref<!tpu.dma_semaphore, #tpu.memory_space<semaphore_mem>>) src(%arg6 : memref<32x1024xf32, #tpu.memory_space<vmem>>) dst(%dma_wait3A_91 : memref<32x1024xf32, #tpu.memory_space<hbm>>)
    %add3A_92 = arith.constant 0 : i32
    %add3A_93 = arith.addi %mul3A_2, %add3A_92 : i32
    %dma_start3A_94 = arith.constant 3 : i32
    %dma_start3A_95 = arith.constant 0 : i32
    %dma_start3A_96 = tpu.memref_slice %arg2[%dma_start3A_94, %add3A_93, %dma_start3A_95] : memref<4x4096x1024xf32, #tpu.memory_space<hbm>> -> memref<1x32x1024xf32, #tpu.memory_space<hbm>>
    %dma_start3A_97 = tpu.memref_squeeze %dma_start3A_96 : memref<1x32x1024xf32, #tpu.memory_space<hbm>> -> memref<32x1024xf32, #tpu.memory_space<hbm>>
    %dma_start3A_98 = arith.constant 0 : i32
    %dma_start3A_99 = tpu.memref_slice %arg2[%dma_start3A_94, %add3A_93, %dma_start3A_98] : memref<4x4096x1024xf32, #tpu.memory_space<hbm>> -> memref<1x32x1024xf32, #tpu.memory_space<hbm>>
    %dma_start3A_100 = tpu.memref_squeeze %dma_start3A_99 : memref<1x32x1024xf32, #tpu.memory_space<hbm>> -> memref<32x1024xf32, #tpu.memory_space<hbm>>
    tpu.enqueue_dma source(%dma_start3A_100 : memref<32x1024xf32, #tpu.memory_space<hbm>>) target(%arg6 : memref<32x1024xf32, #tpu.memory_space<vmem>>) target_semaphore(%arg9 : memref<!tpu.dma_semaphore, #tpu.memory_space<semaphore_mem>>)
    %scan3A_101 = arith.constant 0 : i32
    %scan3A_102 = arith.constant 32 : i32
    %scan3A_103 = arith.addi %scan3A_101, %scan3A_102 : i32
    %scan3A_104 = arith.constant 1 : i32
    scf.for %scan3A_600 = %scan3A_101 to %scan3A_103 step %scan3A_104  : i32 {
      %mul3A_601 = arith.constant 1 : i32
      %mul3A_602 = arith.muli %scan3A_600, %mul3A_601 : i32
      %add3A_603 = arith.constant 0 : i32
      %add3A_604 = arith.addi %add3A_603, %mul3A_602 : i32
      %scan3A_605 = arith.constant 0 : i32
      %scan3A_606 = arith.constant 64 : i32
      %scan3A_607 = arith.addi %scan3A_605, %scan3A_606 : i32
      %scan3A_608 = arith.constant 8 : i32
      scf.for %scan3A_610 = %scan3A_605 to %scan3A_607 step %scan3A_608  : i32 {
        %mul3A_611 = arith.constant 1 : i32
        %mul3A_612 = arith.muli %scan3A_610, %mul3A_611 : i32
        %add3A_613 = arith.constant 0 : i32
        %add3A_614 = arith.addi %add3A_613, %mul3A_612 : i32
        %mul3A_615 = arith.constant 16 : i32
        %mul3A_616 = arith.muli %add3A_614, %mul3A_615 : i32
        %get3A = arith.index_cast %add3A_604 : i32 to index
        %get3A_617 = arith.index_cast %mul3A_616 : i32 to index
        %get3A_618 = tpu.vector_load %arg7[%get3A, %get3A_617] {strides = array<i32>} : memref<32x1024xf32, #tpu.memory_space<vmem>>, vector<1x16xf32>,
        %get3A_619 = vector.shape_cast %get3A_618 : vector<1x16xf32> to vector<16xf32>
        %swap3A = arith.index_cast %add3A_604 : i32 to index
        %swap3A_620 = arith.index_cast %mul3A_616 : i32 to index
        %swap3A_621 = tpu.vector_load %arg5[%swap3A, %swap3A_620] {strides = array<i32>} : memref<32x1024xf32, #tpu.memory_space<vmem>>, vector<1x16xf32>,
        %swap3A_622 = vector.shape_cast %swap3A_621 : vector<1x16xf32> to vector<16xf32>
        %swap3A_623 = vector.shape_cast %get3A_619 : vector<16xf32> to vector<1x16xf32>
        tpu.vector_store %arg5[%swap3A, %swap3A_620], %swap3A_623 {add = true, strides = array<i32>} : memref<32x1024xf32, #tpu.memory_space<vmem>>, vector<1x16xf32>,
        %scan3A_624 = arith.constant 1 : i32
        %scan3A_625 = arith.addi %scan3A_610, %scan3A_624 : i32
        %mul3A_626 = arith.constant 1 : i32
        %mul3A_627 = arith.muli %scan3A_625, %mul3A_626 : i32
        %add3A_628 = arith.constant 0 : i32
        %add3A_629 = arith.addi %add3A_628, %mul3A_627 : i32
        %mul3A_630 = arith.constant 16 : i32
        %mul3A_631 = arith.muli %add3A_629, %mul3A_630 : i32
        %get3A_632 = arith.index_cast %add3A_604 : i32 to index
        %get3A_633 = arith.index_cast %mul3A_631 : i32 to index
        %get3A_634 = tpu.vector_load %arg7[%get3A_632, %get3A_633] {strides = array<i32>} : memref<32x1024xf32, #tpu.memory_space<vmem>>, vector<1x16xf32>,
        %get3A_635 = vector.shape_cast %get3A_634 : vector<1x16xf32> to vector<16xf32>
        %swap3A_636 = arith.index_cast %add3A_604 : i32 to index
        %swap3A_637 = arith.index_cast %mul3A_631 : i32 to index
        %swap3A_638 = tpu.vector_load %arg5[%swap3A_636, %swap3A_637] {strides = array<i32>} : memref<32x1024xf32, #tpu.memory_space<vmem>>, vector<1x16xf32>,
        %swap3A_639 = vector.shape_cast %swap3A_638 : vector<1x16xf32> to vector<16xf32>
        %swap3A_640 = vector.shape_cast %get3A_635 : vector<16xf32> to vector<1x16xf32>
        tpu.vector_store %arg5[%swap3A_636, %swap3A_637], %swap3A_640 {add = true, strides = array<i32>} : memref<32x1024xf32, #tpu.memory_space<vmem>>, vector<1x16xf32>,
        %scan3A_641 = arith.constant 2 : i32
        %scan3A_642 = arith.addi %scan3A_610, %scan3A_641 : i32
        %mul3A_643 = arith.constant 1 : i32
        %mul3A_644 = arith.muli %scan3A_642, %mul3A_643 : i32
        %add3A_645 = arith.constant 0 : i32
        %add3A_646 = arith.addi %add3A_645, %mul3A_644 : i32
        %mul3A_647 = arith.constant 16 : i32
        %mul3A_648 = arith.muli %add3A_646, %mul3A_647 : i32
        %get3A_649 = arith.index_cast %add3A_604 : i32 to index
        %get3A_650 = arith.index_cast %mul3A_648 : i32 to index
        %get3A_651 = tpu.vector_load %arg7[%get3A_649, %get3A_650] {strides = array<i32>} : memref<32x1024xf32, #tpu.memory_space<vmem>>, vector<1x16xf32>,
        %get3A_652 = vector.shape_cast %get3A_651 : vector<1x16xf32> to vector<16xf32>
        %swap3A_653 = arith.index_cast %add3A_604 : i32 to index
        %swap3A_654 = arith.index_cast %mul3A_648 : i32 to index
        %swap3A_655 = tpu.vector_load %arg5[%swap3A_653, %swap3A_654] {strides = array<i32>} : memref<32x1024xf32, #tpu.memory_space<vmem>>, vector<1x16xf32>,
        %swap3A_656 = vector.shape_cast %swap3A_655 : vector<1x16xf32> to vector<16xf32>
        %swap3A_657 = vector.shape_cast %get3A_652 : vector<16xf32> to vector<1x16xf32>
        tpu.vector_store %arg5[%swap3A_653, %swap3A_654], %swap3A_657 {add = true, strides = array<i32>} : memref<32x1024xf32, #tpu.memory_space<vmem>>, vector<1x16xf32>,
        %scan3A_658 = arith.constant 3 : i32
        %scan3A_659 = arith.addi %scan3A_610, %scan3A_658 : i32
        %mul3A_660 = arith.constant 1 : i32
        %mul3A_661 = arith.muli %scan3A_659, %mul3A_660 : i32
        %add3A_662 = arith.constant 0 : i32
        %add3A_663 = arith.addi %add3A_662, %mul3A_661 : i32
        %mul3A_664 = arith.constant 16 : i32
        %mul3A_665 = arith.muli %add3A_663, %mul3A_664 : i32
        %get3A_666 = arith.index_cast %add3A_604 : i32 to index
        %get3A_667 = arith.index_cast %mul3A_665 : i32 to index
        %get3A_668 = tpu.vector_load %arg7[%get3A_666, %get3A_667] {strides = array<i32>} : memref<32x1024xf32, #tpu.memory_space<vmem>>, vector<1x16xf32>,
        %get3A_669 = vector.shape_cast %get3A_668 : vector<1x16xf32> to vector<16xf32>
        %swap3A_670 = arith.index_cast %add3A_604 : i32 to index
        %swap3A_671 = arith.index_cast %mul3A_665 : i32 to index
        %swap3A_672 = tpu.vector_load %arg5[%swap3A_670, %swap3A_671] {strides = array<i32>} : memref<32x1024xf32, #tpu.memory_space<vmem>>, vector<1x16xf32>,
        %swap3A_673 = vector.shape_cast %swap3A_672 : vector<1x16xf32> to vector<16xf32>
        %swap3A_674 = vector.shape_cast %get3A_669 : vector<16xf32> to vector<1x16xf32>
        tpu.vector_store %arg5[%swap3A_670, %swap3A_671], %swap3A_674 {add = true, strides = array<i32>} : memref<32x1024xf32, #tpu.memory_space<vmem>>, vector<1x16xf32>,
        %scan3A_675 = arith.constant 4 : i32
        %scan3A_676 = arith.addi %scan3A_610, %scan3A_675 : i32
        %mul3A_677 = arith.constant 1 : i32
        %mul3A_678 = arith.muli %scan3A_676, %mul3A_677 : i32
        %add3A_679 = arith.constant 0 : i32
        %add3A_680 = arith.addi %add3A_679, %mul3A_678 : i32
        %mul3A_681 = arith.constant 16 : i32
        %mul3A_682 = arith.muli %add3A_680, %mul3A_681 : i32
        %get3A_683 = arith.index_cast %add3A_604 : i32 to index
        %get3A_684 = arith.index_cast %mul3A_682 : i32 to index
        %get3A_685 = tpu.vector_load %arg7[%get3A_683, %get3A_684] {strides = array<i32>} : memref<32x1024xf32, #tpu.memory_space<vmem>>, vector<1x16xf32>,
        %get3A_686 = vector.shape_cast %get3A_685 : vector<1x16xf32> to vector<16xf32>
        %swap3A_687 = arith.index_cast %add3A_604 : i32 to index
        %swap3A_688 = arith.index_cast %mul3A_682 : i32 to index
        %swap3A_689 = tpu.vector_load %arg5[%swap3A_687, %swap3A_688] {strides = array<i32>} : memref<32x1024xf32, #tpu.memory_space<vmem>>, vector<1x16xf32>,
        %swap3A_690 = vector.shape_cast %swap3A_689 : vector<1x16xf32> to vector<16xf32>
        %swap3A_691 = vector.shape_cast %get3A_686 : vector<16xf32> to vector<1x16xf32>
        tpu.vector_store %arg5[%swap3A_687, %swap3A_688], %swap3A_691 {add = true, strides = array<i32>} : memref<32x1024xf32, #tpu.memory_space<vmem>>, vector<1x16xf32>,
        %scan3A_692 = arith.constant 5 : i32
        %scan3A_693 = arith.addi %scan3A_610, %scan3A_692 : i32
        %mul3A_694 = arith.constant 1 : i32
        %mul3A_695 = arith.muli %scan3A_693, %mul3A_694 : i32
        %add3A_696 = arith.constant 0 : i32
        %add3A_697 = arith.addi %add3A_696, %mul3A_695 : i32
        %mul3A_698 = arith.constant 16 : i32
        %mul3A_699 = arith.muli %add3A_697, %mul3A_698 : i32
        %get3A_700 = arith.index_cast %add3A_604 : i32 to index
        %get3A_701 = arith.index_cast %mul3A_699 : i32 to index
        %get3A_702 = tpu.vector_load %arg7[%get3A_700, %get3A_701] {strides = array<i32>} : memref<32x1024xf32, #tpu.memory_space<vmem>>, vector<1x16xf32>,
        %get3A_703 = vector.shape_cast %get3A_702 : vector<1x16xf32> to vector<16xf32>
        %swap3A_704 = arith.index_cast %add3A_604 : i32 to index
        %swap3A_705 = arith.index_cast %mul3A_699 : i32 to index
        %swap3A_706 = tpu.vector_load %arg5[%swap3A_704, %swap3A_705] {strides = array<i32>} : memref<32x1024xf32, #tpu.memory_space<vmem>>, vector<1x16xf32>,
        %swap3A_707 = vector.shape_cast %swap3A_706 : vector<1x16xf32> to vector<16xf32>
        %swap3A_708 = vector.shape_cast %get3A_703 : vector<16xf32> to vector<1x16xf32>
        tpu.vector_store %arg5[%swap3A_704, %swap3A_705], %swap3A_708 {add = true, strides = array<i32>} : memref<32x1024xf32, #tpu.memory_space<vmem>>, vector<1x16xf32>,
        %scan3A_709 = arith.constant 6 : i32
        %scan3A_710 = arith.addi %scan3A_610, %scan3A_709 : i32
        %mul3A_711 = arith.constant 1 : i32
        %mul3A_712 = arith.muli %scan3A_710, %mul3A_711 : i32
        %add3A_713 = arith.constant 0 : i32
        %add3A_714 = arith.addi %add3A_713, %mul3A_712 : i32
        %mul3A_715 = arith.constant 16 : i32
        %mul3A_716 = arith.muli %add3A_714, %mul3A_715 : i32
        %get3A_717 = arith.index_cast %add3A_604 : i32 to index
        %get3A_718 = arith.index_cast %mul3A_716 : i32 to index
        %get3A_719 = tpu.vector_load %arg7[%get3A_717, %get3A_718] {strides = array<i32>} : memref<32x1024xf32, #tpu.memory_space<vmem>>, vector<1x16xf32>,
        %get3A_720 = vector.shape_cast %get3A_719 : vector<1x16xf32> to vector<16xf32>
        %swap3A_721 = arith.index_cast %add3A_604 : i32 to index
        %swap3A_722 = arith.index_cast %mul3A_716 : i32 to index
        %swap3A_723 = tpu.vector_load %arg5[%swap3A_721, %swap3A_722] {strides = array<i32>} : memref<32x1024xf32, #tpu.memory_space<vmem>>, vector<1x16xf32>,
        %swap3A_724 = vector.shape_cast %swap3A_723 : vector<1x16xf32> to vector<16xf32>
        %swap3A_725 = vector.shape_cast %get3A_720 : vector<16xf32> to vector<1x16xf32>
        tpu.vector_store %arg5[%swap3A_721, %swap3A_722], %swap3A_725 {add = true, strides = array<i32>} : memref<32x1024xf32, #tpu.memory_space<vmem>>, vector<1x16xf32>,
        %scan3A_726 = arith.constant 7 : i32
        %scan3A_727 = arith.addi %scan3A_610, %scan3A_726 : i32
        %mul3A_728 = arith.constant 1 : i32
        %mul3A_729 = arith.muli %scan3A_727, %mul3A_728 : i32
        %add3A_730 = arith.constant 0 : i32
        %add3A_731 = arith.addi %add3A_730, %mul3A_729 : i32
        %mul3A_732 = arith.constant 16 : i32
        %mul3A_733 = arith.muli %add3A_731, %mul3A_732 : i32
        %get3A_734 = arith.index_cast %add3A_604 : i32 to index
        %get3A_735 = arith.index_cast %mul3A_733 : i32 to index
        %get3A_736 = tpu.vector_load %arg7[%get3A_734, %get3A_735] {strides = array<i32>} : memref<32x1024xf32, #tpu.memory_space<vmem>>, vector<1x16xf32>,
        %get3A_737 = vector.shape_cast %get3A_736 : vector<1x16xf32> to vector<16xf32>
        %swap3A_738 = arith.index_cast %add3A_604 : i32 to index
        %swap3A_739 = arith.index_cast %mul3A_733 : i32 to index
        %swap3A_740 = tpu.vector_load %arg5[%swap3A_738, %swap3A_739] {strides = array<i32>} : memref<32x1024xf32, #tpu.memory_space<vmem>>, vector<1x16xf32>,
        %swap3A_741 = vector.shape_cast %swap3A_740 : vector<1x16xf32> to vector<16xf32>
        %swap3A_742 = vector.shape_cast %get3A_737 : vector<16xf32> to vector<1x16xf32>
        tpu.vector_store %arg5[%swap3A_738, %swap3A_739], %swap3A_742 {add = true, strides = array<i32>} : memref<32x1024xf32, #tpu.memory_space<vmem>>, vector<1x16xf32>,
      }
      %scan3A_609 = arith.constant 64 : i32
    }
    %scan3A_105 = arith.constant 32 : i32
    %add3A_106 = arith.constant 0 : i32
    %add3A_107 = arith.addi %mul3A_2, %add3A_106 : i32
    %dma_start3A_108 = arith.constant 2 : i32
    %dma_start3A_109 = arith.constant 0 : i32
    %dma_start3A_110 = tpu.memref_slice %arg4[%dma_start3A_108, %add3A_107, %dma_start3A_109] : memref<4x4096x1024xf32, #tpu.memory_space<hbm>> -> memref<1x32x1024xf32, #tpu.memory_space<hbm>>
    %dma_start3A_111 = tpu.memref_squeeze %dma_start3A_110 : memref<1x32x1024xf32, #tpu.memory_space<hbm>> -> memref<32x1024xf32, #tpu.memory_space<hbm>>
    %dma_start3A_112 = arith.constant 0 : i32
    %dma_start3A_113 = tpu.memref_slice %arg4[%dma_start3A_108, %add3A_107, %dma_start3A_112] : memref<4x4096x1024xf32, #tpu.memory_space<hbm>> -> memref<1x32x1024xf32, #tpu.memory_space<hbm>>
    %dma_start3A_114 = tpu.memref_squeeze %dma_start3A_113 : memref<1x32x1024xf32, #tpu.memory_space<hbm>> -> memref<32x1024xf32, #tpu.memory_space<hbm>>
    tpu.enqueue_dma source(%arg5 : memref<32x1024xf32, #tpu.memory_space<vmem>>) target(%dma_start3A_114 : memref<32x1024xf32, #tpu.memory_space<hbm>>) target_semaphore(%arg10 : memref<!tpu.dma_semaphore, #tpu.memory_space<semaphore_mem>>)
    %dma_wait3A_115 = arith.constant 3 : i32
    %dma_wait3A_116 = arith.constant 0 : i32
    %dma_wait3A_117 = tpu.memref_slice %arg2[%dma_wait3A_115, %add3A_93, %dma_wait3A_116] : memref<4x4096x1024xf32, #tpu.memory_space<hbm>> -> memref<1x32x1024xf32, #tpu.memory_space<hbm>>
    %dma_wait3A_118 = tpu.memref_squeeze %dma_wait3A_117 : memref<1x32x1024xf32, #tpu.memory_space<hbm>> -> memref<32x1024xf32, #tpu.memory_space<hbm>>
    %dma_wait3A_119 = arith.constant 0 : i32
    %dma_wait3A_120 = tpu.memref_slice %arg2[%dma_wait3A_115, %add3A_93, %dma_wait3A_119] : memref<4x4096x1024xf32, #tpu.memory_space<hbm>> -> memref<1x32x1024xf32, #tpu.memory_space<hbm>>
    %dma_wait3A_121 = tpu.memref_squeeze %dma_wait3A_120 : memref<1x32x1024xf32, #tpu.memory_space<hbm>> -> memref<32x1024xf32, #tpu.memory_space<hbm>>
    tpu.wait_dma2 semaphore(%arg9 : memref<!tpu.dma_semaphore, #tpu.memory_space<semaphore_mem>>) src(%dma_wait3A_121 : memref<32x1024xf32, #tpu.memory_space<hbm>>) dst(%arg6 : memref<32x1024xf32, #tpu.memory_space<vmem>>)
    %dma_wait3A_122 = arith.constant 2 : i32
    %dma_wait3A_123 = arith.constant 0 : i32
    %dma_wait3A_124 = tpu.memref_slice %arg4[%dma_wait3A_122, %add3A_107, %dma_wait3A_123] : memref<4x4096x1024xf32, #tpu.memory_space<hbm>> -> memref<1x32x1024xf32, #tpu.memory_space<hbm>>
    %dma_wait3A_125 = tpu.memref_squeeze %dma_wait3A_124 : memref<1x32x1024xf32, #tpu.memory_space<hbm>> -> memref<32x1024xf32, #tpu.memory_space<hbm>>
    %dma_wait3A_126 = arith.constant 0 : i32
    %dma_wait3A_127 = tpu.memref_slice %arg4[%dma_wait3A_122, %add3A_107, %dma_wait3A_126] : memref<4x4096x1024xf32, #tpu.memory_space<hbm>> -> memref<1x32x1024xf32, #tpu.memory_space<hbm>>
    %dma_wait3A_128 = tpu.memref_squeeze %dma_wait3A_127 : memref<1x32x1024xf32, #tpu.memory_space<hbm>> -> memref<32x1024xf32, #tpu.memory_space<hbm>>
    tpu.wait_dma2 semaphore(%arg10 : memref<!tpu.dma_semaphore, #tpu.memory_space<semaphore_mem>>) src(%arg5 : memref<32x1024xf32, #tpu.memory_space<vmem>>) dst(%dma_wait3A_128 : memref<32x1024xf32, #tpu.memory_space<hbm>>)
    %add3A_129 = arith.constant 32 : i32
    %add3A_130 = arith.addi %mul3A_2, %add3A_129 : i32
    %dma_start3A_131 = arith.constant 0 : i32
    %dma_start3A_132 = arith.constant 0 : i32
    %dma_start3A_133 = tpu.memref_slice %arg2[%dma_start3A_131, %add3A_130, %dma_start3A_132] : memref<4x4096x1024xf32, #tpu.memory_space<hbm>> -> memref<1x32x1024xf32, #tpu.memory_space<hbm>>
    %dma_start3A_134 = tpu.memref_squeeze %dma_start3A_133 : memref<1x32x1024xf32, #tpu.memory_space<hbm>> -> memref<32x1024xf32, #tpu.memory_space<hbm>>
    %dma_start3A_135 = arith.constant 0 : i32
    %dma_start3A_136 = tpu.memref_slice %arg2[%dma_start3A_131, %add3A_130, %dma_start3A_135] : memref<4x4096x1024xf32, #tpu.memory_space<hbm>> -> memref<1x32x1024xf32, #tpu.memory_space<hbm>>
    %dma_start3A_137 = tpu.memref_squeeze %dma_start3A_136 : memref<1x32x1024xf32, #tpu.memory_space<hbm>> -> memref<32x1024xf32, #tpu.memory_space<hbm>>
    tpu.enqueue_dma source(%dma_start3A_137 : memref<32x1024xf32, #tpu.memory_space<hbm>>) target(%arg5 : memref<32x1024xf32, #tpu.memory_space<vmem>>) target_semaphore(%arg8 : memref<!tpu.dma_semaphore, #tpu.memory_space<semaphore_mem>>)
    %scan3A_138 = arith.constant 0 : i32
    %scan3A_139 = arith.constant 32 : i32
    %scan3A_140 = arith.addi %scan3A_138, %scan3A_139 : i32
    %scan3A_141 = arith.constant 1 : i32
    scf.for %scan3A_600 = %scan3A_138 to %scan3A_140 step %scan3A_141  : i32 {
      %mul3A_601 = arith.constant 1 : i32
      %mul3A_602 = arith.muli %scan3A_600, %mul3A_601 : i32
      %add3A_603 = arith.constant 0 : i32
      %add3A_604 = arith.addi %add3A_603, %mul3A_602 : i32
      %scan3A_605 = arith.constant 0 : i32
      %scan3A_606 = arith.constant 64 : i32
      %scan3A_607 = arith.addi %scan3A_605, %scan3A_606 : i32
      %scan3A_608 = arith.constant 8 : i32
      scf.for %scan3A_610 = %scan3A_605 to %scan3A_607 step %scan3A_608  : i32 {
        %mul3A_611 = arith.constant 1 : i32
        %mul3A_612 = arith.muli %scan3A_610, %mul3A_611 : i32
        %add3A_613 = arith.constant 0 : i32
        %add3A_614 = arith.addi %add3A_613, %mul3A_612 : i32
        %mul3A_615 = arith.constant 16 : i32
        %mul3A_616 = arith.muli %add3A_614, %mul3A_615 : i32
        %get3A = arith.index_cast %add3A_604 : i32 to index
        %get3A_617 = arith.index_cast %mul3A_616 : i32 to index
        %get3A_618 = tpu.vector_load %arg7[%get3A, %get3A_617] {strides = array<i32>} : memref<32x1024xf32, #tpu.memory_space<vmem>>, vector<1x16xf32>,
        %get3A_619 = vector.shape_cast %get3A_618 : vector<1x16xf32> to vector<16xf32>
        %swap3A = arith.index_cast %add3A_604 : i32 to index
        %swap3A_620 = arith.index_cast %mul3A_616 : i32 to index
        %swap3A_621 = tpu.vector_load %arg6[%swap3A, %swap3A_620] {strides = array<i32>} : memref<32x1024xf32, #tpu.memory_space<vmem>>, vector<1x16xf32>,
        %swap3A_622 = vector.shape_cast %swap3A_621 : vector<1x16xf32> to vector<16xf32>
        %swap3A_623 = vector.shape_cast %get3A_619 : vector<16xf32> to vector<1x16xf32>
        tpu.vector_store %arg6[%swap3A, %swap3A_620], %swap3A_623 {add = true, strides = array<i32>} : memref<32x1024xf32, #tpu.memory_space<vmem>>, vector<1x16xf32>,
        %scan3A_624 = arith.constant 1 : i32
        %scan3A_625 = arith.addi %scan3A_610, %scan3A_624 : i32
        %mul3A_626 = arith.constant 1 : i32
        %mul3A_627 = arith.muli %scan3A_625, %mul3A_626 : i32
        %add3A_628 = arith.constant 0 : i32
        %add3A_629 = arith.addi %add3A_628, %mul3A_627 : i32
        %mul3A_630 = arith.constant 16 : i32
        %mul3A_631 = arith.muli %add3A_629, %mul3A_630 : i32
        %get3A_632 = arith.index_cast %add3A_604 : i32 to index
        %get3A_633 = arith.index_cast %mul3A_631 : i32 to index
        %get3A_634 = tpu.vector_load %arg7[%get3A_632, %get3A_633] {strides = array<i32>} : memref<32x1024xf32, #tpu.memory_space<vmem>>, vector<1x16xf32>,
        %get3A_635 = vector.shape_cast %get3A_634 : vector<1x16xf32> to vector<16xf32>
        %swap3A_636 = arith.index_cast %add3A_604 : i32 to index
        %swap3A_637 = arith.index_cast %mul3A_631 : i32 to index
        %swap3A_638 = tpu.vector_load %arg6[%swap3A_636, %swap3A_637] {strides = array<i32>} : memref<32x1024xf32, #tpu.memory_space<vmem>>, vector<1x16xf32>,
        %swap3A_639 = vector.shape_cast %swap3A_638 : vector<1x16xf32> to vector<16xf32>
        %swap3A_640 = vector.shape_cast %get3A_635 : vector<16xf32> to vector<1x16xf32>
        tpu.vector_store %arg6[%swap3A_636, %swap3A_637], %swap3A_640 {add = true, strides = array<i32>} : memref<32x1024xf32, #tpu.memory_space<vmem>>, vector<1x16xf32>,
        %scan3A_641 = arith.constant 2 : i32
        %scan3A_642 = arith.addi %scan3A_610, %scan3A_641 : i32
        %mul3A_643 = arith.constant 1 : i32
        %mul3A_644 = arith.muli %scan3A_642, %mul3A_643 : i32
        %add3A_645 = arith.constant 0 : i32
        %add3A_646 = arith.addi %add3A_645, %mul3A_644 : i32
        %mul3A_647 = arith.constant 16 : i32
        %mul3A_648 = arith.muli %add3A_646, %mul3A_647 : i32
        %get3A_649 = arith.index_cast %add3A_604 : i32 to index
        %get3A_650 = arith.index_cast %mul3A_648 : i32 to index
        %get3A_651 = tpu.vector_load %arg7[%get3A_649, %get3A_650] {strides = array<i32>} : memref<32x1024xf32, #tpu.memory_space<vmem>>, vector<1x16xf32>,
        %get3A_652 = vector.shape_cast %get3A_651 : vector<1x16xf32> to vector<16xf32>
        %swap3A_653 = arith.index_cast %add3A_604 : i32 to index
        %swap3A_654 = arith.index_cast %mul3A_648 : i32 to index
        %swap3A_655 = tpu.vector_load %arg6[%swap3A_653, %swap3A_654] {strides = array<i32>} : memref<32x1024xf32, #tpu.memory_space<vmem>>, vector<1x16xf32>,
        %swap3A_656 = vector.shape_cast %swap3A_655 : vector<1x16xf32> to vector<16xf32>
        %swap3A_657 = vector.shape_cast %get3A_652 : vector<16xf32> to vector<1x16xf32>
        tpu.vector_store %arg6[%swap3A_653, %swap3A_654], %swap3A_657 {add = true, strides = array<i32>} : memref<32x1024xf32, #tpu.memory_space<vmem>>, vector<1x16xf32>,
        %scan3A_658 = arith.constant 3 : i32
        %scan3A_659 = arith.addi %scan3A_610, %scan3A_658 : i32
        %mul3A_660 = arith.constant 1 : i32
        %mul3A_661 = arith.muli %scan3A_659, %mul3A_660 : i32
        %add3A_662 = arith.constant 0 : i32
        %add3A_663 = arith.addi %add3A_662, %mul3A_661 : i32
        %mul3A_664 = arith.constant 16 : i32
        %mul3A_665 = arith.muli %add3A_663, %mul3A_664 : i32
        %get3A_666 = arith.index_cast %add3A_604 : i32 to index
        %get3A_667 = arith.index_cast %mul3A_665 : i32 to index
        %get3A_668 = tpu.vector_load %arg7[%get3A_666, %get3A_667] {strides = array<i32>} : memref<32x1024xf32, #tpu.memory_space<vmem>>, vector<1x16xf32>,
        %get3A_669 = vector.shape_cast %get3A_668 : vector<1x16xf32> to vector<16xf32>
        %swap3A_670 = arith.index_cast %add3A_604 : i32 to index
        %swap3A_671 = arith.index_cast %mul3A_665 : i32 to index
        %swap3A_672 = tpu.vector_load %arg6[%swap3A_670, %swap3A_671] {strides = array<i32>} : memref<32x1024xf32, #tpu.memory_space<vmem>>, vector<1x16xf32>,
        %swap3A_673 = vector.shape_cast %swap3A_672 : vector<1x16xf32> to vector<16xf32>
        %swap3A_674 = vector.shape_cast %get3A_669 : vector<16xf32> to vector<1x16xf32>
        tpu.vector_store %arg6[%swap3A_670, %swap3A_671], %swap3A_674 {add = true, strides = array<i32>} : memref<32x1024xf32, #tpu.memory_space<vmem>>, vector<1x16xf32>,
        %scan3A_675 = arith.constant 4 : i32
        %scan3A_676 = arith.addi %scan3A_610, %scan3A_675 : i32
        %mul3A_677 = arith.constant 1 : i32
        %mul3A_678 = arith.muli %scan3A_676, %mul3A_677 : i32
        %add3A_679 = arith.constant 0 : i32
        %add3A_680 = arith.addi %add3A_679, %mul3A_678 : i32
        %mul3A_681 = arith.constant 16 : i32
        %mul3A_682 = arith.muli %add3A_680, %mul3A_681 : i32
        %get3A_683 = arith.index_cast %add3A_604 : i32 to index
        %get3A_684 = arith.index_cast %mul3A_682 : i32 to index
        %get3A_685 = tpu.vector_load %arg7[%get3A_683, %get3A_684] {strides = array<i32>} : memref<32x1024xf32, #tpu.memory_space<vmem>>, vector<1x16xf32>,
        %get3A_686 = vector.shape_cast %get3A_685 : vector<1x16xf32> to vector<16xf32>
        %swap3A_687 = arith.index_cast %add3A_604 : i32 to index
        %swap3A_688 = arith.index_cast %mul3A_682 : i32 to index
        %swap3A_689 = tpu.vector_load %arg6[%swap3A_687, %swap3A_688] {strides = array<i32>} : memref<32x1024xf32, #tpu.memory_space<vmem>>, vector<1x16xf32>,
        %swap3A_690 = vector.shape_cast %swap3A_689 : vector<1x16xf32> to vector<16xf32>
        %swap3A_691 = vector.shape_cast %get3A_686 : vector<16xf32> to vector<1x16xf32>
        tpu.vector_store %arg6[%swap3A_687, %swap3A_688], %swap3A_691 {add = true, strides = array<i32>} : memref<32x1024xf32, #tpu.memory_space<vmem>>, vector<1x16xf32>,
        %scan3A_692 = arith.constant 5 : i32
        %scan3A_693 = arith.addi %scan3A_610, %scan3A_692 : i32
        %mul3A_694 = arith.constant 1 : i32
        %mul3A_695 = arith.muli %scan3A_693, %mul3A_694 : i32
        %add3A_696 = arith.constant 0 : i32
        %add3A_697 = arith.addi %add3A_696, %mul3A_695 : i32
        %mul3A_698 = arith.constant 16 : i32
        %mul3A_699 = arith.muli %add3A_697, %mul3A_698 : i32
        %get3A_700 = arith.index_cast %add3A_604 : i32 to index
        %get3A_701 = arith.index_cast %mul3A_699 : i32 to index
        %get3A_702 = tpu.vector_load %arg7[%get3A_700, %get3A_701] {strides = array<i32>} : memref<32x1024xf32, #tpu.memory_space<vmem>>, vector<1x16xf32>,
        %get3A_703 = vector.shape_cast %get3A_702 : vector<1x16xf32> to vector<16xf32>
        %swap3A_704 = arith.index_cast %add3A_604 : i32 to index
        %swap3A_705 = arith.index_cast %mul3A_699 : i32 to index
        %swap3A_706 = tpu.vector_load %arg6[%swap3A_704, %swap3A_705] {strides = array<i32>} : memref<32x1024xf32, #tpu.memory_space<vmem>>, vector<1x16xf32>,
        %swap3A_707 = vector.shape_cast %swap3A_706 : vector<1x16xf32> to vector<16xf32>
        %swap3A_708 = vector.shape_cast %get3A_703 : vector<16xf32> to vector<1x16xf32>
        tpu.vector_store %arg6[%swap3A_704, %swap3A_705], %swap3A_708 {add = true, strides = array<i32>} : memref<32x1024xf32, #tpu.memory_space<vmem>>, vector<1x16xf32>,
        %scan3A_709 = arith.constant 6 : i32
        %scan3A_710 = arith.addi %scan3A_610, %scan3A_709 : i32
        %mul3A_711 = arith.constant 1 : i32
        %mul3A_712 = arith.muli %scan3A_710, %mul3A_711 : i32
        %add3A_713 = arith.constant 0 : i32
        %add3A_714 = arith.addi %add3A_713, %mul3A_712 : i32
        %mul3A_715 = arith.constant 16 : i32
        %mul3A_716 = arith.muli %add3A_714, %mul3A_715 : i32
        %get3A_717 = arith.index_cast %add3A_604 : i32 to index
        %get3A_718 = arith.index_cast %mul3A_716 : i32 to index
        %get3A_719 = tpu.vector_load %arg7[%get3A_717, %get3A_718] {strides = array<i32>} : memref<32x1024xf32, #tpu.memory_space<vmem>>, vector<1x16xf32>,
        %get3A_720 = vector.shape_cast %get3A_719 : vector<1x16xf32> to vector<16xf32>
        %swap3A_721 = arith.index_cast %add3A_604 : i32 to index
        %swap3A_722 = arith.index_cast %mul3A_716 : i32 to index
        %swap3A_723 = tpu.vector_load %arg6[%swap3A_721, %swap3A_722] {strides = array<i32>} : memref<32x1024xf32, #tpu.memory_space<vmem>>, vector<1x16xf32>,
        %swap3A_724 = vector.shape_cast %swap3A_723 : vector<1x16xf32> to vector<16xf32>
        %swap3A_725 = vector.shape_cast %get3A_720 : vector<16xf32> to vector<1x16xf32>
        tpu.vector_store %arg6[%swap3A_721, %swap3A_722], %swap3A_725 {add = true, strides = array<i32>} : memref<32x1024xf32, #tpu.memory_space<vmem>>, vector<1x16xf32>,
        %scan3A_726 = arith.constant 7 : i32
        %scan3A_727 = arith.addi %scan3A_610, %scan3A_726 : i32
        %mul3A_728 = arith.constant 1 : i32
        %mul3A_729 = arith.muli %scan3A_727, %mul3A_728 : i32
        %add3A_730 = arith.constant 0 : i32
        %add3A_731 = arith.addi %add3A_730, %mul3A_729 : i32
        %mul3A_732 = arith.constant 16 : i32
        %mul3A_733 = arith.muli %add3A_731, %mul3A_732 : i32
        %get3A_734 = arith.index_cast %add3A_604 : i32 to index
        %get3A_735 = arith.index_cast %mul3A_733 : i32 to index
        %get3A_736 = tpu.vector_load %arg7[%get3A_734, %get3A_735] {strides = array<i32>} : memref<32x1024xf32, #tpu.memory_space<vmem>>, vector<1x16xf32>,
        %get3A_737 = vector.shape_cast %get3A_736 : vector<1x16xf32> to vector<16xf32>
        %swap3A_738 = arith.index_cast %add3A_604 : i32 to index
        %swap3A_739 = arith.index_cast %mul3A_733 : i32 to index
        %swap3A_740 = tpu.vector_load %arg6[%swap3A_738, %swap3A_739] {strides = array<i32>} : memref<32x1024xf32, #tpu.memory_space<vmem>>, vector<1x16xf32>,
        %swap3A_741 = vector.shape_cast %swap3A_740 : vector<1x16xf32> to vector<16xf32>
        %swap3A_742 = vector.shape_cast %get3A_737 : vector<16xf32> to vector<1x16xf32>
        tpu.vector_store %arg6[%swap3A_738, %swap3A_739], %swap3A_742 {add = true, strides = array<i32>} : memref<32x1024xf32, #tpu.memory_space<vmem>>, vector<1x16xf32>,
      }
      %scan3A_609 = arith.constant 64 : i32
    }
    %scan3A_142 = arith.constant 32 : i32
    %add3A_143 = arith.constant 0 : i32
    %add3A_144 = arith.addi %mul3A_2, %add3A_143 : i32
    %dma_start3A_145 = arith.constant 3 : i32
    %dma_start3A_146 = arith.constant 0 : i32
    %dma_start3A_147 = tpu.memref_slice %arg4[%dma_start3A_145, %add3A_144, %dma_start3A_146] : memref<4x4096x1024xf32, #tpu.memory_space<hbm>> -> memref<1x32x1024xf32, #tpu.memory_space<hbm>>
    %dma_start3A_148 = tpu.memref_squeeze %dma_start3A_147 : memref<1x32x1024xf32, #tpu.memory_space<hbm>> -> memref<32x1024xf32, #tpu.memory_space<hbm>>
    %dma_start3A_149 = arith.constant 0 : i32
    %dma_start3A_150 = tpu.memref_slice %arg4[%dma_start3A_145, %add3A_144, %dma_start3A_149] : memref<4x4096x1024xf32, #tpu.memory_space<hbm>> -> memref<1x32x1024xf32, #tpu.memory_space<hbm>>
    %dma_start3A_151 = tpu.memref_squeeze %dma_start3A_150 : memref<1x32x1024xf32, #tpu.memory_space<hbm>> -> memref<32x1024xf32, #tpu.memory_space<hbm>>
    tpu.enqueue_dma source(%arg6 : memref<32x1024xf32, #tpu.memory_space<vmem>>) target(%dma_start3A_151 : memref<32x1024xf32, #tpu.memory_space<hbm>>) target_semaphore(%arg11 : memref<!tpu.dma_semaphore, #tpu.memory_space<semaphore_mem>>)
    %add3A_152 = arith.constant 32 : i32
    %add3A_153 = arith.addi %mul3A_2, %add3A_152 : i32
    "tpu.region"() ({
      %run_scoped3A = tpu.sem_alloc : memref<!tpu.dma_semaphore, #tpu.memory_space<semaphore_mem>>
      %dma_start3A_600 = arith.constant 0 : i32
      %dma_start3A_601 = tpu.memref_slice %arg3[%add3A_153, %dma_start3A_600] : memref<8192x1024xf32, #tpu.memory_space<hbm>> -> memref<32x1024xf32, #tpu.memory_space<hbm>>
      %dma_start3A_602 = arith.constant 0 : i32
      %dma_start3A_603 = tpu.memref_slice %arg3[%add3A_153, %dma_start3A_602] : memref<8192x1024xf32, #tpu.memory_space<hbm>> -> memref<32x1024xf32, #tpu.memory_space<hbm>>
      tpu.enqueue_dma source(%dma_start3A_603 : memref<32x1024xf32, #tpu.memory_space<hbm>>) target(%arg7 : memref<32x1024xf32, #tpu.memory_space<vmem>>) target_semaphore(%run_scoped3A : memref<!tpu.dma_semaphore, #tpu.memory_space<semaphore_mem>>)
      %dma_wait3A_604 = arith.constant 0 : i32
      %dma_wait3A_605 = tpu.memref_slice %arg3[%add3A_153, %dma_wait3A_604] : memref<8192x1024xf32, #tpu.memory_space<hbm>> -> memref<32x1024xf32, #tpu.memory_space<hbm>>
      %dma_wait3A_606 = arith.constant 0 : i32
      %dma_wait3A_607 = tpu.memref_slice %arg3[%add3A_153, %dma_wait3A_606] : memref<8192x1024xf32, #tpu.memory_space<hbm>> -> memref<32x1024xf32, #tpu.memory_space<hbm>>
      tpu.wait_dma2 semaphore(%run_scoped3A : memref<!tpu.dma_semaphore, #tpu.memory_space<semaphore_mem>>) src(%dma_wait3A_607 : memref<32x1024xf32, #tpu.memory_space<hbm>>) dst(%arg7 : memref<32x1024xf32, #tpu.memory_space<vmem>>)
      tpu.yield
    }) : () -> ()
    %dma_wait3A_154 = arith.constant 0 : i32
    %dma_wait3A_155 = arith.constant 0 : i32
    %dma_wait3A_156 = tpu.memref_slice %arg2[%dma_wait3A_154, %add3A_130, %dma_wait3A_155] : memref<4x4096x1024xf32, #tpu.memory_space<hbm>> -> memref<1x32x1024xf32, #tpu.memory_space<hbm>>
    %dma_wait3A_157 = tpu.memref_squeeze %dma_wait3A_156 : memref<1x32x1024xf32, #tpu.memory_space<hbm>> -> memref<32x1024xf32, #tpu.memory_space<hbm>>
    %dma_wait3A_158 = arith.constant 0 : i32
    %dma_wait3A_159 = tpu.memref_slice %arg2[%dma_wait3A_154, %add3A_130, %dma_wait3A_158] : memref<4x4096x1024xf32, #tpu.memory_space<hbm>> -> memref<1x32x1024xf32, #tpu.memory_space<hbm>>
    %dma_wait3A_160 = tpu.memref_squeeze %dma_wait3A_159 : memref<1x32x1024xf32, #tpu.memory_space<hbm>> -> memref<32x1024xf32, #tpu.memory_space<hbm>>
    tpu.wait_dma2 semaphore(%arg8 : memref<!tpu.dma_semaphore, #tpu.memory_space<semaphore_mem>>) src(%dma_wait3A_160 : memref<32x1024xf32, #tpu.memory_space<hbm>>) dst(%arg5 : memref<32x1024xf32, #tpu.memory_space<vmem>>)
    %dma_wait3A_161 = arith.constant 3 : i32
    %dma_wait3A_162 = arith.constant 0 : i32
    %dma_wait3A_163 = tpu.memref_slice %arg4[%dma_wait3A_161, %add3A_144, %dma_wait3A_162] : memref<4x4096x1024xf32, #tpu.memory_space<hbm>> -> memref<1x32x1024xf32, #tpu.memory_space<hbm>>
    %dma_wait3A_164 = tpu.memref_squeeze %dma_wait3A_163 : memref<1x32x1024xf32, #tpu.memory_space<hbm>> -> memref<32x1024xf32, #tpu.memory_space<hbm>>
    %dma_wait3A_165 = arith.constant 0 : i32
    %dma_wait3A_166 = tpu.memref_slice %arg4[%dma_wait3A_161, %add3A_144, %dma_wait3A_165] : memref<4x4096x1024xf32, #tpu.memory_space<hbm>> -> memref<1x32x1024xf32, #tpu.memory_space<hbm>>
    %dma_wait3A_167 = tpu.memref_squeeze %dma_wait3A_166 : memref<1x32x1024xf32, #tpu.memory_space<hbm>> -> memref<32x1024xf32, #tpu.memory_space<hbm>>
    tpu.wait_dma2 semaphore(%arg11 : memref<!tpu.dma_semaphore, #tpu.memory_space<semaphore_mem>>) src(%arg6 : memref<32x1024xf32, #tpu.memory_space<vmem>>) dst(%dma_wait3A_167 : memref<32x1024xf32, #tpu.memory_space<hbm>>)
    %add3A_168 = arith.constant 32 : i32
    %add3A_169 = arith.addi %mul3A_2, %add3A_168 : i32
    %dma_start3A_170 = arith.constant 1 : i32
    %dma_start3A_171 = arith.constant 0 : i32
    %dma_start3A_172 = tpu.memref_slice %arg2[%dma_start3A_170, %add3A_169, %dma_start3A_171] : memref<4x4096x1024xf32, #tpu.memory_space<hbm>> -> memref<1x32x1024xf32, #tpu.memory_space<hbm>>
    %dma_start3A_173 = tpu.memref_squeeze %dma_start3A_172 : memref<1x32x1024xf32, #tpu.memory_space<hbm>> -> memref<32x1024xf32, #tpu.memory_space<hbm>>
    %dma_start3A_174 = arith.constant 0 : i32
    %dma_start3A_175 = tpu.memref_slice %arg2[%dma_start3A_170, %add3A_169, %dma_start3A_174] : memref<4x4096x1024xf32, #tpu.memory_space<hbm>> -> memref<1x32x1024xf32, #tpu.memory_space<hbm>>
    %dma_start3A_176 = tpu.memref_squeeze %dma_start3A_175 : memref<1x32x1024xf32, #tpu.memory_space<hbm>> -> memref<32x1024xf32, #tpu.memory_space<hbm>>
    tpu.enqueue_dma source(%dma_start3A_176 : memref<32x1024xf32, #tpu.memory_space<hbm>>) target(%arg6 : memref<32x1024xf32, #tpu.memory_space<vmem>>) target_semaphore(%arg9 : memref<!tpu.dma_semaphore, #tpu.memory_space<semaphore_mem>>)
    %scan3A_177 = arith.constant 0 : i32
    %scan3A_178 = arith.constant 32 : i32
    %scan3A_179 = arith.addi %scan3A_177, %scan3A_178 : i32
    %scan3A_180 = arith.constant 1 : i32
    scf.for %scan3A_600 = %scan3A_177 to %scan3A_179 step %scan3A_180  : i32 {
      %mul3A_601 = arith.constant 1 : i32
      %mul3A_602 = arith.muli %scan3A_600, %mul3A_601 : i32
      %add3A_603 = arith.constant 0 : i32
      %add3A_604 = arith.addi %add3A_603, %mul3A_602 : i32
      %scan3A_605 = arith.constant 0 : i32
      %scan3A_606 = arith.constant 64 : i32
      %scan3A_607 = arith.addi %scan3A_605, %scan3A_606 : i32
      %scan3A_608 = arith.constant 8 : i32
      scf.for %scan3A_610 = %scan3A_605 to %scan3A_607 step %scan3A_608  : i32 {
        %mul3A_611 = arith.constant 1 : i32
        %mul3A_612 = arith.muli %scan3A_610, %mul3A_611 : i32
        %add3A_613 = arith.constant 0 : i32
        %add3A_614 = arith.addi %add3A_613, %mul3A_612 : i32
        %mul3A_615 = arith.constant 16 : i32
        %mul3A_616 = arith.muli %add3A_614, %mul3A_615 : i32
        %get3A = arith.index_cast %add3A_604 : i32 to index
        %get3A_617 = arith.index_cast %mul3A_616 : i32 to index
        %get3A_618 = tpu.vector_load %arg7[%get3A, %get3A_617] {strides = array<i32>} : memref<32x1024xf32, #tpu.memory_space<vmem>>, vector<1x16xf32>,
        %get3A_619 = vector.shape_cast %get3A_618 : vector<1x16xf32> to vector<16xf32>
        %swap3A = arith.index_cast %add3A_604 : i32 to index
        %swap3A_620 = arith.index_cast %mul3A_616 : i32 to index
        %swap3A_621 = tpu.vector_load %arg5[%swap3A, %swap3A_620] {strides = array<i32>} : memref<32x1024xf32, #tpu.memory_space<vmem>>, vector<1x16xf32>,
        %swap3A_622 = vector.shape_cast %swap3A_621 : vector<1x16xf32> to vector<16xf32>
        %swap3A_623 = vector.shape_cast %get3A_619 : vector<16xf32> to vector<1x16xf32>
        tpu.vector_store %arg5[%swap3A, %swap3A_620], %swap3A_623 {add = true, strides = array<i32>} : memref<32x1024xf32, #tpu.memory_space<vmem>>, vector<1x16xf32>,
        %scan3A_624 = arith.constant 1 : i32
        %scan3A_625 = arith.addi %scan3A_610, %scan3A_624 : i32
        %mul3A_626 = arith.constant 1 : i32
        %mul3A_627 = arith.muli %scan3A_625, %mul3A_626 : i32
        %add3A_628 = arith.constant 0 : i32
        %add3A_629 = arith.addi %add3A_628, %mul3A_627 : i32
        %mul3A_630 = arith.constant 16 : i32
        %mul3A_631 = arith.muli %add3A_629, %mul3A_630 : i32
        %get3A_632 = arith.index_cast %add3A_604 : i32 to index
        %get3A_633 = arith.index_cast %mul3A_631 : i32 to index
        %get3A_634 = tpu.vector_load %arg7[%get3A_632, %get3A_633] {strides = array<i32>} : memref<32x1024xf32, #tpu.memory_space<vmem>>, vector<1x16xf32>,
        %get3A_635 = vector.shape_cast %get3A_634 : vector<1x16xf32> to vector<16xf32>
        %swap3A_636 = arith.index_cast %add3A_604 : i32 to index
        %swap3A_637 = arith.index_cast %mul3A_631 : i32 to index
        %swap3A_638 = tpu.vector_load %arg5[%swap3A_636, %swap3A_637] {strides = array<i32>} : memref<32x1024xf32, #tpu.memory_space<vmem>>, vector<1x16xf32>,
        %swap3A_639 = vector.shape_cast %swap3A_638 : vector<1x16xf32> to vector<16xf32>
        %swap3A_640 = vector.shape_cast %get3A_635 : vector<16xf32> to vector<1x16xf32>
        tpu.vector_store %arg5[%swap3A_636, %swap3A_637], %swap3A_640 {add = true, strides = array<i32>} : memref<32x1024xf32, #tpu.memory_space<vmem>>, vector<1x16xf32>,
        %scan3A_641 = arith.constant 2 : i32
        %scan3A_642 = arith.addi %scan3A_610, %scan3A_641 : i32
        %mul3A_643 = arith.constant 1 : i32
        %mul3A_644 = arith.muli %scan3A_642, %mul3A_643 : i32
        %add3A_645 = arith.constant 0 : i32
        %add3A_646 = arith.addi %add3A_645, %mul3A_644 : i32
        %mul3A_647 = arith.constant 16 : i32
        %mul3A_648 = arith.muli %add3A_646, %mul3A_647 : i32
        %get3A_649 = arith.index_cast %add3A_604 : i32 to index
        %get3A_650 = arith.index_cast %mul3A_648 : i32 to index
        %get3A_651 = tpu.vector_load %arg7[%get3A_649, %get3A_650] {strides = array<i32>} : memref<32x1024xf32, #tpu.memory_space<vmem>>, vector<1x16xf32>,
        %get3A_652 = vector.shape_cast %get3A_651 : vector<1x16xf32> to vector<16xf32>
        %swap3A_653 = arith.index_cast %add3A_604 : i32 to index
        %swap3A_654 = arith.index_cast %mul3A_648 : i32 to index
        %swap3A_655 = tpu.vector_load %arg5[%swap3A_653, %swap3A_654] {strides = array<i32>} : memref<32x1024xf32, #tpu.memory_space<vmem>>, vector<1x16xf32>,
        %swap3A_656 = vector.shape_cast %swap3A_655 : vector<1x16xf32> to vector<16xf32>
        %swap3A_657 = vector.shape_cast %get3A_652 : vector<16xf32> to vector<1x16xf32>
        tpu.vector_store %arg5[%swap3A_653, %swap3A_654], %swap3A_657 {add = true, strides = array<i32>} : memref<32x1024xf32, #tpu.memory_space<vmem>>, vector<1x16xf32>,
        %scan3A_658 = arith.constant 3 : i32
        %scan3A_659 = arith.addi %scan3A_610, %scan3A_658 : i32
        %mul3A_660 = arith.constant 1 : i32
        %mul3A_661 = arith.muli %scan3A_659, %mul3A_660 : i32
        %add3A_662 = arith.constant 0 : i32
        %add3A_663 = arith.addi %add3A_662, %mul3A_661 : i32
        %mul3A_664 = arith.constant 16 : i32
        %mul3A_665 = arith.muli %add3A_663, %mul3A_664 : i32
        %get3A_666 = arith.index_cast %add3A_604 : i32 to index
        %get3A_667 = arith.index_cast %mul3A_665 : i32 to index
        %get3A_668 = tpu.vector_load %arg7[%get3A_666, %get3A_667] {strides = array<i32>} : memref<32x1024xf32, #tpu.memory_space<vmem>>, vector<1x16xf32>,
        %get3A_669 = vector.shape_cast %get3A_668 : vector<1x16xf32> to vector<16xf32>
        %swap3A_670 = arith.index_cast %add3A_604 : i32 to index
        %swap3A_671 = arith.index_cast %mul3A_665 : i32 to index
        %swap3A_672 = tpu.vector_load %arg5[%swap3A_670, %swap3A_671] {strides = array<i32>} : memref<32x1024xf32, #tpu.memory_space<vmem>>, vector<1x16xf32>,
        %swap3A_673 = vector.shape_cast %swap3A_672 : vector<1x16xf32> to vector<16xf32>
        %swap3A_674 = vector.shape_cast %get3A_669 : vector<16xf32> to vector<1x16xf32>
        tpu.vector_store %arg5[%swap3A_670, %swap3A_671], %swap3A_674 {add = true, strides = array<i32>} : memref<32x1024xf32, #tpu.memory_space<vmem>>, vector<1x16xf32>,
        %scan3A_675 = arith.constant 4 : i32
        %scan3A_676 = arith.addi %scan3A_610, %scan3A_675 : i32
        %mul3A_677 = arith.constant 1 : i32
        %mul3A_678 = arith.muli %scan3A_676, %mul3A_677 : i32
        %add3A_679 = arith.constant 0 : i32
        %add3A_680 = arith.addi %add3A_679, %mul3A_678 : i32
        %mul3A_681 = arith.constant 16 : i32
        %mul3A_682 = arith.muli %add3A_680, %mul3A_681 : i32
        %get3A_683 = arith.index_cast %add3A_604 : i32 to index
        %get3A_684 = arith.index_cast %mul3A_682 : i32 to index
        %get3A_685 = tpu.vector_load %arg7[%get3A_683, %get3A_684] {strides = array<i32>} : memref<32x1024xf32, #tpu.memory_space<vmem>>, vector<1x16xf32>,
        %get3A_686 = vector.shape_cast %get3A_685 : vector<1x16xf32> to vector<16xf32>
        %swap3A_687 = arith.index_cast %add3A_604 : i32 to index
        %swap3A_688 = arith.index_cast %mul3A_682 : i32 to index
        %swap3A_689 = tpu.vector_load %arg5[%swap3A_687, %swap3A_688] {strides = array<i32>} : memref<32x1024xf32, #tpu.memory_space<vmem>>, vector<1x16xf32>,
        %swap3A_690 = vector.shape_cast %swap3A_689 : vector<1x16xf32> to vector<16xf32>
        %swap3A_691 = vector.shape_cast %get3A_686 : vector<16xf32> to vector<1x16xf32>
        tpu.vector_store %arg5[%swap3A_687, %swap3A_688], %swap3A_691 {add = true, strides = array<i32>} : memref<32x1024xf32, #tpu.memory_space<vmem>>, vector<1x16xf32>,
        %scan3A_692 = arith.constant 5 : i32
        %scan3A_693 = arith.addi %scan3A_610, %scan3A_692 : i32
        %mul3A_694 = arith.constant 1 : i32
        %mul3A_695 = arith.muli %scan3A_693, %mul3A_694 : i32
        %add3A_696 = arith.constant 0 : i32
        %add3A_697 = arith.addi %add3A_696, %mul3A_695 : i32
        %mul3A_698 = arith.constant 16 : i32
        %mul3A_699 = arith.muli %add3A_697, %mul3A_698 : i32
        %get3A_700 = arith.index_cast %add3A_604 : i32 to index
        %get3A_701 = arith.index_cast %mul3A_699 : i32 to index
        %get3A_702 = tpu.vector_load %arg7[%get3A_700, %get3A_701] {strides = array<i32>} : memref<32x1024xf32, #tpu.memory_space<vmem>>, vector<1x16xf32>,
        %get3A_703 = vector.shape_cast %get3A_702 : vector<1x16xf32> to vector<16xf32>
        %swap3A_704 = arith.index_cast %add3A_604 : i32 to index
        %swap3A_705 = arith.index_cast %mul3A_699 : i32 to index
        %swap3A_706 = tpu.vector_load %arg5[%swap3A_704, %swap3A_705] {strides = array<i32>} : memref<32x1024xf32, #tpu.memory_space<vmem>>, vector<1x16xf32>,
        %swap3A_707 = vector.shape_cast %swap3A_706 : vector<1x16xf32> to vector<16xf32>
        %swap3A_708 = vector.shape_cast %get3A_703 : vector<16xf32> to vector<1x16xf32>
        tpu.vector_store %arg5[%swap3A_704, %swap3A_705], %swap3A_708 {add = true, strides = array<i32>} : memref<32x1024xf32, #tpu.memory_space<vmem>>, vector<1x16xf32>,
        %scan3A_709 = arith.constant 6 : i32
        %scan3A_710 = arith.addi %scan3A_610, %scan3A_709 : i32
        %mul3A_711 = arith.constant 1 : i32
        %mul3A_712 = arith.muli %scan3A_710, %mul3A_711 : i32
        %add3A_713 = arith.constant 0 : i32
        %add3A_714 = arith.addi %add3A_713, %mul3A_712 : i32
        %mul3A_715 = arith.constant 16 : i32
        %mul3A_716 = arith.muli %add3A_714, %mul3A_715 : i32
        %get3A_717 = arith.index_cast %add3A_604 : i32 to index
        %get3A_718 = arith.index_cast %mul3A_716 : i32 to index
        %get3A_719 = tpu.vector_load %arg7[%get3A_717, %get3A_718] {strides = array<i32>} : memref<32x1024xf32, #tpu.memory_space<vmem>>, vector<1x16xf32>,
        %get3A_720 = vector.shape_cast %get3A_719 : vector<1x16xf32> to vector<16xf32>
        %swap3A_721 = arith.index_cast %add3A_604 : i32 to index
        %swap3A_722 = arith.index_cast %mul3A_716 : i32 to index
        %swap3A_723 = tpu.vector_load %arg5[%swap3A_721, %swap3A_722] {strides = array<i32>} : memref<32x1024xf32, #tpu.memory_space<vmem>>, vector<1x16xf32>,
        %swap3A_724 = vector.shape_cast %swap3A_723 : vector<1x16xf32> to vector<16xf32>
        %swap3A_725 = vector.shape_cast %get3A_720 : vector<16xf32> to vector<1x16xf32>
        tpu.vector_store %arg5[%swap3A_721, %swap3A_722], %swap3A_725 {add = true, strides = array<i32>} : memref<32x1024xf32, #tpu.memory_space<vmem>>, vector<1x16xf32>,
        %scan3A_726 = arith.constant 7 : i32
        %scan3A_727 = arith.addi %scan3A_610, %scan3A_726 : i32
        %mul3A_728 = arith.constant 1 : i32
        %mul3A_729 = arith.muli %scan3A_727, %mul3A_728 : i32
        %add3A_730 = arith.constant 0 : i32
        %add3A_731 = arith.addi %add3A_730, %mul3A_729 : i32
        %mul3A_732 = arith.constant 16 : i32
        %mul3A_733 = arith.muli %add3A_731, %mul3A_732 : i32
        %get3A_734 = arith.index_cast %add3A_604 : i32 to index
        %get3A_735 = arith.index_cast %mul3A_733 : i32 to index
        %get3A_736 = tpu.vector_load %arg7[%get3A_734, %get3A_735] {strides = array<i32>} : memref<32x1024xf32, #tpu.memory_space<vmem>>, vector<1x16xf32>,
        %get3A_737 = vector.shape_cast %get3A_736 : vector<1x16xf32> to vector<16xf32>
        %swap3A_738 = arith.index_cast %add3A_604 : i32 to index
        %swap3A_739 = arith.index_cast %mul3A_733 : i32 to index
        %swap3A_740 = tpu.vector_load %arg5[%swap3A_738, %swap3A_739] {strides = array<i32>} : memref<32x1024xf32, #tpu.memory_space<vmem>>, vector<1x16xf32>,
        %swap3A_741 = vector.shape_cast %swap3A_740 : vector<1x16xf32> to vector<16xf32>
        %swap3A_742 = vector.shape_cast %get3A_737 : vector<16xf32> to vector<1x16xf32>
        tpu.vector_store %arg5[%swap3A_738, %swap3A_739], %swap3A_742 {add = true, strides = array<i32>} : memref<32x1024xf32, #tpu.memory_space<vmem>>, vector<1x16xf32>,
      }
      %scan3A_609 = arith.constant 64 : i32
    }
    %scan3A_181 = arith.constant 32 : i32
    %add3A_182 = arith.constant 32 : i32
    %add3A_183 = arith.addi %mul3A_2, %add3A_182 : i32
    %dma_start3A_184 = arith.constant 0 : i32
    %dma_start3A_185 = arith.constant 0 : i32
    %dma_start3A_186 = tpu.memref_slice %arg4[%dma_start3A_184, %add3A_183, %dma_start3A_185] : memref<4x4096x1024xf32, #tpu.memory_space<hbm>> -> memref<1x32x1024xf32, #tpu.memory_space<hbm>>
    %dma_start3A_187 = tpu.memref_squeeze %dma_start3A_186 : memref<1x32x1024xf32, #tpu.memory_space<hbm>> -> memref<32x1024xf32, #tpu.memory_space<hbm>>
    %dma_start3A_188 = arith.constant 0 : i32
    %dma_start3A_189 = tpu.memref_slice %arg4[%dma_start3A_184, %add3A_183, %dma_start3A_188] : memref<4x4096x1024xf32, #tpu.memory_space<hbm>> -> memref<1x32x1024xf32, #tpu.memory_space<hbm>>
    %dma_start3A_190 = tpu.memref_squeeze %dma_start3A_189 : memref<1x32x1024xf32, #tpu.memory_space<hbm>> -> memref<32x1024xf32, #tpu.memory_space<hbm>>
    tpu.enqueue_dma source(%arg5 : memref<32x1024xf32, #tpu.memory_space<vmem>>) target(%dma_start3A_190 : memref<32x1024xf32, #tpu.memory_space<hbm>>) target_semaphore(%arg10 : memref<!tpu.dma_semaphore, #tpu.memory_space<semaphore_mem>>)
    %dma_wait3A_191 = arith.constant 1 : i32
    %dma_wait3A_192 = arith.constant 0 : i32
    %dma_wait3A_193 = tpu.memref_slice %arg2[%dma_wait3A_191, %add3A_169, %dma_wait3A_192] : memref<4x4096x1024xf32, #tpu.memory_space<hbm>> -> memref<1x32x1024xf32, #tpu.memory_space<hbm>>
    %dma_wait3A_194 = tpu.memref_squeeze %dma_wait3A_193 : memref<1x32x1024xf32, #tpu.memory_space<hbm>> -> memref<32x1024xf32, #tpu.memory_space<hbm>>
    %dma_wait3A_195 = arith.constant 0 : i32
    %dma_wait3A_196 = tpu.memref_slice %arg2[%dma_wait3A_191, %add3A_169, %dma_wait3A_195] : memref<4x4096x1024xf32, #tpu.memory_space<hbm>> -> memref<1x32x1024xf32, #tpu.memory_space<hbm>>
    %dma_wait3A_197 = tpu.memref_squeeze %dma_wait3A_196 : memref<1x32x1024xf32, #tpu.memory_space<hbm>> -> memref<32x1024xf32, #tpu.memory_space<hbm>>
    tpu.wait_dma2 semaphore(%arg9 : memref<!tpu.dma_semaphore, #tpu.memory_space<semaphore_mem>>) src(%dma_wait3A_197 : memref<32x1024xf32, #tpu.memory_space<hbm>>) dst(%arg6 : memref<32x1024xf32, #tpu.memory_space<vmem>>)
    %dma_wait3A_198 = arith.constant 0 : i32
    %dma_wait3A_199 = arith.constant 0 : i32
    %dma_wait3A_200 = tpu.memref_slice %arg4[%dma_wait3A_198, %add3A_183, %dma_wait3A_199] : memref<4x4096x1024xf32, #tpu.memory_space<hbm>> -> memref<1x32x1024xf32, #tpu.memory_space<hbm>>
    %dma_wait3A_201 = tpu.memref_squeeze %dma_wait3A_200 : memref<1x32x1024xf32, #tpu.memory_space<hbm>> -> memref<32x1024xf32, #tpu.memory_space<hbm>>
    %dma_wait3A_202 = arith.constant 0 : i32
    %dma_wait3A_203 = tpu.memref_slice %arg4[%dma_wait3A_198, %add3A_183, %dma_wait3A_202] : memref<4x4096x1024xf32, #tpu.memory_space<hbm>> -> memref<1x32x1024xf32, #tpu.memory_space<hbm>>
    %dma_wait3A_204 = tpu.memref_squeeze %dma_wait3A_203 : memref<1x32x1024xf32, #tpu.memory_space<hbm>> -> memref<32x1024xf32, #tpu.memory_space<hbm>>
    tpu.wait_dma2 semaphore(%arg10 : memref<!tpu.dma_semaphore, #tpu.memory_space<semaphore_mem>>) src(%arg5 : memref<32x1024xf32, #tpu.memory_space<vmem>>) dst(%dma_wait3A_204 : memref<32x1024xf32, #tpu.memory_space<hbm>>)
    %add3A_205 = arith.constant 32 : i32
    %add3A_206 = arith.addi %mul3A_2, %add3A_205 : i32
    %dma_start3A_207 = arith.constant 2 : i32
    %dma_start3A_208 = arith.constant 0 : i32
    %dma_start3A_209 = tpu.memref_slice %arg2[%dma_start3A_207, %add3A_206, %dma_start3A_208] : memref<4x4096x1024xf32, #tpu.memory_space<hbm>> -> memref<1x32x1024xf32, #tpu.memory_space<hbm>>
    %dma_start3A_210 = tpu.memref_squeeze %dma_start3A_209 : memref<1x32x1024xf32, #tpu.memory_space<hbm>> -> memref<32x1024xf32, #tpu.memory_space<hbm>>
    %dma_start3A_211 = arith.constant 0 : i32
    %dma_start3A_212 = tpu.memref_slice %arg2[%dma_start3A_207, %add3A_206, %dma_start3A_211] : memref<4x4096x1024xf32, #tpu.memory_space<hbm>> -> memref<1x32x1024xf32, #tpu.memory_space<hbm>>
    %dma_start3A_213 = tpu.memref_squeeze %dma_start3A_212 : memref<1x32x1024xf32, #tpu.memory_space<hbm>> -> memref<32x1024xf32, #tpu.memory_space<hbm>>
    tpu.enqueue_dma source(%dma_start3A_213 : memref<32x1024xf32, #tpu.memory_space<hbm>>) target(%arg5 : memref<32x1024xf32, #tpu.memory_space<vmem>>) target_semaphore(%arg8 : memref<!tpu.dma_semaphore, #tpu.memory_space<semaphore_mem>>)
    %scan3A_214 = arith.constant 0 : i32
    %scan3A_215 = arith.constant 32 : i32
    %scan3A_216 = arith.addi %scan3A_214, %scan3A_215 : i32
    %scan3A_217 = arith.constant 1 : i32
    scf.for %scan3A_600 = %scan3A_214 to %scan3A_216 step %scan3A_217  : i32 {
      %mul3A_601 = arith.constant 1 : i32
      %mul3A_602 = arith.muli %scan3A_600, %mul3A_601 : i32
      %add3A_603 = arith.constant 0 : i32
      %add3A_604 = arith.addi %add3A_603, %mul3A_602 : i32
      %scan3A_605 = arith.constant 0 : i32
      %scan3A_606 = arith.constant 64 : i32
      %scan3A_607 = arith.addi %scan3A_605, %scan3A_606 : i32
      %scan3A_608 = arith.constant 8 : i32
      scf.for %scan3A_610 = %scan3A_605 to %scan3A_607 step %scan3A_608  : i32 {
        %mul3A_611 = arith.constant 1 : i32
        %mul3A_612 = arith.muli %scan3A_610, %mul3A_611 : i32
        %add3A_613 = arith.constant 0 : i32
        %add3A_614 = arith.addi %add3A_613, %mul3A_612 : i32
        %mul3A_615 = arith.constant 16 : i32
        %mul3A_616 = arith.muli %add3A_614, %mul3A_615 : i32
        %get3A = arith.index_cast %add3A_604 : i32 to index
        %get3A_617 = arith.index_cast %mul3A_616 : i32 to index
        %get3A_618 = tpu.vector_load %arg7[%get3A, %get3A_617] {strides = array<i32>} : memref<32x1024xf32, #tpu.memory_space<vmem>>, vector<1x16xf32>,
        %get3A_619 = vector.shape_cast %get3A_618 : vector<1x16xf32> to vector<16xf32>
        %swap3A = arith.index_cast %add3A_604 : i32 to index
        %swap3A_620 = arith.index_cast %mul3A_616 : i32 to index
        %swap3A_621 = tpu.vector_load %arg6[%swap3A, %swap3A_620] {strides = array<i32>} : memref<32x1024xf32, #tpu.memory_space<vmem>>, vector<1x16xf32>,
        %swap3A_622 = vector.shape_cast %swap3A_621 : vector<1x16xf32> to vector<16xf32>
        %swap3A_623 = vector.shape_cast %get3A_619 : vector<16xf32> to vector<1x16xf32>
        tpu.vector_store %arg6[%swap3A, %swap3A_620], %swap3A_623 {add = true, strides = array<i32>} : memref<32x1024xf32, #tpu.memory_space<vmem>>, vector<1x16xf32>,
        %scan3A_624 = arith.constant 1 : i32
        %scan3A_625 = arith.addi %scan3A_610, %scan3A_624 : i32
        %mul3A_626 = arith.constant 1 : i32
        %mul3A_627 = arith.muli %scan3A_625, %mul3A_626 : i32
        %add3A_628 = arith.constant 0 : i32
        %add3A_629 = arith.addi %add3A_628, %mul3A_627 : i32
        %mul3A_630 = arith.constant 16 : i32
        %mul3A_631 = arith.muli %add3A_629, %mul3A_630 : i32
        %get3A_632 = arith.index_cast %add3A_604 : i32 to index
        %get3A_633 = arith.index_cast %mul3A_631 : i32 to index
        %get3A_634 = tpu.vector_load %arg7[%get3A_632, %get3A_633] {strides = array<i32>} : memref<32x1024xf32, #tpu.memory_space<vmem>>, vector<1x16xf32>,
        %get3A_635 = vector.shape_cast %get3A_634 : vector<1x16xf32> to vector<16xf32>
        %swap3A_636 = arith.index_cast %add3A_604 : i32 to index
        %swap3A_637 = arith.index_cast %mul3A_631 : i32 to index
        %swap3A_638 = tpu.vector_load %arg6[%swap3A_636, %swap3A_637] {strides = array<i32>} : memref<32x1024xf32, #tpu.memory_space<vmem>>, vector<1x16xf32>,
        %swap3A_639 = vector.shape_cast %swap3A_638 : vector<1x16xf32> to vector<16xf32>
        %swap3A_640 = vector.shape_cast %get3A_635 : vector<16xf32> to vector<1x16xf32>
        tpu.vector_store %arg6[%swap3A_636, %swap3A_637], %swap3A_640 {add = true, strides = array<i32>} : memref<32x1024xf32, #tpu.memory_space<vmem>>, vector<1x16xf32>,
        %scan3A_641 = arith.constant 2 : i32
        %scan3A_642 = arith.addi %scan3A_610, %scan3A_641 : i32
        %mul3A_643 = arith.constant 1 : i32
        %mul3A_644 = arith.muli %scan3A_642, %mul3A_643 : i32
        %add3A_645 = arith.constant 0 : i32
        %add3A_646 = arith.addi %add3A_645, %mul3A_644 : i32
        %mul3A_647 = arith.constant 16 : i32
        %mul3A_648 = arith.muli %add3A_646, %mul3A_647 : i32
        %get3A_649 = arith.index_cast %add3A_604 : i32 to index
        %get3A_650 = arith.index_cast %mul3A_648 : i32 to index
        %get3A_651 = tpu.vector_load %arg7[%get3A_649, %get3A_650] {strides = array<i32>} : memref<32x1024xf32, #tpu.memory_space<vmem>>, vector<1x16xf32>,
        %get3A_652 = vector.shape_cast %get3A_651 : vector<1x16xf32> to vector<16xf32>
        %swap3A_653 = arith.index_cast %add3A_604 : i32 to index
        %swap3A_654 = arith.index_cast %mul3A_648 : i32 to index
        %swap3A_655 = tpu.vector_load %arg6[%swap3A_653, %swap3A_654] {strides = array<i32>} : memref<32x1024xf32, #tpu.memory_space<vmem>>, vector<1x16xf32>,
        %swap3A_656 = vector.shape_cast %swap3A_655 : vector<1x16xf32> to vector<16xf32>
        %swap3A_657 = vector.shape_cast %get3A_652 : vector<16xf32> to vector<1x16xf32>
        tpu.vector_store %arg6[%swap3A_653, %swap3A_654], %swap3A_657 {add = true, strides = array<i32>} : memref<32x1024xf32, #tpu.memory_space<vmem>>, vector<1x16xf32>,
        %scan3A_658 = arith.constant 3 : i32
        %scan3A_659 = arith.addi %scan3A_610, %scan3A_658 : i32
        %mul3A_660 = arith.constant 1 : i32
        %mul3A_661 = arith.muli %scan3A_659, %mul3A_660 : i32
        %add3A_662 = arith.constant 0 : i32
        %add3A_663 = arith.addi %add3A_662, %mul3A_661 : i32
        %mul3A_664 = arith.constant 16 : i32
        %mul3A_665 = arith.muli %add3A_663, %mul3A_664 : i32
        %get3A_666 = arith.index_cast %add3A_604 : i32 to index
        %get3A_667 = arith.index_cast %mul3A_665 : i32 to index
        %get3A_668 = tpu.vector_load %arg7[%get3A_666, %get3A_667] {strides = array<i32>} : memref<32x1024xf32, #tpu.memory_space<vmem>>, vector<1x16xf32>,
        %get3A_669 = vector.shape_cast %get3A_668 : vector<1x16xf32> to vector<16xf32>
        %swap3A_670 = arith.index_cast %add3A_604 : i32 to index
        %swap3A_671 = arith.index_cast %mul3A_665 : i32 to index
        %swap3A_672 = tpu.vector_load %arg6[%swap3A_670, %swap3A_671] {strides = array<i32>} : memref<32x1024xf32, #tpu.memory_space<vmem>>, vector<1x16xf32>,
        %swap3A_673 = vector.shape_cast %swap3A_672 : vector<1x16xf32> to vector<16xf32>
        %swap3A_674 = vector.shape_cast %get3A_669 : vector<16xf32> to vector<1x16xf32>
        tpu.vector_store %arg6[%swap3A_670, %swap3A_671], %swap3A_674 {add = true, strides = array<i32>} : memref<32x1024xf32, #tpu.memory_space<vmem>>, vector<1x16xf32>,
        %scan3A_675 = arith.constant 4 : i32
        %scan3A_676 = arith.addi %scan3A_610, %scan3A_675 : i32
        %mul3A_677 = arith.constant 1 : i32
        %mul3A_678 = arith.muli %scan3A_676, %mul3A_677 : i32
        %add3A_679 = arith.constant 0 : i32
        %add3A_680 = arith.addi %add3A_679, %mul3A_678 : i32
        %mul3A_681 = arith.constant 16 : i32
        %mul3A_682 = arith.muli %add3A_680, %mul3A_681 : i32
        %get3A_683 = arith.index_cast %add3A_604 : i32 to index
        %get3A_684 = arith.index_cast %mul3A_682 : i32 to index
        %get3A_685 = tpu.vector_load %arg7[%get3A_683, %get3A_684] {strides = array<i32>} : memref<32x1024xf32, #tpu.memory_space<vmem>>, vector<1x16xf32>,
        %get3A_686 = vector.shape_cast %get3A_685 : vector<1x16xf32> to vector<16xf32>
        %swap3A_687 = arith.index_cast %add3A_604 : i32 to index
        %swap3A_688 = arith.index_cast %mul3A_682 : i32 to index
        %swap3A_689 = tpu.vector_load %arg6[%swap3A_687, %swap3A_688] {strides = array<i32>} : memref<32x1024xf32, #tpu.memory_space<vmem>>, vector<1x16xf32>,
        %swap3A_690 = vector.shape_cast %swap3A_689 : vector<1x16xf32> to vector<16xf32>
        %swap3A_691 = vector.shape_cast %get3A_686 : vector<16xf32> to vector<1x16xf32>
        tpu.vector_store %arg6[%swap3A_687, %swap3A_688], %swap3A_691 {add = true, strides = array<i32>} : memref<32x1024xf32, #tpu.memory_space<vmem>>, vector<1x16xf32>,
        %scan3A_692 = arith.constant 5 : i32
        %scan3A_693 = arith.addi %scan3A_610, %scan3A_692 : i32
        %mul3A_694 = arith.constant 1 : i32
        %mul3A_695 = arith.muli %scan3A_693, %mul3A_694 : i32
        %add3A_696 = arith.constant 0 : i32
        %add3A_697 = arith.addi %add3A_696, %mul3A_695 : i32
        %mul3A_698 = arith.constant 16 : i32
        %mul3A_699 = arith.muli %add3A_697, %mul3A_698 : i32
        %get3A_700 = arith.index_cast %add3A_604 : i32 to index
        %get3A_701 = arith.index_cast %mul3A_699 : i32 to index
        %get3A_702 = tpu.vector_load %arg7[%get3A_700, %get3A_701] {strides = array<i32>} : memref<32x1024xf32, #tpu.memory_space<vmem>>, vector<1x16xf32>,
        %get3A_703 = vector.shape_cast %get3A_702 : vector<1x16xf32> to vector<16xf32>
        %swap3A_704 = arith.index_cast %add3A_604 : i32 to index
        %swap3A_705 = arith.index_cast %mul3A_699 : i32 to index
        %swap3A_706 = tpu.vector_load %arg6[%swap3A_704, %swap3A_705] {strides = array<i32>} : memref<32x1024xf32, #tpu.memory_space<vmem>>, vector<1x16xf32>,
        %swap3A_707 = vector.shape_cast %swap3A_706 : vector<1x16xf32> to vector<16xf32>
        %swap3A_708 = vector.shape_cast %get3A_703 : vector<16xf32> to vector<1x16xf32>
        tpu.vector_store %arg6[%swap3A_704, %swap3A_705], %swap3A_708 {add = true, strides = array<i32>} : memref<32x1024xf32, #tpu.memory_space<vmem>>, vector<1x16xf32>,
        %scan3A_709 = arith.constant 6 : i32
        %scan3A_710 = arith.addi %scan3A_610, %scan3A_709 : i32
        %mul3A_711 = arith.constant 1 : i32
        %mul3A_712 = arith.muli %scan3A_710, %mul3A_711 : i32
        %add3A_713 = arith.constant 0 : i32
        %add3A_714 = arith.addi %add3A_713, %mul3A_712 : i32
        %mul3A_715 = arith.constant 16 : i32
        %mul3A_716 = arith.muli %add3A_714, %mul3A_715 : i32
        %get3A_717 = arith.index_cast %add3A_604 : i32 to index
        %get3A_718 = arith.index_cast %mul3A_716 : i32 to index
        %get3A_719 = tpu.vector_load %arg7[%get3A_717, %get3A_718] {strides = array<i32>} : memref<32x1024xf32, #tpu.memory_space<vmem>>, vector<1x16xf32>,
        %get3A_720 = vector.shape_cast %get3A_719 : vector<1x16xf32> to vector<16xf32>
        %swap3A_721 = arith.index_cast %add3A_604 : i32 to index
        %swap3A_722 = arith.index_cast %mul3A_716 : i32 to index
        %swap3A_723 = tpu.vector_load %arg6[%swap3A_721, %swap3A_722] {strides = array<i32>} : memref<32x1024xf32, #tpu.memory_space<vmem>>, vector<1x16xf32>,
        %swap3A_724 = vector.shape_cast %swap3A_723 : vector<1x16xf32> to vector<16xf32>
        %swap3A_725 = vector.shape_cast %get3A_720 : vector<16xf32> to vector<1x16xf32>
        tpu.vector_store %arg6[%swap3A_721, %swap3A_722], %swap3A_725 {add = true, strides = array<i32>} : memref<32x1024xf32, #tpu.memory_space<vmem>>, vector<1x16xf32>,
        %scan3A_726 = arith.constant 7 : i32
        %scan3A_727 = arith.addi %scan3A_610, %scan3A_726 : i32
        %mul3A_728 = arith.constant 1 : i32
        %mul3A_729 = arith.muli %scan3A_727, %mul3A_728 : i32
        %add3A_730 = arith.constant 0 : i32
        %add3A_731 = arith.addi %add3A_730, %mul3A_729 : i32
        %mul3A_732 = arith.constant 16 : i32
        %mul3A_733 = arith.muli %add3A_731, %mul3A_732 : i32
        %get3A_734 = arith.index_cast %add3A_604 : i32 to index
        %get3A_735 = arith.index_cast %mul3A_733 : i32 to index
        %get3A_736 = tpu.vector_load %arg7[%get3A_734, %get3A_735] {strides = array<i32>} : memref<32x1024xf32, #tpu.memory_space<vmem>>, vector<1x16xf32>,
        %get3A_737 = vector.shape_cast %get3A_736 : vector<1x16xf32> to vector<16xf32>
        %swap3A_738 = arith.index_cast %add3A_604 : i32 to index
        %swap3A_739 = arith.index_cast %mul3A_733 : i32 to index
        %swap3A_740 = tpu.vector_load %arg6[%swap3A_738, %swap3A_739] {strides = array<i32>} : memref<32x1024xf32, #tpu.memory_space<vmem>>, vector<1x16xf32>,
        %swap3A_741 = vector.shape_cast %swap3A_740 : vector<1x16xf32> to vector<16xf32>
        %swap3A_742 = vector.shape_cast %get3A_737 : vector<16xf32> to vector<1x16xf32>
        tpu.vector_store %arg6[%swap3A_738, %swap3A_739], %swap3A_742 {add = true, strides = array<i32>} : memref<32x1024xf32, #tpu.memory_space<vmem>>, vector<1x16xf32>,
      }
      %scan3A_609 = arith.constant 64 : i32
    }
    %scan3A_218 = arith.constant 32 : i32
    %add3A_219 = arith.constant 32 : i32
    %add3A_220 = arith.addi %mul3A_2, %add3A_219 : i32
    %dma_start3A_221 = arith.constant 1 : i32
    %dma_start3A_222 = arith.constant 0 : i32
    %dma_start3A_223 = tpu.memref_slice %arg4[%dma_start3A_221, %add3A_220, %dma_start3A_222] : memref<4x4096x1024xf32, #tpu.memory_space<hbm>> -> memref<1x32x1024xf32, #tpu.memory_space<hbm>>
    %dma_start3A_224 = tpu.memref_squeeze %dma_start3A_223 : memref<1x32x1024xf32, #tpu.memory_space<hbm>> -> memref<32x1024xf32, #tpu.memory_space<hbm>>
    %dma_start3A_225 = arith.constant 0 : i32
    %dma_start3A_226 = tpu.memref_slice %arg4[%dma_start3A_221, %add3A_220, %dma_start3A_225] : memref<4x4096x1024xf32, #tpu.memory_space<hbm>> -> memref<1x32x1024xf32, #tpu.memory_space<hbm>>
    %dma_start3A_227 = tpu.memref_squeeze %dma_start3A_226 : memref<1x32x1024xf32, #tpu.memory_space<hbm>> -> memref<32x1024xf32, #tpu.memory_space<hbm>>
    tpu.enqueue_dma source(%arg6 : memref<32x1024xf32, #tpu.memory_space<vmem>>) target(%dma_start3A_227 : memref<32x1024xf32, #tpu.memory_space<hbm>>) target_semaphore(%arg11 : memref<!tpu.dma_semaphore, #tpu.memory_space<semaphore_mem>>)
    %dma_wait3A_228 = arith.constant 2 : i32
    %dma_wait3A_229 = arith.constant 0 : i32
    %dma_wait3A_230 = tpu.memref_slice %arg2[%dma_wait3A_228, %add3A_206, %dma_wait3A_229] : memref<4x4096x1024xf32, #tpu.memory_space<hbm>> -> memref<1x32x1024xf32, #tpu.memory_space<hbm>>
    %dma_wait3A_231 = tpu.memref_squeeze %dma_wait3A_230 : memref<1x32x1024xf32, #tpu.memory_space<hbm>> -> memref<32x1024xf32, #tpu.memory_space<hbm>>
    %dma_wait3A_232 = arith.constant 0 : i32
    %dma_wait3A_233 = tpu.memref_slice %arg2[%dma_wait3A_228, %add3A_206, %dma_wait3A_232] : memref<4x4096x1024xf32, #tpu.memory_space<hbm>> -> memref<1x32x1024xf32, #tpu.memory_space<hbm>>
    %dma_wait3A_234 = tpu.memref_squeeze %dma_wait3A_233 : memref<1x32x1024xf32, #tpu.memory_space<hbm>> -> memref<32x1024xf32, #tpu.memory_space<hbm>>
    tpu.wait_dma2 semaphore(%arg8 : memref<!tpu.dma_semaphore, #tpu.memory_space<semaphore_mem>>) src(%dma_wait3A_234 : memref<32x1024xf32, #tpu.memory_space<hbm>>) dst(%arg5 : memref<32x1024xf32, #tpu.memory_space<vmem>>)
    %dma_wait3A_235 = arith.constant 1 : i32
    %dma_wait3A_236 = arith.constant 0 : i32
    %dma_wait3A_237 = tpu.memref_slice %arg4[%dma_wait3A_235, %add3A_220, %dma_wait3A_236] : memref<4x4096x1024xf32, #tpu.memory_space<hbm>> -> memref<1x32x1024xf32, #tpu.memory_space<hbm>>
    %dma_wait3A_238 = tpu.memref_squeeze %dma_wait3A_237 : memref<1x32x1024xf32, #tpu.memory_space<hbm>> -> memref<32x1024xf32, #tpu.memory_space<hbm>>
    %dma_wait3A_239 = arith.constant 0 : i32
    %dma_wait3A_240 = tpu.memref_slice %arg4[%dma_wait3A_235, %add3A_220, %dma_wait3A_239] : memref<4x4096x1024xf32, #tpu.memory_space<hbm>> -> memref<1x32x1024xf32, #tpu.memory_space<hbm>>
    %dma_wait3A_241 = tpu.memref_squeeze %dma_wait3A_240 : memref<1x32x1024xf32, #tpu.memory_space<hbm>> -> memref<32x1024xf32, #tpu.memory_space<hbm>>
    tpu.wait_dma2 semaphore(%arg11 : memref<!tpu.dma_semaphore, #tpu.memory_space<semaphore_mem>>) src(%arg6 : memref<32x1024xf32, #tpu.memory_space<vmem>>) dst(%dma_wait3A_241 : memref<32x1024xf32, #tpu.memory_space<hbm>>)
    %add3A_242 = arith.constant 32 : i32
    %add3A_243 = arith.addi %mul3A_2, %add3A_242 : i32
    %dma_start3A_244 = arith.constant 3 : i32
    %dma_start3A_245 = arith.constant 0 : i32
    %dma_start3A_246 = tpu.memref_slice %arg2[%dma_start3A_244, %add3A_243, %dma_start3A_245] : memref<4x4096x1024xf32, #tpu.memory_space<hbm>> -> memref<1x32x1024xf32, #tpu.memory_space<hbm>>
    %dma_start3A_247 = tpu.memref_squeeze %dma_start3A_246 : memref<1x32x1024xf32, #tpu.memory_space<hbm>> -> memref<32x1024xf32, #tpu.memory_space<hbm>>
    %dma_start3A_248 = arith.constant 0 : i32
    %dma_start3A_249 = tpu.memref_slice %arg2[%dma_start3A_244, %add3A_243, %dma_start3A_248] : memref<4x4096x1024xf32, #tpu.memory_space<hbm>> -> memref<1x32x1024xf32, #tpu.memory_space<hbm>>
    %dma_start3A_250 = tpu.memref_squeeze %dma_start3A_249 : memref<1x32x1024xf32, #tpu.memory_space<hbm>> -> memref<32x1024xf32, #tpu.memory_space<hbm>>
    tpu.enqueue_dma source(%dma_start3A_250 : memref<32x1024xf32, #tpu.memory_space<hbm>>) target(%arg6 : memref<32x1024xf32, #tpu.memory_space<vmem>>) target_semaphore(%arg9 : memref<!tpu.dma_semaphore, #tpu.memory_space<semaphore_mem>>)
    %scan3A_251 = arith.constant 0 : i32
    %scan3A_252 = arith.constant 32 : i32
    %scan3A_253 = arith.addi %scan3A_251, %scan3A_252 : i32
    %scan3A_254 = arith.constant 1 : i32
    scf.for %scan3A_600 = %scan3A_251 to %scan3A_253 step %scan3A_254  : i32 {
      %mul3A_601 = arith.constant 1 : i32
      %mul3A_602 = arith.muli %scan3A_600, %mul3A_601 : i32
      %add3A_603 = arith.constant 0 : i32
      %add3A_604 = arith.addi %add3A_603, %mul3A_602 : i32
      %scan3A_605 = arith.constant 0 : i32
      %scan3A_606 = arith.constant 64 : i32
      %scan3A_607 = arith.addi %scan3A_605, %scan3A_606 : i32
      %scan3A_608 = arith.constant 8 : i32
      scf.for %scan3A_610 = %scan3A_605 to %scan3A_607 step %scan3A_608  : i32 {
        %mul3A_611 = arith.constant 1 : i32
        %mul3A_612 = arith.muli %scan3A_610, %mul3A_611 : i32
        %add3A_613 = arith.constant 0 : i32
        %add3A_614 = arith.addi %add3A_613, %mul3A_612 : i32
        %mul3A_615 = arith.constant 16 : i32
        %mul3A_616 = arith.muli %add3A_614, %mul3A_615 : i32
        %get3A = arith.index_cast %add3A_604 : i32 to index
        %get3A_617 = arith.index_cast %mul3A_616 : i32 to index
        %get3A_618 = tpu.vector_load %arg7[%get3A, %get3A_617] {strides = array<i32>} : memref<32x1024xf32, #tpu.memory_space<vmem>>, vector<1x16xf32>,
        %get3A_619 = vector.shape_cast %get3A_618 : vector<1x16xf32> to vector<16xf32>
        %swap3A = arith.index_cast %add3A_604 : i32 to index
        %swap3A_620 = arith.index_cast %mul3A_616 : i32 to index
        %swap3A_621 = tpu.vector_load %arg5[%swap3A, %swap3A_620] {strides = array<i32>} : memref<32x1024xf32, #tpu.memory_space<vmem>>, vector<1x16xf32>,
        %swap3A_622 = vector.shape_cast %swap3A_621 : vector<1x16xf32> to vector<16xf32>
        %swap3A_623 = vector.shape_cast %get3A_619 : vector<16xf32> to vector<1x16xf32>
        tpu.vector_store %arg5[%swap3A, %swap3A_620], %swap3A_623 {add = true, strides = array<i32>} : memref<32x1024xf32, #tpu.memory_space<vmem>>, vector<1x16xf32>,
        %scan3A_624 = arith.constant 1 : i32
        %scan3A_625 = arith.addi %scan3A_610, %scan3A_624 : i32
        %mul3A_626 = arith.constant 1 : i32
        %mul3A_627 = arith.muli %scan3A_625, %mul3A_626 : i32
        %add3A_628 = arith.constant 0 : i32
        %add3A_629 = arith.addi %add3A_628, %mul3A_627 : i32
        %mul3A_630 = arith.constant 16 : i32
        %mul3A_631 = arith.muli %add3A_629, %mul3A_630 : i32
        %get3A_632 = arith.index_cast %add3A_604 : i32 to index
        %get3A_633 = arith.index_cast %mul3A_631 : i32 to index
        %get3A_634 = tpu.vector_load %arg7[%get3A_632, %get3A_633] {strides = array<i32>} : memref<32x1024xf32, #tpu.memory_space<vmem>>, vector<1x16xf32>,
        %get3A_635 = vector.shape_cast %get3A_634 : vector<1x16xf32> to vector<16xf32>
        %swap3A_636 = arith.index_cast %add3A_604 : i32 to index
        %swap3A_637 = arith.index_cast %mul3A_631 : i32 to index
        %swap3A_638 = tpu.vector_load %arg5[%swap3A_636, %swap3A_637] {strides = array<i32>} : memref<32x1024xf32, #tpu.memory_space<vmem>>, vector<1x16xf32>,
        %swap3A_639 = vector.shape_cast %swap3A_638 : vector<1x16xf32> to vector<16xf32>
        %swap3A_640 = vector.shape_cast %get3A_635 : vector<16xf32> to vector<1x16xf32>
        tpu.vector_store %arg5[%swap3A_636, %swap3A_637], %swap3A_640 {add = true, strides = array<i32>} : memref<32x1024xf32, #tpu.memory_space<vmem>>, vector<1x16xf32>,
        %scan3A_641 = arith.constant 2 : i32
        %scan3A_642 = arith.addi %scan3A_610, %scan3A_641 : i32
        %mul3A_643 = arith.constant 1 : i32
        %mul3A_644 = arith.muli %scan3A_642, %mul3A_643 : i32
        %add3A_645 = arith.constant 0 : i32
        %add3A_646 = arith.addi %add3A_645, %mul3A_644 : i32
        %mul3A_647 = arith.constant 16 : i32
        %mul3A_648 = arith.muli %add3A_646, %mul3A_647 : i32
        %get3A_649 = arith.index_cast %add3A_604 : i32 to index
        %get3A_650 = arith.index_cast %mul3A_648 : i32 to index
        %get3A_651 = tpu.vector_load %arg7[%get3A_649, %get3A_650] {strides = array<i32>} : memref<32x1024xf32, #tpu.memory_space<vmem>>, vector<1x16xf32>,
        %get3A_652 = vector.shape_cast %get3A_651 : vector<1x16xf32> to vector<16xf32>
        %swap3A_653 = arith.index_cast %add3A_604 : i32 to index
        %swap3A_654 = arith.index_cast %mul3A_648 : i32 to index
        %swap3A_655 = tpu.vector_load %arg5[%swap3A_653, %swap3A_654] {strides = array<i32>} : memref<32x1024xf32, #tpu.memory_space<vmem>>, vector<1x16xf32>,
        %swap3A_656 = vector.shape_cast %swap3A_655 : vector<1x16xf32> to vector<16xf32>
        %swap3A_657 = vector.shape_cast %get3A_652 : vector<16xf32> to vector<1x16xf32>
        tpu.vector_store %arg5[%swap3A_653, %swap3A_654], %swap3A_657 {add = true, strides = array<i32>} : memref<32x1024xf32, #tpu.memory_space<vmem>>, vector<1x16xf32>,
        %scan3A_658 = arith.constant 3 : i32
        %scan3A_659 = arith.addi %scan3A_610, %scan3A_658 : i32
        %mul3A_660 = arith.constant 1 : i32
        %mul3A_661 = arith.muli %scan3A_659, %mul3A_660 : i32
        %add3A_662 = arith.constant 0 : i32
        %add3A_663 = arith.addi %add3A_662, %mul3A_661 : i32
        %mul3A_664 = arith.constant 16 : i32
        %mul3A_665 = arith.muli %add3A_663, %mul3A_664 : i32
        %get3A_666 = arith.index_cast %add3A_604 : i32 to index
        %get3A_667 = arith.index_cast %mul3A_665 : i32 to index
        %get3A_668 = tpu.vector_load %arg7[%get3A_666, %get3A_667] {strides = array<i32>} : memref<32x1024xf32, #tpu.memory_space<vmem>>, vector<1x16xf32>,
        %get3A_669 = vector.shape_cast %get3A_668 : vector<1x16xf32> to vector<16xf32>
        %swap3A_670 = arith.index_cast %add3A_604 : i32 to index
        %swap3A_671 = arith.index_cast %mul3A_665 : i32 to index
        %swap3A_672 = tpu.vector_load %arg5[%swap3A_670, %swap3A_671] {strides = array<i32>} : memref<32x1024xf32, #tpu.memory_space<vmem>>, vector<1x16xf32>,
        %swap3A_673 = vector.shape_cast %swap3A_672 : vector<1x16xf32> to vector<16xf32>
        %swap3A_674 = vector.shape_cast %get3A_669 : vector<16xf32> to vector<1x16xf32>
        tpu.vector_store %arg5[%swap3A_670, %swap3A_671], %swap3A_674 {add = true, strides = array<i32>} : memref<32x1024xf32, #tpu.memory_space<vmem>>, vector<1x16xf32>,
        %scan3A_675 = arith.constant 4 : i32
        %scan3A_676 = arith.addi %scan3A_610, %scan3A_675 : i32
        %mul3A_677 = arith.constant 1 : i32
        %mul3A_678 = arith.muli %scan3A_676, %mul3A_677 : i32
        %add3A_679 = arith.constant 0 : i32
        %add3A_680 = arith.addi %add3A_679, %mul3A_678 : i32
        %mul3A_681 = arith.constant 16 : i32
        %mul3A_682 = arith.muli %add3A_680, %mul3A_681 : i32
        %get3A_683 = arith.index_cast %add3A_604 : i32 to index
        %get3A_684 = arith.index_cast %mul3A_682 : i32 to index
        %get3A_685 = tpu.vector_load %arg7[%get3A_683, %get3A_684] {strides = array<i32>} : memref<32x1024xf32, #tpu.memory_space<vmem>>, vector<1x16xf32>,
        %get3A_686 = vector.shape_cast %get3A_685 : vector<1x16xf32> to vector<16xf32>
        %swap3A_687 = arith.index_cast %add3A_604 : i32 to index
        %swap3A_688 = arith.index_cast %mul3A_682 : i32 to index
        %swap3A_689 = tpu.vector_load %arg5[%swap3A_687, %swap3A_688] {strides = array<i32>} : memref<32x1024xf32, #tpu.memory_space<vmem>>, vector<1x16xf32>,
        %swap3A_690 = vector.shape_cast %swap3A_689 : vector<1x16xf32> to vector<16xf32>
        %swap3A_691 = vector.shape_cast %get3A_686 : vector<16xf32> to vector<1x16xf32>
        tpu.vector_store %arg5[%swap3A_687, %swap3A_688], %swap3A_691 {add = true, strides = array<i32>} : memref<32x1024xf32, #tpu.memory_space<vmem>>, vector<1x16xf32>,
        %scan3A_692 = arith.constant 5 : i32
        %scan3A_693 = arith.addi %scan3A_610, %scan3A_692 : i32
        %mul3A_694 = arith.constant 1 : i32
        %mul3A_695 = arith.muli %scan3A_693, %mul3A_694 : i32
        %add3A_696 = arith.constant 0 : i32
        %add3A_697 = arith.addi %add3A_696, %mul3A_695 : i32
        %mul3A_698 = arith.constant 16 : i32
        %mul3A_699 = arith.muli %add3A_697, %mul3A_698 : i32
        %get3A_700 = arith.index_cast %add3A_604 : i32 to index
        %get3A_701 = arith.index_cast %mul3A_699 : i32 to index
        %get3A_702 = tpu.vector_load %arg7[%get3A_700, %get3A_701] {strides = array<i32>} : memref<32x1024xf32, #tpu.memory_space<vmem>>, vector<1x16xf32>,
        %get3A_703 = vector.shape_cast %get3A_702 : vector<1x16xf32> to vector<16xf32>
        %swap3A_704 = arith.index_cast %add3A_604 : i32 to index
        %swap3A_705 = arith.index_cast %mul3A_699 : i32 to index
        %swap3A_706 = tpu.vector_load %arg5[%swap3A_704, %swap3A_705] {strides = array<i32>} : memref<32x1024xf32, #tpu.memory_space<vmem>>, vector<1x16xf32>,
        %swap3A_707 = vector.shape_cast %swap3A_706 : vector<1x16xf32> to vector<16xf32>
        %swap3A_708 = vector.shape_cast %get3A_703 : vector<16xf32> to vector<1x16xf32>
        tpu.vector_store %arg5[%swap3A_704, %swap3A_705], %swap3A_708 {add = true, strides = array<i32>} : memref<32x1024xf32, #tpu.memory_space<vmem>>, vector<1x16xf32>,
        %scan3A_709 = arith.constant 6 : i32
        %scan3A_710 = arith.addi %scan3A_610, %scan3A_709 : i32
        %mul3A_711 = arith.constant 1 : i32
        %mul3A_712 = arith.muli %scan3A_710, %mul3A_711 : i32
        %add3A_713 = arith.constant 0 : i32
        %add3A_714 = arith.addi %add3A_713, %mul3A_712 : i32
        %mul3A_715 = arith.constant 16 : i32
        %mul3A_716 = arith.muli %add3A_714, %mul3A_715 : i32
        %get3A_717 = arith.index_cast %add3A_604 : i32 to index
        %get3A_718 = arith.index_cast %mul3A_716 : i32 to index
        %get3A_719 = tpu.vector_load %arg7[%get3A_717, %get3A_718] {strides = array<i32>} : memref<32x1024xf32, #tpu.memory_space<vmem>>, vector<1x16xf32>,
        %get3A_720 = vector.shape_cast %get3A_719 : vector<1x16xf32> to vector<16xf32>
        %swap3A_721 = arith.index_cast %add3A_604 : i32 to index
        %swap3A_722 = arith.index_cast %mul3A_716 : i32 to index
        %swap3A_723 = tpu.vector_load %arg5[%swap3A_721, %swap3A_722] {strides = array<i32>} : memref<32x1024xf32, #tpu.memory_space<vmem>>, vector<1x16xf32>,
        %swap3A_724 = vector.shape_cast %swap3A_723 : vector<1x16xf32> to vector<16xf32>
        %swap3A_725 = vector.shape_cast %get3A_720 : vector<16xf32> to vector<1x16xf32>
        tpu.vector_store %arg5[%swap3A_721, %swap3A_722], %swap3A_725 {add = true, strides = array<i32>} : memref<32x1024xf32, #tpu.memory_space<vmem>>, vector<1x16xf32>,
        %scan3A_726 = arith.constant 7 : i32
        %scan3A_727 = arith.addi %scan3A_610, %scan3A_726 : i32
        %mul3A_728 = arith.constant 1 : i32
        %mul3A_729 = arith.muli %scan3A_727, %mul3A_728 : i32
        %add3A_730 = arith.constant 0 : i32
        %add3A_731 = arith.addi %add3A_730, %mul3A_729 : i32
        %mul3A_732 = arith.constant 16 : i32
        %mul3A_733 = arith.muli %add3A_731, %mul3A_732 : i32
        %get3A_734 = arith.index_cast %add3A_604 : i32 to index
        %get3A_735 = arith.index_cast %mul3A_733 : i32 to index
        %get3A_736 = tpu.vector_load %arg7[%get3A_734, %get3A_735] {strides = array<i32>} : memref<32x1024xf32, #tpu.memory_space<vmem>>, vector<1x16xf32>,
        %get3A_737 = vector.shape_cast %get3A_736 : vector<1x16xf32> to vector<16xf32>
        %swap3A_738 = arith.index_cast %add3A_604 : i32 to index
        %swap3A_739 = arith.index_cast %mul3A_733 : i32 to index
        %swap3A_740 = tpu.vector_load %arg5[%swap3A_738, %swap3A_739] {strides = array<i32>} : memref<32x1024xf32, #tpu.memory_space<vmem>>, vector<1x16xf32>,
        %swap3A_741 = vector.shape_cast %swap3A_740 : vector<1x16xf32> to vector<16xf32>
        %swap3A_742 = vector.shape_cast %get3A_737 : vector<16xf32> to vector<1x16xf32>
        tpu.vector_store %arg5[%swap3A_738, %swap3A_739], %swap3A_742 {add = true, strides = array<i32>} : memref<32x1024xf32, #tpu.memory_space<vmem>>, vector<1x16xf32>,
      }
      %scan3A_609 = arith.constant 64 : i32
    }
    %scan3A_255 = arith.constant 32 : i32
    %add3A_256 = arith.constant 32 : i32
    %add3A_257 = arith.addi %mul3A_2, %add3A_256 : i32
    %dma_start3A_258 = arith.constant 2 : i32
    %dma_start3A_259 = arith.constant 0 : i32
    %dma_start3A_260 = tpu.memref_slice %arg4[%dma_start3A_258, %add3A_257, %dma_start3A_259] : memref<4x4096x1024xf32, #tpu.memory_space<hbm>> -> memref<1x32x1024xf32, #tpu.memory_space<hbm>>
    %dma_start3A_261 = tpu.memref_squeeze %dma_start3A_260 : memref<1x32x1024xf32, #tpu.memory_space<hbm>> -> memref<32x1024xf32, #tpu.memory_space<hbm>>
    %dma_start3A_262 = arith.constant 0 : i32
    %dma_start3A_263 = tpu.memref_slice %arg4[%dma_start3A_258, %add3A_257, %dma_start3A_262] : memref<4x4096x1024xf32, #tpu.memory_space<hbm>> -> memref<1x32x1024xf32, #tpu.memory_space<hbm>>
    %dma_start3A_264 = tpu.memref_squeeze %dma_start3A_263 : memref<1x32x1024xf32, #tpu.memory_space<hbm>> -> memref<32x1024xf32, #tpu.memory_space<hbm>>
    tpu.enqueue_dma source(%arg5 : memref<32x1024xf32, #tpu.memory_space<vmem>>) target(%dma_start3A_264 : memref<32x1024xf32, #tpu.memory_space<hbm>>) target_semaphore(%arg10 : memref<!tpu.dma_semaphore, #tpu.memory_space<semaphore_mem>>)
    %dma_wait3A_265 = arith.constant 3 : i32
    %dma_wait3A_266 = arith.constant 0 : i32
    %dma_wait3A_267 = tpu.memref_slice %arg2[%dma_wait3A_265, %add3A_243, %dma_wait3A_266] : memref<4x4096x1024xf32, #tpu.memory_space<hbm>> -> memref<1x32x1024xf32, #tpu.memory_space<hbm>>
    %dma_wait3A_268 = tpu.memref_squeeze %dma_wait3A_267 : memref<1x32x1024xf32, #tpu.memory_space<hbm>> -> memref<32x1024xf32, #tpu.memory_space<hbm>>
    %dma_wait3A_269 = arith.constant 0 : i32
    %dma_wait3A_270 = tpu.memref_slice %arg2[%dma_wait3A_265, %add3A_243, %dma_wait3A_269] : memref<4x4096x1024xf32, #tpu.memory_space<hbm>> -> memref<1x32x1024xf32, #tpu.memory_space<hbm>>
    %dma_wait3A_271 = tpu.memref_squeeze %dma_wait3A_270 : memref<1x32x1024xf32, #tpu.memory_space<hbm>> -> memref<32x1024xf32, #tpu.memory_space<hbm>>
    tpu.wait_dma2 semaphore(%arg9 : memref<!tpu.dma_semaphore, #tpu.memory_space<semaphore_mem>>) src(%dma_wait3A_271 : memref<32x1024xf32, #tpu.memory_space<hbm>>) dst(%arg6 : memref<32x1024xf32, #tpu.memory_space<vmem>>)
    %dma_wait3A_272 = arith.constant 2 : i32
    %dma_wait3A_273 = arith.constant 0 : i32
    %dma_wait3A_274 = tpu.memref_slice %arg4[%dma_wait3A_272, %add3A_257, %dma_wait3A_273] : memref<4x4096x1024xf32, #tpu.memory_space<hbm>> -> memref<1x32x1024xf32, #tpu.memory_space<hbm>>
    %dma_wait3A_275 = tpu.memref_squeeze %dma_wait3A_274 : memref<1x32x1024xf32, #tpu.memory_space<hbm>> -> memref<32x1024xf32, #tpu.memory_space<hbm>>
    %dma_wait3A_276 = arith.constant 0 : i32
    %dma_wait3A_277 = tpu.memref_slice %arg4[%dma_wait3A_272, %add3A_257, %dma_wait3A_276] : memref<4x4096x1024xf32, #tpu.memory_space<hbm>> -> memref<1x32x1024xf32, #tpu.memory_space<hbm>>
    %dma_wait3A_278 = tpu.memref_squeeze %dma_wait3A_277 : memref<1x32x1024xf32, #tpu.memory_space<hbm>> -> memref<32x1024xf32, #tpu.memory_space<hbm>>
    tpu.wait_dma2 semaphore(%arg10 : memref<!tpu.dma_semaphore, #tpu.memory_space<semaphore_mem>>) src(%arg5 : memref<32x1024xf32, #tpu.memory_space<vmem>>) dst(%dma_wait3A_278 : memref<32x1024xf32, #tpu.memory_space<hbm>>)
    %add3A_279 = arith.constant 64 : i32
    %add3A_280 = arith.addi %mul3A_2, %add3A_279 : i32
    %dma_start3A_281 = arith.constant 0 : i32
    %dma_start3A_282 = arith.constant 0 : i32
    %dma_start3A_283 = tpu.memref_slice %arg2[%dma_start3A_281, %add3A_280, %dma_start3A_282] : memref<4x4096x1024xf32, #tpu.memory_space<hbm>> -> memref<1x32x1024xf32, #tpu.memory_space<hbm>>
    %dma_start3A_284 = tpu.memref_squeeze %dma_start3A_283 : memref<1x32x1024xf32, #tpu.memory_space<hbm>> -> memref<32x1024xf32, #tpu.memory_space<hbm>>
    %dma_start3A_285 = arith.constant 0 : i32
    %dma_start3A_286 = tpu.memref_slice %arg2[%dma_start3A_281, %add3A_280, %dma_start3A_285] : memref<4x4096x1024xf32, #tpu.memory_space<hbm>> -> memref<1x32x1024xf32, #tpu.memory_space<hbm>>
    %dma_start3A_287 = tpu.memref_squeeze %dma_start3A_286 : memref<1x32x1024xf32, #tpu.memory_space<hbm>> -> memref<32x1024xf32, #tpu.memory_space<hbm>>
    tpu.enqueue_dma source(%dma_start3A_287 : memref<32x1024xf32, #tpu.memory_space<hbm>>) target(%arg5 : memref<32x1024xf32, #tpu.memory_space<vmem>>) target_semaphore(%arg8 : memref<!tpu.dma_semaphore, #tpu.memory_space<semaphore_mem>>)
    %scan3A_288 = arith.constant 0 : i32
    %scan3A_289 = arith.constant 32 : i32
    %scan3A_290 = arith.addi %scan3A_288, %scan3A_289 : i32
    %scan3A_291 = arith.constant 1 : i32
    scf.for %scan3A_600 = %scan3A_288 to %scan3A_290 step %scan3A_291  : i32 {
      %mul3A_601 = arith.constant 1 : i32
      %mul3A_602 = arith.muli %scan3A_600, %mul3A_601 : i32
      %add3A_603 = arith.constant 0 : i32
      %add3A_604 = arith.addi %add3A_603, %mul3A_602 : i32
      %scan3A_605 = arith.constant 0 : i32
      %scan3A_606 = arith.constant 64 : i32
      %scan3A_607 = arith.addi %scan3A_605, %scan3A_606 : i32
      %scan3A_608 = arith.constant 8 : i32
      scf.for %scan3A_610 = %scan3A_605 to %scan3A_607 step %scan3A_608  : i32 {
        %mul3A_611 = arith.constant 1 : i32
        %mul3A_612 = arith.muli %scan3A_610, %mul3A_611 : i32
        %add3A_613 = arith.constant 0 : i32
        %add3A_614 = arith.addi %add3A_613, %mul3A_612 : i32
        %mul3A_615 = arith.constant 16 : i32
        %mul3A_616 = arith.muli %add3A_614, %mul3A_615 : i32
        %get3A = arith.index_cast %add3A_604 : i32 to index
        %get3A_617 = arith.index_cast %mul3A_616 : i32 to index
        %get3A_618 = tpu.vector_load %arg7[%get3A, %get3A_617] {strides = array<i32>} : memref<32x1024xf32, #tpu.memory_space<vmem>>, vector<1x16xf32>,
        %get3A_619 = vector.shape_cast %get3A_618 : vector<1x16xf32> to vector<16xf32>
        %swap3A = arith.index_cast %add3A_604 : i32 to index
        %swap3A_620 = arith.index_cast %mul3A_616 : i32 to index
        %swap3A_621 = tpu.vector_load %arg6[%swap3A, %swap3A_620] {strides = array<i32>} : memref<32x1024xf32, #tpu.memory_space<vmem>>, vector<1x16xf32>,
        %swap3A_622 = vector.shape_cast %swap3A_621 : vector<1x16xf32> to vector<16xf32>
        %swap3A_623 = vector.shape_cast %get3A_619 : vector<16xf32> to vector<1x16xf32>
        tpu.vector_store %arg6[%swap3A, %swap3A_620], %swap3A_623 {add = true, strides = array<i32>} : memref<32x1024xf32, #tpu.memory_space<vmem>>, vector<1x16xf32>,
        %scan3A_624 = arith.constant 1 : i32
        %scan3A_625 = arith.addi %scan3A_610, %scan3A_624 : i32
        %mul3A_626 = arith.constant 1 : i32
        %mul3A_627 = arith.muli %scan3A_625, %mul3A_626 : i32
        %add3A_628 = arith.constant 0 : i32
        %add3A_629 = arith.addi %add3A_628, %mul3A_627 : i32
        %mul3A_630 = arith.constant 16 : i32
        %mul3A_631 = arith.muli %add3A_629, %mul3A_630 : i32
        %get3A_632 = arith.index_cast %add3A_604 : i32 to index
        %get3A_633 = arith.index_cast %mul3A_631 : i32 to index
        %get3A_634 = tpu.vector_load %arg7[%get3A_632, %get3A_633] {strides = array<i32>} : memref<32x1024xf32, #tpu.memory_space<vmem>>, vector<1x16xf32>,
        %get3A_635 = vector.shape_cast %get3A_634 : vector<1x16xf32> to vector<16xf32>
        %swap3A_636 = arith.index_cast %add3A_604 : i32 to index
        %swap3A_637 = arith.index_cast %mul3A_631 : i32 to index
        %swap3A_638 = tpu.vector_load %arg6[%swap3A_636, %swap3A_637] {strides = array<i32>} : memref<32x1024xf32, #tpu.memory_space<vmem>>, vector<1x16xf32>,
        %swap3A_639 = vector.shape_cast %swap3A_638 : vector<1x16xf32> to vector<16xf32>
        %swap3A_640 = vector.shape_cast %get3A_635 : vector<16xf32> to vector<1x16xf32>
        tpu.vector_store %arg6[%swap3A_636, %swap3A_637], %swap3A_640 {add = true, strides = array<i32>} : memref<32x1024xf32, #tpu.memory_space<vmem>>, vector<1x16xf32>,
        %scan3A_641 = arith.constant 2 : i32
        %scan3A_642 = arith.addi %scan3A_610, %scan3A_641 : i32
        %mul3A_643 = arith.constant 1 : i32
        %mul3A_644 = arith.muli %scan3A_642, %mul3A_643 : i32
        %add3A_645 = arith.constant 0 : i32
        %add3A_646 = arith.addi %add3A_645, %mul3A_644 : i32
        %mul3A_647 = arith.constant 16 : i32
        %mul3A_648 = arith.muli %add3A_646, %mul3A_647 : i32
        %get3A_649 = arith.index_cast %add3A_604 : i32 to index
        %get3A_650 = arith.index_cast %mul3A_648 : i32 to index
        %get3A_651 = tpu.vector_load %arg7[%get3A_649, %get3A_650] {strides = array<i32>} : memref<32x1024xf32, #tpu.memory_space<vmem>>, vector<1x16xf32>,
        %get3A_652 = vector.shape_cast %get3A_651 : vector<1x16xf32> to vector<16xf32>
        %swap3A_653 = arith.index_cast %add3A_604 : i32 to index
        %swap3A_654 = arith.index_cast %mul3A_648 : i32 to index
        %swap3A_655 = tpu.vector_load %arg6[%swap3A_653, %swap3A_654] {strides = array<i32>} : memref<32x1024xf32, #tpu.memory_space<vmem>>, vector<1x16xf32>,
        %swap3A_656 = vector.shape_cast %swap3A_655 : vector<1x16xf32> to vector<16xf32>
        %swap3A_657 = vector.shape_cast %get3A_652 : vector<16xf32> to vector<1x16xf32>
        tpu.vector_store %arg6[%swap3A_653, %swap3A_654], %swap3A_657 {add = true, strides = array<i32>} : memref<32x1024xf32, #tpu.memory_space<vmem>>, vector<1x16xf32>,
        %scan3A_658 = arith.constant 3 : i32
        %scan3A_659 = arith.addi %scan3A_610, %scan3A_658 : i32
        %mul3A_660 = arith.constant 1 : i32
        %mul3A_661 = arith.muli %scan3A_659, %mul3A_660 : i32
        %add3A_662 = arith.constant 0 : i32
        %add3A_663 = arith.addi %add3A_662, %mul3A_661 : i32
        %mul3A_664 = arith.constant 16 : i32
        %mul3A_665 = arith.muli %add3A_663, %mul3A_664 : i32
        %get3A_666 = arith.index_cast %add3A_604 : i32 to index
        %get3A_667 = arith.index_cast %mul3A_665 : i32 to index
        %get3A_668 = tpu.vector_load %arg7[%get3A_666, %get3A_667] {strides = array<i32>} : memref<32x1024xf32, #tpu.memory_space<vmem>>, vector<1x16xf32>,
        %get3A_669 = vector.shape_cast %get3A_668 : vector<1x16xf32> to vector<16xf32>
        %swap3A_670 = arith.index_cast %add3A_604 : i32 to index
        %swap3A_671 = arith.index_cast %mul3A_665 : i32 to index
        %swap3A_672 = tpu.vector_load %arg6[%swap3A_670, %swap3A_671] {strides = array<i32>} : memref<32x1024xf32, #tpu.memory_space<vmem>>, vector<1x16xf32>,
        %swap3A_673 = vector.shape_cast %swap3A_672 : vector<1x16xf32> to vector<16xf32>
        %swap3A_674 = vector.shape_cast %get3A_669 : vector<16xf32> to vector<1x16xf32>
        tpu.vector_store %arg6[%swap3A_670, %swap3A_671], %swap3A_674 {add = true, strides = array<i32>} : memref<32x1024xf32, #tpu.memory_space<vmem>>, vector<1x16xf32>,
        %scan3A_675 = arith.constant 4 : i32
        %scan3A_676 = arith.addi %scan3A_610, %scan3A_675 : i32
        %mul3A_677 = arith.constant 1 : i32
        %mul3A_678 = arith.muli %scan3A_676, %mul3A_677 : i32
        %add3A_679 = arith.constant 0 : i32
        %add3A_680 = arith.addi %add3A_679, %mul3A_678 : i32
        %mul3A_681 = arith.constant 16 : i32
        %mul3A_682 = arith.muli %add3A_680, %mul3A_681 : i32
        %get3A_683 = arith.index_cast %add3A_604 : i32 to index
        %get3A_684 = arith.index_cast %mul3A_682 : i32 to index
        %get3A_685 = tpu.vector_load %arg7[%get3A_683, %get3A_684] {strides = array<i32>} : memref<32x1024xf32, #tpu.memory_space<vmem>>, vector<1x16xf32>,
        %get3A_686 = vector.shape_cast %get3A_685 : vector<1x16xf32> to vector<16xf32>
        %swap3A_687 = arith.index_cast %add3A_604 : i32 to index
        %swap3A_688 = arith.index_cast %mul3A_682 : i32 to index
        %swap3A_689 = tpu.vector_load %arg6[%swap3A_687, %swap3A_688] {strides = array<i32>} : memref<32x1024xf32, #tpu.memory_space<vmem>>, vector<1x16xf32>,
        %swap3A_690 = vector.shape_cast %swap3A_689 : vector<1x16xf32> to vector<16xf32>
        %swap3A_691 = vector.shape_cast %get3A_686 : vector<16xf32> to vector<1x16xf32>
        tpu.vector_store %arg6[%swap3A_687, %swap3A_688], %swap3A_691 {add = true, strides = array<i32>} : memref<32x1024xf32, #tpu.memory_space<vmem>>, vector<1x16xf32>,
        %scan3A_692 = arith.constant 5 : i32
        %scan3A_693 = arith.addi %scan3A_610, %scan3A_692 : i32
        %mul3A_694 = arith.constant 1 : i32
        %mul3A_695 = arith.muli %scan3A_693, %mul3A_694 : i32
        %add3A_696 = arith.constant 0 : i32
        %add3A_697 = arith.addi %add3A_696, %mul3A_695 : i32
        %mul3A_698 = arith.constant 16 : i32
        %mul3A_699 = arith.muli %add3A_697, %mul3A_698 : i32
        %get3A_700 = arith.index_cast %add3A_604 : i32 to index
        %get3A_701 = arith.index_cast %mul3A_699 : i32 to index
        %get3A_702 = tpu.vector_load %arg7[%get3A_700, %get3A_701] {strides = array<i32>} : memref<32x1024xf32, #tpu.memory_space<vmem>>, vector<1x16xf32>,
        %get3A_703 = vector.shape_cast %get3A_702 : vector<1x16xf32> to vector<16xf32>
        %swap3A_704 = arith.index_cast %add3A_604 : i32 to index
        %swap3A_705 = arith.index_cast %mul3A_699 : i32 to index
        %swap3A_706 = tpu.vector_load %arg6[%swap3A_704, %swap3A_705] {strides = array<i32>} : memref<32x1024xf32, #tpu.memory_space<vmem>>, vector<1x16xf32>,
        %swap3A_707 = vector.shape_cast %swap3A_706 : vector<1x16xf32> to vector<16xf32>
        %swap3A_708 = vector.shape_cast %get3A_703 : vector<16xf32> to vector<1x16xf32>
        tpu.vector_store %arg6[%swap3A_704, %swap3A_705], %swap3A_708 {add = true, strides = array<i32>} : memref<32x1024xf32, #tpu.memory_space<vmem>>, vector<1x16xf32>,
        %scan3A_709 = arith.constant 6 : i32
        %scan3A_710 = arith.addi %scan3A_610, %scan3A_709 : i32
        %mul3A_711 = arith.constant 1 : i32
        %mul3A_712 = arith.muli %scan3A_710, %mul3A_711 : i32
        %add3A_713 = arith.constant 0 : i32
        %add3A_714 = arith.addi %add3A_713, %mul3A_712 : i32
        %mul3A_715 = arith.constant 16 : i32
        %mul3A_716 = arith.muli %add3A_714, %mul3A_715 : i32
        %get3A_717 = arith.index_cast %add3A_604 : i32 to index
        %get3A_718 = arith.index_cast %mul3A_716 : i32 to index
        %get3A_719 = tpu.vector_load %arg7[%get3A_717, %get3A_718] {strides = array<i32>} : memref<32x1024xf32, #tpu.memory_space<vmem>>, vector<1x16xf32>,
        %get3A_720 = vector.shape_cast %get3A_719 : vector<1x16xf32> to vector<16xf32>
        %swap3A_721 = arith.index_cast %add3A_604 : i32 to index
        %swap3A_722 = arith.index_cast %mul3A_716 : i32 to index
        %swap3A_723 = tpu.vector_load %arg6[%swap3A_721, %swap3A_722] {strides = array<i32>} : memref<32x1024xf32, #tpu.memory_space<vmem>>, vector<1x16xf32>,
        %swap3A_724 = vector.shape_cast %swap3A_723 : vector<1x16xf32> to vector<16xf32>
        %swap3A_725 = vector.shape_cast %get3A_720 : vector<16xf32> to vector<1x16xf32>
        tpu.vector_store %arg6[%swap3A_721, %swap3A_722], %swap3A_725 {add = true, strides = array<i32>} : memref<32x1024xf32, #tpu.memory_space<vmem>>, vector<1x16xf32>,
        %scan3A_726 = arith.constant 7 : i32
        %scan3A_727 = arith.addi %scan3A_610, %scan3A_726 : i32
        %mul3A_728 = arith.constant 1 : i32
        %mul3A_729 = arith.muli %scan3A_727, %mul3A_728 : i32
        %add3A_730 = arith.constant 0 : i32
        %add3A_731 = arith.addi %add3A_730, %mul3A_729 : i32
        %mul3A_732 = arith.constant 16 : i32
        %mul3A_733 = arith.muli %add3A_731, %mul3A_732 : i32
        %get3A_734 = arith.index_cast %add3A_604 : i32 to index
        %get3A_735 = arith.index_cast %mul3A_733 : i32 to index
        %get3A_736 = tpu.vector_load %arg7[%get3A_734, %get3A_735] {strides = array<i32>} : memref<32x1024xf32, #tpu.memory_space<vmem>>, vector<1x16xf32>,
        %get3A_737 = vector.shape_cast %get3A_736 : vector<1x16xf32> to vector<16xf32>
        %swap3A_738 = arith.index_cast %add3A_604 : i32 to index
        %swap3A_739 = arith.index_cast %mul3A_733 : i32 to index
        %swap3A_740 = tpu.vector_load %arg6[%swap3A_738, %swap3A_739] {strides = array<i32>} : memref<32x1024xf32, #tpu.memory_space<vmem>>, vector<1x16xf32>,
        %swap3A_741 = vector.shape_cast %swap3A_740 : vector<1x16xf32> to vector<16xf32>
        %swap3A_742 = vector.shape_cast %get3A_737 : vector<16xf32> to vector<1x16xf32>
        tpu.vector_store %arg6[%swap3A_738, %swap3A_739], %swap3A_742 {add = true, strides = array<i32>} : memref<32x1024xf32, #tpu.memory_space<vmem>>, vector<1x16xf32>,
      }
      %scan3A_609 = arith.constant 64 : i32
    }
    %scan3A_292 = arith.constant 32 : i32
    %add3A_293 = arith.constant 32 : i32
    %add3A_294 = arith.addi %mul3A_2, %add3A_293 : i32
    %dma_start3A_295 = arith.constant 3 : i32
    %dma_start3A_296 = arith.constant 0 : i32
    %dma_start3A_297 = tpu.memref_slice %arg4[%dma_start3A_295, %add3A_294, %dma_start3A_296] : memref<4x4096x1024xf32, #tpu.memory_space<hbm>> -> memref<1x32x1024xf32, #tpu.memory_space<hbm>>
    %dma_start3A_298 = tpu.memref_squeeze %dma_start3A_297 : memref<1x32x1024xf32, #tpu.memory_space<hbm>> -> memref<32x1024xf32, #tpu.memory_space<hbm>>
    %dma_start3A_299 = arith.constant 0 : i32
    %dma_start3A_300 = tpu.memref_slice %arg4[%dma_start3A_295, %add3A_294, %dma_start3A_299] : memref<4x4096x1024xf32, #tpu.memory_space<hbm>> -> memref<1x32x1024xf32, #tpu.memory_space<hbm>>
    %dma_start3A_301 = tpu.memref_squeeze %dma_start3A_300 : memref<1x32x1024xf32, #tpu.memory_space<hbm>> -> memref<32x1024xf32, #tpu.memory_space<hbm>>
    tpu.enqueue_dma source(%arg6 : memref<32x1024xf32, #tpu.memory_space<vmem>>) target(%dma_start3A_301 : memref<32x1024xf32, #tpu.memory_space<hbm>>) target_semaphore(%arg11 : memref<!tpu.dma_semaphore, #tpu.memory_space<semaphore_mem>>)
    %add3A_302 = arith.constant 64 : i32
    %add3A_303 = arith.addi %mul3A_2, %add3A_302 : i32
    "tpu.region"() ({
      %run_scoped3A = tpu.sem_alloc : memref<!tpu.dma_semaphore, #tpu.memory_space<semaphore_mem>>
      %dma_start3A_600 = arith.constant 0 : i32
      %dma_start3A_601 = tpu.memref_slice %arg3[%add3A_303, %dma_start3A_600] : memref<8192x1024xf32, #tpu.memory_space<hbm>> -> memref<32x1024xf32, #tpu.memory_space<hbm>>
      %dma_start3A_602 = arith.constant 0 : i32
      %dma_start3A_603 = tpu.memref_slice %arg3[%add3A_303, %dma_start3A_602] : memref<8192x1024xf32, #tpu.memory_space<hbm>> -> memref<32x1024xf32, #tpu.memory_space<hbm>>
      tpu.enqueue_dma source(%dma_start3A_603 : memref<32x1024xf32, #tpu.memory_space<hbm>>) target(%arg7 : memref<32x1024xf32, #tpu.memory_space<vmem>>) target_semaphore(%run_scoped3A : memref<!tpu.dma_semaphore, #tpu.memory_space<semaphore_mem>>)
      %dma_wait3A_604 = arith.constant 0 : i32
      %dma_wait3A_605 = tpu.memref_slice %arg3[%add3A_303, %dma_wait3A_604] : memref<8192x1024xf32, #tpu.memory_space<hbm>> -> memref<32x1024xf32, #tpu.memory_space<hbm>>
      %dma_wait3A_606 = arith.constant 0 : i32
      %dma_wait3A_607 = tpu.memref_slice %arg3[%add3A_303, %dma_wait3A_606] : memref<8192x1024xf32, #tpu.memory_space<hbm>> -> memref<32x1024xf32, #tpu.memory_space<hbm>>
      tpu.wait_dma2 semaphore(%run_scoped3A : memref<!tpu.dma_semaphore, #tpu.memory_space<semaphore_mem>>) src(%dma_wait3A_607 : memref<32x1024xf32, #tpu.memory_space<hbm>>) dst(%arg7 : memref<32x1024xf32, #tpu.memory_space<vmem>>)
      tpu.yield
    }) : () -> ()
    %dma_wait3A_304 = arith.constant 0 : i32
    %dma_wait3A_305 = arith.constant 0 : i32
    %dma_wait3A_306 = tpu.memref_slice %arg2[%dma_wait3A_304, %add3A_280, %dma_wait3A_305] : memref<4x4096x1024xf32, #tpu.memory_space<hbm>> -> memref<1x32x1024xf32, #tpu.memory_space<hbm>>
    %dma_wait3A_307 = tpu.memref_squeeze %dma_wait3A_306 : memref<1x32x1024xf32, #tpu.memory_space<hbm>> -> memref<32x1024xf32, #tpu.memory_space<hbm>>
    %dma_wait3A_308 = arith.constant 0 : i32
    %dma_wait3A_309 = tpu.memref_slice %arg2[%dma_wait3A_304, %add3A_280, %dma_wait3A_308] : memref<4x4096x1024xf32, #tpu.memory_space<hbm>> -> memref<1x32x1024xf32, #tpu.memory_space<hbm>>
    %dma_wait3A_310 = tpu.memref_squeeze %dma_wait3A_309 : memref<1x32x1024xf32, #tpu.memory_space<hbm>> -> memref<32x1024xf32, #tpu.memory_space<hbm>>
    tpu.wait_dma2 semaphore(%arg8 : memref<!tpu.dma_semaphore, #tpu.memory_space<semaphore_mem>>) src(%dma_wait3A_310 : memref<32x1024xf32, #tpu.memory_space<hbm>>) dst(%arg5 : memref<32x1024xf32, #tpu.memory_space<vmem>>)
    %dma_wait3A_311 = arith.constant 3 : i32
    %dma_wait3A_312 = arith.constant 0 : i32
    %dma_wait3A_313 = tpu.memref_slice %arg4[%dma_wait3A_311, %add3A_294, %dma_wait3A_312] : memref<4x4096x1024xf32, #tpu.memory_space<hbm>> -> memref<1x32x1024xf32, #tpu.memory_space<hbm>>
    %dma_wait3A_314 = tpu.memref_squeeze %dma_wait3A_313 : memref<1x32x1024xf32, #tpu.memory_space<hbm>> -> memref<32x1024xf32, #tpu.memory_space<hbm>>
    %dma_wait3A_315 = arith.constant 0 : i32
    %dma_wait3A_316 = tpu.memref_slice %arg4[%dma_wait3A_311, %add3A_294, %dma_wait3A_315] : memref<4x4096x1024xf32, #tpu.memory_space<hbm>> -> memref<1x32x1024xf32, #tpu.memory_space<hbm>>
    %dma_wait3A_317 = tpu.memref_squeeze %dma_wait3A_316 : memref<1x32x1024xf32, #tpu.memory_space<hbm>> -> memref<32x1024xf32, #tpu.memory_space<hbm>>
    tpu.wait_dma2 semaphore(%arg11 : memref<!tpu.dma_semaphore, #tpu.memory_space<semaphore_mem>>) src(%arg6 : memref<32x1024xf32, #tpu.memory_space<vmem>>) dst(%dma_wait3A_317 : memref<32x1024xf32, #tpu.memory_space<hbm>>)
    %add3A_318 = arith.constant 64 : i32
    %add3A_319 = arith.addi %mul3A_2, %add3A_318 : i32
    %dma_start3A_320 = arith.constant 1 : i32
    %dma_start3A_321 = arith.constant 0 : i32
    %dma_start3A_322 = tpu.memref_slice %arg2[%dma_start3A_320, %add3A_319, %dma_start3A_321] : memref<4x4096x1024xf32, #tpu.memory_space<hbm>> -> memref<1x32x1024xf32, #tpu.memory_space<hbm>>
    %dma_start3A_323 = tpu.memref_squeeze %dma_start3A_322 : memref<1x32x1024xf32, #tpu.memory_space<hbm>> -> memref<32x1024xf32, #tpu.memory_space<hbm>>
    %dma_start3A_324 = arith.constant 0 : i32
    %dma_start3A_325 = tpu.memref_slice %arg2[%dma_start3A_320, %add3A_319, %dma_start3A_324] : memref<4x4096x1024xf32, #tpu.memory_space<hbm>> -> memref<1x32x1024xf32, #tpu.memory_space<hbm>>
    %dma_start3A_326 = tpu.memref_squeeze %dma_start3A_325 : memref<1x32x1024xf32, #tpu.memory_space<hbm>> -> memref<32x1024xf32, #tpu.memory_space<hbm>>
    tpu.enqueue_dma source(%dma_start3A_326 : memref<32x1024xf32, #tpu.memory_space<hbm>>) target(%arg6 : memref<32x1024xf32, #tpu.memory_space<vmem>>) target_semaphore(%arg9 : memref<!tpu.dma_semaphore, #tpu.memory_space<semaphore_mem>>)
    %scan3A_327 = arith.constant 0 : i32
    %scan3A_328 = arith.constant 32 : i32
    %scan3A_329 = arith.addi %scan3A_327, %scan3A_328 : i32
    %scan3A_330 = arith.constant 1 : i32
    scf.for %scan3A_600 = %scan3A_327 to %scan3A_329 step %scan3A_330  : i32 {
      %mul3A_601 = arith.constant 1 : i32
      %mul3A_602 = arith.muli %scan3A_600, %mul3A_601 : i32
      %add3A_603 = arith.constant 0 : i32
      %add3A_604 = arith.addi %add3A_603, %mul3A_602 : i32
      %scan3A_605 = arith.constant 0 : i32
      %scan3A_606 = arith.constant 64 : i32
      %scan3A_607 = arith.addi %scan3A_605, %scan3A_606 : i32
      %scan3A_608 = arith.constant 8 : i32
      scf.for %scan3A_610 = %scan3A_605 to %scan3A_607 step %scan3A_608  : i32 {
        %mul3A_611 = arith.constant 1 : i32
        %mul3A_612 = arith.muli %scan3A_610, %mul3A_611 : i32
        %add3A_613 = arith.constant 0 : i32
        %add3A_614 = arith.addi %add3A_613, %mul3A_612 : i32
        %mul3A_615 = arith.constant 16 : i32
        %mul3A_616 = arith.muli %add3A_614, %mul3A_615 : i32
        %get3A = arith.index_cast %add3A_604 : i32 to index
        %get3A_617 = arith.index_cast %mul3A_616 : i32 to index
        %get3A_618 = tpu.vector_load %arg7[%get3A, %get3A_617] {strides = array<i32>} : memref<32x1024xf32, #tpu.memory_space<vmem>>, vector<1x16xf32>,
        %get3A_619 = vector.shape_cast %get3A_618 : vector<1x16xf32> to vector<16xf32>
        %swap3A = arith.index_cast %add3A_604 : i32 to index
        %swap3A_620 = arith.index_cast %mul3A_616 : i32 to index
        %swap3A_621 = tpu.vector_load %arg5[%swap3A, %swap3A_620] {strides = array<i32>} : memref<32x1024xf32, #tpu.memory_space<vmem>>, vector<1x16xf32>,
        %swap3A_622 = vector.shape_cast %swap3A_621 : vector<1x16xf32> to vector<16xf32>
        %swap3A_623 = vector.shape_cast %get3A_619 : vector<16xf32> to vector<1x16xf32>
        tpu.vector_store %arg5[%swap3A, %swap3A_620], %swap3A_623 {add = true, strides = array<i32>} : memref<32x1024xf32, #tpu.memory_space<vmem>>, vector<1x16xf32>,
        %scan3A_624 = arith.constant 1 : i32
        %scan3A_625 = arith.addi %scan3A_610, %scan3A_624 : i32
        %mul3A_626 = arith.constant 1 : i32
        %mul3A_627 = arith.muli %scan3A_625, %mul3A_626 : i32
        %add3A_628 = arith.constant 0 : i32
        %add3A_629 = arith.addi %add3A_628, %mul3A_627 : i32
        %mul3A_630 = arith.constant 16 : i32
        %mul3A_631 = arith.muli %add3A_629, %mul3A_630 : i32
        %get3A_632 = arith.index_cast %add3A_604 : i32 to index
        %get3A_633 = arith.index_cast %mul3A_631 : i32 to index
        %get3A_634 = tpu.vector_load %arg7[%get3A_632, %get3A_633] {strides = array<i32>} : memref<32x1024xf32, #tpu.memory_space<vmem>>, vector<1x16xf32>,
        %get3A_635 = vector.shape_cast %get3A_634 : vector<1x16xf32> to vector<16xf32>
        %swap3A_636 = arith.index_cast %add3A_604 : i32 to index
        %swap3A_637 = arith.index_cast %mul3A_631 : i32 to index
        %swap3A_638 = tpu.vector_load %arg5[%swap3A_636, %swap3A_637] {strides = array<i32>} : memref<32x1024xf32, #tpu.memory_space<vmem>>, vector<1x16xf32>,
        %swap3A_639 = vector.shape_cast %swap3A_638 : vector<1x16xf32> to vector<16xf32>
        %swap3A_640 = vector.shape_cast %get3A_635 : vector<16xf32> to vector<1x16xf32>
        tpu.vector_store %arg5[%swap3A_636, %swap3A_637], %swap3A_640 {add = true, strides = array<i32>} : memref<32x1024xf32, #tpu.memory_space<vmem>>, vector<1x16xf32>,
        %scan3A_641 = arith.constant 2 : i32
        %scan3A_642 = arith.addi %scan3A_610, %scan3A_641 : i32
        %mul3A_643 = arith.constant 1 : i32
        %mul3A_644 = arith.muli %scan3A_642, %mul3A_643 : i32
        %add3A_645 = arith.constant 0 : i32
        %add3A_646 = arith.addi %add3A_645, %mul3A_644 : i32
        %mul3A_647 = arith.constant 16 : i32
        %mul3A_648 = arith.muli %add3A_646, %mul3A_647 : i32
        %get3A_649 = arith.index_cast %add3A_604 : i32 to index
        %get3A_650 = arith.index_cast %mul3A_648 : i32 to index
        %get3A_651 = tpu.vector_load %arg7[%get3A_649, %get3A_650] {strides = array<i32>} : memref<32x1024xf32, #tpu.memory_space<vmem>>, vector<1x16xf32>,
        %get3A_652 = vector.shape_cast %get3A_651 : vector<1x16xf32> to vector<16xf32>
        %swap3A_653 = arith.index_cast %add3A_604 : i32 to index
        %swap3A_654 = arith.index_cast %mul3A_648 : i32 to index
        %swap3A_655 = tpu.vector_load %arg5[%swap3A_653, %swap3A_654] {strides = array<i32>} : memref<32x1024xf32, #tpu.memory_space<vmem>>, vector<1x16xf32>,
        %swap3A_656 = vector.shape_cast %swap3A_655 : vector<1x16xf32> to vector<16xf32>
        %swap3A_657 = vector.shape_cast %get3A_652 : vector<16xf32> to vector<1x16xf32>
        tpu.vector_store %arg5[%swap3A_653, %swap3A_654], %swap3A_657 {add = true, strides = array<i32>} : memref<32x1024xf32, #tpu.memory_space<vmem>>, vector<1x16xf32>,
        %scan3A_658 = arith.constant 3 : i32
        %scan3A_659 = arith.addi %scan3A_610, %scan3A_658 : i32
        %mul3A_660 = arith.constant 1 : i32
        %mul3A_661 = arith.muli %scan3A_659, %mul3A_660 : i32
        %add3A_662 = arith.constant 0 : i32
        %add3A_663 = arith.addi %add3A_662, %mul3A_661 : i32
        %mul3A_664 = arith.constant 16 : i32
        %mul3A_665 = arith.muli %add3A_663, %mul3A_664 : i32
        %get3A_666 = arith.index_cast %add3A_604 : i32 to index
        %get3A_667 = arith.index_cast %mul3A_665 : i32 to index
        %get3A_668 = tpu.vector_load %arg7[%get3A_666, %get3A_667] {strides = array<i32>} : memref<32x1024xf32, #tpu.memory_space<vmem>>, vector<1x16xf32>,
        %get3A_669 = vector.shape_cast %get3A_668 : vector<1x16xf32> to vector<16xf32>
        %swap3A_670 = arith.index_cast %add3A_604 : i32 to index
        %swap3A_671 = arith.index_cast %mul3A_665 : i32 to index
        %swap3A_672 = tpu.vector_load %arg5[%swap3A_670, %swap3A_671] {strides = array<i32>} : memref<32x1024xf32, #tpu.memory_space<vmem>>, vector<1x16xf32>,
        %swap3A_673 = vector.shape_cast %swap3A_672 : vector<1x16xf32> to vector<16xf32>
        %swap3A_674 = vector.shape_cast %get3A_669 : vector<16xf32> to vector<1x16xf32>
        tpu.vector_store %arg5[%swap3A_670, %swap3A_671], %swap3A_674 {add = true, strides = array<i32>} : memref<32x1024xf32, #tpu.memory_space<vmem>>, vector<1x16xf32>,
        %scan3A_675 = arith.constant 4 : i32
        %scan3A_676 = arith.addi %scan3A_610, %scan3A_675 : i32
        %mul3A_677 = arith.constant 1 : i32
        %mul3A_678 = arith.muli %scan3A_676, %mul3A_677 : i32
        %add3A_679 = arith.constant 0 : i32
        %add3A_680 = arith.addi %add3A_679, %mul3A_678 : i32
        %mul3A_681 = arith.constant 16 : i32
        %mul3A_682 = arith.muli %add3A_680, %mul3A_681 : i32
        %get3A_683 = arith.index_cast %add3A_604 : i32 to index
        %get3A_684 = arith.index_cast %mul3A_682 : i32 to index
        %get3A_685 = tpu.vector_load %arg7[%get3A_683, %get3A_684] {strides = array<i32>} : memref<32x1024xf32, #tpu.memory_space<vmem>>, vector<1x16xf32>,
        %get3A_686 = vector.shape_cast %get3A_685 : vector<1x16xf32> to vector<16xf32>
        %swap3A_687 = arith.index_cast %add3A_604 : i32 to index
        %swap3A_688 = arith.index_cast %mul3A_682 : i32 to index
        %swap3A_689 = tpu.vector_load %arg5[%swap3A_687, %swap3A_688] {strides = array<i32>} : memref<32x1024xf32, #tpu.memory_space<vmem>>, vector<1x16xf32>,
        %swap3A_690 = vector.shape_cast %swap3A_689 : vector<1x16xf32> to vector<16xf32>
        %swap3A_691 = vector.shape_cast %get3A_686 : vector<16xf32> to vector<1x16xf32>
        tpu.vector_store %arg5[%swap3A_687, %swap3A_688], %swap3A_691 {add = true, strides = array<i32>} : memref<32x1024xf32, #tpu.memory_space<vmem>>, vector<1x16xf32>,
        %scan3A_692 = arith.constant 5 : i32
        %scan3A_693 = arith.addi %scan3A_610, %scan3A_692 : i32
        %mul3A_694 = arith.constant 1 : i32
        %mul3A_695 = arith.muli %scan3A_693, %mul3A_694 : i32
        %add3A_696 = arith.constant 0 : i32
        %add3A_697 = arith.addi %add3A_696, %mul3A_695 : i32
        %mul3A_698 = arith.constant 16 : i32
        %mul3A_699 = arith.muli %add3A_697, %mul3A_698 : i32
        %get3A_700 = arith.index_cast %add3A_604 : i32 to index
        %get3A_701 = arith.index_cast %mul3A_699 : i32 to index
        %get3A_702 = tpu.vector_load %arg7[%get3A_700, %get3A_701] {strides = array<i32>} : memref<32x1024xf32, #tpu.memory_space<vmem>>, vector<1x16xf32>,
        %get3A_703 = vector.shape_cast %get3A_702 : vector<1x16xf32> to vector<16xf32>
        %swap3A_704 = arith.index_cast %add3A_604 : i32 to index
        %swap3A_705 = arith.index_cast %mul3A_699 : i32 to index
        %swap3A_706 = tpu.vector_load %arg5[%swap3A_704, %swap3A_705] {strides = array<i32>} : memref<32x1024xf32, #tpu.memory_space<vmem>>, vector<1x16xf32>,
        %swap3A_707 = vector.shape_cast %swap3A_706 : vector<1x16xf32> to vector<16xf32>
        %swap3A_708 = vector.shape_cast %get3A_703 : vector<16xf32> to vector<1x16xf32>
        tpu.vector_store %arg5[%swap3A_704, %swap3A_705], %swap3A_708 {add = true, strides = array<i32>} : memref<32x1024xf32, #tpu.memory_space<vmem>>, vector<1x16xf32>,
        %scan3A_709 = arith.constant 6 : i32
        %scan3A_710 = arith.addi %scan3A_610, %scan3A_709 : i32
        %mul3A_711 = arith.constant 1 : i32
        %mul3A_712 = arith.muli %scan3A_710, %mul3A_711 : i32
        %add3A_713 = arith.constant 0 : i32
        %add3A_714 = arith.addi %add3A_713, %mul3A_712 : i32
        %mul3A_715 = arith.constant 16 : i32
        %mul3A_716 = arith.muli %add3A_714, %mul3A_715 : i32
        %get3A_717 = arith.index_cast %add3A_604 : i32 to index
        %get3A_718 = arith.index_cast %mul3A_716 : i32 to index
        %get3A_719 = tpu.vector_load %arg7[%get3A_717, %get3A_718] {strides = array<i32>} : memref<32x1024xf32, #tpu.memory_space<vmem>>, vector<1x16xf32>,
        %get3A_720 = vector.shape_cast %get3A_719 : vector<1x16xf32> to vector<16xf32>
        %swap3A_721 = arith.index_cast %add3A_604 : i32 to index
        %swap3A_722 = arith.index_cast %mul3A_716 : i32 to index
        %swap3A_723 = tpu.vector_load %arg5[%swap3A_721, %swap3A_722] {strides = array<i32>} : memref<32x1024xf32, #tpu.memory_space<vmem>>, vector<1x16xf32>,
        %swap3A_724 = vector.shape_cast %swap3A_723 : vector<1x16xf32> to vector<16xf32>
        %swap3A_725 = vector.shape_cast %get3A_720 : vector<16xf32> to vector<1x16xf32>
        tpu.vector_store %arg5[%swap3A_721, %swap3A_722], %swap3A_725 {add = true, strides = array<i32>} : memref<32x1024xf32, #tpu.memory_space<vmem>>, vector<1x16xf32>,
        %scan3A_726 = arith.constant 7 : i32
        %scan3A_727 = arith.addi %scan3A_610, %scan3A_726 : i32
        %mul3A_728 = arith.constant 1 : i32
        %mul3A_729 = arith.muli %scan3A_727, %mul3A_728 : i32
        %add3A_730 = arith.constant 0 : i32
        %add3A_731 = arith.addi %add3A_730, %mul3A_729 : i32
        %mul3A_732 = arith.constant 16 : i32
        %mul3A_733 = arith.muli %add3A_731, %mul3A_732 : i32
        %get3A_734 = arith.index_cast %add3A_604 : i32 to index
        %get3A_735 = arith.index_cast %mul3A_733 : i32 to index
        %get3A_736 = tpu.vector_load %arg7[%get3A_734, %get3A_735] {strides = array<i32>} : memref<32x1024xf32, #tpu.memory_space<vmem>>, vector<1x16xf32>,
        %get3A_737 = vector.shape_cast %get3A_736 : vector<1x16xf32> to vector<16xf32>
        %swap3A_738 = arith.index_cast %add3A_604 : i32 to index
        %swap3A_739 = arith.index_cast %mul3A_733 : i32 to index
        %swap3A_740 = tpu.vector_load %arg5[%swap3A_738, %swap3A_739] {strides = array<i32>} : memref<32x1024xf32, #tpu.memory_space<vmem>>, vector<1x16xf32>,
        %swap3A_741 = vector.shape_cast %swap3A_740 : vector<1x16xf32> to vector<16xf32>
        %swap3A_742 = vector.shape_cast %get3A_737 : vector<16xf32> to vector<1x16xf32>
        tpu.vector_store %arg5[%swap3A_738, %swap3A_739], %swap3A_742 {add = true, strides = array<i32>} : memref<32x1024xf32, #tpu.memory_space<vmem>>, vector<1x16xf32>,
      }
      %scan3A_609 = arith.constant 64 : i32
    }
    %scan3A_331 = arith.constant 32 : i32
    %add3A_332 = arith.constant 64 : i32
    %add3A_333 = arith.addi %mul3A_2, %add3A_332 : i32
    %dma_start3A_334 = arith.constant 0 : i32
    %dma_start3A_335 = arith.constant 0 : i32
    %dma_start3A_336 = tpu.memref_slice %arg4[%dma_start3A_334, %add3A_333, %dma_start3A_335] : memref<4x4096x1024xf32, #tpu.memory_space<hbm>> -> memref<1x32x1024xf32, #tpu.memory_space<hbm>>
    %dma_start3A_337 = tpu.memref_squeeze %dma_start3A_336 : memref<1x32x1024xf32, #tpu.memory_space<hbm>> -> memref<32x1024xf32, #tpu.memory_space<hbm>>
    %dma_start3A_338 = arith.constant 0 : i32
    %dma_start3A_339 = tpu.memref_slice %arg4[%dma_start3A_334, %add3A_333, %dma_start3A_338] : memref<4x4096x1024xf32, #tpu.memory_space<hbm>> -> memref<1x32x1024xf32, #tpu.memory_space<hbm>>
    %dma_start3A_340 = tpu.memref_squeeze %dma_start3A_339 : memref<1x32x1024xf32, #tpu.memory_space<hbm>> -> memref<32x1024xf32, #tpu.memory_space<hbm>>
    tpu.enqueue_dma source(%arg5 : memref<32x1024xf32, #tpu.memory_space<vmem>>) target(%dma_start3A_340 : memref<32x1024xf32, #tpu.memory_space<hbm>>) target_semaphore(%arg10 : memref<!tpu.dma_semaphore, #tpu.memory_space<semaphore_mem>>)
    %dma_wait3A_341 = arith.constant 1 : i32
    %dma_wait3A_342 = arith.constant 0 : i32
    %dma_wait3A_343 = tpu.memref_slice %arg2[%dma_wait3A_341, %add3A_319, %dma_wait3A_342] : memref<4x4096x1024xf32, #tpu.memory_space<hbm>> -> memref<1x32x1024xf32, #tpu.memory_space<hbm>>
    %dma_wait3A_344 = tpu.memref_squeeze %dma_wait3A_343 : memref<1x32x1024xf32, #tpu.memory_space<hbm>> -> memref<32x1024xf32, #tpu.memory_space<hbm>>
    %dma_wait3A_345 = arith.constant 0 : i32
    %dma_wait3A_346 = tpu.memref_slice %arg2[%dma_wait3A_341, %add3A_319, %dma_wait3A_345] : memref<4x4096x1024xf32, #tpu.memory_space<hbm>> -> memref<1x32x1024xf32, #tpu.memory_space<hbm>>
    %dma_wait3A_347 = tpu.memref_squeeze %dma_wait3A_346 : memref<1x32x1024xf32, #tpu.memory_space<hbm>> -> memref<32x1024xf32, #tpu.memory_space<hbm>>
    tpu.wait_dma2 semaphore(%arg9 : memref<!tpu.dma_semaphore, #tpu.memory_space<semaphore_mem>>) src(%dma_wait3A_347 : memref<32x1024xf32, #tpu.memory_space<hbm>>) dst(%arg6 : memref<32x1024xf32, #tpu.memory_space<vmem>>)
    %dma_wait3A_348 = arith.constant 0 : i32
    %dma_wait3A_349 = arith.constant 0 : i32
    %dma_wait3A_350 = tpu.memref_slice %arg4[%dma_wait3A_348, %add3A_333, %dma_wait3A_349] : memref<4x4096x1024xf32, #tpu.memory_space<hbm>> -> memref<1x32x1024xf32, #tpu.memory_space<hbm>>
    %dma_wait3A_351 = tpu.memref_squeeze %dma_wait3A_350 : memref<1x32x1024xf32, #tpu.memory_space<hbm>> -> memref<32x1024xf32, #tpu.memory_space<hbm>>
    %dma_wait3A_352 = arith.constant 0 : i32
    %dma_wait3A_353 = tpu.memref_slice %arg4[%dma_wait3A_348, %add3A_333, %dma_wait3A_352] : memref<4x4096x1024xf32, #tpu.memory_space<hbm>> -> memref<1x32x1024xf32, #tpu.memory_space<hbm>>
    %dma_wait3A_354 = tpu.memref_squeeze %dma_wait3A_353 : memref<1x32x1024xf32, #tpu.memory_space<hbm>> -> memref<32x1024xf32, #tpu.memory_space<hbm>>
    tpu.wait_dma2 semaphore(%arg10 : memref<!tpu.dma_semaphore, #tpu.memory_space<semaphore_mem>>) src(%arg5 : memref<32x1024xf32, #tpu.memory_space<vmem>>) dst(%dma_wait3A_354 : memref<32x1024xf32, #tpu.memory_space<hbm>>)
    %add3A_355 = arith.constant 64 : i32
    %add3A_356 = arith.addi %mul3A_2, %add3A_355 : i32
    %dma_start3A_357 = arith.constant 2 : i32
    %dma_start3A_358 = arith.constant 0 : i32
    %dma_start3A_359 = tpu.memref_slice %arg2[%dma_start3A_357, %add3A_356, %dma_start3A_358] : memref<4x4096x1024xf32, #tpu.memory_space<hbm>> -> memref<1x32x1024xf32, #tpu.memory_space<hbm>>
    %dma_start3A_360 = tpu.memref_squeeze %dma_start3A_359 : memref<1x32x1024xf32, #tpu.memory_space<hbm>> -> memref<32x1024xf32, #tpu.memory_space<hbm>>
    %dma_start3A_361 = arith.constant 0 : i32
    %dma_start3A_362 = tpu.memref_slice %arg2[%dma_start3A_357, %add3A_356, %dma_start3A_361] : memref<4x4096x1024xf32, #tpu.memory_space<hbm>> -> memref<1x32x1024xf32, #tpu.memory_space<hbm>>
    %dma_start3A_363 = tpu.memref_squeeze %dma_start3A_362 : memref<1x32x1024xf32, #tpu.memory_space<hbm>> -> memref<32x1024xf32, #tpu.memory_space<hbm>>
    tpu.enqueue_dma source(%dma_start3A_363 : memref<32x1024xf32, #tpu.memory_space<hbm>>) target(%arg5 : memref<32x1024xf32, #tpu.memory_space<vmem>>) target_semaphore(%arg8 : memref<!tpu.dma_semaphore, #tpu.memory_space<semaphore_mem>>)
    %scan3A_364 = arith.constant 0 : i32
    %scan3A_365 = arith.constant 32 : i32
    %scan3A_366 = arith.addi %scan3A_364, %scan3A_365 : i32
    %scan3A_367 = arith.constant 1 : i32
    scf.for %scan3A_600 = %scan3A_364 to %scan3A_366 step %scan3A_367  : i32 {
      %mul3A_601 = arith.constant 1 : i32
      %mul3A_602 = arith.muli %scan3A_600, %mul3A_601 : i32
      %add3A_603 = arith.constant 0 : i32
      %add3A_604 = arith.addi %add3A_603, %mul3A_602 : i32
      %scan3A_605 = arith.constant 0 : i32
      %scan3A_606 = arith.constant 64 : i32
      %scan3A_607 = arith.addi %scan3A_605, %scan3A_606 : i32
      %scan3A_608 = arith.constant 8 : i32
      scf.for %scan3A_610 = %scan3A_605 to %scan3A_607 step %scan3A_608  : i32 {
        %mul3A_611 = arith.constant 1 : i32
        %mul3A_612 = arith.muli %scan3A_610, %mul3A_611 : i32
        %add3A_613 = arith.constant 0 : i32
        %add3A_614 = arith.addi %add3A_613, %mul3A_612 : i32
        %mul3A_615 = arith.constant 16 : i32
        %mul3A_616 = arith.muli %add3A_614, %mul3A_615 : i32
        %get3A = arith.index_cast %add3A_604 : i32 to index
        %get3A_617 = arith.index_cast %mul3A_616 : i32 to index
        %get3A_618 = tpu.vector_load %arg7[%get3A, %get3A_617] {strides = array<i32>} : memref<32x1024xf32, #tpu.memory_space<vmem>>, vector<1x16xf32>,
        %get3A_619 = vector.shape_cast %get3A_618 : vector<1x16xf32> to vector<16xf32>
        %swap3A = arith.index_cast %add3A_604 : i32 to index
        %swap3A_620 = arith.index_cast %mul3A_616 : i32 to index
        %swap3A_621 = tpu.vector_load %arg6[%swap3A, %swap3A_620] {strides = array<i32>} : memref<32x1024xf32, #tpu.memory_space<vmem>>, vector<1x16xf32>,
        %swap3A_622 = vector.shape_cast %swap3A_621 : vector<1x16xf32> to vector<16xf32>
        %swap3A_623 = vector.shape_cast %get3A_619 : vector<16xf32> to vector<1x16xf32>
        tpu.vector_store %arg6[%swap3A, %swap3A_620], %swap3A_623 {add = true, strides = array<i32>} : memref<32x1024xf32, #tpu.memory_space<vmem>>, vector<1x16xf32>,
        %scan3A_624 = arith.constant 1 : i32
        %scan3A_625 = arith.addi %scan3A_610, %scan3A_624 : i32
        %mul3A_626 = arith.constant 1 : i32
        %mul3A_627 = arith.muli %scan3A_625, %mul3A_626 : i32
        %add3A_628 = arith.constant 0 : i32
        %add3A_629 = arith.addi %add3A_628, %mul3A_627 : i32
        %mul3A_630 = arith.constant 16 : i32
        %mul3A_631 = arith.muli %add3A_629, %mul3A_630 : i32
        %get3A_632 = arith.index_cast %add3A_604 : i32 to index
        %get3A_633 = arith.index_cast %mul3A_631 : i32 to index
        %get3A_634 = tpu.vector_load %arg7[%get3A_632, %get3A_633] {strides = array<i32>} : memref<32x1024xf32, #tpu.memory_space<vmem>>, vector<1x16xf32>,
        %get3A_635 = vector.shape_cast %get3A_634 : vector<1x16xf32> to vector<16xf32>
        %swap3A_636 = arith.index_cast %add3A_604 : i32 to index
        %swap3A_637 = arith.index_cast %mul3A_631 : i32 to index
        %swap3A_638 = tpu.vector_load %arg6[%swap3A_636, %swap3A_637] {strides = array<i32>} : memref<32x1024xf32, #tpu.memory_space<vmem>>, vector<1x16xf32>,
        %swap3A_639 = vector.shape_cast %swap3A_638 : vector<1x16xf32> to vector<16xf32>
        %swap3A_640 = vector.shape_cast %get3A_635 : vector<16xf32> to vector<1x16xf32>
        tpu.vector_store %arg6[%swap3A_636, %swap3A_637], %swap3A_640 {add = true, strides = array<i32>} : memref<32x1024xf32, #tpu.memory_space<vmem>>, vector<1x16xf32>,
        %scan3A_641 = arith.constant 2 : i32
        %scan3A_642 = arith.addi %scan3A_610, %scan3A_641 : i32
        %mul3A_643 = arith.constant 1 : i32
        %mul3A_644 = arith.muli %scan3A_642, %mul3A_643 : i32
        %add3A_645 = arith.constant 0 : i32
        %add3A_646 = arith.addi %add3A_645, %mul3A_644 : i32
        %mul3A_647 = arith.constant 16 : i32
        %mul3A_648 = arith.muli %add3A_646, %mul3A_647 : i32
        %get3A_649 = arith.index_cast %add3A_604 : i32 to index
        %get3A_650 = arith.index_cast %mul3A_648 : i32 to index
        %get3A_651 = tpu.vector_load %arg7[%get3A_649, %get3A_650] {strides = array<i32>} : memref<32x1024xf32, #tpu.memory_space<vmem>>, vector<1x16xf32>,
        %get3A_652 = vector.shape_cast %get3A_651 : vector<1x16xf32> to vector<16xf32>
        %swap3A_653 = arith.index_cast %add3A_604 : i32 to index
        %swap3A_654 = arith.index_cast %mul3A_648 : i32 to index
        %swap3A_655 = tpu.vector_load %arg6[%swap3A_653, %swap3A_654] {strides = array<i32>} : memref<32x1024xf32, #tpu.memory_space<vmem>>, vector<1x16xf32>,
        %swap3A_656 = vector.shape_cast %swap3A_655 : vector<1x16xf32> to vector<16xf32>
        %swap3A_657 = vector.shape_cast %get3A_652 : vector<16xf32> to vector<1x16xf32>
        tpu.vector_store %arg6[%swap3A_653, %swap3A_654], %swap3A_657 {add = true, strides = array<i32>} : memref<32x1024xf32, #tpu.memory_space<vmem>>, vector<1x16xf32>,
        %scan3A_658 = arith.constant 3 : i32
        %scan3A_659 = arith.addi %scan3A_610, %scan3A_658 : i32
        %mul3A_660 = arith.constant 1 : i32
        %mul3A_661 = arith.muli %scan3A_659, %mul3A_660 : i32
        %add3A_662 = arith.constant 0 : i32
        %add3A_663 = arith.addi %add3A_662, %mul3A_661 : i32
        %mul3A_664 = arith.constant 16 : i32
        %mul3A_665 = arith.muli %add3A_663, %mul3A_664 : i32
        %get3A_666 = arith.index_cast %add3A_604 : i32 to index
        %get3A_667 = arith.index_cast %mul3A_665 : i32 to index
        %get3A_668 = tpu.vector_load %arg7[%get3A_666, %get3A_667] {strides = array<i32>} : memref<32x1024xf32, #tpu.memory_space<vmem>>, vector<1x16xf32>,
        %get3A_669 = vector.shape_cast %get3A_668 : vector<1x16xf32> to vector<16xf32>
        %swap3A_670 = arith.index_cast %add3A_604 : i32 to index
        %swap3A_671 = arith.index_cast %mul3A_665 : i32 to index
        %swap3A_672 = tpu.vector_load %arg6[%swap3A_670, %swap3A_671] {strides = array<i32>} : memref<32x1024xf32, #tpu.memory_space<vmem>>, vector<1x16xf32>,
        %swap3A_673 = vector.shape_cast %swap3A_672 : vector<1x16xf32> to vector<16xf32>
        %swap3A_674 = vector.shape_cast %get3A_669 : vector<16xf32> to vector<1x16xf32>
        tpu.vector_store %arg6[%swap3A_670, %swap3A_671], %swap3A_674 {add = true, strides = array<i32>} : memref<32x1024xf32, #tpu.memory_space<vmem>>, vector<1x16xf32>,
        %scan3A_675 = arith.constant 4 : i32
        %scan3A_676 = arith.addi %scan3A_610, %scan3A_675 : i32
        %mul3A_677 = arith.constant 1 : i32
        %mul3A_678 = arith.muli %scan3A_676, %mul3A_677 : i32
        %add3A_679 = arith.constant 0 : i32
        %add3A_680 = arith.addi %add3A_679, %mul3A_678 : i32
        %mul3A_681 = arith.constant 16 : i32
        %mul3A_682 = arith.muli %add3A_680, %mul3A_681 : i32
        %get3A_683 = arith.index_cast %add3A_604 : i32 to index
        %get3A_684 = arith.index_cast %mul3A_682 : i32 to index
        %get3A_685 = tpu.vector_load %arg7[%get3A_683, %get3A_684] {strides = array<i32>} : memref<32x1024xf32, #tpu.memory_space<vmem>>, vector<1x16xf32>,
        %get3A_686 = vector.shape_cast %get3A_685 : vector<1x16xf32> to vector<16xf32>
        %swap3A_687 = arith.index_cast %add3A_604 : i32 to index
        %swap3A_688 = arith.index_cast %mul3A_682 : i32 to index
        %swap3A_689 = tpu.vector_load %arg6[%swap3A_687, %swap3A_688] {strides = array<i32>} : memref<32x1024xf32, #tpu.memory_space<vmem>>, vector<1x16xf32>,
        %swap3A_690 = vector.shape_cast %swap3A_689 : vector<1x16xf32> to vector<16xf32>
        %swap3A_691 = vector.shape_cast %get3A_686 : vector<16xf32> to vector<1x16xf32>
        tpu.vector_store %arg6[%swap3A_687, %swap3A_688], %swap3A_691 {add = true, strides = array<i32>} : memref<32x1024xf32, #tpu.memory_space<vmem>>, vector<1x16xf32>,
        %scan3A_692 = arith.constant 5 : i32
        %scan3A_693 = arith.addi %scan3A_610, %scan3A_692 : i32
        %mul3A_694 = arith.constant 1 : i32
        %mul3A_695 = arith.muli %scan3A_693, %mul3A_694 : i32
        %add3A_696 = arith.constant 0 : i32
        %add3A_697 = arith.addi %add3A_696, %mul3A_695 : i32
        %mul3A_698 = arith.constant 16 : i32
        %mul3A_699 = arith.muli %add3A_697, %mul3A_698 : i32
        %get3A_700 = arith.index_cast %add3A_604 : i32 to index
        %get3A_701 = arith.index_cast %mul3A_699 : i32 to index
        %get3A_702 = tpu.vector_load %arg7[%get3A_700, %get3A_701] {strides = array<i32>} : memref<32x1024xf32, #tpu.memory_space<vmem>>, vector<1x16xf32>,
        %get3A_703 = vector.shape_cast %get3A_702 : vector<1x16xf32> to vector<16xf32>
        %swap3A_704 = arith.index_cast %add3A_604 : i32 to index
        %swap3A_705 = arith.index_cast %mul3A_699 : i32 to index
        %swap3A_706 = tpu.vector_load %arg6[%swap3A_704, %swap3A_705] {strides = array<i32>} : memref<32x1024xf32, #tpu.memory_space<vmem>>, vector<1x16xf32>,
        %swap3A_707 = vector.shape_cast %swap3A_706 : vector<1x16xf32> to vector<16xf32>
        %swap3A_708 = vector.shape_cast %get3A_703 : vector<16xf32> to vector<1x16xf32>
        tpu.vector_store %arg6[%swap3A_704, %swap3A_705], %swap3A_708 {add = true, strides = array<i32>} : memref<32x1024xf32, #tpu.memory_space<vmem>>, vector<1x16xf32>,
        %scan3A_709 = arith.constant 6 : i32
        %scan3A_710 = arith.addi %scan3A_610, %scan3A_709 : i32
        %mul3A_711 = arith.constant 1 : i32
        %mul3A_712 = arith.muli %scan3A_710, %mul3A_711 : i32
        %add3A_713 = arith.constant 0 : i32
        %add3A_714 = arith.addi %add3A_713, %mul3A_712 : i32
        %mul3A_715 = arith.constant 16 : i32
        %mul3A_716 = arith.muli %add3A_714, %mul3A_715 : i32
        %get3A_717 = arith.index_cast %add3A_604 : i32 to index
        %get3A_718 = arith.index_cast %mul3A_716 : i32 to index
        %get3A_719 = tpu.vector_load %arg7[%get3A_717, %get3A_718] {strides = array<i32>} : memref<32x1024xf32, #tpu.memory_space<vmem>>, vector<1x16xf32>,
        %get3A_720 = vector.shape_cast %get3A_719 : vector<1x16xf32> to vector<16xf32>
        %swap3A_721 = arith.index_cast %add3A_604 : i32 to index
        %swap3A_722 = arith.index_cast %mul3A_716 : i32 to index
        %swap3A_723 = tpu.vector_load %arg6[%swap3A_721, %swap3A_722] {strides = array<i32>} : memref<32x1024xf32, #tpu.memory_space<vmem>>, vector<1x16xf32>,
        %swap3A_724 = vector.shape_cast %swap3A_723 : vector<1x16xf32> to vector<16xf32>
        %swap3A_725 = vector.shape_cast %get3A_720 : vector<16xf32> to vector<1x16xf32>
        tpu.vector_store %arg6[%swap3A_721, %swap3A_722], %swap3A_725 {add = true, strides = array<i32>} : memref<32x1024xf32, #tpu.memory_space<vmem>>, vector<1x16xf32>,
        %scan3A_726 = arith.constant 7 : i32
        %scan3A_727 = arith.addi %scan3A_610, %scan3A_726 : i32
        %mul3A_728 = arith.constant 1 : i32
        %mul3A_729 = arith.muli %scan3A_727, %mul3A_728 : i32
        %add3A_730 = arith.constant 0 : i32
        %add3A_731 = arith.addi %add3A_730, %mul3A_729 : i32
        %mul3A_732 = arith.constant 16 : i32
        %mul3A_733 = arith.muli %add3A_731, %mul3A_732 : i32
        %get3A_734 = arith.index_cast %add3A_604 : i32 to index
        %get3A_735 = arith.index_cast %mul3A_733 : i32 to index
        %get3A_736 = tpu.vector_load %arg7[%get3A_734, %get3A_735] {strides = array<i32>} : memref<32x1024xf32, #tpu.memory_space<vmem>>, vector<1x16xf32>,
        %get3A_737 = vector.shape_cast %get3A_736 : vector<1x16xf32> to vector<16xf32>
        %swap3A_738 = arith.index_cast %add3A_604 : i32 to index
        %swap3A_739 = arith.index_cast %mul3A_733 : i32 to index
        %swap3A_740 = tpu.vector_load %arg6[%swap3A_738, %swap3A_739] {strides = array<i32>} : memref<32x1024xf32, #tpu.memory_space<vmem>>, vector<1x16xf32>,
        %swap3A_741 = vector.shape_cast %swap3A_740 : vector<1x16xf32> to vector<16xf32>
        %swap3A_742 = vector.shape_cast %get3A_737 : vector<16xf32> to vector<1x16xf32>
        tpu.vector_store %arg6[%swap3A_738, %swap3A_739], %swap3A_742 {add = true, strides = array<i32>} : memref<32x1024xf32, #tpu.memory_space<vmem>>, vector<1x16xf32>,
      }
      %scan3A_609 = arith.constant 64 : i32
    }
    %scan3A_368 = arith.constant 32 : i32
    %add3A_369 = arith.constant 64 : i32
    %add3A_370 = arith.addi %mul3A_2, %add3A_369 : i32
    %dma_start3A_371 = arith.constant 1 : i32
    %dma_start3A_372 = arith.constant 0 : i32
    %dma_start3A_373 = tpu.memref_slice %arg4[%dma_start3A_371, %add3A_370, %dma_start3A_372] : memref<4x4096x1024xf32, #tpu.memory_space<hbm>> -> memref<1x32x1024xf32, #tpu.memory_space<hbm>>
    %dma_start3A_374 = tpu.memref_squeeze %dma_start3A_373 : memref<1x32x1024xf32, #tpu.memory_space<hbm>> -> memref<32x1024xf32, #tpu.memory_space<hbm>>
    %dma_start3A_375 = arith.constant 0 : i32
    %dma_start3A_376 = tpu.memref_slice %arg4[%dma_start3A_371, %add3A_370, %dma_start3A_375] : memref<4x4096x1024xf32, #tpu.memory_space<hbm>> -> memref<1x32x1024xf32, #tpu.memory_space<hbm>>
    %dma_start3A_377 = tpu.memref_squeeze %dma_start3A_376 : memref<1x32x1024xf32, #tpu.memory_space<hbm>> -> memref<32x1024xf32, #tpu.memory_space<hbm>>
    tpu.enqueue_dma source(%arg6 : memref<32x1024xf32, #tpu.memory_space<vmem>>) target(%dma_start3A_377 : memref<32x1024xf32, #tpu.memory_space<hbm>>) target_semaphore(%arg11 : memref<!tpu.dma_semaphore, #tpu.memory_space<semaphore_mem>>)
    %dma_wait3A_378 = arith.constant 2 : i32
    %dma_wait3A_379 = arith.constant 0 : i32
    %dma_wait3A_380 = tpu.memref_slice %arg2[%dma_wait3A_378, %add3A_356, %dma_wait3A_379] : memref<4x4096x1024xf32, #tpu.memory_space<hbm>> -> memref<1x32x1024xf32, #tpu.memory_space<hbm>>
    %dma_wait3A_381 = tpu.memref_squeeze %dma_wait3A_380 : memref<1x32x1024xf32, #tpu.memory_space<hbm>> -> memref<32x1024xf32, #tpu.memory_space<hbm>>
    %dma_wait3A_382 = arith.constant 0 : i32
    %dma_wait3A_383 = tpu.memref_slice %arg2[%dma_wait3A_378, %add3A_356, %dma_wait3A_382] : memref<4x4096x1024xf32, #tpu.memory_space<hbm>> -> memref<1x32x1024xf32, #tpu.memory_space<hbm>>
    %dma_wait3A_384 = tpu.memref_squeeze %dma_wait3A_383 : memref<1x32x1024xf32, #tpu.memory_space<hbm>> -> memref<32x1024xf32, #tpu.memory_space<hbm>>
    tpu.wait_dma2 semaphore(%arg8 : memref<!tpu.dma_semaphore, #tpu.memory_space<semaphore_mem>>) src(%dma_wait3A_384 : memref<32x1024xf32, #tpu.memory_space<hbm>>) dst(%arg5 : memref<32x1024xf32, #tpu.memory_space<vmem>>)
    %dma_wait3A_385 = arith.constant 1 : i32
    %dma_wait3A_386 = arith.constant 0 : i32
    %dma_wait3A_387 = tpu.memref_slice %arg4[%dma_wait3A_385, %add3A_370, %dma_wait3A_386] : memref<4x4096x1024xf32, #tpu.memory_space<hbm>> -> memref<1x32x1024xf32, #tpu.memory_space<hbm>>
    %dma_wait3A_388 = tpu.memref_squeeze %dma_wait3A_387 : memref<1x32x1024xf32, #tpu.memory_space<hbm>> -> memref<32x1024xf32, #tpu.memory_space<hbm>>
    %dma_wait3A_389 = arith.constant 0 : i32
    %dma_wait3A_390 = tpu.memref_slice %arg4[%dma_wait3A_385, %add3A_370, %dma_wait3A_389] : memref<4x4096x1024xf32, #tpu.memory_space<hbm>> -> memref<1x32x1024xf32, #tpu.memory_space<hbm>>
    %dma_wait3A_391 = tpu.memref_squeeze %dma_wait3A_390 : memref<1x32x1024xf32, #tpu.memory_space<hbm>> -> memref<32x1024xf32, #tpu.memory_space<hbm>>
    tpu.wait_dma2 semaphore(%arg11 : memref<!tpu.dma_semaphore, #tpu.memory_space<semaphore_mem>>) src(%arg6 : memref<32x1024xf32, #tpu.memory_space<vmem>>) dst(%dma_wait3A_391 : memref<32x1024xf32, #tpu.memory_space<hbm>>)
    %add3A_392 = arith.constant 64 : i32
    %add3A_393 = arith.addi %mul3A_2, %add3A_392 : i32
    %dma_start3A_394 = arith.constant 3 : i32
    %dma_start3A_395 = arith.constant 0 : i32
    %dma_start3A_396 = tpu.memref_slice %arg2[%dma_start3A_394, %add3A_393, %dma_start3A_395] : memref<4x4096x1024xf32, #tpu.memory_space<hbm>> -> memref<1x32x1024xf32, #tpu.memory_space<hbm>>
    %dma_start3A_397 = tpu.memref_squeeze %dma_start3A_396 : memref<1x32x1024xf32, #tpu.memory_space<hbm>> -> memref<32x1024xf32, #tpu.memory_space<hbm>>
    %dma_start3A_398 = arith.constant 0 : i32
    %dma_start3A_399 = tpu.memref_slice %arg2[%dma_start3A_394, %add3A_393, %dma_start3A_398] : memref<4x4096x1024xf32, #tpu.memory_space<hbm>> -> memref<1x32x1024xf32, #tpu.memory_space<hbm>>
    %dma_start3A_400 = tpu.memref_squeeze %dma_start3A_399 : memref<1x32x1024xf32, #tpu.memory_space<hbm>> -> memref<32x1024xf32, #tpu.memory_space<hbm>>
    tpu.enqueue_dma source(%dma_start3A_400 : memref<32x1024xf32, #tpu.memory_space<hbm>>) target(%arg6 : memref<32x1024xf32, #tpu.memory_space<vmem>>) target_semaphore(%arg9 : memref<!tpu.dma_semaphore, #tpu.memory_space<semaphore_mem>>)
    %scan3A_401 = arith.constant 0 : i32
    %scan3A_402 = arith.constant 32 : i32
    %scan3A_403 = arith.addi %scan3A_401, %scan3A_402 : i32
    %scan3A_404 = arith.constant 1 : i32
    scf.for %scan3A_600 = %scan3A_401 to %scan3A_403 step %scan3A_404  : i32 {
      %mul3A_601 = arith.constant 1 : i32
      %mul3A_602 = arith.muli %scan3A_600, %mul3A_601 : i32
      %add3A_603 = arith.constant 0 : i32
      %add3A_604 = arith.addi %add3A_603, %mul3A_602 : i32
      %scan3A_605 = arith.constant 0 : i32
      %scan3A_606 = arith.constant 64 : i32
      %scan3A_607 = arith.addi %scan3A_605, %scan3A_606 : i32
      %scan3A_608 = arith.constant 8 : i32
      scf.for %scan3A_610 = %scan3A_605 to %scan3A_607 step %scan3A_608  : i32 {
        %mul3A_611 = arith.constant 1 : i32
        %mul3A_612 = arith.muli %scan3A_610, %mul3A_611 : i32
        %add3A_613 = arith.constant 0 : i32
        %add3A_614 = arith.addi %add3A_613, %mul3A_612 : i32
        %mul3A_615 = arith.constant 16 : i32
        %mul3A_616 = arith.muli %add3A_614, %mul3A_615 : i32
        %get3A = arith.index_cast %add3A_604 : i32 to index
        %get3A_617 = arith.index_cast %mul3A_616 : i32 to index
        %get3A_618 = tpu.vector_load %arg7[%get3A, %get3A_617] {strides = array<i32>} : memref<32x1024xf32, #tpu.memory_space<vmem>>, vector<1x16xf32>,
        %get3A_619 = vector.shape_cast %get3A_618 : vector<1x16xf32> to vector<16xf32>
        %swap3A = arith.index_cast %add3A_604 : i32 to index
        %swap3A_620 = arith.index_cast %mul3A_616 : i32 to index
        %swap3A_621 = tpu.vector_load %arg5[%swap3A, %swap3A_620] {strides = array<i32>} : memref<32x1024xf32, #tpu.memory_space<vmem>>, vector<1x16xf32>,
        %swap3A_622 = vector.shape_cast %swap3A_621 : vector<1x16xf32> to vector<16xf32>
        %swap3A_623 = vector.shape_cast %get3A_619 : vector<16xf32> to vector<1x16xf32>
        tpu.vector_store %arg5[%swap3A, %swap3A_620], %swap3A_623 {add = true, strides = array<i32>} : memref<32x1024xf32, #tpu.memory_space<vmem>>, vector<1x16xf32>,
        %scan3A_624 = arith.constant 1 : i32
        %scan3A_625 = arith.addi %scan3A_610, %scan3A_624 : i32
        %mul3A_626 = arith.constant 1 : i32
        %mul3A_627 = arith.muli %scan3A_625, %mul3A_626 : i32
        %add3A_628 = arith.constant 0 : i32
        %add3A_629 = arith.addi %add3A_628, %mul3A_627 : i32
        %mul3A_630 = arith.constant 16 : i32
        %mul3A_631 = arith.muli %add3A_629, %mul3A_630 : i32
        %get3A_632 = arith.index_cast %add3A_604 : i32 to index
        %get3A_633 = arith.index_cast %mul3A_631 : i32 to index
        %get3A_634 = tpu.vector_load %arg7[%get3A_632, %get3A_633] {strides = array<i32>} : memref<32x1024xf32, #tpu.memory_space<vmem>>, vector<1x16xf32>,
        %get3A_635 = vector.shape_cast %get3A_634 : vector<1x16xf32> to vector<16xf32>
        %swap3A_636 = arith.index_cast %add3A_604 : i32 to index
        %swap3A_637 = arith.index_cast %mul3A_631 : i32 to index
        %swap3A_638 = tpu.vector_load %arg5[%swap3A_636, %swap3A_637] {strides = array<i32>} : memref<32x1024xf32, #tpu.memory_space<vmem>>, vector<1x16xf32>,
        %swap3A_639 = vector.shape_cast %swap3A_638 : vector<1x16xf32> to vector<16xf32>
        %swap3A_640 = vector.shape_cast %get3A_635 : vector<16xf32> to vector<1x16xf32>
        tpu.vector_store %arg5[%swap3A_636, %swap3A_637], %swap3A_640 {add = true, strides = array<i32>} : memref<32x1024xf32, #tpu.memory_space<vmem>>, vector<1x16xf32>,
        %scan3A_641 = arith.constant 2 : i32
        %scan3A_642 = arith.addi %scan3A_610, %scan3A_641 : i32
        %mul3A_643 = arith.constant 1 : i32
        %mul3A_644 = arith.muli %scan3A_642, %mul3A_643 : i32
        %add3A_645 = arith.constant 0 : i32
        %add3A_646 = arith.addi %add3A_645, %mul3A_644 : i32
        %mul3A_647 = arith.constant 16 : i32
        %mul3A_648 = arith.muli %add3A_646, %mul3A_647 : i32
        %get3A_649 = arith.index_cast %add3A_604 : i32 to index
        %get3A_650 = arith.index_cast %mul3A_648 : i32 to index
        %get3A_651 = tpu.vector_load %arg7[%get3A_649, %get3A_650] {strides = array<i32>} : memref<32x1024xf32, #tpu.memory_space<vmem>>, vector<1x16xf32>,
        %get3A_652 = vector.shape_cast %get3A_651 : vector<1x16xf32> to vector<16xf32>
        %swap3A_653 = arith.index_cast %add3A_604 : i32 to index
        %swap3A_654 = arith.index_cast %mul3A_648 : i32 to index
        %swap3A_655 = tpu.vector_load %arg5[%swap3A_653, %swap3A_654] {strides = array<i32>} : memref<32x1024xf32, #tpu.memory_space<vmem>>, vector<1x16xf32>,
        %swap3A_656 = vector.shape_cast %swap3A_655 : vector<1x16xf32> to vector<16xf32>
        %swap3A_657 = vector.shape_cast %get3A_652 : vector<16xf32> to vector<1x16xf32>
        tpu.vector_store %arg5[%swap3A_653, %swap3A_654], %swap3A_657 {add = true, strides = array<i32>} : memref<32x1024xf32, #tpu.memory_space<vmem>>, vector<1x16xf32>,
        %scan3A_658 = arith.constant 3 : i32
        %scan3A_659 = arith.addi %scan3A_610, %scan3A_658 : i32
        %mul3A_660 = arith.constant 1 : i32
        %mul3A_661 = arith.muli %scan3A_659, %mul3A_660 : i32
        %add3A_662 = arith.constant 0 : i32
        %add3A_663 = arith.addi %add3A_662, %mul3A_661 : i32
        %mul3A_664 = arith.constant 16 : i32
        %mul3A_665 = arith.muli %add3A_663, %mul3A_664 : i32
        %get3A_666 = arith.index_cast %add3A_604 : i32 to index
        %get3A_667 = arith.index_cast %mul3A_665 : i32 to index
        %get3A_668 = tpu.vector_load %arg7[%get3A_666, %get3A_667] {strides = array<i32>} : memref<32x1024xf32, #tpu.memory_space<vmem>>, vector<1x16xf32>,
        %get3A_669 = vector.shape_cast %get3A_668 : vector<1x16xf32> to vector<16xf32>
        %swap3A_670 = arith.index_cast %add3A_604 : i32 to index
        %swap3A_671 = arith.index_cast %mul3A_665 : i32 to index
        %swap3A_672 = tpu.vector_load %arg5[%swap3A_670, %swap3A_671] {strides = array<i32>} : memref<32x1024xf32, #tpu.memory_space<vmem>>, vector<1x16xf32>,
        %swap3A_673 = vector.shape_cast %swap3A_672 : vector<1x16xf32> to vector<16xf32>
        %swap3A_674 = vector.shape_cast %get3A_669 : vector<16xf32> to vector<1x16xf32>
        tpu.vector_store %arg5[%swap3A_670, %swap3A_671], %swap3A_674 {add = true, strides = array<i32>} : memref<32x1024xf32, #tpu.memory_space<vmem>>, vector<1x16xf32>,
        %scan3A_675 = arith.constant 4 : i32
        %scan3A_676 = arith.addi %scan3A_610, %scan3A_675 : i32
        %mul3A_677 = arith.constant 1 : i32
        %mul3A_678 = arith.muli %scan3A_676, %mul3A_677 : i32
        %add3A_679 = arith.constant 0 : i32
        %add3A_680 = arith.addi %add3A_679, %mul3A_678 : i32
        %mul3A_681 = arith.constant 16 : i32
        %mul3A_682 = arith.muli %add3A_680, %mul3A_681 : i32
        %get3A_683 = arith.index_cast %add3A_604 : i32 to index
        %get3A_684 = arith.index_cast %mul3A_682 : i32 to index
        %get3A_685 = tpu.vector_load %arg7[%get3A_683, %get3A_684] {strides = array<i32>} : memref<32x1024xf32, #tpu.memory_space<vmem>>, vector<1x16xf32>,
        %get3A_686 = vector.shape_cast %get3A_685 : vector<1x16xf32> to vector<16xf32>
        %swap3A_687 = arith.index_cast %add3A_604 : i32 to index
        %swap3A_688 = arith.index_cast %mul3A_682 : i32 to index
        %swap3A_689 = tpu.vector_load %arg5[%swap3A_687, %swap3A_688] {strides = array<i32>} : memref<32x1024xf32, #tpu.memory_space<vmem>>, vector<1x16xf32>,
        %swap3A_690 = vector.shape_cast %swap3A_689 : vector<1x16xf32> to vector<16xf32>
        %swap3A_691 = vector.shape_cast %get3A_686 : vector<16xf32> to vector<1x16xf32>
        tpu.vector_store %arg5[%swap3A_687, %swap3A_688], %swap3A_691 {add = true, strides = array<i32>} : memref<32x1024xf32, #tpu.memory_space<vmem>>, vector<1x16xf32>,
        %scan3A_692 = arith.constant 5 : i32
        %scan3A_693 = arith.addi %scan3A_610, %scan3A_692 : i32
        %mul3A_694 = arith.constant 1 : i32
        %mul3A_695 = arith.muli %scan3A_693, %mul3A_694 : i32
        %add3A_696 = arith.constant 0 : i32
        %add3A_697 = arith.addi %add3A_696, %mul3A_695 : i32
        %mul3A_698 = arith.constant 16 : i32
        %mul3A_699 = arith.muli %add3A_697, %mul3A_698 : i32
        %get3A_700 = arith.index_cast %add3A_604 : i32 to index
        %get3A_701 = arith.index_cast %mul3A_699 : i32 to index
        %get3A_702 = tpu.vector_load %arg7[%get3A_700, %get3A_701] {strides = array<i32>} : memref<32x1024xf32, #tpu.memory_space<vmem>>, vector<1x16xf32>,
        %get3A_703 = vector.shape_cast %get3A_702 : vector<1x16xf32> to vector<16xf32>
        %swap3A_704 = arith.index_cast %add3A_604 : i32 to index
        %swap3A_705 = arith.index_cast %mul3A_699 : i32 to index
        %swap3A_706 = tpu.vector_load %arg5[%swap3A_704, %swap3A_705] {strides = array<i32>} : memref<32x1024xf32, #tpu.memory_space<vmem>>, vector<1x16xf32>,
        %swap3A_707 = vector.shape_cast %swap3A_706 : vector<1x16xf32> to vector<16xf32>
        %swap3A_708 = vector.shape_cast %get3A_703 : vector<16xf32> to vector<1x16xf32>
        tpu.vector_store %arg5[%swap3A_704, %swap3A_705], %swap3A_708 {add = true, strides = array<i32>} : memref<32x1024xf32, #tpu.memory_space<vmem>>, vector<1x16xf32>,
        %scan3A_709 = arith.constant 6 : i32
        %scan3A_710 = arith.addi %scan3A_610, %scan3A_709 : i32
        %mul3A_711 = arith.constant 1 : i32
        %mul3A_712 = arith.muli %scan3A_710, %mul3A_711 : i32
        %add3A_713 = arith.constant 0 : i32
        %add3A_714 = arith.addi %add3A_713, %mul3A_712 : i32
        %mul3A_715 = arith.constant 16 : i32
        %mul3A_716 = arith.muli %add3A_714, %mul3A_715 : i32
        %get3A_717 = arith.index_cast %add3A_604 : i32 to index
        %get3A_718 = arith.index_cast %mul3A_716 : i32 to index
        %get3A_719 = tpu.vector_load %arg7[%get3A_717, %get3A_718] {strides = array<i32>} : memref<32x1024xf32, #tpu.memory_space<vmem>>, vector<1x16xf32>,
        %get3A_720 = vector.shape_cast %get3A_719 : vector<1x16xf32> to vector<16xf32>
        %swap3A_721 = arith.index_cast %add3A_604 : i32 to index
        %swap3A_722 = arith.index_cast %mul3A_716 : i32 to index
        %swap3A_723 = tpu.vector_load %arg5[%swap3A_721, %swap3A_722] {strides = array<i32>} : memref<32x1024xf32, #tpu.memory_space<vmem>>, vector<1x16xf32>,
        %swap3A_724 = vector.shape_cast %swap3A_723 : vector<1x16xf32> to vector<16xf32>
        %swap3A_725 = vector.shape_cast %get3A_720 : vector<16xf32> to vector<1x16xf32>
        tpu.vector_store %arg5[%swap3A_721, %swap3A_722], %swap3A_725 {add = true, strides = array<i32>} : memref<32x1024xf32, #tpu.memory_space<vmem>>, vector<1x16xf32>,
        %scan3A_726 = arith.constant 7 : i32
        %scan3A_727 = arith.addi %scan3A_610, %scan3A_726 : i32
        %mul3A_728 = arith.constant 1 : i32
        %mul3A_729 = arith.muli %scan3A_727, %mul3A_728 : i32
        %add3A_730 = arith.constant 0 : i32
        %add3A_731 = arith.addi %add3A_730, %mul3A_729 : i32
        %mul3A_732 = arith.constant 16 : i32
        %mul3A_733 = arith.muli %add3A_731, %mul3A_732 : i32
        %get3A_734 = arith.index_cast %add3A_604 : i32 to index
        %get3A_735 = arith.index_cast %mul3A_733 : i32 to index
        %get3A_736 = tpu.vector_load %arg7[%get3A_734, %get3A_735] {strides = array<i32>} : memref<32x1024xf32, #tpu.memory_space<vmem>>, vector<1x16xf32>,
        %get3A_737 = vector.shape_cast %get3A_736 : vector<1x16xf32> to vector<16xf32>
        %swap3A_738 = arith.index_cast %add3A_604 : i32 to index
        %swap3A_739 = arith.index_cast %mul3A_733 : i32 to index
        %swap3A_740 = tpu.vector_load %arg5[%swap3A_738, %swap3A_739] {strides = array<i32>} : memref<32x1024xf32, #tpu.memory_space<vmem>>, vector<1x16xf32>,
        %swap3A_741 = vector.shape_cast %swap3A_740 : vector<1x16xf32> to vector<16xf32>
        %swap3A_742 = vector.shape_cast %get3A_737 : vector<16xf32> to vector<1x16xf32>
        tpu.vector_store %arg5[%swap3A_738, %swap3A_739], %swap3A_742 {add = true, strides = array<i32>} : memref<32x1024xf32, #tpu.memory_space<vmem>>, vector<1x16xf32>,
      }
      %scan3A_609 = arith.constant 64 : i32
    }
    %scan3A_405 = arith.constant 32 : i32
    %add3A_406 = arith.constant 64 : i32
    %add3A_407 = arith.addi %mul3A_2, %add3A_406 : i32
    %dma_start3A_408 = arith.constant 2 : i32
    %dma_start3A_409 = arith.constant 0 : i32
    %dma_start3A_410 = tpu.memref_slice %arg4[%dma_start3A_408, %add3A_407, %dma_start3A_409] : memref<4x4096x1024xf32, #tpu.memory_space<hbm>> -> memref<1x32x1024xf32, #tpu.memory_space<hbm>>
    %dma_start3A_411 = tpu.memref_squeeze %dma_start3A_410 : memref<1x32x1024xf32, #tpu.memory_space<hbm>> -> memref<32x1024xf32, #tpu.memory_space<hbm>>
    %dma_start3A_412 = arith.constant 0 : i32
    %dma_start3A_413 = tpu.memref_slice %arg4[%dma_start3A_408, %add3A_407, %dma_start3A_412] : memref<4x4096x1024xf32, #tpu.memory_space<hbm>> -> memref<1x32x1024xf32, #tpu.memory_space<hbm>>
    %dma_start3A_414 = tpu.memref_squeeze %dma_start3A_413 : memref<1x32x1024xf32, #tpu.memory_space<hbm>> -> memref<32x1024xf32, #tpu.memory_space<hbm>>
    tpu.enqueue_dma source(%arg5 : memref<32x1024xf32, #tpu.memory_space<vmem>>) target(%dma_start3A_414 : memref<32x1024xf32, #tpu.memory_space<hbm>>) target_semaphore(%arg10 : memref<!tpu.dma_semaphore, #tpu.memory_space<semaphore_mem>>)
    %dma_wait3A_415 = arith.constant 3 : i32
    %dma_wait3A_416 = arith.constant 0 : i32
    %dma_wait3A_417 = tpu.memref_slice %arg2[%dma_wait3A_415, %add3A_393, %dma_wait3A_416] : memref<4x4096x1024xf32, #tpu.memory_space<hbm>> -> memref<1x32x1024xf32, #tpu.memory_space<hbm>>
    %dma_wait3A_418 = tpu.memref_squeeze %dma_wait3A_417 : memref<1x32x1024xf32, #tpu.memory_space<hbm>> -> memref<32x1024xf32, #tpu.memory_space<hbm>>
    %dma_wait3A_419 = arith.constant 0 : i32
    %dma_wait3A_420 = tpu.memref_slice %arg2[%dma_wait3A_415, %add3A_393, %dma_wait3A_419] : memref<4x4096x1024xf32, #tpu.memory_space<hbm>> -> memref<1x32x1024xf32, #tpu.memory_space<hbm>>
    %dma_wait3A_421 = tpu.memref_squeeze %dma_wait3A_420 : memref<1x32x1024xf32, #tpu.memory_space<hbm>> -> memref<32x1024xf32, #tpu.memory_space<hbm>>
    tpu.wait_dma2 semaphore(%arg9 : memref<!tpu.dma_semaphore, #tpu.memory_space<semaphore_mem>>) src(%dma_wait3A_421 : memref<32x1024xf32, #tpu.memory_space<hbm>>) dst(%arg6 : memref<32x1024xf32, #tpu.memory_space<vmem>>)
    %dma_wait3A_422 = arith.constant 2 : i32
    %dma_wait3A_423 = arith.constant 0 : i32
    %dma_wait3A_424 = tpu.memref_slice %arg4[%dma_wait3A_422, %add3A_407, %dma_wait3A_423] : memref<4x4096x1024xf32, #tpu.memory_space<hbm>> -> memref<1x32x1024xf32, #tpu.memory_space<hbm>>
    %dma_wait3A_425 = tpu.memref_squeeze %dma_wait3A_424 : memref<1x32x1024xf32, #tpu.memory_space<hbm>> -> memref<32x1024xf32, #tpu.memory_space<hbm>>
    %dma_wait3A_426 = arith.constant 0 : i32
    %dma_wait3A_427 = tpu.memref_slice %arg4[%dma_wait3A_422, %add3A_407, %dma_wait3A_426] : memref<4x4096x1024xf32, #tpu.memory_space<hbm>> -> memref<1x32x1024xf32, #tpu.memory_space<hbm>>
    %dma_wait3A_428 = tpu.memref_squeeze %dma_wait3A_427 : memref<1x32x1024xf32, #tpu.memory_space<hbm>> -> memref<32x1024xf32, #tpu.memory_space<hbm>>
    tpu.wait_dma2 semaphore(%arg10 : memref<!tpu.dma_semaphore, #tpu.memory_space<semaphore_mem>>) src(%arg5 : memref<32x1024xf32, #tpu.memory_space<vmem>>) dst(%dma_wait3A_428 : memref<32x1024xf32, #tpu.memory_space<hbm>>)
    %add3A_429 = arith.constant 96 : i32
    %add3A_430 = arith.addi %mul3A_2, %add3A_429 : i32
    %dma_start3A_431 = arith.constant 0 : i32
    %dma_start3A_432 = arith.constant 0 : i32
    %dma_start3A_433 = tpu.memref_slice %arg2[%dma_start3A_431, %add3A_430, %dma_start3A_432] : memref<4x4096x1024xf32, #tpu.memory_space<hbm>> -> memref<1x32x1024xf32, #tpu.memory_space<hbm>>
    %dma_start3A_434 = tpu.memref_squeeze %dma_start3A_433 : memref<1x32x1024xf32, #tpu.memory_space<hbm>> -> memref<32x1024xf32, #tpu.memory_space<hbm>>
    %dma_start3A_435 = arith.constant 0 : i32
    %dma_start3A_436 = tpu.memref_slice %arg2[%dma_start3A_431, %add3A_430, %dma_start3A_435] : memref<4x4096x1024xf32, #tpu.memory_space<hbm>> -> memref<1x32x1024xf32, #tpu.memory_space<hbm>>
    %dma_start3A_437 = tpu.memref_squeeze %dma_start3A_436 : memref<1x32x1024xf32, #tpu.memory_space<hbm>> -> memref<32x1024xf32, #tpu.memory_space<hbm>>
    tpu.enqueue_dma source(%dma_start3A_437 : memref<32x1024xf32, #tpu.memory_space<hbm>>) target(%arg5 : memref<32x1024xf32, #tpu.memory_space<vmem>>) target_semaphore(%arg8 : memref<!tpu.dma_semaphore, #tpu.memory_space<semaphore_mem>>)
    %scan3A_438 = arith.constant 0 : i32
    %scan3A_439 = arith.constant 32 : i32
    %scan3A_440 = arith.addi %scan3A_438, %scan3A_439 : i32
    %scan3A_441 = arith.constant 1 : i32
    scf.for %scan3A_600 = %scan3A_438 to %scan3A_440 step %scan3A_441  : i32 {
      %mul3A_601 = arith.constant 1 : i32
      %mul3A_602 = arith.muli %scan3A_600, %mul3A_601 : i32
      %add3A_603 = arith.constant 0 : i32
      %add3A_604 = arith.addi %add3A_603, %mul3A_602 : i32
      %scan3A_605 = arith.constant 0 : i32
      %scan3A_606 = arith.constant 64 : i32
      %scan3A_607 = arith.addi %scan3A_605, %scan3A_606 : i32
      %scan3A_608 = arith.constant 8 : i32
      scf.for %scan3A_610 = %scan3A_605 to %scan3A_607 step %scan3A_608  : i32 {
        %mul3A_611 = arith.constant 1 : i32
        %mul3A_612 = arith.muli %scan3A_610, %mul3A_611 : i32
        %add3A_613 = arith.constant 0 : i32
        %add3A_614 = arith.addi %add3A_613, %mul3A_612 : i32
        %mul3A_615 = arith.constant 16 : i32
        %mul3A_616 = arith.muli %add3A_614, %mul3A_615 : i32
        %get3A = arith.index_cast %add3A_604 : i32 to index
        %get3A_617 = arith.index_cast %mul3A_616 : i32 to index
        %get3A_618 = tpu.vector_load %arg7[%get3A, %get3A_617] {strides = array<i32>} : memref<32x1024xf32, #tpu.memory_space<vmem>>, vector<1x16xf32>,
        %get3A_619 = vector.shape_cast %get3A_618 : vector<1x16xf32> to vector<16xf32>
        %swap3A = arith.index_cast %add3A_604 : i32 to index
        %swap3A_620 = arith.index_cast %mul3A_616 : i32 to index
        %swap3A_621 = tpu.vector_load %arg6[%swap3A, %swap3A_620] {strides = array<i32>} : memref<32x1024xf32, #tpu.memory_space<vmem>>, vector<1x16xf32>,
        %swap3A_622 = vector.shape_cast %swap3A_621 : vector<1x16xf32> to vector<16xf32>
        %swap3A_623 = vector.shape_cast %get3A_619 : vector<16xf32> to vector<1x16xf32>
        tpu.vector_store %arg6[%swap3A, %swap3A_620], %swap3A_623 {add = true, strides = array<i32>} : memref<32x1024xf32, #tpu.memory_space<vmem>>, vector<1x16xf32>,
        %scan3A_624 = arith.constant 1 : i32
        %scan3A_625 = arith.addi %scan3A_610, %scan3A_624 : i32
        %mul3A_626 = arith.constant 1 : i32
        %mul3A_627 = arith.muli %scan3A_625, %mul3A_626 : i32
        %add3A_628 = arith.constant 0 : i32
        %add3A_629 = arith.addi %add3A_628, %mul3A_627 : i32
        %mul3A_630 = arith.constant 16 : i32
        %mul3A_631 = arith.muli %add3A_629, %mul3A_630 : i32
        %get3A_632 = arith.index_cast %add3A_604 : i32 to index
        %get3A_633 = arith.index_cast %mul3A_631 : i32 to index
        %get3A_634 = tpu.vector_load %arg7[%get3A_632, %get3A_633] {strides = array<i32>} : memref<32x1024xf32, #tpu.memory_space<vmem>>, vector<1x16xf32>,
        %get3A_635 = vector.shape_cast %get3A_634 : vector<1x16xf32> to vector<16xf32>
        %swap3A_636 = arith.index_cast %add3A_604 : i32 to index
        %swap3A_637 = arith.index_cast %mul3A_631 : i32 to index
        %swap3A_638 = tpu.vector_load %arg6[%swap3A_636, %swap3A_637] {strides = array<i32>} : memref<32x1024xf32, #tpu.memory_space<vmem>>, vector<1x16xf32>,
        %swap3A_639 = vector.shape_cast %swap3A_638 : vector<1x16xf32> to vector<16xf32>
        %swap3A_640 = vector.shape_cast %get3A_635 : vector<16xf32> to vector<1x16xf32>
        tpu.vector_store %arg6[%swap3A_636, %swap3A_637], %swap3A_640 {add = true, strides = array<i32>} : memref<32x1024xf32, #tpu.memory_space<vmem>>, vector<1x16xf32>,
        %scan3A_641 = arith.constant 2 : i32
        %scan3A_642 = arith.addi %scan3A_610, %scan3A_641 : i32
        %mul3A_643 = arith.constant 1 : i32
        %mul3A_644 = arith.muli %scan3A_642, %mul3A_643 : i32
        %add3A_645 = arith.constant 0 : i32
        %add3A_646 = arith.addi %add3A_645, %mul3A_644 : i32
        %mul3A_647 = arith.constant 16 : i32
        %mul3A_648 = arith.muli %add3A_646, %mul3A_647 : i32
        %get3A_649 = arith.index_cast %add3A_604 : i32 to index
        %get3A_650 = arith.index_cast %mul3A_648 : i32 to index
        %get3A_651 = tpu.vector_load %arg7[%get3A_649, %get3A_650] {strides = array<i32>} : memref<32x1024xf32, #tpu.memory_space<vmem>>, vector<1x16xf32>,
        %get3A_652 = vector.shape_cast %get3A_651 : vector<1x16xf32> to vector<16xf32>
        %swap3A_653 = arith.index_cast %add3A_604 : i32 to index
        %swap3A_654 = arith.index_cast %mul3A_648 : i32 to index
        %swap3A_655 = tpu.vector_load %arg6[%swap3A_653, %swap3A_654] {strides = array<i32>} : memref<32x1024xf32, #tpu.memory_space<vmem>>, vector<1x16xf32>,
        %swap3A_656 = vector.shape_cast %swap3A_655 : vector<1x16xf32> to vector<16xf32>
        %swap3A_657 = vector.shape_cast %get3A_652 : vector<16xf32> to vector<1x16xf32>
        tpu.vector_store %arg6[%swap3A_653, %swap3A_654], %swap3A_657 {add = true, strides = array<i32>} : memref<32x1024xf32, #tpu.memory_space<vmem>>, vector<1x16xf32>,
        %scan3A_658 = arith.constant 3 : i32
        %scan3A_659 = arith.addi %scan3A_610, %scan3A_658 : i32
        %mul3A_660 = arith.constant 1 : i32
        %mul3A_661 = arith.muli %scan3A_659, %mul3A_660 : i32
        %add3A_662 = arith.constant 0 : i32
        %add3A_663 = arith.addi %add3A_662, %mul3A_661 : i32
        %mul3A_664 = arith.constant 16 : i32
        %mul3A_665 = arith.muli %add3A_663, %mul3A_664 : i32
        %get3A_666 = arith.index_cast %add3A_604 : i32 to index
        %get3A_667 = arith.index_cast %mul3A_665 : i32 to index
        %get3A_668 = tpu.vector_load %arg7[%get3A_666, %get3A_667] {strides = array<i32>} : memref<32x1024xf32, #tpu.memory_space<vmem>>, vector<1x16xf32>,
        %get3A_669 = vector.shape_cast %get3A_668 : vector<1x16xf32> to vector<16xf32>
        %swap3A_670 = arith.index_cast %add3A_604 : i32 to index
        %swap3A_671 = arith.index_cast %mul3A_665 : i32 to index
        %swap3A_672 = tpu.vector_load %arg6[%swap3A_670, %swap3A_671] {strides = array<i32>} : memref<32x1024xf32, #tpu.memory_space<vmem>>, vector<1x16xf32>,
        %swap3A_673 = vector.shape_cast %swap3A_672 : vector<1x16xf32> to vector<16xf32>
        %swap3A_674 = vector.shape_cast %get3A_669 : vector<16xf32> to vector<1x16xf32>
        tpu.vector_store %arg6[%swap3A_670, %swap3A_671], %swap3A_674 {add = true, strides = array<i32>} : memref<32x1024xf32, #tpu.memory_space<vmem>>, vector<1x16xf32>,
        %scan3A_675 = arith.constant 4 : i32
        %scan3A_676 = arith.addi %scan3A_610, %scan3A_675 : i32
        %mul3A_677 = arith.constant 1 : i32
        %mul3A_678 = arith.muli %scan3A_676, %mul3A_677 : i32
        %add3A_679 = arith.constant 0 : i32
        %add3A_680 = arith.addi %add3A_679, %mul3A_678 : i32
        %mul3A_681 = arith.constant 16 : i32
        %mul3A_682 = arith.muli %add3A_680, %mul3A_681 : i32
        %get3A_683 = arith.index_cast %add3A_604 : i32 to index
        %get3A_684 = arith.index_cast %mul3A_682 : i32 to index
        %get3A_685 = tpu.vector_load %arg7[%get3A_683, %get3A_684] {strides = array<i32>} : memref<32x1024xf32, #tpu.memory_space<vmem>>, vector<1x16xf32>,
        %get3A_686 = vector.shape_cast %get3A_685 : vector<1x16xf32> to vector<16xf32>
        %swap3A_687 = arith.index_cast %add3A_604 : i32 to index
        %swap3A_688 = arith.index_cast %mul3A_682 : i32 to index
        %swap3A_689 = tpu.vector_load %arg6[%swap3A_687, %swap3A_688] {strides = array<i32>} : memref<32x1024xf32, #tpu.memory_space<vmem>>, vector<1x16xf32>,
        %swap3A_690 = vector.shape_cast %swap3A_689 : vector<1x16xf32> to vector<16xf32>
        %swap3A_691 = vector.shape_cast %get3A_686 : vector<16xf32> to vector<1x16xf32>
        tpu.vector_store %arg6[%swap3A_687, %swap3A_688], %swap3A_691 {add = true, strides = array<i32>} : memref<32x1024xf32, #tpu.memory_space<vmem>>, vector<1x16xf32>,
        %scan3A_692 = arith.constant 5 : i32
        %scan3A_693 = arith.addi %scan3A_610, %scan3A_692 : i32
        %mul3A_694 = arith.constant 1 : i32
        %mul3A_695 = arith.muli %scan3A_693, %mul3A_694 : i32
        %add3A_696 = arith.constant 0 : i32
        %add3A_697 = arith.addi %add3A_696, %mul3A_695 : i32
        %mul3A_698 = arith.constant 16 : i32
        %mul3A_699 = arith.muli %add3A_697, %mul3A_698 : i32
        %get3A_700 = arith.index_cast %add3A_604 : i32 to index
        %get3A_701 = arith.index_cast %mul3A_699 : i32 to index
        %get3A_702 = tpu.vector_load %arg7[%get3A_700, %get3A_701] {strides = array<i32>} : memref<32x1024xf32, #tpu.memory_space<vmem>>, vector<1x16xf32>,
        %get3A_703 = vector.shape_cast %get3A_702 : vector<1x16xf32> to vector<16xf32>
        %swap3A_704 = arith.index_cast %add3A_604 : i32 to index
        %swap3A_705 = arith.index_cast %mul3A_699 : i32 to index
        %swap3A_706 = tpu.vector_load %arg6[%swap3A_704, %swap3A_705] {strides = array<i32>} : memref<32x1024xf32, #tpu.memory_space<vmem>>, vector<1x16xf32>,
        %swap3A_707 = vector.shape_cast %swap3A_706 : vector<1x16xf32> to vector<16xf32>
        %swap3A_708 = vector.shape_cast %get3A_703 : vector<16xf32> to vector<1x16xf32>
        tpu.vector_store %arg6[%swap3A_704, %swap3A_705], %swap3A_708 {add = true, strides = array<i32>} : memref<32x1024xf32, #tpu.memory_space<vmem>>, vector<1x16xf32>,
        %scan3A_709 = arith.constant 6 : i32
        %scan3A_710 = arith.addi %scan3A_610, %scan3A_709 : i32
        %mul3A_711 = arith.constant 1 : i32
        %mul3A_712 = arith.muli %scan3A_710, %mul3A_711 : i32
        %add3A_713 = arith.constant 0 : i32
        %add3A_714 = arith.addi %add3A_713, %mul3A_712 : i32
        %mul3A_715 = arith.constant 16 : i32
        %mul3A_716 = arith.muli %add3A_714, %mul3A_715 : i32
        %get3A_717 = arith.index_cast %add3A_604 : i32 to index
        %get3A_718 = arith.index_cast %mul3A_716 : i32 to index
        %get3A_719 = tpu.vector_load %arg7[%get3A_717, %get3A_718] {strides = array<i32>} : memref<32x1024xf32, #tpu.memory_space<vmem>>, vector<1x16xf32>,
        %get3A_720 = vector.shape_cast %get3A_719 : vector<1x16xf32> to vector<16xf32>
        %swap3A_721 = arith.index_cast %add3A_604 : i32 to index
        %swap3A_722 = arith.index_cast %mul3A_716 : i32 to index
        %swap3A_723 = tpu.vector_load %arg6[%swap3A_721, %swap3A_722] {strides = array<i32>} : memref<32x1024xf32, #tpu.memory_space<vmem>>, vector<1x16xf32>,
        %swap3A_724 = vector.shape_cast %swap3A_723 : vector<1x16xf32> to vector<16xf32>
        %swap3A_725 = vector.shape_cast %get3A_720 : vector<16xf32> to vector<1x16xf32>
        tpu.vector_store %arg6[%swap3A_721, %swap3A_722], %swap3A_725 {add = true, strides = array<i32>} : memref<32x1024xf32, #tpu.memory_space<vmem>>, vector<1x16xf32>,
        %scan3A_726 = arith.constant 7 : i32
        %scan3A_727 = arith.addi %scan3A_610, %scan3A_726 : i32
        %mul3A_728 = arith.constant 1 : i32
        %mul3A_729 = arith.muli %scan3A_727, %mul3A_728 : i32
        %add3A_730 = arith.constant 0 : i32
        %add3A_731 = arith.addi %add3A_730, %mul3A_729 : i32
        %mul3A_732 = arith.constant 16 : i32
        %mul3A_733 = arith.muli %add3A_731, %mul3A_732 : i32
        %get3A_734 = arith.index_cast %add3A_604 : i32 to index
        %get3A_735 = arith.index_cast %mul3A_733 : i32 to index
        %get3A_736 = tpu.vector_load %arg7[%get3A_734, %get3A_735] {strides = array<i32>} : memref<32x1024xf32, #tpu.memory_space<vmem>>, vector<1x16xf32>,
        %get3A_737 = vector.shape_cast %get3A_736 : vector<1x16xf32> to vector<16xf32>
        %swap3A_738 = arith.index_cast %add3A_604 : i32 to index
        %swap3A_739 = arith.index_cast %mul3A_733 : i32 to index
        %swap3A_740 = tpu.vector_load %arg6[%swap3A_738, %swap3A_739] {strides = array<i32>} : memref<32x1024xf32, #tpu.memory_space<vmem>>, vector<1x16xf32>,
        %swap3A_741 = vector.shape_cast %swap3A_740 : vector<1x16xf32> to vector<16xf32>
        %swap3A_742 = vector.shape_cast %get3A_737 : vector<16xf32> to vector<1x16xf32>
        tpu.vector_store %arg6[%swap3A_738, %swap3A_739], %swap3A_742 {add = true, strides = array<i32>} : memref<32x1024xf32, #tpu.memory_space<vmem>>, vector<1x16xf32>,
      }
      %scan3A_609 = arith.constant 64 : i32
    }
    %scan3A_442 = arith.constant 32 : i32
    %add3A_443 = arith.constant 64 : i32
    %add3A_444 = arith.addi %mul3A_2, %add3A_443 : i32
    %dma_start3A_445 = arith.constant 3 : i32
    %dma_start3A_446 = arith.constant 0 : i32
    %dma_start3A_447 = tpu.memref_slice %arg4[%dma_start3A_445, %add3A_444, %dma_start3A_446] : memref<4x4096x1024xf32, #tpu.memory_space<hbm>> -> memref<1x32x1024xf32, #tpu.memory_space<hbm>>
    %dma_start3A_448 = tpu.memref_squeeze %dma_start3A_447 : memref<1x32x1024xf32, #tpu.memory_space<hbm>> -> memref<32x1024xf32, #tpu.memory_space<hbm>>
    %dma_start3A_449 = arith.constant 0 : i32
    %dma_start3A_450 = tpu.memref_slice %arg4[%dma_start3A_445, %add3A_444, %dma_start3A_449] : memref<4x4096x1024xf32, #tpu.memory_space<hbm>> -> memref<1x32x1024xf32, #tpu.memory_space<hbm>>
    %dma_start3A_451 = tpu.memref_squeeze %dma_start3A_450 : memref<1x32x1024xf32, #tpu.memory_space<hbm>> -> memref<32x1024xf32, #tpu.memory_space<hbm>>
    tpu.enqueue_dma source(%arg6 : memref<32x1024xf32, #tpu.memory_space<vmem>>) target(%dma_start3A_451 : memref<32x1024xf32, #tpu.memory_space<hbm>>) target_semaphore(%arg11 : memref<!tpu.dma_semaphore, #tpu.memory_space<semaphore_mem>>)
    %add3A_452 = arith.constant 96 : i32
    %add3A_453 = arith.addi %mul3A_2, %add3A_452 : i32
    "tpu.region"() ({
      %run_scoped3A = tpu.sem_alloc : memref<!tpu.dma_semaphore, #tpu.memory_space<semaphore_mem>>
      %dma_start3A_600 = arith.constant 0 : i32
      %dma_start3A_601 = tpu.memref_slice %arg3[%add3A_453, %dma_start3A_600] : memref<8192x1024xf32, #tpu.memory_space<hbm>> -> memref<32x1024xf32, #tpu.memory_space<hbm>>
      %dma_start3A_602 = arith.constant 0 : i32
      %dma_start3A_603 = tpu.memref_slice %arg3[%add3A_453, %dma_start3A_602] : memref<8192x1024xf32, #tpu.memory_space<hbm>> -> memref<32x1024xf32, #tpu.memory_space<hbm>>
      tpu.enqueue_dma source(%dma_start3A_603 : memref<32x1024xf32, #tpu.memory_space<hbm>>) target(%arg7 : memref<32x1024xf32, #tpu.memory_space<vmem>>) target_semaphore(%run_scoped3A : memref<!tpu.dma_semaphore, #tpu.memory_space<semaphore_mem>>)
      %dma_wait3A_604 = arith.constant 0 : i32
      %dma_wait3A_605 = tpu.memref_slice %arg3[%add3A_453, %dma_wait3A_604] : memref<8192x1024xf32, #tpu.memory_space<hbm>> -> memref<32x1024xf32, #tpu.memory_space<hbm>>
      %dma_wait3A_606 = arith.constant 0 : i32
      %dma_wait3A_607 = tpu.memref_slice %arg3[%add3A_453, %dma_wait3A_606] : memref<8192x1024xf32, #tpu.memory_space<hbm>> -> memref<32x1024xf32, #tpu.memory_space<hbm>>
      tpu.wait_dma2 semaphore(%run_scoped3A : memref<!tpu.dma_semaphore, #tpu.memory_space<semaphore_mem>>) src(%dma_wait3A_607 : memref<32x1024xf32, #tpu.memory_space<hbm>>) dst(%arg7 : memref<32x1024xf32, #tpu.memory_space<vmem>>)
      tpu.yield
    }) : () -> ()
    %dma_wait3A_454 = arith.constant 0 : i32
    %dma_wait3A_455 = arith.constant 0 : i32
    %dma_wait3A_456 = tpu.memref_slice %arg2[%dma_wait3A_454, %add3A_430, %dma_wait3A_455] : memref<4x4096x1024xf32, #tpu.memory_space<hbm>> -> memref<1x32x1024xf32, #tpu.memory_space<hbm>>
    %dma_wait3A_457 = tpu.memref_squeeze %dma_wait3A_456 : memref<1x32x1024xf32, #tpu.memory_space<hbm>> -> memref<32x1024xf32, #tpu.memory_space<hbm>>
    %dma_wait3A_458 = arith.constant 0 : i32
    %dma_wait3A_459 = tpu.memref_slice %arg2[%dma_wait3A_454, %add3A_430, %dma_wait3A_458] : memref<4x4096x1024xf32, #tpu.memory_space<hbm>> -> memref<1x32x1024xf32, #tpu.memory_space<hbm>>
    %dma_wait3A_460 = tpu.memref_squeeze %dma_wait3A_459 : memref<1x32x1024xf32, #tpu.memory_space<hbm>> -> memref<32x1024xf32, #tpu.memory_space<hbm>>
    tpu.wait_dma2 semaphore(%arg8 : memref<!tpu.dma_semaphore, #tpu.memory_space<semaphore_mem>>) src(%dma_wait3A_460 : memref<32x1024xf32, #tpu.memory_space<hbm>>) dst(%arg5 : memref<32x1024xf32, #tpu.memory_space<vmem>>)
    %dma_wait3A_461 = arith.constant 3 : i32
    %dma_wait3A_462 = arith.constant 0 : i32
    %dma_wait3A_463 = tpu.memref_slice %arg4[%dma_wait3A_461, %add3A_444, %dma_wait3A_462] : memref<4x4096x1024xf32, #tpu.memory_space<hbm>> -> memref<1x32x1024xf32, #tpu.memory_space<hbm>>
    %dma_wait3A_464 = tpu.memref_squeeze %dma_wait3A_463 : memref<1x32x1024xf32, #tpu.memory_space<hbm>> -> memref<32x1024xf32, #tpu.memory_space<hbm>>
    %dma_wait3A_465 = arith.constant 0 : i32
    %dma_wait3A_466 = tpu.memref_slice %arg4[%dma_wait3A_461, %add3A_444, %dma_wait3A_465] : memref<4x4096x1024xf32, #tpu.memory_space<hbm>> -> memref<1x32x1024xf32, #tpu.memory_space<hbm>>
    %dma_wait3A_467 = tpu.memref_squeeze %dma_wait3A_466 : memref<1x32x1024xf32, #tpu.memory_space<hbm>> -> memref<32x1024xf32, #tpu.memory_space<hbm>>
    tpu.wait_dma2 semaphore(%arg11 : memref<!tpu.dma_semaphore, #tpu.memory_space<semaphore_mem>>) src(%arg6 : memref<32x1024xf32, #tpu.memory_space<vmem>>) dst(%dma_wait3A_467 : memref<32x1024xf32, #tpu.memory_space<hbm>>)
    %add3A_468 = arith.constant 96 : i32
    %add3A_469 = arith.addi %mul3A_2, %add3A_468 : i32
    %dma_start3A_470 = arith.constant 1 : i32
    %dma_start3A_471 = arith.constant 0 : i32
    %dma_start3A_472 = tpu.memref_slice %arg2[%dma_start3A_470, %add3A_469, %dma_start3A_471] : memref<4x4096x1024xf32, #tpu.memory_space<hbm>> -> memref<1x32x1024xf32, #tpu.memory_space<hbm>>
    %dma_start3A_473 = tpu.memref_squeeze %dma_start3A_472 : memref<1x32x1024xf32, #tpu.memory_space<hbm>> -> memref<32x1024xf32, #tpu.memory_space<hbm>>
    %dma_start3A_474 = arith.constant 0 : i32
    %dma_start3A_475 = tpu.memref_slice %arg2[%dma_start3A_470, %add3A_469, %dma_start3A_474] : memref<4x4096x1024xf32, #tpu.memory_space<hbm>> -> memref<1x32x1024xf32, #tpu.memory_space<hbm>>
    %dma_start3A_476 = tpu.memref_squeeze %dma_start3A_475 : memref<1x32x1024xf32, #tpu.memory_space<hbm>> -> memref<32x1024xf32, #tpu.memory_space<hbm>>
    tpu.enqueue_dma source(%dma_start3A_476 : memref<32x1024xf32, #tpu.memory_space<hbm>>) target(%arg6 : memref<32x1024xf32, #tpu.memory_space<vmem>>) target_semaphore(%arg9 : memref<!tpu.dma_semaphore, #tpu.memory_space<semaphore_mem>>)
    %scan3A_477 = arith.constant 0 : i32
    %scan3A_478 = arith.constant 32 : i32
    %scan3A_479 = arith.addi %scan3A_477, %scan3A_478 : i32
    %scan3A_480 = arith.constant 1 : i32
    scf.for %scan3A_600 = %scan3A_477 to %scan3A_479 step %scan3A_480  : i32 {
      %mul3A_601 = arith.constant 1 : i32
      %mul3A_602 = arith.muli %scan3A_600, %mul3A_601 : i32
      %add3A_603 = arith.constant 0 : i32
      %add3A_604 = arith.addi %add3A_603, %mul3A_602 : i32
      %scan3A_605 = arith.constant 0 : i32
      %scan3A_606 = arith.constant 64 : i32
      %scan3A_607 = arith.addi %scan3A_605, %scan3A_606 : i32
      %scan3A_608 = arith.constant 8 : i32
      scf.for %scan3A_610 = %scan3A_605 to %scan3A_607 step %scan3A_608  : i32 {
        %mul3A_611 = arith.constant 1 : i32
        %mul3A_612 = arith.muli %scan3A_610, %mul3A_611 : i32
        %add3A_613 = arith.constant 0 : i32
        %add3A_614 = arith.addi %add3A_613, %mul3A_612 : i32
        %mul3A_615 = arith.constant 16 : i32
        %mul3A_616 = arith.muli %add3A_614, %mul3A_615 : i32
        %get3A = arith.index_cast %add3A_604 : i32 to index
        %get3A_617 = arith.index_cast %mul3A_616 : i32 to index
        %get3A_618 = tpu.vector_load %arg7[%get3A, %get3A_617] {strides = array<i32>} : memref<32x1024xf32, #tpu.memory_space<vmem>>, vector<1x16xf32>,
        %get3A_619 = vector.shape_cast %get3A_618 : vector<1x16xf32> to vector<16xf32>
        %swap3A = arith.index_cast %add3A_604 : i32 to index
        %swap3A_620 = arith.index_cast %mul3A_616 : i32 to index
        %swap3A_621 = tpu.vector_load %arg5[%swap3A, %swap3A_620] {strides = array<i32>} : memref<32x1024xf32, #tpu.memory_space<vmem>>, vector<1x16xf32>,
        %swap3A_622 = vector.shape_cast %swap3A_621 : vector<1x16xf32> to vector<16xf32>
        %swap3A_623 = vector.shape_cast %get3A_619 : vector<16xf32> to vector<1x16xf32>
        tpu.vector_store %arg5[%swap3A, %swap3A_620], %swap3A_623 {add = true, strides = array<i32>} : memref<32x1024xf32, #tpu.memory_space<vmem>>, vector<1x16xf32>,
        %scan3A_624 = arith.constant 1 : i32
        %scan3A_625 = arith.addi %scan3A_610, %scan3A_624 : i32
        %mul3A_626 = arith.constant 1 : i32
        %mul3A_627 = arith.muli %scan3A_625, %mul3A_626 : i32
        %add3A_628 = arith.constant 0 : i32
        %add3A_629 = arith.addi %add3A_628, %mul3A_627 : i32
        %mul3A_630 = arith.constant 16 : i32
        %mul3A_631 = arith.muli %add3A_629, %mul3A_630 : i32
        %get3A_632 = arith.index_cast %add3A_604 : i32 to index
        %get3A_633 = arith.index_cast %mul3A_631 : i32 to index
        %get3A_634 = tpu.vector_load %arg7[%get3A_632, %get3A_633] {strides = array<i32>} : memref<32x1024xf32, #tpu.memory_space<vmem>>, vector<1x16xf32>,
        %get3A_635 = vector.shape_cast %get3A_634 : vector<1x16xf32> to vector<16xf32>
        %swap3A_636 = arith.index_cast %add3A_604 : i32 to index
        %swap3A_637 = arith.index_cast %mul3A_631 : i32 to index
        %swap3A_638 = tpu.vector_load %arg5[%swap3A_636, %swap3A_637] {strides = array<i32>} : memref<32x1024xf32, #tpu.memory_space<vmem>>, vector<1x16xf32>,
        %swap3A_639 = vector.shape_cast %swap3A_638 : vector<1x16xf32> to vector<16xf32>
        %swap3A_640 = vector.shape_cast %get3A_635 : vector<16xf32> to vector<1x16xf32>
        tpu.vector_store %arg5[%swap3A_636, %swap3A_637], %swap3A_640 {add = true, strides = array<i32>} : memref<32x1024xf32, #tpu.memory_space<vmem>>, vector<1x16xf32>,
        %scan3A_641 = arith.constant 2 : i32
        %scan3A_642 = arith.addi %scan3A_610, %scan3A_641 : i32
        %mul3A_643 = arith.constant 1 : i32
        %mul3A_644 = arith.muli %scan3A_642, %mul3A_643 : i32
        %add3A_645 = arith.constant 0 : i32
        %add3A_646 = arith.addi %add3A_645, %mul3A_644 : i32
        %mul3A_647 = arith.constant 16 : i32
        %mul3A_648 = arith.muli %add3A_646, %mul3A_647 : i32
        %get3A_649 = arith.index_cast %add3A_604 : i32 to index
        %get3A_650 = arith.index_cast %mul3A_648 : i32 to index
        %get3A_651 = tpu.vector_load %arg7[%get3A_649, %get3A_650] {strides = array<i32>} : memref<32x1024xf32, #tpu.memory_space<vmem>>, vector<1x16xf32>,
        %get3A_652 = vector.shape_cast %get3A_651 : vector<1x16xf32> to vector<16xf32>
        %swap3A_653 = arith.index_cast %add3A_604 : i32 to index
        %swap3A_654 = arith.index_cast %mul3A_648 : i32 to index
        %swap3A_655 = tpu.vector_load %arg5[%swap3A_653, %swap3A_654] {strides = array<i32>} : memref<32x1024xf32, #tpu.memory_space<vmem>>, vector<1x16xf32>,
        %swap3A_656 = vector.shape_cast %swap3A_655 : vector<1x16xf32> to vector<16xf32>
        %swap3A_657 = vector.shape_cast %get3A_652 : vector<16xf32> to vector<1x16xf32>
        tpu.vector_store %arg5[%swap3A_653, %swap3A_654], %swap3A_657 {add = true, strides = array<i32>} : memref<32x1024xf32, #tpu.memory_space<vmem>>, vector<1x16xf32>,
        %scan3A_658 = arith.constant 3 : i32
        %scan3A_659 = arith.addi %scan3A_610, %scan3A_658 : i32
        %mul3A_660 = arith.constant 1 : i32
        %mul3A_661 = arith.muli %scan3A_659, %mul3A_660 : i32
        %add3A_662 = arith.constant 0 : i32
        %add3A_663 = arith.addi %add3A_662, %mul3A_661 : i32
        %mul3A_664 = arith.constant 16 : i32
        %mul3A_665 = arith.muli %add3A_663, %mul3A_664 : i32
        %get3A_666 = arith.index_cast %add3A_604 : i32 to index
        %get3A_667 = arith.index_cast %mul3A_665 : i32 to index
        %get3A_668 = tpu.vector_load %arg7[%get3A_666, %get3A_667] {strides = array<i32>} : memref<32x1024xf32, #tpu.memory_space<vmem>>, vector<1x16xf32>,
        %get3A_669 = vector.shape_cast %get3A_668 : vector<1x16xf32> to vector<16xf32>
        %swap3A_670 = arith.index_cast %add3A_604 : i32 to index
        %swap3A_671 = arith.index_cast %mul3A_665 : i32 to index
        %swap3A_672 = tpu.vector_load %arg5[%swap3A_670, %swap3A_671] {strides = array<i32>} : memref<32x1024xf32, #tpu.memory_space<vmem>>, vector<1x16xf32>,
        %swap3A_673 = vector.shape_cast %swap3A_672 : vector<1x16xf32> to vector<16xf32>
        %swap3A_674 = vector.shape_cast %get3A_669 : vector<16xf32> to vector<1x16xf32>
        tpu.vector_store %arg5[%swap3A_670, %swap3A_671], %swap3A_674 {add = true, strides = array<i32>} : memref<32x1024xf32, #tpu.memory_space<vmem>>, vector<1x16xf32>,
        %scan3A_675 = arith.constant 4 : i32
        %scan3A_676 = arith.addi %scan3A_610, %scan3A_675 : i32
        %mul3A_677 = arith.constant 1 : i32
        %mul3A_678 = arith.muli %scan3A_676, %mul3A_677 : i32
        %add3A_679 = arith.constant 0 : i32
        %add3A_680 = arith.addi %add3A_679, %mul3A_678 : i32
        %mul3A_681 = arith.constant 16 : i32
        %mul3A_682 = arith.muli %add3A_680, %mul3A_681 : i32
        %get3A_683 = arith.index_cast %add3A_604 : i32 to index
        %get3A_684 = arith.index_cast %mul3A_682 : i32 to index
        %get3A_685 = tpu.vector_load %arg7[%get3A_683, %get3A_684] {strides = array<i32>} : memref<32x1024xf32, #tpu.memory_space<vmem>>, vector<1x16xf32>,
        %get3A_686 = vector.shape_cast %get3A_685 : vector<1x16xf32> to vector<16xf32>
        %swap3A_687 = arith.index_cast %add3A_604 : i32 to index
        %swap3A_688 = arith.index_cast %mul3A_682 : i32 to index
        %swap3A_689 = tpu.vector_load %arg5[%swap3A_687, %swap3A_688] {strides = array<i32>} : memref<32x1024xf32, #tpu.memory_space<vmem>>, vector<1x16xf32>,
        %swap3A_690 = vector.shape_cast %swap3A_689 : vector<1x16xf32> to vector<16xf32>
        %swap3A_691 = vector.shape_cast %get3A_686 : vector<16xf32> to vector<1x16xf32>
        tpu.vector_store %arg5[%swap3A_687, %swap3A_688], %swap3A_691 {add = true, strides = array<i32>} : memref<32x1024xf32, #tpu.memory_space<vmem>>, vector<1x16xf32>,
        %scan3A_692 = arith.constant 5 : i32
        %scan3A_693 = arith.addi %scan3A_610, %scan3A_692 : i32
        %mul3A_694 = arith.constant 1 : i32
        %mul3A_695 = arith.muli %scan3A_693, %mul3A_694 : i32
        %add3A_696 = arith.constant 0 : i32
        %add3A_697 = arith.addi %add3A_696, %mul3A_695 : i32
        %mul3A_698 = arith.constant 16 : i32
        %mul3A_699 = arith.muli %add3A_697, %mul3A_698 : i32
        %get3A_700 = arith.index_cast %add3A_604 : i32 to index
        %get3A_701 = arith.index_cast %mul3A_699 : i32 to index
        %get3A_702 = tpu.vector_load %arg7[%get3A_700, %get3A_701] {strides = array<i32>} : memref<32x1024xf32, #tpu.memory_space<vmem>>, vector<1x16xf32>,
        %get3A_703 = vector.shape_cast %get3A_702 : vector<1x16xf32> to vector<16xf32>
        %swap3A_704 = arith.index_cast %add3A_604 : i32 to index
        %swap3A_705 = arith.index_cast %mul3A_699 : i32 to index
        %swap3A_706 = tpu.vector_load %arg5[%swap3A_704, %swap3A_705] {strides = array<i32>} : memref<32x1024xf32, #tpu.memory_space<vmem>>, vector<1x16xf32>,
        %swap3A_707 = vector.shape_cast %swap3A_706 : vector<1x16xf32> to vector<16xf32>
        %swap3A_708 = vector.shape_cast %get3A_703 : vector<16xf32> to vector<1x16xf32>
        tpu.vector_store %arg5[%swap3A_704, %swap3A_705], %swap3A_708 {add = true, strides = array<i32>} : memref<32x1024xf32, #tpu.memory_space<vmem>>, vector<1x16xf32>,
        %scan3A_709 = arith.constant 6 : i32
        %scan3A_710 = arith.addi %scan3A_610, %scan3A_709 : i32
        %mul3A_711 = arith.constant 1 : i32
        %mul3A_712 = arith.muli %scan3A_710, %mul3A_711 : i32
        %add3A_713 = arith.constant 0 : i32
        %add3A_714 = arith.addi %add3A_713, %mul3A_712 : i32
        %mul3A_715 = arith.constant 16 : i32
        %mul3A_716 = arith.muli %add3A_714, %mul3A_715 : i32
        %get3A_717 = arith.index_cast %add3A_604 : i32 to index
        %get3A_718 = arith.index_cast %mul3A_716 : i32 to index
        %get3A_719 = tpu.vector_load %arg7[%get3A_717, %get3A_718] {strides = array<i32>} : memref<32x1024xf32, #tpu.memory_space<vmem>>, vector<1x16xf32>,
        %get3A_720 = vector.shape_cast %get3A_719 : vector<1x16xf32> to vector<16xf32>
        %swap3A_721 = arith.index_cast %add3A_604 : i32 to index
        %swap3A_722 = arith.index_cast %mul3A_716 : i32 to index
        %swap3A_723 = tpu.vector_load %arg5[%swap3A_721, %swap3A_722] {strides = array<i32>} : memref<32x1024xf32, #tpu.memory_space<vmem>>, vector<1x16xf32>,
        %swap3A_724 = vector.shape_cast %swap3A_723 : vector<1x16xf32> to vector<16xf32>
        %swap3A_725 = vector.shape_cast %get3A_720 : vector<16xf32> to vector<1x16xf32>
        tpu.vector_store %arg5[%swap3A_721, %swap3A_722], %swap3A_725 {add = true, strides = array<i32>} : memref<32x1024xf32, #tpu.memory_space<vmem>>, vector<1x16xf32>,
        %scan3A_726 = arith.constant 7 : i32
        %scan3A_727 = arith.addi %scan3A_610, %scan3A_726 : i32
        %mul3A_728 = arith.constant 1 : i32
        %mul3A_729 = arith.muli %scan3A_727, %mul3A_728 : i32
        %add3A_730 = arith.constant 0 : i32
        %add3A_731 = arith.addi %add3A_730, %mul3A_729 : i32
        %mul3A_732 = arith.constant 16 : i32
        %mul3A_733 = arith.muli %add3A_731, %mul3A_732 : i32
        %get3A_734 = arith.index_cast %add3A_604 : i32 to index
        %get3A_735 = arith.index_cast %mul3A_733 : i32 to index
        %get3A_736 = tpu.vector_load %arg7[%get3A_734, %get3A_735] {strides = array<i32>} : memref<32x1024xf32, #tpu.memory_space<vmem>>, vector<1x16xf32>,
        %get3A_737 = vector.shape_cast %get3A_736 : vector<1x16xf32> to vector<16xf32>
        %swap3A_738 = arith.index_cast %add3A_604 : i32 to index
        %swap3A_739 = arith.index_cast %mul3A_733 : i32 to index
        %swap3A_740 = tpu.vector_load %arg5[%swap3A_738, %swap3A_739] {strides = array<i32>} : memref<32x1024xf32, #tpu.memory_space<vmem>>, vector<1x16xf32>,
        %swap3A_741 = vector.shape_cast %swap3A_740 : vector<1x16xf32> to vector<16xf32>
        %swap3A_742 = vector.shape_cast %get3A_737 : vector<16xf32> to vector<1x16xf32>
        tpu.vector_store %arg5[%swap3A_738, %swap3A_739], %swap3A_742 {add = true, strides = array<i32>} : memref<32x1024xf32, #tpu.memory_space<vmem>>, vector<1x16xf32>,
      }
      %scan3A_609 = arith.constant 64 : i32
    }
    %scan3A_481 = arith.constant 32 : i32
    %add3A_482 = arith.constant 96 : i32
    %add3A_483 = arith.addi %mul3A_2, %add3A_482 : i32
    %dma_start3A_484 = arith.constant 0 : i32
    %dma_start3A_485 = arith.constant 0 : i32
    %dma_start3A_486 = tpu.memref_slice %arg4[%dma_start3A_484, %add3A_483, %dma_start3A_485] : memref<4x4096x1024xf32, #tpu.memory_space<hbm>> -> memref<1x32x1024xf32, #tpu.memory_space<hbm>>
    %dma_start3A_487 = tpu.memref_squeeze %dma_start3A_486 : memref<1x32x1024xf32, #tpu.memory_space<hbm>> -> memref<32x1024xf32, #tpu.memory_space<hbm>>
    %dma_start3A_488 = arith.constant 0 : i32
    %dma_start3A_489 = tpu.memref_slice %arg4[%dma_start3A_484, %add3A_483, %dma_start3A_488] : memref<4x4096x1024xf32, #tpu.memory_space<hbm>> -> memref<1x32x1024xf32, #tpu.memory_space<hbm>>
    %dma_start3A_490 = tpu.memref_squeeze %dma_start3A_489 : memref<1x32x1024xf32, #tpu.memory_space<hbm>> -> memref<32x1024xf32, #tpu.memory_space<hbm>>
    tpu.enqueue_dma source(%arg5 : memref<32x1024xf32, #tpu.memory_space<vmem>>) target(%dma_start3A_490 : memref<32x1024xf32, #tpu.memory_space<hbm>>) target_semaphore(%arg10 : memref<!tpu.dma_semaphore, #tpu.memory_space<semaphore_mem>>)
    %dma_wait3A_491 = arith.constant 1 : i32
    %dma_wait3A_492 = arith.constant 0 : i32
    %dma_wait3A_493 = tpu.memref_slice %arg2[%dma_wait3A_491, %add3A_469, %dma_wait3A_492] : memref<4x4096x1024xf32, #tpu.memory_space<hbm>> -> memref<1x32x1024xf32, #tpu.memory_space<hbm>>
    %dma_wait3A_494 = tpu.memref_squeeze %dma_wait3A_493 : memref<1x32x1024xf32, #tpu.memory_space<hbm>> -> memref<32x1024xf32, #tpu.memory_space<hbm>>
    %dma_wait3A_495 = arith.constant 0 : i32
    %dma_wait3A_496 = tpu.memref_slice %arg2[%dma_wait3A_491, %add3A_469, %dma_wait3A_495] : memref<4x4096x1024xf32, #tpu.memory_space<hbm>> -> memref<1x32x1024xf32, #tpu.memory_space<hbm>>
    %dma_wait3A_497 = tpu.memref_squeeze %dma_wait3A_496 : memref<1x32x1024xf32, #tpu.memory_space<hbm>> -> memref<32x1024xf32, #tpu.memory_space<hbm>>
    tpu.wait_dma2 semaphore(%arg9 : memref<!tpu.dma_semaphore, #tpu.memory_space<semaphore_mem>>) src(%dma_wait3A_497 : memref<32x1024xf32, #tpu.memory_space<hbm>>) dst(%arg6 : memref<32x1024xf32, #tpu.memory_space<vmem>>)
    %dma_wait3A_498 = arith.constant 0 : i32
    %dma_wait3A_499 = arith.constant 0 : i32
    %dma_wait3A_500 = tpu.memref_slice %arg4[%dma_wait3A_498, %add3A_483, %dma_wait3A_499] : memref<4x4096x1024xf32, #tpu.memory_space<hbm>> -> memref<1x32x1024xf32, #tpu.memory_space<hbm>>
    %dma_wait3A_501 = tpu.memref_squeeze %dma_wait3A_500 : memref<1x32x1024xf32, #tpu.memory_space<hbm>> -> memref<32x1024xf32, #tpu.memory_space<hbm>>
    %dma_wait3A_502 = arith.constant 0 : i32
    %dma_wait3A_503 = tpu.memref_slice %arg4[%dma_wait3A_498, %add3A_483, %dma_wait3A_502] : memref<4x4096x1024xf32, #tpu.memory_space<hbm>> -> memref<1x32x1024xf32, #tpu.memory_space<hbm>>
    %dma_wait3A_504 = tpu.memref_squeeze %dma_wait3A_503 : memref<1x32x1024xf32, #tpu.memory_space<hbm>> -> memref<32x1024xf32, #tpu.memory_space<hbm>>
    tpu.wait_dma2 semaphore(%arg10 : memref<!tpu.dma_semaphore, #tpu.memory_space<semaphore_mem>>) src(%arg5 : memref<32x1024xf32, #tpu.memory_space<vmem>>) dst(%dma_wait3A_504 : memref<32x1024xf32, #tpu.memory_space<hbm>>)
    %add3A_505 = arith.constant 96 : i32
    %add3A_506 = arith.addi %mul3A_2, %add3A_505 : i32
    %dma_start3A_507 = arith.constant 2 : i32
    %dma_start3A_508 = arith.constant 0 : i32
    %dma_start3A_509 = tpu.memref_slice %arg2[%dma_start3A_507, %add3A_506, %dma_start3A_508] : memref<4x4096x1024xf32, #tpu.memory_space<hbm>> -> memref<1x32x1024xf32, #tpu.memory_space<hbm>>
    %dma_start3A_510 = tpu.memref_squeeze %dma_start3A_509 : memref<1x32x1024xf32, #tpu.memory_space<hbm>> -> memref<32x1024xf32, #tpu.memory_space<hbm>>
    %dma_start3A_511 = arith.constant 0 : i32
    %dma_start3A_512 = tpu.memref_slice %arg2[%dma_start3A_507, %add3A_506, %dma_start3A_511] : memref<4x4096x1024xf32, #tpu.memory_space<hbm>> -> memref<1x32x1024xf32, #tpu.memory_space<hbm>>
    %dma_start3A_513 = tpu.memref_squeeze %dma_start3A_512 : memref<1x32x1024xf32, #tpu.memory_space<hbm>> -> memref<32x1024xf32, #tpu.memory_space<hbm>>
    tpu.enqueue_dma source(%dma_start3A_513 : memref<32x1024xf32, #tpu.memory_space<hbm>>) target(%arg5 : memref<32x1024xf32, #tpu.memory_space<vmem>>) target_semaphore(%arg8 : memref<!tpu.dma_semaphore, #tpu.memory_space<semaphore_mem>>)
    %scan3A_514 = arith.constant 0 : i32
    %scan3A_515 = arith.constant 32 : i32
    %scan3A_516 = arith.addi %scan3A_514, %scan3A_515 : i32
    %scan3A_517 = arith.constant 1 : i32
    scf.for %scan3A_600 = %scan3A_514 to %scan3A_516 step %scan3A_517  : i32 {
      %mul3A_601 = arith.constant 1 : i32
      %mul3A_602 = arith.muli %scan3A_600, %mul3A_601 : i32
      %add3A_603 = arith.constant 0 : i32
      %add3A_604 = arith.addi %add3A_603, %mul3A_602 : i32
      %scan3A_605 = arith.constant 0 : i32
      %scan3A_606 = arith.constant 64 : i32
      %scan3A_607 = arith.addi %scan3A_605, %scan3A_606 : i32
      %scan3A_608 = arith.constant 8 : i32
      scf.for %scan3A_610 = %scan3A_605 to %scan3A_607 step %scan3A_608  : i32 {
        %mul3A_611 = arith.constant 1 : i32
        %mul3A_612 = arith.muli %scan3A_610, %mul3A_611 : i32
        %add3A_613 = arith.constant 0 : i32
        %add3A_614 = arith.addi %add3A_613, %mul3A_612 : i32
        %mul3A_615 = arith.constant 16 : i32
        %mul3A_616 = arith.muli %add3A_614, %mul3A_615 : i32
        %get3A = arith.index_cast %add3A_604 : i32 to index
        %get3A_617 = arith.index_cast %mul3A_616 : i32 to index
        %get3A_618 = tpu.vector_load %arg7[%get3A, %get3A_617] {strides = array<i32>} : memref<32x1024xf32, #tpu.memory_space<vmem>>, vector<1x16xf32>,
        %get3A_619 = vector.shape_cast %get3A_618 : vector<1x16xf32> to vector<16xf32>
        %swap3A = arith.index_cast %add3A_604 : i32 to index
        %swap3A_620 = arith.index_cast %mul3A_616 : i32 to index
        %swap3A_621 = tpu.vector_load %arg6[%swap3A, %swap3A_620] {strides = array<i32>} : memref<32x1024xf32, #tpu.memory_space<vmem>>, vector<1x16xf32>,
        %swap3A_622 = vector.shape_cast %swap3A_621 : vector<1x16xf32> to vector<16xf32>
        %swap3A_623 = vector.shape_cast %get3A_619 : vector<16xf32> to vector<1x16xf32>
        tpu.vector_store %arg6[%swap3A, %swap3A_620], %swap3A_623 {add = true, strides = array<i32>} : memref<32x1024xf32, #tpu.memory_space<vmem>>, vector<1x16xf32>,
        %scan3A_624 = arith.constant 1 : i32
        %scan3A_625 = arith.addi %scan3A_610, %scan3A_624 : i32
        %mul3A_626 = arith.constant 1 : i32
        %mul3A_627 = arith.muli %scan3A_625, %mul3A_626 : i32
        %add3A_628 = arith.constant 0 : i32
        %add3A_629 = arith.addi %add3A_628, %mul3A_627 : i32
        %mul3A_630 = arith.constant 16 : i32
        %mul3A_631 = arith.muli %add3A_629, %mul3A_630 : i32
        %get3A_632 = arith.index_cast %add3A_604 : i32 to index
        %get3A_633 = arith.index_cast %mul3A_631 : i32 to index
        %get3A_634 = tpu.vector_load %arg7[%get3A_632, %get3A_633] {strides = array<i32>} : memref<32x1024xf32, #tpu.memory_space<vmem>>, vector<1x16xf32>,
        %get3A_635 = vector.shape_cast %get3A_634 : vector<1x16xf32> to vector<16xf32>
        %swap3A_636 = arith.index_cast %add3A_604 : i32 to index
        %swap3A_637 = arith.index_cast %mul3A_631 : i32 to index
        %swap3A_638 = tpu.vector_load %arg6[%swap3A_636, %swap3A_637] {strides = array<i32>} : memref<32x1024xf32, #tpu.memory_space<vmem>>, vector<1x16xf32>,
        %swap3A_639 = vector.shape_cast %swap3A_638 : vector<1x16xf32> to vector<16xf32>
        %swap3A_640 = vector.shape_cast %get3A_635 : vector<16xf32> to vector<1x16xf32>
        tpu.vector_store %arg6[%swap3A_636, %swap3A_637], %swap3A_640 {add = true, strides = array<i32>} : memref<32x1024xf32, #tpu.memory_space<vmem>>, vector<1x16xf32>,
        %scan3A_641 = arith.constant 2 : i32
        %scan3A_642 = arith.addi %scan3A_610, %scan3A_641 : i32
        %mul3A_643 = arith.constant 1 : i32
        %mul3A_644 = arith.muli %scan3A_642, %mul3A_643 : i32
        %add3A_645 = arith.constant 0 : i32
        %add3A_646 = arith.addi %add3A_645, %mul3A_644 : i32
        %mul3A_647 = arith.constant 16 : i32
        %mul3A_648 = arith.muli %add3A_646, %mul3A_647 : i32
        %get3A_649 = arith.index_cast %add3A_604 : i32 to index
        %get3A_650 = arith.index_cast %mul3A_648 : i32 to index
        %get3A_651 = tpu.vector_load %arg7[%get3A_649, %get3A_650] {strides = array<i32>} : memref<32x1024xf32, #tpu.memory_space<vmem>>, vector<1x16xf32>,
        %get3A_652 = vector.shape_cast %get3A_651 : vector<1x16xf32> to vector<16xf32>
        %swap3A_653 = arith.index_cast %add3A_604 : i32 to index
        %swap3A_654 = arith.index_cast %mul3A_648 : i32 to index
        %swap3A_655 = tpu.vector_load %arg6[%swap3A_653, %swap3A_654] {strides = array<i32>} : memref<32x1024xf32, #tpu.memory_space<vmem>>, vector<1x16xf32>,
        %swap3A_656 = vector.shape_cast %swap3A_655 : vector<1x16xf32> to vector<16xf32>
        %swap3A_657 = vector.shape_cast %get3A_652 : vector<16xf32> to vector<1x16xf32>
        tpu.vector_store %arg6[%swap3A_653, %swap3A_654], %swap3A_657 {add = true, strides = array<i32>} : memref<32x1024xf32, #tpu.memory_space<vmem>>, vector<1x16xf32>,
        %scan3A_658 = arith.constant 3 : i32
        %scan3A_659 = arith.addi %scan3A_610, %scan3A_658 : i32
        %mul3A_660 = arith.constant 1 : i32
        %mul3A_661 = arith.muli %scan3A_659, %mul3A_660 : i32
        %add3A_662 = arith.constant 0 : i32
        %add3A_663 = arith.addi %add3A_662, %mul3A_661 : i32
        %mul3A_664 = arith.constant 16 : i32
        %mul3A_665 = arith.muli %add3A_663, %mul3A_664 : i32
        %get3A_666 = arith.index_cast %add3A_604 : i32 to index
        %get3A_667 = arith.index_cast %mul3A_665 : i32 to index
        %get3A_668 = tpu.vector_load %arg7[%get3A_666, %get3A_667] {strides = array<i32>} : memref<32x1024xf32, #tpu.memory_space<vmem>>, vector<1x16xf32>,
        %get3A_669 = vector.shape_cast %get3A_668 : vector<1x16xf32> to vector<16xf32>
        %swap3A_670 = arith.index_cast %add3A_604 : i32 to index
        %swap3A_671 = arith.index_cast %mul3A_665 : i32 to index
        %swap3A_672 = tpu.vector_load %arg6[%swap3A_670, %swap3A_671] {strides = array<i32>} : memref<32x1024xf32, #tpu.memory_space<vmem>>, vector<1x16xf32>,
        %swap3A_673 = vector.shape_cast %swap3A_672 : vector<1x16xf32> to vector<16xf32>
        %swap3A_674 = vector.shape_cast %get3A_669 : vector<16xf32> to vector<1x16xf32>
        tpu.vector_store %arg6[%swap3A_670, %swap3A_671], %swap3A_674 {add = true, strides = array<i32>} : memref<32x1024xf32, #tpu.memory_space<vmem>>, vector<1x16xf32>,
        %scan3A_675 = arith.constant 4 : i32
        %scan3A_676 = arith.addi %scan3A_610, %scan3A_675 : i32
        %mul3A_677 = arith.constant 1 : i32
        %mul3A_678 = arith.muli %scan3A_676, %mul3A_677 : i32
        %add3A_679 = arith.constant 0 : i32
        %add3A_680 = arith.addi %add3A_679, %mul3A_678 : i32
        %mul3A_681 = arith.constant 16 : i32
        %mul3A_682 = arith.muli %add3A_680, %mul3A_681 : i32
        %get3A_683 = arith.index_cast %add3A_604 : i32 to index
        %get3A_684 = arith.index_cast %mul3A_682 : i32 to index
        %get3A_685 = tpu.vector_load %arg7[%get3A_683, %get3A_684] {strides = array<i32>} : memref<32x1024xf32, #tpu.memory_space<vmem>>, vector<1x16xf32>,
        %get3A_686 = vector.shape_cast %get3A_685 : vector<1x16xf32> to vector<16xf32>
        %swap3A_687 = arith.index_cast %add3A_604 : i32 to index
        %swap3A_688 = arith.index_cast %mul3A_682 : i32 to index
        %swap3A_689 = tpu.vector_load %arg6[%swap3A_687, %swap3A_688] {strides = array<i32>} : memref<32x1024xf32, #tpu.memory_space<vmem>>, vector<1x16xf32>,
        %swap3A_690 = vector.shape_cast %swap3A_689 : vector<1x16xf32> to vector<16xf32>
        %swap3A_691 = vector.shape_cast %get3A_686 : vector<16xf32> to vector<1x16xf32>
        tpu.vector_store %arg6[%swap3A_687, %swap3A_688], %swap3A_691 {add = true, strides = array<i32>} : memref<32x1024xf32, #tpu.memory_space<vmem>>, vector<1x16xf32>,
        %scan3A_692 = arith.constant 5 : i32
        %scan3A_693 = arith.addi %scan3A_610, %scan3A_692 : i32
        %mul3A_694 = arith.constant 1 : i32
        %mul3A_695 = arith.muli %scan3A_693, %mul3A_694 : i32
        %add3A_696 = arith.constant 0 : i32
        %add3A_697 = arith.addi %add3A_696, %mul3A_695 : i32
        %mul3A_698 = arith.constant 16 : i32
        %mul3A_699 = arith.muli %add3A_697, %mul3A_698 : i32
        %get3A_700 = arith.index_cast %add3A_604 : i32 to index
        %get3A_701 = arith.index_cast %mul3A_699 : i32 to index
        %get3A_702 = tpu.vector_load %arg7[%get3A_700, %get3A_701] {strides = array<i32>} : memref<32x1024xf32, #tpu.memory_space<vmem>>, vector<1x16xf32>,
        %get3A_703 = vector.shape_cast %get3A_702 : vector<1x16xf32> to vector<16xf32>
        %swap3A_704 = arith.index_cast %add3A_604 : i32 to index
        %swap3A_705 = arith.index_cast %mul3A_699 : i32 to index
        %swap3A_706 = tpu.vector_load %arg6[%swap3A_704, %swap3A_705] {strides = array<i32>} : memref<32x1024xf32, #tpu.memory_space<vmem>>, vector<1x16xf32>,
        %swap3A_707 = vector.shape_cast %swap3A_706 : vector<1x16xf32> to vector<16xf32>
        %swap3A_708 = vector.shape_cast %get3A_703 : vector<16xf32> to vector<1x16xf32>
        tpu.vector_store %arg6[%swap3A_704, %swap3A_705], %swap3A_708 {add = true, strides = array<i32>} : memref<32x1024xf32, #tpu.memory_space<vmem>>, vector<1x16xf32>,
        %scan3A_709 = arith.constant 6 : i32
        %scan3A_710 = arith.addi %scan3A_610, %scan3A_709 : i32
        %mul3A_711 = arith.constant 1 : i32
        %mul3A_712 = arith.muli %scan3A_710, %mul3A_711 : i32
        %add3A_713 = arith.constant 0 : i32
        %add3A_714 = arith.addi %add3A_713, %mul3A_712 : i32
        %mul3A_715 = arith.constant 16 : i32
        %mul3A_716 = arith.muli %add3A_714, %mul3A_715 : i32
        %get3A_717 = arith.index_cast %add3A_604 : i32 to index
        %get3A_718 = arith.index_cast %mul3A_716 : i32 to index
        %get3A_719 = tpu.vector_load %arg7[%get3A_717, %get3A_718] {strides = array<i32>} : memref<32x1024xf32, #tpu.memory_space<vmem>>, vector<1x16xf32>,
        %get3A_720 = vector.shape_cast %get3A_719 : vector<1x16xf32> to vector<16xf32>
        %swap3A_721 = arith.index_cast %add3A_604 : i32 to index
        %swap3A_722 = arith.index_cast %mul3A_716 : i32 to index
        %swap3A_723 = tpu.vector_load %arg6[%swap3A_721, %swap3A_722] {strides = array<i32>} : memref<32x1024xf32, #tpu.memory_space<vmem>>, vector<1x16xf32>,
        %swap3A_724 = vector.shape_cast %swap3A_723 : vector<1x16xf32> to vector<16xf32>
        %swap3A_725 = vector.shape_cast %get3A_720 : vector<16xf32> to vector<1x16xf32>
        tpu.vector_store %arg6[%swap3A_721, %swap3A_722], %swap3A_725 {add = true, strides = array<i32>} : memref<32x1024xf32, #tpu.memory_space<vmem>>, vector<1x16xf32>,
        %scan3A_726 = arith.constant 7 : i32
        %scan3A_727 = arith.addi %scan3A_610, %scan3A_726 : i32
        %mul3A_728 = arith.constant 1 : i32
        %mul3A_729 = arith.muli %scan3A_727, %mul3A_728 : i32
        %add3A_730 = arith.constant 0 : i32
        %add3A_731 = arith.addi %add3A_730, %mul3A_729 : i32
        %mul3A_732 = arith.constant 16 : i32
        %mul3A_733 = arith.muli %add3A_731, %mul3A_732 : i32
        %get3A_734 = arith.index_cast %add3A_604 : i32 to index
        %get3A_735 = arith.index_cast %mul3A_733 : i32 to index
        %get3A_736 = tpu.vector_load %arg7[%get3A_734, %get3A_735] {strides = array<i32>} : memref<32x1024xf32, #tpu.memory_space<vmem>>, vector<1x16xf32>,
        %get3A_737 = vector.shape_cast %get3A_736 : vector<1x16xf32> to vector<16xf32>
        %swap3A_738 = arith.index_cast %add3A_604 : i32 to index
        %swap3A_739 = arith.index_cast %mul3A_733 : i32 to index
        %swap3A_740 = tpu.vector_load %arg6[%swap3A_738, %swap3A_739] {strides = array<i32>} : memref<32x1024xf32, #tpu.memory_space<vmem>>, vector<1x16xf32>,
        %swap3A_741 = vector.shape_cast %swap3A_740 : vector<1x16xf32> to vector<16xf32>
        %swap3A_742 = vector.shape_cast %get3A_737 : vector<16xf32> to vector<1x16xf32>
        tpu.vector_store %arg6[%swap3A_738, %swap3A_739], %swap3A_742 {add = true, strides = array<i32>} : memref<32x1024xf32, #tpu.memory_space<vmem>>, vector<1x16xf32>,
      }
      %scan3A_609 = arith.constant 64 : i32
    }
    %scan3A_518 = arith.constant 32 : i32
    %add3A_519 = arith.constant 96 : i32
    %add3A_520 = arith.addi %mul3A_2, %add3A_519 : i32
    %dma_start3A_521 = arith.constant 1 : i32
    %dma_start3A_522 = arith.constant 0 : i32
    %dma_start3A_523 = tpu.memref_slice %arg4[%dma_start3A_521, %add3A_520, %dma_start3A_522] : memref<4x4096x1024xf32, #tpu.memory_space<hbm>> -> memref<1x32x1024xf32, #tpu.memory_space<hbm>>
    %dma_start3A_524 = tpu.memref_squeeze %dma_start3A_523 : memref<1x32x1024xf32, #tpu.memory_space<hbm>> -> memref<32x1024xf32, #tpu.memory_space<hbm>>
    %dma_start3A_525 = arith.constant 0 : i32
    %dma_start3A_526 = tpu.memref_slice %arg4[%dma_start3A_521, %add3A_520, %dma_start3A_525] : memref<4x4096x1024xf32, #tpu.memory_space<hbm>> -> memref<1x32x1024xf32, #tpu.memory_space<hbm>>
    %dma_start3A_527 = tpu.memref_squeeze %dma_start3A_526 : memref<1x32x1024xf32, #tpu.memory_space<hbm>> -> memref<32x1024xf32, #tpu.memory_space<hbm>>
    tpu.enqueue_dma source(%arg6 : memref<32x1024xf32, #tpu.memory_space<vmem>>) target(%dma_start3A_527 : memref<32x1024xf32, #tpu.memory_space<hbm>>) target_semaphore(%arg11 : memref<!tpu.dma_semaphore, #tpu.memory_space<semaphore_mem>>)
    %dma_wait3A_528 = arith.constant 2 : i32
    %dma_wait3A_529 = arith.constant 0 : i32
    %dma_wait3A_530 = tpu.memref_slice %arg2[%dma_wait3A_528, %add3A_506, %dma_wait3A_529] : memref<4x4096x1024xf32, #tpu.memory_space<hbm>> -> memref<1x32x1024xf32, #tpu.memory_space<hbm>>
    %dma_wait3A_531 = tpu.memref_squeeze %dma_wait3A_530 : memref<1x32x1024xf32, #tpu.memory_space<hbm>> -> memref<32x1024xf32, #tpu.memory_space<hbm>>
    %dma_wait3A_532 = arith.constant 0 : i32
    %dma_wait3A_533 = tpu.memref_slice %arg2[%dma_wait3A_528, %add3A_506, %dma_wait3A_532] : memref<4x4096x1024xf32, #tpu.memory_space<hbm>> -> memref<1x32x1024xf32, #tpu.memory_space<hbm>>
    %dma_wait3A_534 = tpu.memref_squeeze %dma_wait3A_533 : memref<1x32x1024xf32, #tpu.memory_space<hbm>> -> memref<32x1024xf32, #tpu.memory_space<hbm>>
    tpu.wait_dma2 semaphore(%arg8 : memref<!tpu.dma_semaphore, #tpu.memory_space<semaphore_mem>>) src(%dma_wait3A_534 : memref<32x1024xf32, #tpu.memory_space<hbm>>) dst(%arg5 : memref<32x1024xf32, #tpu.memory_space<vmem>>)
    %dma_wait3A_535 = arith.constant 1 : i32
    %dma_wait3A_536 = arith.constant 0 : i32
    %dma_wait3A_537 = tpu.memref_slice %arg4[%dma_wait3A_535, %add3A_520, %dma_wait3A_536] : memref<4x4096x1024xf32, #tpu.memory_space<hbm>> -> memref<1x32x1024xf32, #tpu.memory_space<hbm>>
    %dma_wait3A_538 = tpu.memref_squeeze %dma_wait3A_537 : memref<1x32x1024xf32, #tpu.memory_space<hbm>> -> memref<32x1024xf32, #tpu.memory_space<hbm>>
    %dma_wait3A_539 = arith.constant 0 : i32
    %dma_wait3A_540 = tpu.memref_slice %arg4[%dma_wait3A_535, %add3A_520, %dma_wait3A_539] : memref<4x4096x1024xf32, #tpu.memory_space<hbm>> -> memref<1x32x1024xf32, #tpu.memory_space<hbm>>
    %dma_wait3A_541 = tpu.memref_squeeze %dma_wait3A_540 : memref<1x32x1024xf32, #tpu.memory_space<hbm>> -> memref<32x1024xf32, #tpu.memory_space<hbm>>
    tpu.wait_dma2 semaphore(%arg11 : memref<!tpu.dma_semaphore, #tpu.memory_space<semaphore_mem>>) src(%arg6 : memref<32x1024xf32, #tpu.memory_space<vmem>>) dst(%dma_wait3A_541 : memref<32x1024xf32, #tpu.memory_space<hbm>>)
    %add3A_542 = arith.constant 96 : i32
    %add3A_543 = arith.addi %mul3A_2, %add3A_542 : i32
    %dma_start3A_544 = arith.constant 3 : i32
    %dma_start3A_545 = arith.constant 0 : i32
    %dma_start3A_546 = tpu.memref_slice %arg2[%dma_start3A_544, %add3A_543, %dma_start3A_545] : memref<4x4096x1024xf32, #tpu.memory_space<hbm>> -> memref<1x32x1024xf32, #tpu.memory_space<hbm>>
    %dma_start3A_547 = tpu.memref_squeeze %dma_start3A_546 : memref<1x32x1024xf32, #tpu.memory_space<hbm>> -> memref<32x1024xf32, #tpu.memory_space<hbm>>
    %dma_start3A_548 = arith.constant 0 : i32
    %dma_start3A_549 = tpu.memref_slice %arg2[%dma_start3A_544, %add3A_543, %dma_start3A_548] : memref<4x4096x1024xf32, #tpu.memory_space<hbm>> -> memref<1x32x1024xf32, #tpu.memory_space<hbm>>
    %dma_start3A_550 = tpu.memref_squeeze %dma_start3A_549 : memref<1x32x1024xf32, #tpu.memory_space<hbm>> -> memref<32x1024xf32, #tpu.memory_space<hbm>>
    tpu.enqueue_dma source(%dma_start3A_550 : memref<32x1024xf32, #tpu.memory_space<hbm>>) target(%arg6 : memref<32x1024xf32, #tpu.memory_space<vmem>>) target_semaphore(%arg9 : memref<!tpu.dma_semaphore, #tpu.memory_space<semaphore_mem>>)
    %scan3A_551 = arith.constant 0 : i32
    %scan3A_552 = arith.constant 32 : i32
    %scan3A_553 = arith.addi %scan3A_551, %scan3A_552 : i32
    %scan3A_554 = arith.constant 1 : i32
    scf.for %scan3A_600 = %scan3A_551 to %scan3A_553 step %scan3A_554  : i32 {
      %mul3A_601 = arith.constant 1 : i32
      %mul3A_602 = arith.muli %scan3A_600, %mul3A_601 : i32
      %add3A_603 = arith.constant 0 : i32
      %add3A_604 = arith.addi %add3A_603, %mul3A_602 : i32
      %scan3A_605 = arith.constant 0 : i32
      %scan3A_606 = arith.constant 64 : i32
      %scan3A_607 = arith.addi %scan3A_605, %scan3A_606 : i32
      %scan3A_608 = arith.constant 8 : i32
      scf.for %scan3A_610 = %scan3A_605 to %scan3A_607 step %scan3A_608  : i32 {
        %mul3A_611 = arith.constant 1 : i32
        %mul3A_612 = arith.muli %scan3A_610, %mul3A_611 : i32
        %add3A_613 = arith.constant 0 : i32
        %add3A_614 = arith.addi %add3A_613, %mul3A_612 : i32
        %mul3A_615 = arith.constant 16 : i32
        %mul3A_616 = arith.muli %add3A_614, %mul3A_615 : i32
        %get3A = arith.index_cast %add3A_604 : i32 to index
        %get3A_617 = arith.index_cast %mul3A_616 : i32 to index
        %get3A_618 = tpu.vector_load %arg7[%get3A, %get3A_617] {strides = array<i32>} : memref<32x1024xf32, #tpu.memory_space<vmem>>, vector<1x16xf32>,
        %get3A_619 = vector.shape_cast %get3A_618 : vector<1x16xf32> to vector<16xf32>
        %swap3A = arith.index_cast %add3A_604 : i32 to index
        %swap3A_620 = arith.index_cast %mul3A_616 : i32 to index
        %swap3A_621 = tpu.vector_load %arg5[%swap3A, %swap3A_620] {strides = array<i32>} : memref<32x1024xf32, #tpu.memory_space<vmem>>, vector<1x16xf32>,
        %swap3A_622 = vector.shape_cast %swap3A_621 : vector<1x16xf32> to vector<16xf32>
        %swap3A_623 = vector.shape_cast %get3A_619 : vector<16xf32> to vector<1x16xf32>
        tpu.vector_store %arg5[%swap3A, %swap3A_620], %swap3A_623 {add = true, strides = array<i32>} : memref<32x1024xf32, #tpu.memory_space<vmem>>, vector<1x16xf32>,
        %scan3A_624 = arith.constant 1 : i32
        %scan3A_625 = arith.addi %scan3A_610, %scan3A_624 : i32
        %mul3A_626 = arith.constant 1 : i32
        %mul3A_627 = arith.muli %scan3A_625, %mul3A_626 : i32
        %add3A_628 = arith.constant 0 : i32
        %add3A_629 = arith.addi %add3A_628, %mul3A_627 : i32
        %mul3A_630 = arith.constant 16 : i32
        %mul3A_631 = arith.muli %add3A_629, %mul3A_630 : i32
        %get3A_632 = arith.index_cast %add3A_604 : i32 to index
        %get3A_633 = arith.index_cast %mul3A_631 : i32 to index
        %get3A_634 = tpu.vector_load %arg7[%get3A_632, %get3A_633] {strides = array<i32>} : memref<32x1024xf32, #tpu.memory_space<vmem>>, vector<1x16xf32>,
        %get3A_635 = vector.shape_cast %get3A_634 : vector<1x16xf32> to vector<16xf32>
        %swap3A_636 = arith.index_cast %add3A_604 : i32 to index
        %swap3A_637 = arith.index_cast %mul3A_631 : i32 to index
        %swap3A_638 = tpu.vector_load %arg5[%swap3A_636, %swap3A_637] {strides = array<i32>} : memref<32x1024xf32, #tpu.memory_space<vmem>>, vector<1x16xf32>,
        %swap3A_639 = vector.shape_cast %swap3A_638 : vector<1x16xf32> to vector<16xf32>
        %swap3A_640 = vector.shape_cast %get3A_635 : vector<16xf32> to vector<1x16xf32>
        tpu.vector_store %arg5[%swap3A_636, %swap3A_637], %swap3A_640 {add = true, strides = array<i32>} : memref<32x1024xf32, #tpu.memory_space<vmem>>, vector<1x16xf32>,
        %scan3A_641 = arith.constant 2 : i32
        %scan3A_642 = arith.addi %scan3A_610, %scan3A_641 : i32
        %mul3A_643 = arith.constant 1 : i32
        %mul3A_644 = arith.muli %scan3A_642, %mul3A_643 : i32
        %add3A_645 = arith.constant 0 : i32
        %add3A_646 = arith.addi %add3A_645, %mul3A_644 : i32
        %mul3A_647 = arith.constant 16 : i32
        %mul3A_648 = arith.muli %add3A_646, %mul3A_647 : i32
        %get3A_649 = arith.index_cast %add3A_604 : i32 to index
        %get3A_650 = arith.index_cast %mul3A_648 : i32 to index
        %get3A_651 = tpu.vector_load %arg7[%get3A_649, %get3A_650] {strides = array<i32>} : memref<32x1024xf32, #tpu.memory_space<vmem>>, vector<1x16xf32>,
        %get3A_652 = vector.shape_cast %get3A_651 : vector<1x16xf32> to vector<16xf32>
        %swap3A_653 = arith.index_cast %add3A_604 : i32 to index
        %swap3A_654 = arith.index_cast %mul3A_648 : i32 to index
        %swap3A_655 = tpu.vector_load %arg5[%swap3A_653, %swap3A_654] {strides = array<i32>} : memref<32x1024xf32, #tpu.memory_space<vmem>>, vector<1x16xf32>,
        %swap3A_656 = vector.shape_cast %swap3A_655 : vector<1x16xf32> to vector<16xf32>
        %swap3A_657 = vector.shape_cast %get3A_652 : vector<16xf32> to vector<1x16xf32>
        tpu.vector_store %arg5[%swap3A_653, %swap3A_654], %swap3A_657 {add = true, strides = array<i32>} : memref<32x1024xf32, #tpu.memory_space<vmem>>, vector<1x16xf32>,
        %scan3A_658 = arith.constant 3 : i32
        %scan3A_659 = arith.addi %scan3A_610, %scan3A_658 : i32
        %mul3A_660 = arith.constant 1 : i32
        %mul3A_661 = arith.muli %scan3A_659, %mul3A_660 : i32
        %add3A_662 = arith.constant 0 : i32
        %add3A_663 = arith.addi %add3A_662, %mul3A_661 : i32
        %mul3A_664 = arith.constant 16 : i32
        %mul3A_665 = arith.muli %add3A_663, %mul3A_664 : i32
        %get3A_666 = arith.index_cast %add3A_604 : i32 to index
        %get3A_667 = arith.index_cast %mul3A_665 : i32 to index
        %get3A_668 = tpu.vector_load %arg7[%get3A_666, %get3A_667] {strides = array<i32>} : memref<32x1024xf32, #tpu.memory_space<vmem>>, vector<1x16xf32>,
        %get3A_669 = vector.shape_cast %get3A_668 : vector<1x16xf32> to vector<16xf32>
        %swap3A_670 = arith.index_cast %add3A_604 : i32 to index
        %swap3A_671 = arith.index_cast %mul3A_665 : i32 to index
        %swap3A_672 = tpu.vector_load %arg5[%swap3A_670, %swap3A_671] {strides = array<i32>} : memref<32x1024xf32, #tpu.memory_space<vmem>>, vector<1x16xf32>,
        %swap3A_673 = vector.shape_cast %swap3A_672 : vector<1x16xf32> to vector<16xf32>
        %swap3A_674 = vector.shape_cast %get3A_669 : vector<16xf32> to vector<1x16xf32>
        tpu.vector_store %arg5[%swap3A_670, %swap3A_671], %swap3A_674 {add = true, strides = array<i32>} : memref<32x1024xf32, #tpu.memory_space<vmem>>, vector<1x16xf32>,
        %scan3A_675 = arith.constant 4 : i32
        %scan3A_676 = arith.addi %scan3A_610, %scan3A_675 : i32
        %mul3A_677 = arith.constant 1 : i32
        %mul3A_678 = arith.muli %scan3A_676, %mul3A_677 : i32
        %add3A_679 = arith.constant 0 : i32
        %add3A_680 = arith.addi %add3A_679, %mul3A_678 : i32
        %mul3A_681 = arith.constant 16 : i32
        %mul3A_682 = arith.muli %add3A_680, %mul3A_681 : i32
        %get3A_683 = arith.index_cast %add3A_604 : i32 to index
        %get3A_684 = arith.index_cast %mul3A_682 : i32 to index
        %get3A_685 = tpu.vector_load %arg7[%get3A_683, %get3A_684] {strides = array<i32>} : memref<32x1024xf32, #tpu.memory_space<vmem>>, vector<1x16xf32>,
        %get3A_686 = vector.shape_cast %get3A_685 : vector<1x16xf32> to vector<16xf32>
        %swap3A_687 = arith.index_cast %add3A_604 : i32 to index
        %swap3A_688 = arith.index_cast %mul3A_682 : i32 to index
        %swap3A_689 = tpu.vector_load %arg5[%swap3A_687, %swap3A_688] {strides = array<i32>} : memref<32x1024xf32, #tpu.memory_space<vmem>>, vector<1x16xf32>,
        %swap3A_690 = vector.shape_cast %swap3A_689 : vector<1x16xf32> to vector<16xf32>
        %swap3A_691 = vector.shape_cast %get3A_686 : vector<16xf32> to vector<1x16xf32>
        tpu.vector_store %arg5[%swap3A_687, %swap3A_688], %swap3A_691 {add = true, strides = array<i32>} : memref<32x1024xf32, #tpu.memory_space<vmem>>, vector<1x16xf32>,
        %scan3A_692 = arith.constant 5 : i32
        %scan3A_693 = arith.addi %scan3A_610, %scan3A_692 : i32
        %mul3A_694 = arith.constant 1 : i32
        %mul3A_695 = arith.muli %scan3A_693, %mul3A_694 : i32
        %add3A_696 = arith.constant 0 : i32
        %add3A_697 = arith.addi %add3A_696, %mul3A_695 : i32
        %mul3A_698 = arith.constant 16 : i32
        %mul3A_699 = arith.muli %add3A_697, %mul3A_698 : i32
        %get3A_700 = arith.index_cast %add3A_604 : i32 to index
        %get3A_701 = arith.index_cast %mul3A_699 : i32 to index
        %get3A_702 = tpu.vector_load %arg7[%get3A_700, %get3A_701] {strides = array<i32>} : memref<32x1024xf32, #tpu.memory_space<vmem>>, vector<1x16xf32>,
        %get3A_703 = vector.shape_cast %get3A_702 : vector<1x16xf32> to vector<16xf32>
        %swap3A_704 = arith.index_cast %add3A_604 : i32 to index
        %swap3A_705 = arith.index_cast %mul3A_699 : i32 to index
        %swap3A_706 = tpu.vector_load %arg5[%swap3A_704, %swap3A_705] {strides = array<i32>} : memref<32x1024xf32, #tpu.memory_space<vmem>>, vector<1x16xf32>,
        %swap3A_707 = vector.shape_cast %swap3A_706 : vector<1x16xf32> to vector<16xf32>
        %swap3A_708 = vector.shape_cast %get3A_703 : vector<16xf32> to vector<1x16xf32>
        tpu.vector_store %arg5[%swap3A_704, %swap3A_705], %swap3A_708 {add = true, strides = array<i32>} : memref<32x1024xf32, #tpu.memory_space<vmem>>, vector<1x16xf32>,
        %scan3A_709 = arith.constant 6 : i32
        %scan3A_710 = arith.addi %scan3A_610, %scan3A_709 : i32
        %mul3A_711 = arith.constant 1 : i32
        %mul3A_712 = arith.muli %scan3A_710, %mul3A_711 : i32
        %add3A_713 = arith.constant 0 : i32
        %add3A_714 = arith.addi %add3A_713, %mul3A_712 : i32
        %mul3A_715 = arith.constant 16 : i32
        %mul3A_716 = arith.muli %add3A_714, %mul3A_715 : i32
        %get3A_717 = arith.index_cast %add3A_604 : i32 to index
        %get3A_718 = arith.index_cast %mul3A_716 : i32 to index
        %get3A_719 = tpu.vector_load %arg7[%get3A_717, %get3A_718] {strides = array<i32>} : memref<32x1024xf32, #tpu.memory_space<vmem>>, vector<1x16xf32>,
        %get3A_720 = vector.shape_cast %get3A_719 : vector<1x16xf32> to vector<16xf32>
        %swap3A_721 = arith.index_cast %add3A_604 : i32 to index
        %swap3A_722 = arith.index_cast %mul3A_716 : i32 to index
        %swap3A_723 = tpu.vector_load %arg5[%swap3A_721, %swap3A_722] {strides = array<i32>} : memref<32x1024xf32, #tpu.memory_space<vmem>>, vector<1x16xf32>,
        %swap3A_724 = vector.shape_cast %swap3A_723 : vector<1x16xf32> to vector<16xf32>
        %swap3A_725 = vector.shape_cast %get3A_720 : vector<16xf32> to vector<1x16xf32>
        tpu.vector_store %arg5[%swap3A_721, %swap3A_722], %swap3A_725 {add = true, strides = array<i32>} : memref<32x1024xf32, #tpu.memory_space<vmem>>, vector<1x16xf32>,
        %scan3A_726 = arith.constant 7 : i32
        %scan3A_727 = arith.addi %scan3A_610, %scan3A_726 : i32
        %mul3A_728 = arith.constant 1 : i32
        %mul3A_729 = arith.muli %scan3A_727, %mul3A_728 : i32
        %add3A_730 = arith.constant 0 : i32
        %add3A_731 = arith.addi %add3A_730, %mul3A_729 : i32
        %mul3A_732 = arith.constant 16 : i32
        %mul3A_733 = arith.muli %add3A_731, %mul3A_732 : i32
        %get3A_734 = arith.index_cast %add3A_604 : i32 to index
        %get3A_735 = arith.index_cast %mul3A_733 : i32 to index
        %get3A_736 = tpu.vector_load %arg7[%get3A_734, %get3A_735] {strides = array<i32>} : memref<32x1024xf32, #tpu.memory_space<vmem>>, vector<1x16xf32>,
        %get3A_737 = vector.shape_cast %get3A_736 : vector<1x16xf32> to vector<16xf32>
        %swap3A_738 = arith.index_cast %add3A_604 : i32 to index
        %swap3A_739 = arith.index_cast %mul3A_733 : i32 to index
        %swap3A_740 = tpu.vector_load %arg5[%swap3A_738, %swap3A_739] {strides = array<i32>} : memref<32x1024xf32, #tpu.memory_space<vmem>>, vector<1x16xf32>,
        %swap3A_741 = vector.shape_cast %swap3A_740 : vector<1x16xf32> to vector<16xf32>
        %swap3A_742 = vector.shape_cast %get3A_737 : vector<16xf32> to vector<1x16xf32>
        tpu.vector_store %arg5[%swap3A_738, %swap3A_739], %swap3A_742 {add = true, strides = array<i32>} : memref<32x1024xf32, #tpu.memory_space<vmem>>, vector<1x16xf32>,
      }
      %scan3A_609 = arith.constant 64 : i32
    }
    %scan3A_555 = arith.constant 32 : i32
    %add3A_556 = arith.constant 96 : i32
    %add3A_557 = arith.addi %mul3A_2, %add3A_556 : i32
    %dma_start3A_558 = arith.constant 2 : i32
    %dma_start3A_559 = arith.constant 0 : i32
    %dma_start3A_560 = tpu.memref_slice %arg4[%dma_start3A_558, %add3A_557, %dma_start3A_559] : memref<4x4096x1024xf32, #tpu.memory_space<hbm>> -> memref<1x32x1024xf32, #tpu.memory_space<hbm>>
    %dma_start3A_561 = tpu.memref_squeeze %dma_start3A_560 : memref<1x32x1024xf32, #tpu.memory_space<hbm>> -> memref<32x1024xf32, #tpu.memory_space<hbm>>
    %dma_start3A_562 = arith.constant 0 : i32
    %dma_start3A_563 = tpu.memref_slice %arg4[%dma_start3A_558, %add3A_557, %dma_start3A_562] : memref<4x4096x1024xf32, #tpu.memory_space<hbm>> -> memref<1x32x1024xf32, #tpu.memory_space<hbm>>
    %dma_start3A_564 = tpu.memref_squeeze %dma_start3A_563 : memref<1x32x1024xf32, #tpu.memory_space<hbm>> -> memref<32x1024xf32, #tpu.memory_space<hbm>>
    tpu.enqueue_dma source(%arg5 : memref<32x1024xf32, #tpu.memory_space<vmem>>) target(%dma_start3A_564 : memref<32x1024xf32, #tpu.memory_space<hbm>>) target_semaphore(%arg10 : memref<!tpu.dma_semaphore, #tpu.memory_space<semaphore_mem>>)
    %dma_wait3A_565 = arith.constant 3 : i32
    %dma_wait3A_566 = arith.constant 0 : i32
    %dma_wait3A_567 = tpu.memref_slice %arg2[%dma_wait3A_565, %add3A_543, %dma_wait3A_566] : memref<4x4096x1024xf32, #tpu.memory_space<hbm>> -> memref<1x32x1024xf32, #tpu.memory_space<hbm>>
    %dma_wait3A_568 = tpu.memref_squeeze %dma_wait3A_567 : memref<1x32x1024xf32, #tpu.memory_space<hbm>> -> memref<32x1024xf32, #tpu.memory_space<hbm>>
    %dma_wait3A_569 = arith.constant 0 : i32
    %dma_wait3A_570 = tpu.memref_slice %arg2[%dma_wait3A_565, %add3A_543, %dma_wait3A_569] : memref<4x4096x1024xf32, #tpu.memory_space<hbm>> -> memref<1x32x1024xf32, #tpu.memory_space<hbm>>
    %dma_wait3A_571 = tpu.memref_squeeze %dma_wait3A_570 : memref<1x32x1024xf32, #tpu.memory_space<hbm>> -> memref<32x1024xf32, #tpu.memory_space<hbm>>
    tpu.wait_dma2 semaphore(%arg9 : memref<!tpu.dma_semaphore, #tpu.memory_space<semaphore_mem>>) src(%dma_wait3A_571 : memref<32x1024xf32, #tpu.memory_space<hbm>>) dst(%arg6 : memref<32x1024xf32, #tpu.memory_space<vmem>>)
    %scan3A_572 = arith.constant 0 : i32
    %scan3A_573 = arith.constant 32 : i32
    %scan3A_574 = arith.addi %scan3A_572, %scan3A_573 : i32
    %scan3A_575 = arith.constant 1 : i32
    scf.for %scan3A_600 = %scan3A_572 to %scan3A_574 step %scan3A_575  : i32 {
      %mul3A_601 = arith.constant 1 : i32
      %mul3A_602 = arith.muli %scan3A_600, %mul3A_601 : i32
      %add3A_603 = arith.constant 0 : i32
      %add3A_604 = arith.addi %add3A_603, %mul3A_602 : i32
      %scan3A_605 = arith.constant 0 : i32
      %scan3A_606 = arith.constant 64 : i32
      %scan3A_607 = arith.addi %scan3A_605, %scan3A_606 : i32
      %scan3A_608 = arith.constant 8 : i32
      scf.for %scan3A_610 = %scan3A_605 to %scan3A_607 step %scan3A_608  : i32 {
        %mul3A_611 = arith.constant 1 : i32
        %mul3A_612 = arith.muli %scan3A_610, %mul3A_611 : i32
        %add3A_613 = arith.constant 0 : i32
        %add3A_614 = arith.addi %add3A_613, %mul3A_612 : i32
        %mul3A_615 = arith.constant 16 : i32
        %mul3A_616 = arith.muli %add3A_614, %mul3A_615 : i32
        %get3A = arith.index_cast %add3A_604 : i32 to index
        %get3A_617 = arith.index_cast %mul3A_616 : i32 to index
        %get3A_618 = tpu.vector_load %arg7[%get3A, %get3A_617] {strides = array<i32>} : memref<32x1024xf32, #tpu.memory_space<vmem>>, vector<1x16xf32>,
        %get3A_619 = vector.shape_cast %get3A_618 : vector<1x16xf32> to vector<16xf32>
        %swap3A = arith.index_cast %add3A_604 : i32 to index
        %swap3A_620 = arith.index_cast %mul3A_616 : i32 to index
        %swap3A_621 = tpu.vector_load %arg6[%swap3A, %swap3A_620] {strides = array<i32>} : memref<32x1024xf32, #tpu.memory_space<vmem>>, vector<1x16xf32>,
        %swap3A_622 = vector.shape_cast %swap3A_621 : vector<1x16xf32> to vector<16xf32>
        %swap3A_623 = vector.shape_cast %get3A_619 : vector<16xf32> to vector<1x16xf32>
        tpu.vector_store %arg6[%swap3A, %swap3A_620], %swap3A_623 {add = true, strides = array<i32>} : memref<32x1024xf32, #tpu.memory_space<vmem>>, vector<1x16xf32>,
        %scan3A_624 = arith.constant 1 : i32
        %scan3A_625 = arith.addi %scan3A_610, %scan3A_624 : i32
        %mul3A_626 = arith.constant 1 : i32
        %mul3A_627 = arith.muli %scan3A_625, %mul3A_626 : i32
        %add3A_628 = arith.constant 0 : i32
        %add3A_629 = arith.addi %add3A_628, %mul3A_627 : i32
        %mul3A_630 = arith.constant 16 : i32
        %mul3A_631 = arith.muli %add3A_629, %mul3A_630 : i32
        %get3A_632 = arith.index_cast %add3A_604 : i32 to index
        %get3A_633 = arith.index_cast %mul3A_631 : i32 to index
        %get3A_634 = tpu.vector_load %arg7[%get3A_632, %get3A_633] {strides = array<i32>} : memref<32x1024xf32, #tpu.memory_space<vmem>>, vector<1x16xf32>,
        %get3A_635 = vector.shape_cast %get3A_634 : vector<1x16xf32> to vector<16xf32>
        %swap3A_636 = arith.index_cast %add3A_604 : i32 to index
        %swap3A_637 = arith.index_cast %mul3A_631 : i32 to index
        %swap3A_638 = tpu.vector_load %arg6[%swap3A_636, %swap3A_637] {strides = array<i32>} : memref<32x1024xf32, #tpu.memory_space<vmem>>, vector<1x16xf32>,
        %swap3A_639 = vector.shape_cast %swap3A_638 : vector<1x16xf32> to vector<16xf32>
        %swap3A_640 = vector.shape_cast %get3A_635 : vector<16xf32> to vector<1x16xf32>
        tpu.vector_store %arg6[%swap3A_636, %swap3A_637], %swap3A_640 {add = true, strides = array<i32>} : memref<32x1024xf32, #tpu.memory_space<vmem>>, vector<1x16xf32>,
        %scan3A_641 = arith.constant 2 : i32
        %scan3A_642 = arith.addi %scan3A_610, %scan3A_641 : i32
        %mul3A_643 = arith.constant 1 : i32
        %mul3A_644 = arith.muli %scan3A_642, %mul3A_643 : i32
        %add3A_645 = arith.constant 0 : i32
        %add3A_646 = arith.addi %add3A_645, %mul3A_644 : i32
        %mul3A_647 = arith.constant 16 : i32
        %mul3A_648 = arith.muli %add3A_646, %mul3A_647 : i32
        %get3A_649 = arith.index_cast %add3A_604 : i32 to index
        %get3A_650 = arith.index_cast %mul3A_648 : i32 to index
        %get3A_651 = tpu.vector_load %arg7[%get3A_649, %get3A_650] {strides = array<i32>} : memref<32x1024xf32, #tpu.memory_space<vmem>>, vector<1x16xf32>,
        %get3A_652 = vector.shape_cast %get3A_651 : vector<1x16xf32> to vector<16xf32>
        %swap3A_653 = arith.index_cast %add3A_604 : i32 to index
        %swap3A_654 = arith.index_cast %mul3A_648 : i32 to index
        %swap3A_655 = tpu.vector_load %arg6[%swap3A_653, %swap3A_654] {strides = array<i32>} : memref<32x1024xf32, #tpu.memory_space<vmem>>, vector<1x16xf32>,
        %swap3A_656 = vector.shape_cast %swap3A_655 : vector<1x16xf32> to vector<16xf32>
        %swap3A_657 = vector.shape_cast %get3A_652 : vector<16xf32> to vector<1x16xf32>
        tpu.vector_store %arg6[%swap3A_653, %swap3A_654], %swap3A_657 {add = true, strides = array<i32>} : memref<32x1024xf32, #tpu.memory_space<vmem>>, vector<1x16xf32>,
        %scan3A_658 = arith.constant 3 : i32
        %scan3A_659 = arith.addi %scan3A_610, %scan3A_658 : i32
        %mul3A_660 = arith.constant 1 : i32
        %mul3A_661 = arith.muli %scan3A_659, %mul3A_660 : i32
        %add3A_662 = arith.constant 0 : i32
        %add3A_663 = arith.addi %add3A_662, %mul3A_661 : i32
        %mul3A_664 = arith.constant 16 : i32
        %mul3A_665 = arith.muli %add3A_663, %mul3A_664 : i32
        %get3A_666 = arith.index_cast %add3A_604 : i32 to index
        %get3A_667 = arith.index_cast %mul3A_665 : i32 to index
        %get3A_668 = tpu.vector_load %arg7[%get3A_666, %get3A_667] {strides = array<i32>} : memref<32x1024xf32, #tpu.memory_space<vmem>>, vector<1x16xf32>,
        %get3A_669 = vector.shape_cast %get3A_668 : vector<1x16xf32> to vector<16xf32>
        %swap3A_670 = arith.index_cast %add3A_604 : i32 to index
        %swap3A_671 = arith.index_cast %mul3A_665 : i32 to index
        %swap3A_672 = tpu.vector_load %arg6[%swap3A_670, %swap3A_671] {strides = array<i32>} : memref<32x1024xf32, #tpu.memory_space<vmem>>, vector<1x16xf32>,
        %swap3A_673 = vector.shape_cast %swap3A_672 : vector<1x16xf32> to vector<16xf32>
        %swap3A_674 = vector.shape_cast %get3A_669 : vector<16xf32> to vector<1x16xf32>
        tpu.vector_store %arg6[%swap3A_670, %swap3A_671], %swap3A_674 {add = true, strides = array<i32>} : memref<32x1024xf32, #tpu.memory_space<vmem>>, vector<1x16xf32>,
        %scan3A_675 = arith.constant 4 : i32
        %scan3A_676 = arith.addi %scan3A_610, %scan3A_675 : i32
        %mul3A_677 = arith.constant 1 : i32
        %mul3A_678 = arith.muli %scan3A_676, %mul3A_677 : i32
        %add3A_679 = arith.constant 0 : i32
        %add3A_680 = arith.addi %add3A_679, %mul3A_678 : i32
        %mul3A_681 = arith.constant 16 : i32
        %mul3A_682 = arith.muli %add3A_680, %mul3A_681 : i32
        %get3A_683 = arith.index_cast %add3A_604 : i32 to index
        %get3A_684 = arith.index_cast %mul3A_682 : i32 to index
        %get3A_685 = tpu.vector_load %arg7[%get3A_683, %get3A_684] {strides = array<i32>} : memref<32x1024xf32, #tpu.memory_space<vmem>>, vector<1x16xf32>,
        %get3A_686 = vector.shape_cast %get3A_685 : vector<1x16xf32> to vector<16xf32>
        %swap3A_687 = arith.index_cast %add3A_604 : i32 to index
        %swap3A_688 = arith.index_cast %mul3A_682 : i32 to index
        %swap3A_689 = tpu.vector_load %arg6[%swap3A_687, %swap3A_688] {strides = array<i32>} : memref<32x1024xf32, #tpu.memory_space<vmem>>, vector<1x16xf32>,
        %swap3A_690 = vector.shape_cast %swap3A_689 : vector<1x16xf32> to vector<16xf32>
        %swap3A_691 = vector.shape_cast %get3A_686 : vector<16xf32> to vector<1x16xf32>
        tpu.vector_store %arg6[%swap3A_687, %swap3A_688], %swap3A_691 {add = true, strides = array<i32>} : memref<32x1024xf32, #tpu.memory_space<vmem>>, vector<1x16xf32>,
        %scan3A_692 = arith.constant 5 : i32
        %scan3A_693 = arith.addi %scan3A_610, %scan3A_692 : i32
        %mul3A_694 = arith.constant 1 : i32
        %mul3A_695 = arith.muli %scan3A_693, %mul3A_694 : i32
        %add3A_696 = arith.constant 0 : i32
        %add3A_697 = arith.addi %add3A_696, %mul3A_695 : i32
        %mul3A_698 = arith.constant 16 : i32
        %mul3A_699 = arith.muli %add3A_697, %mul3A_698 : i32
        %get3A_700 = arith.index_cast %add3A_604 : i32 to index
        %get3A_701 = arith.index_cast %mul3A_699 : i32 to index
        %get3A_702 = tpu.vector_load %arg7[%get3A_700, %get3A_701] {strides = array<i32>} : memref<32x1024xf32, #tpu.memory_space<vmem>>, vector<1x16xf32>,
        %get3A_703 = vector.shape_cast %get3A_702 : vector<1x16xf32> to vector<16xf32>
        %swap3A_704 = arith.index_cast %add3A_604 : i32 to index
        %swap3A_705 = arith.index_cast %mul3A_699 : i32 to index
        %swap3A_706 = tpu.vector_load %arg6[%swap3A_704, %swap3A_705] {strides = array<i32>} : memref<32x1024xf32, #tpu.memory_space<vmem>>, vector<1x16xf32>,
        %swap3A_707 = vector.shape_cast %swap3A_706 : vector<1x16xf32> to vector<16xf32>
        %swap3A_708 = vector.shape_cast %get3A_703 : vector<16xf32> to vector<1x16xf32>
        tpu.vector_store %arg6[%swap3A_704, %swap3A_705], %swap3A_708 {add = true, strides = array<i32>} : memref<32x1024xf32, #tpu.memory_space<vmem>>, vector<1x16xf32>,
        %scan3A_709 = arith.constant 6 : i32
        %scan3A_710 = arith.addi %scan3A_610, %scan3A_709 : i32
        %mul3A_711 = arith.constant 1 : i32
        %mul3A_712 = arith.muli %scan3A_710, %mul3A_711 : i32
        %add3A_713 = arith.constant 0 : i32
        %add3A_714 = arith.addi %add3A_713, %mul3A_712 : i32
        %mul3A_715 = arith.constant 16 : i32
        %mul3A_716 = arith.muli %add3A_714, %mul3A_715 : i32
        %get3A_717 = arith.index_cast %add3A_604 : i32 to index
        %get3A_718 = arith.index_cast %mul3A_716 : i32 to index
        %get3A_719 = tpu.vector_load %arg7[%get3A_717, %get3A_718] {strides = array<i32>} : memref<32x1024xf32, #tpu.memory_space<vmem>>, vector<1x16xf32>,
        %get3A_720 = vector.shape_cast %get3A_719 : vector<1x16xf32> to vector<16xf32>
        %swap3A_721 = arith.index_cast %add3A_604 : i32 to index
        %swap3A_722 = arith.index_cast %mul3A_716 : i32 to index
        %swap3A_723 = tpu.vector_load %arg6[%swap3A_721, %swap3A_722] {strides = array<i32>} : memref<32x1024xf32, #tpu.memory_space<vmem>>, vector<1x16xf32>,
        %swap3A_724 = vector.shape_cast %swap3A_723 : vector<1x16xf32> to vector<16xf32>
        %swap3A_725 = vector.shape_cast %get3A_720 : vector<16xf32> to vector<1x16xf32>
        tpu.vector_store %arg6[%swap3A_721, %swap3A_722], %swap3A_725 {add = true, strides = array<i32>} : memref<32x1024xf32, #tpu.memory_space<vmem>>, vector<1x16xf32>,
        %scan3A_726 = arith.constant 7 : i32
        %scan3A_727 = arith.addi %scan3A_610, %scan3A_726 : i32
        %mul3A_728 = arith.constant 1 : i32
        %mul3A_729 = arith.muli %scan3A_727, %mul3A_728 : i32
        %add3A_730 = arith.constant 0 : i32
        %add3A_731 = arith.addi %add3A_730, %mul3A_729 : i32
        %mul3A_732 = arith.constant 16 : i32
        %mul3A_733 = arith.muli %add3A_731, %mul3A_732 : i32
        %get3A_734 = arith.index_cast %add3A_604 : i32 to index
        %get3A_735 = arith.index_cast %mul3A_733 : i32 to index
        %get3A_736 = tpu.vector_load %arg7[%get3A_734, %get3A_735] {strides = array<i32>} : memref<32x1024xf32, #tpu.memory_space<vmem>>, vector<1x16xf32>,
        %get3A_737 = vector.shape_cast %get3A_736 : vector<1x16xf32> to vector<16xf32>
        %swap3A_738 = arith.index_cast %add3A_604 : i32 to index
        %swap3A_739 = arith.index_cast %mul3A_733 : i32 to index
        %swap3A_740 = tpu.vector_load %arg6[%swap3A_738, %swap3A_739] {strides = array<i32>} : memref<32x1024xf32, #tpu.memory_space<vmem>>, vector<1x16xf32>,
        %swap3A_741 = vector.shape_cast %swap3A_740 : vector<1x16xf32> to vector<16xf32>
        %swap3A_742 = vector.shape_cast %get3A_737 : vector<16xf32> to vector<1x16xf32>
        tpu.vector_store %arg6[%swap3A_738, %swap3A_739], %swap3A_742 {add = true, strides = array<i32>} : memref<32x1024xf32, #tpu.memory_space<vmem>>, vector<1x16xf32>,
      }
      %scan3A_609 = arith.constant 64 : i32
    }
    %scan3A_576 = arith.constant 32 : i32
    %add3A_577 = arith.constant 96 : i32
    %add3A_578 = arith.addi %mul3A_2, %add3A_577 : i32
    %dma_start3A_579 = arith.constant 3 : i32
    %dma_start3A_580 = arith.constant 0 : i32
    %dma_start3A_581 = tpu.memref_slice %arg4[%dma_start3A_579, %add3A_578, %dma_start3A_580] : memref<4x4096x1024xf32, #tpu.memory_space<hbm>> -> memref<1x32x1024xf32, #tpu.memory_space<hbm>>
    %dma_start3A_582 = tpu.memref_squeeze %dma_start3A_581 : memref<1x32x1024xf32, #tpu.memory_space<hbm>> -> memref<32x1024xf32, #tpu.memory_space<hbm>>
    %dma_start3A_583 = arith.constant 0 : i32
    %dma_start3A_584 = tpu.memref_slice %arg4[%dma_start3A_579, %add3A_578, %dma_start3A_583] : memref<4x4096x1024xf32, #tpu.memory_space<hbm>> -> memref<1x32x1024xf32, #tpu.memory_space<hbm>>
    %dma_start3A_585 = tpu.memref_squeeze %dma_start3A_584 : memref<1x32x1024xf32, #tpu.memory_space<hbm>> -> memref<32x1024xf32, #tpu.memory_space<hbm>>
    tpu.enqueue_dma source(%arg6 : memref<32x1024xf32, #tpu.memory_space<vmem>>) target(%dma_start3A_585 : memref<32x1024xf32, #tpu.memory_space<hbm>>) target_semaphore(%arg11 : memref<!tpu.dma_semaphore, #tpu.memory_space<semaphore_mem>>)
    %dma_wait3A_586 = arith.constant 2 : i32
    %dma_wait3A_587 = arith.constant 0 : i32
    %dma_wait3A_588 = tpu.memref_slice %arg4[%dma_wait3A_586, %add3A_557, %dma_wait3A_587] : memref<4x4096x1024xf32, #tpu.memory_space<hbm>> -> memref<1x32x1024xf32, #tpu.memory_space<hbm>>
    %dma_wait3A_589 = tpu.memref_squeeze %dma_wait3A_588 : memref<1x32x1024xf32, #tpu.memory_space<hbm>> -> memref<32x1024xf32, #tpu.memory_space<hbm>>
    %dma_wait3A_590 = arith.constant 0 : i32
    %dma_wait3A_591 = tpu.memref_slice %arg4[%dma_wait3A_586, %add3A_557, %dma_wait3A_590] : memref<4x4096x1024xf32, #tpu.memory_space<hbm>> -> memref<1x32x1024xf32, #tpu.memory_space<hbm>>
    %dma_wait3A_592 = tpu.memref_squeeze %dma_wait3A_591 : memref<1x32x1024xf32, #tpu.memory_space<hbm>> -> memref<32x1024xf32, #tpu.memory_space<hbm>>
    tpu.wait_dma2 semaphore(%arg10 : memref<!tpu.dma_semaphore, #tpu.memory_space<semaphore_mem>>) src(%arg5 : memref<32x1024xf32, #tpu.memory_space<vmem>>) dst(%dma_wait3A_592 : memref<32x1024xf32, #tpu.memory_space<hbm>>)
    %dma_wait3A_593 = arith.constant 3 : i32
    %dma_wait3A_594 = arith.constant 0 : i32
    %dma_wait3A_595 = tpu.memref_slice %arg4[%dma_wait3A_593, %add3A_578, %dma_wait3A_594] : memref<4x4096x1024xf32, #tpu.memory_space<hbm>> -> memref<1x32x1024xf32, #tpu.memory_space<hbm>>
    %dma_wait3A_596 = tpu.memref_squeeze %dma_wait3A_595 : memref<1x32x1024xf32, #tpu.memory_space<hbm>> -> memref<32x1024xf32, #tpu.memory_space<hbm>>
    %dma_wait3A_597 = arith.constant 0 : i32
    %dma_wait3A_598 = tpu.memref_slice %arg4[%dma_wait3A_593, %add3A_578, %dma_wait3A_597] : memref<4x4096x1024xf32, #tpu.memory_space<hbm>> -> memref<1x32x1024xf32, #tpu.memory_space<hbm>>
    %dma_wait3A_599 = tpu.memref_squeeze %dma_wait3A_598 : memref<1x32x1024xf32, #tpu.memory_space<hbm>> -> memref<32x1024xf32, #tpu.memory_space<hbm>>
    tpu.wait_dma2 semaphore(%arg11 : memref<!tpu.dma_semaphore, #tpu.memory_space<semaphore_mem>>) src(%arg6 : memref<32x1024xf32, #tpu.memory_space<vmem>>) dst(%dma_wait3A_599 : memref<32x1024xf32, #tpu.memory_space<hbm>>)
    return
  }
}

</mosaic_0001>

<sc_bundles>
// kernel: kernel.3.cloned.1.call-start
scs
__scs_entry_jumppad:
0x0: {  	(pc) =	sbr.rel $0x88, $3  }
0x1: {  	(tag) =	ssettag $0x0;
	lr =	simm.s32 $0x1  }
0x2: {  	[smem:$0x3F9F] =	sst lr;
	_ =	strace $0xD0000000  }
0x3: {  	_ = 	snop  }
0x4: {  	_ = 	snop  }
0x5: {  	_ = 	snop  }
0x6: {  	_ = 	snop  }
0x7: {  	_ = 	snop  }
__scs_overlays_trampoline_lowered:
0x8: {  	[smem:$0x3FAE] =	sst s0  }
0x9: {  	[smem:$0x3FAF] =	sst s1  }
0xa: {  	[smem:$0x3FB0] =	sst s2  }
0xb: {  	[smem:$0x3FB1] =	sst s3  }
0xc: {  	[smem:$0x3FB2] =	sst s4  }
0xd: {  	[smem:$0x3FB3] =	sst s5  }
0xe: {  	[smem:$0x3FB4] =	sst s6  }
0xf: {  	[smem:$0x3FB5] =	sst s7  }
0x10: {  	[smem:$0x3FB6] =	sst s8  }
0x11: {  	[smem:$0x3FB7] =	sst s9;
	s0 =	simm.s32 @!p0 $0x0  }
0x12: {  	s1 =	sld [smem:$0x3F9D];
	s0 =	simm.s32 @p0 $0x1  }
0x13: {  	[smem:$0x3FB8] =	sst s0;
	s0 =	simm.s32 @!p1 $0x0  }
0x14: {  	s2 =	sld [smem:$0x3F9C];
	s0 =	simm.s32 @p1 $0x1  }
0x15: {  	[smem:$0x3FB9] =	sst s0;
	s0 =	simm.s32 @!p2 $0x0  }
0x16: {  	s3 =	sld [smem:$0x3FDB];
	s0 =	simm.s32 @p2 $0x1  }
0x17: {  	s4 =	simm.s32 $0x1BF5;
	[smem:$0x3FBB] =	sst s0  }
0x18: {  	s0 =	sld [smem:$0x3F9E];
	_ =	swait.ge [sflag:s4], $0x0  }
0x19: {  	s7 =	sld [smem:$0x3F9F]  }
0x1a: {  	s8 =	sadd.s32 $0xFFFFE003, lr  }
0x1b: {  	s9 =	sadd.s32 $0xFFFFFEF7, lr;
	s5 =	simm.s32 $0xFFFFFFFF;
	p2 =	slt.u32 s8, $0xFFFFF086  }
0x1c: {  	p1 =	slt.u32 s9, $0xF7A;
	s5 =	simm.s32 @!p2 $0x0  }
0x1d: {  	s5 =	simm.s32 @p1 $0x1;
	p0 =	seq.s32 s7, s2  }
0x1e: {  	s7 =	smul.u32 @!p0 $0xF7A, s2;
	p2 =	seq.s32 @!p0 s5, $0x0  }
0x1f: {  	s9 =	smul.u32 $0xF7A, s1;
	s8 =	simm.s32 @!p0 $0x1BF5;
	p2 =	por !p2, p0  }
0x20: {  	[sflag:s8] =	ssyncset.s32 @!p0 $0xFFFFF086;
	s6 =	sadd.s32 @!p0 s3, s7;
	s7 =	simm.s32 @!p0 $0x108  }
0x21: {  	s3 =	sadd.s32 s3, s9;
	s6 =	sadd.s32 @!p0 $0x88, s6;
	s7 =	simm.s32 @p2 $0x1082  }
0x22: {  	[simem:s7], [sflag:s8] =	dma.local @!p0 [hbm:s6], $0xF7A  }
0x23: {  	s9 =	sor.u32 $0xD0000000, s2;
	s6 =	simm.s32 $0x108;
	_ =	swait.ge @!p0 [sflag:s8], $0x0  }
0x24: {  	s3 =	sadd.s32 $0x88, s3;
	s6 =	simm.s32 @!p1 $0x1082;
	[sflag:s4] =	ssyncset.s32 $0xFFFFF086  }
0x25: {  	[simem:s6], [sflag:s4] =	dma.local [hbm:s3], $0xF7A  }
0x26: {  	[smem:$0x3F9F] =	sst s1;
	(tag) =	ssettag s2;
	_ =	strace s9  }
0x27: {  	s1 =	sld [smem:$0x3FAF]  }
0x28: {  	s2 =	sld [smem:$0x3FB0]  }
0x29: {  	s4 =	sld [smem:$0x3FB2]  }
0x2a: {  	p0 =	seq.s32 s5, $0x0;
	s5 =	sld [smem:$0x3FB3]  }
0x2b: {  	s6 =	sld [smem:$0x3FB4]  }
0x2c: {  	s7 =	sld [smem:$0x3FB5]  }
0x2d: {  	s3 =	simm.s32 $0x108;
	s8 =	sld [smem:$0x3FB6]  }
0x2e: {  	s3 =	simm.s32 @!p0 $0x1082;
	s9 =	sld [smem:$0x3FB7]  }
0x2f: {  	lr =	sadd.s32 s0, s3;
	s0 =	sld [smem:$0x3FAE]  }
0x30: {  	s3 =	sld [smem:$0x3FB1]  }
0x31: {  	[smem:$0x3FBA] =	sst s10  }
0x32: {  	s10 =	sld [smem:$0x3FB8];
	_ =	sdelay $0x3  }
0x33: {  	p0 =	seq.s32 s10, $0x1;
	s10 =	sld [smem:$0x3FBA];
	_ =	sdelay $0x3  }
0x34: {  	[smem:$0x3FBA] =	sst s10  }
0x35: {  	s10 =	sld [smem:$0x3FB9];
	_ =	sdelay $0x3  }
0x36: {  	p1 =	seq.s32 s10, $0x1;
	s10 =	sld [smem:$0x3FBA];
	_ =	sdelay $0x3  }
0x37: {  	[smem:$0x3FBA] =	sst s10  }
0x38: {  	s10 =	sld [smem:$0x3FBB]  }
0x39: {  	_ = 	snop;
	(pc) =	sbr.ind lr, $3  }
0x3a: {  	_ = 	snop  }
0x3b: {  	_ = 	snop  }
0x3c: {  	p2 =	seq.s32 s10, $0x1;
	s10 =	sld [smem:$0x3FBA]  }
0x3d: {  	_ =	shalt  }
0x3e: {  	_ =	shalt  }
0x3f: {  	_ =	shalt  }
0x40: {  	_ =	shalt  }
0x41: {  	_ =	shalt  }
0x42: {  	_ =	shalt  }
0x43: {  	_ =	shalt  }
0x44: {  	_ =	shalt  }
0x45: {  	_ =	shalt  }
0x46: {  	_ =	shalt  }
0x47: {  	_ =	shalt  }
0x48: {  	_ =	shalt  }
0x49: {  	_ =	shalt  }
0x4a: {  	_ =	shalt  }
0x4b: {  	_ =	shalt  }
0x4c: {  	_ =	shalt  }
0x4d: {  	_ =	shalt  }
0x4e: {  	_ =	shalt  }
0x4f: {  	_ =	shalt  }
0x50: {  	_ =	shalt  }
0x51: {  	_ =	shalt  }
0x52: {  	_ =	shalt  }
0x53: {  	_ =	shalt  }
0x54: {  	_ =	shalt  }
0x55: {  	_ =	shalt  }
0x56: {  	_ =	shalt  }
0x57: {  	_ =	shalt  }
0x58: {  	_ =	shalt  }
0x59: {  	_ =	shalt  }
0x5a: {  	_ =	shalt  }
0x5b: {  	_ =	shalt  }
0x5c: {  	_ =	shalt  }
0x5d: {  	_ =	shalt  }
0x5e: {  	_ =	shalt  }
0x5f: {  	_ =	shalt  }
0x60: {  	_ =	shalt  }
0x61: {  	_ =	shalt  }
0x62: {  	_ =	shalt  }
0x63: {  	_ =	shalt  }
0x64: {  	_ =	shalt  }
0x65: {  	_ =	shalt  }
0x66: {  	_ =	shalt  }
0x67: {  	_ =	shalt  }
0x68: {  	_ =	shalt  }
0x69: {  	_ =	shalt  }
0x6a: {  	_ =	shalt  }
0x6b: {  	_ =	shalt  }
0x6c: {  	_ =	shalt  }
0x6d: {  	_ =	shalt  }
0x6e: {  	_ =	shalt  }
0x6f: {  	_ =	shalt  }
0x70: {  	_ =	shalt  }
0x71: {  	_ =	shalt  }
0x72: {  	_ =	shalt  }
0x73: {  	_ =	shalt  }
0x74: {  	_ =	shalt  }
0x75: {  	_ =	shalt  }
0x76: {  	_ =	shalt  }
0x77: {  	_ =	shalt  }
0x78: {  	_ =	shalt  }
0x79: {  	_ =	shalt  }
0x7a: {  	_ =	shalt  }
0x7b: {  	_ =	shalt  }
0x7c: {  	_ =	shalt  }
0x7d: {  	_ =	shalt  }
0x7e: {  	_ =	shalt  }
0x7f: {  	_ =	shalt  }
0x80: {  	_ =	shalt  }
0x81: {  	_ =	shalt  }
0x82: {  	_ =	shalt  }
0x83: {  	_ =	shalt  }
0x84: {  	_ =	shalt  }
0x85: {  	_ =	shalt  }
0x86: {  	_ =	shalt  }
0x87: {  	_ =	shalt  }
.Lfunc_end0:
.L_simem_size_0:
called_computation_lowered:
.L_overlay_start_0:
0x88: {  	s2 =	sld [smem:$0x3FD9]  }
0x89: {  	s3 =	sld [smem:$0x3FFE];
	_ =	sdelay $0x1  }
0x8a: {  	s1 =	srdreg.scid  }
0x8b: {  	s0 =	sand.u32 $0x1, s1  }
0x8c: {  	s18 =	sshll.u32 s0, $0xA;
	s2 =	sadd.s32 s3, s2  }
0x8d: {  	s2 =	sadd.s32 s2, s18  }
0x8e: {  	[smem:$0x3FC6] =	sst s2  }
0x8f: {  	_ = 	snop  }
0x90: {  	s2 =	sld [smem:$0x3FC9]  }
0x91: {  	s19 =	sld [smem:$0x3FC8]  }
0x92: {  	s4 =	sld [smem:$0x3FD0];
	(tm) =	ssettm $0x1  }
0x93: {  	s5 =	sld [smem:$0x3FFB];
	_ =	sdelay $0x3  }
0x94: {  	_ =	strace s5  }
0x95: {  	s5 =	sld [smem:$0x3FFC];
	_ =	sdelay $0x3  }
0x96: {  	_ =	strace s5  }
0x97: {  	s5 =	sld [smem:$0x3FFD];
	_ =	sdelay $0x3  }
0x98: {  	_ =	strace s5  }
0x99: {  	_ =	strace $0x8FFFFFFF  }
0x9a: {  	s20 =	sld [smem:$0x3FDB];
	_ =	sdelay $0x1  }
0x9b: {  	s6 =	simm.s32 $_scs_section_size  }
0x9c: {  	s7 =	simm.s32 $_size__tile_overlayer_lowered;
	s8 =	simm.s32 $_tile_overlayer_lowered  }
0x9d: {  	s23 =	simm.s32 $0x1BFF;
	s22 =	sshll.u32 s8, $0x1;
	s5 =	sadd.s32 s6, s20  }
0x9e: {  	s9 =	simm.s32 $0x0;
	s21 =	sshll.u32 s7, $0x1;
	s7 =	sadd.s32 s22, s5  }
0x9f: {  	[timem:s9], [sflag:s23] =	dma.local [hbm:s7], s21  }
0xa0: {  	_ =	swait.ge [sflag:s23], s21  }
0xa1: {  	s6 =	ssub.s32 $0x0, s21;
	[sflag:s23] =	ssyncset.done $0x0  }
0xa2: {  	[sflag:s23] =	ssyncadd.s32 s6;
	_ =	sdelay $0x1  }
0xa3: {  	s24 =	simm.s32 $0x1B8B  }
0xa4: {  	_ =	swait.ge [sflag:s24], $0x1  }
0xa5: {  	[sflag:s24] =	ssyncset.done $0x0  }
0xa6: {  	s25 =	simm.s32 $0x1B8E;
	[sflag:s24] =	ssyncadd.s32 $0xFFFFFFFF  }
0xa7: {  	s26 =	simm.s32 $execute0_lowered;
	[smem:$0x3FD2] =	sst s25  }
0xa8: {  	s6 =	sshll.u32 s26, $0x1;
	_ =	strace $0x80000046;
	[dreg:$0x1] =	wrdreg $0xFFFFFFFF  }
0xa9: {  	s28 =	simm.s32 $_size_execute0_lowered;
	s5 =	sadd.s32 s5, s6;
	[dreg:$0x0] =	wrdreg $0x0  }
0xaa: {  	s6 =	sshll.u32 s28, $0x1;
	[dreg:$0x2] =	wrdreg s5  }
0xab: {  	[dreg:$0x3] =	wrdreg s6  }
0xac: {  	[dreg:$0x4] =	wrdreg $0xC0  }
0xad: {  	_ =	task [dreg:s9], $0x5FFFF  }
0xae: {  	[dreg:$0x1] =	wrdreg $0xFFFFFFFF  }
0xaf: {  	[dreg:$0x0] =	wrdreg $0x60  }
0xb0: {  	[dreg:$0x2] =	wrdreg s2  }
0xb1: {  	[dreg:$0x3] =	wrdreg s19  }
0xb2: {  	[dreg:$0x4] =	wrdreg s4  }
0xb3: {  	[dreg:$0x5] =	wrdreg $0x9  }
0xb4: {  	_ =	task.clear_ibuf [dreg:s9], $0x6FFFF;
	_ =	strace $0x90000046  }
0xb5: {  	s29 =	simm.s32 $0x9;
	_ =	strace $0x80000048  }
0xb6: {  	_ =	swait.ge [sflag:s29], $0x1  }
0xb7: {  	[sflag:s29] =	ssyncadd.s32 $0xFFFFFFFF  }
0xb8: {  	_ =	strace $0x90000048  }
0xb9: {  	_ =	sfence  }
0xba: {  	s30 =	sld [smem:$0x0];
	_ =	sdelay $0x2  }
0xbb: {  	s31 =	sshll.u32 s1, $0xD;
	s1 =	sshrl.u32 s1, $0x2  }
0xbc: {  	s3 =	sand.u32 $0x4000, s31;
	s1 =	sadd.s32 s1, s30  }
0xbd: {  	s0 =	sor.u32 s3, s0;
	s1 =	sshll.u32 s1, $0x11  }
0xbe: {  	s0 =	sor.u32 s1, s0  }
0xbf: {  	s0 =	sadd.s32 $0x8F2B, s0  }
0xc0: {  	[sflag:s0] =	ssyncadd.remote.s32 $0x1  }
0xc1: {  	_ =	sfence.sel $0xFFFF  }
0xc2: {  	[dreg:$0x0] =	wrdreg $0xFFFFFFFF;
	(pc) =	sbr.abs _section_cstart, $3  }
0xc3: {  	[dreg:$0x1] =	wrdreg $0xFFFFFFFF  }
0xc4: {  	_ =	task.clear_ibuf [dreg:s9], $0x2FFFF;
	_ =	strace $0x9FFFFFFF  }
0xc5: {  	(tm) =	ssettm $0x7FFFFFFF  }
tec
execute0_lowered:
.L_overlay_start_1:
0x0: {  	(tag) =	ssettag $0x1  }
0x1: {  	s2 =	srdreg.scid  }
0x2: {  	s5 =	rddreg [dreg:$0x0];
	s4 =	stileid.u32;
	s2 =	sand.u32 $0x1, s2  }
0x3: {  	s4 =	sshll.u32 s4, $0xF;
	s3 =	ssub.s32 $0x2, s2;
	s2 =	sshll.u32 s2, $0xE  }
0x4: {  	s0 =	rddreg [dreg:$0x1];
	s4 =	sor.u32 s2, s4  }
0x5: {  	s7 =	rddreg [dreg:$0x2];
	s1 =	simm.s32 $0x0;
	s2 =	sor.u32 $0x80000, s4  }
0x6: {  	[smem:$0x7FF] =	sst s1;
	s15 =	sor.u32 $0x100000, s4;
	s16 =	sadd.s32 s5, s2  }
0x7: {  	s6 =	sshrl.u32 s3, $0x1;
	s17 =	sadd.s32 s5, s15;
	[dreg:$0x4] =	wrdreg s16  }
0x8: {  	s18 =	sor.u32 $0x180000, s4;
	s2 =	sadd.s32 s7, s2;
	[dreg:$0x5] =	wrdreg s17  }
0x9: {  	s8 =	ssub.s32 s3, s6;
	s19 =	sadd.s32 s5, s18;
	[dreg:$0x6] =	wrdreg s2  }
0xa: {  	s20 =	sor.u32 $0x1000, s4;
	s3 =	sadd.s32 s7, s15;
	[dreg:$0x7] =	wrdreg s19  }
0xb: {  	s21 =	sadd.s32 s5, s20;
	[dreg:$0x8] =	wrdreg s3  }
0xc: {  	s24 =	sor.u32 $0x81000, s4;
	s22 =	sadd.s32 s7, s18;
	[dreg:$0x9] =	wrdreg s21  }
0xd: {  	s25 =	sor.u32 $0x101000, s4;
	s23 =	sadd.s32 s0, s20;
	[dreg:$0xa] =	wrdreg s22  }
0xe: {  	s10 =	sor.u32 $0x181000, s4;
	s9 =	sadd.s32 s5, s24;
	[dreg:$0xb] =	wrdreg s23  }
0xf: {  	s11 =	sor.u32 $0x2000, s4;
	s26 =	sadd.s32 s5, s25;
	[dreg:$0xc] =	wrdreg s9  }
0x10: {  	s12 =	sadd.s32 s5, s10;
	s6 =	sadd.s32 s7, s25;
	[dreg:$0xe] =	wrdreg s26  }
0x11: {  	s13 =	sadd.s32 s5, s11;
	s14 =	sadd.s32 s0, s11;
	[dreg:$0x10] =	wrdreg s12  }
0x12: {  	s15 =	sor.u32 $0x82000, s4;
	s8 =	smax.u32 s8, $0x1;
	[dreg:$0x11] =	wrdreg s6  }
0x13: {  	s2 =	sadd.s32 s7, s20;
	s9 =	sadd.s32 s7, s24;
	[dreg:$0x12] =	wrdreg s13  }
0x14: {  	[dreg:$0x14] =	wrdreg s14;
	s3 =	sadd.s32 s7, s11;
	s16 =	sadd.s32 s5, s15  }
0x15: {  	s17 =	sor.u32 $0x102000, s4;
	s19 =	sor.u32 $0x182000, s4;
	s21 =	sor.u32 $0x3000, s4  }
0x16: {  	s26 =	sadd.s32 s0, s4;
	s22 =	sor.u32 $0x83000, s4;
	s23 =	sor.u32 $0x103000, s4  }
0x17: {  	s24 =	sor.u32 $0x183000, s4;
	s11 =	simm.s32 $0x1;
	[dreg:$0xd] =	wrdreg s2  }
0x18: {  	s12 =	simm.s32 $0x8000;
	s13 =	simm.s32 $0x2;
	[dreg:$0xf] =	wrdreg s9  }
0x19: {  	s14 =	simm.s32 $0x3;
	s2 =	sadd.s32 s7, s10;
	[dreg:$0x15] =	wrdreg s3  }
0x1a: {  	[dreg:$0x16] =	wrdreg s16;
	s18 =	sadd.s32 s5, s17;
	s3 =	sadd.s32 s7, s17  }
0x1b: {  	s20 =	sadd.s32 s5, s19;
	s25 =	sadd.s32 s7, s19;
	s28 =	sadd.s32 s0, s21  }
0x1c: {  	s29 =	sadd.s32 s5, s21;
	s30 =	sadd.s32 s7, s21;
	s31 =	sadd.s32 s5, s22  }
0x1d: {  	s0 =	sadd.s32 s7, s22;
	s6 =	sadd.s32 s7, s23;
	[dreg:$0x13] =	wrdreg s2  }
0x1e: {  	s9 =	simm.s32 $0x10000;
	s10 =	simm.s32 $0x5;
	[dreg:$0x18] =	wrdreg s18  }
0x1f: {  	s16 =	simm.s32 $0x0;
	s2 =	sadd.s32 s7, s15;
	[dreg:$0x19] =	wrdreg s3  }
0x20: {  	[dreg:$0x1a] =	wrdreg s20;
	s3 =	sadd.s32 s7, s4;
	s7 =	sadd.s32 s7, s24  }
0x21: {  	s15 =	simm.s32 $0x4;
	[dreg:$0x17] =	wrdreg s2;
	s2 =	sadd.s32 s5, s4  }
0x22: {  	s4 =	sadd.s32 s5, s23;
	s5 =	sadd.s32 s5, s24;
	_ =	strace $0x80000047  }
.LBB2_1:
0x23: {  	[tilespmem:s1], [sflag:$0x1] =	stream.linear.gather [hbm4b:s2+s1], $0x8000, $0x38;
	[tilespmem:$0x18000] =	vst v63  }
0x24: {  	_ = 	snop  }
0x25: {  	[tilespmem:s9], [sflag:$0x5] =	stream.linear.gather [hbm4b:s26+s1], $0x8000, $0x38;
	[tilespmem:$0x18000] =	vst v63  }
0x26: {  	_ =	swait.ge [sflag:s10], $0x8000  }
0x27: {  	[sflag:s10] =	ssyncset.done $0x0  }
0x28: {  	[sflag:s10] =	ssyncadd.s32 $0xFFFF8000  }
0x29: {  	_ =	swait.ge [sflag:s11], $0x8000  }
0x2a: {  	[sflag:s11] =	ssyncset.done $0x0  }
0x2b: {  	s17 =	rddreg [dreg:$0x4];
	[sflag:s11] =	ssyncadd.s32 $0xFFFF8000  }
0x2c: {  	[tilespmem:s12], [sflag:$0x2] =	stream.linear.gather [hbm4b:s17+s1], $0x8000, $0x38;
	[tilespmem:$0x18000] =	vst v63  }
0x2d: {  	s18 =	simm.s32 $0x0;
	s19 =	simm.s32 $0x0;
	s17 =	simm.s32 $0x0  }
.LBB2_2:
0x2e: {  	s20 =	sand.u32 $0x7, s18  }
0x2f: {  	s20 =	sshll.u32 s20, $0x9  }
0x30: {  	s20 =	sshrl.u32 s20, $0x2  }
0x31: {  	v0 =	vmov s20;
	_ =	sdelay $0x2  }
0x32: {  	s21 =	sand.u32 $0x3FFFE000, s17  }
0x33: {  	s23 =	sadd.s32 $0x10040, s21  }
0x34: {  	v1 =	vld.idx.msk [tilespmem:v0+s23+$0xFFFFFFC0 ss:$0x1], $0xffff;
	_ =	sdelay $0x3  }
0x35: {  	s24 =	sadd.s32 s20, s21  }
0x36: {  	[tilespmem:s24+$0x0] =	vst.add.f32.msk $0xffff, v1  }
0x37: {  	v1 =	vld.idx.msk [tilespmem:v0+s23+$0xFFFFFFD0 ss:$0x1], $0xffff;
	_ =	sdelay $0x4  }
0x38: {  	[tilespmem:s24+$0x10] =	vst.add.f32.msk $0xffff, v1  }
0x39: {  	v1 =	vld.idx.msk [tilespmem:v0+s23+$0xFFFFFFE0 ss:$0x1], $0xffff;
	_ =	sdelay $0x4  }
0x3a: {  	[tilespmem:s24+$0x20] =	vst.add.f32.msk $0xffff, v1  }
0x3b: {  	v1 =	vld.idx.msk [tilespmem:v0+s23+$0xFFFFFFF0 ss:$0x1], $0xffff;
	_ =	sdelay $0x4  }
0x3c: {  	[tilespmem:s24+$0x30] =	vst.add.f32.msk $0xffff, v1  }
0x3d: {  	v1 =	vld.idx.msk [tilespmem:v0+s23+$0x0 ss:$0x1], $0xffff;
	_ =	sdelay $0x4  }
0x3e: {  	[tilespmem:s24+$0x40] =	vst.add.f32.msk $0xffff, v1  }
0x3f: {  	v1 =	vld.idx.msk [tilespmem:v0+s23+$0x10 ss:$0x1], $0xffff;
	_ =	sdelay $0x4  }
0x40: {  	[tilespmem:s24+$0x50] =	vst.add.f32.msk $0xffff, v1  }
0x41: {  	v1 =	vld.idx.msk [tilespmem:v0+s23+$0x20 ss:$0x1], $0xffff;
	_ =	sdelay $0x4  }
0x42: {  	[tilespmem:s24+$0x60] =	vst.add.f32.msk $0xffff, v1  }
0x43: {  	v1 =	vld.idx.msk [tilespmem:v0+s23+$0x30 ss:$0x1], $0xffff;
	_ =	sdelay $0x4  }
0x44: {  	s22 =	simm.s32 $0x0;
	s23 =	sadd.s32 $0x400, s23;
	[tilespmem:s24+$0x70] =	vst.add.f32.msk $0xffff, v1  }
.LBB2_3:
0x45: {  	v1 =	vld.idx.msk [tilespmem:v0+s23+$0xFFFFFFC0 ss:$0x1], $0xffff;
	s22 =	sadd.s32 $0x8, s22  }
0x46: {  	p0 =	slt.u32 s22, $0x38;
	_ =	sdelay $0x2  }
0x47: {  	s21 =	sadd.s32 $0x400, s21  }
0x48: {  	s24 =	sadd.s32 s20, s21  }
0x49: {  	[tilespmem:s24+$0x0] =	vst.add.f32.msk $0xffff, v1  }
0x4a: {  	v1 =	vld.idx.msk [tilespmem:v0+s23+$0xFFFFFFD0 ss:$0x1], $0xffff;
	_ =	sdelay $0x5  }
0x4b: {  	[tilespmem:s24+$0x10] =	vst.add.f32.msk $0xffff, v1  }
0x4c: {  	v1 =	vld.idx.msk [tilespmem:v0+s23+$0xFFFFFFE0 ss:$0x1], $0xffff;
	_ =	sdelay $0x5  }
0x4d: {  	[tilespmem:s24+$0x20] =	vst.add.f32.msk $0xffff, v1  }
0x4e: {  	v1 =	vld.idx.msk [tilespmem:v0+s23+$0xFFFFFFF0 ss:$0x1], $0xffff;
	_ =	sdelay $0x5  }
0x4f: {  	[tilespmem:s24+$0x30] =	vst.add.f32.msk $0xffff, v1  }
0x50: {  	v1 =	vld.idx.msk [tilespmem:v0+s23+$0x0 ss:$0x1], $0xffff;
	_ =	sdelay $0x5  }
0x51: {  	[tilespmem:s24+$0x40] =	vst.add.f32.msk $0xffff, v1  }
0x52: {  	v1 =	vld.idx.msk [tilespmem:v0+s23+$0x10 ss:$0x1], $0xffff;
	_ =	sdelay $0x5  }
0x53: {  	[tilespmem:s24+$0x50] =	vst.add.f32.msk $0xffff, v1  }
0x54: {  	v1 =	vld.idx.msk [tilespmem:v0+s23+$0x20 ss:$0x1], $0xffff;
	_ =	sdelay $0x5  }
0x55: {  	[tilespmem:s24+$0x60] =	vst.add.f32.msk $0xffff, v1  }
0x56: {  	v1 =	vld.idx.msk [tilespmem:v0+s23+$0x30 ss:$0x1], $0xffff;
	_ =	sdelay $0x1  }
.Ltmp0:
0x57: {  	(pc) =	sbr.rel @p0 .LBB2_3-.Ltmp0, $2  }
0x58: {  	_ =	sdelay $0x2  }
0x59: {  	s23 =	sadd.s32 $0x400, s23;
	[tilespmem:s24+$0x70] =	vst.add.f32.msk $0xffff, v1  }
0x5a: {  	s19 =	sadd.s32 $0x1, s19  }
0x5b: {  	p0 =	sne.s32 s19, $0x20  }
.Ltmp1:
0x5c: {  	_ = 	snop;
	(pc) =	sbr.rel @p0 .LBB2_2-.Ltmp1, $2  }
0x5d: {  	_ =	sdelay $0x2  }
0x5e: {  	s18 =	sadd.s32 $0x1, s18;
	s17 =	sadd.s32 $0x400, s17  }
0x5f: {  	s17 =	simm.s32 $0x0  }
0x60: {  	[hbm4b:s3+s17] =	stream.linear.scatter [tilespmem:s17], [sflag:$0x3], $0x8000, $0x38;
	[tilespmem:$0x18000] =	vst v63  }
0x61: {  	_ =	swait.ge [sflag:s13], $0x8000  }
0x62: {  	[sflag:s13] =	ssyncset.done $0x0  }
0x63: {  	[sflag:s13] =	ssyncadd.s32 $0xFFFF8000  }
0x64: {  	_ =	swait.ge [sflag:s14], $0x8000  }
0x65: {  	[sflag:s14] =	ssyncset.done $0x0  }
0x66: {  	s18 =	rddreg [dreg:$0x5];
	[sflag:s14] =	ssyncadd.s32 $0xFFFF8000  }
0x67: {  	[tilespmem:s17], [sflag:$0x1] =	stream.linear.gather [hbm4b:s18+s17], $0x8000, $0x38;
	[tilespmem:$0x18000] =	vst v63  }
0x68: {  	s19 =	simm.s32 $0x0;
	s18 =	simm.s32 $0x0  }
.LBB2_6:
0x69: {  	s20 =	sand.u32 $0x7, s18  }
0x6a: {  	s20 =	sshll.u32 s20, $0x9  }
0x6b: {  	s20 =	sshrl.u32 s20, $0x2  }
0x6c: {  	v0 =	vmov s20;
	_ =	sdelay $0x2  }
0x6d: {  	s21 =	sand.u32 $0x3FFFE000, s17  }
0x6e: {  	s23 =	sadd.s32 $0x10040, s21  }
0x6f: {  	v1 =	vld.idx.msk [tilespmem:v0+s23+$0xFFFFFFC0 ss:$0x1], $0xffff;
	_ =	sdelay $0x2  }
0x70: {  	s21 =	sadd.s32 $0x8000, s21  }
0x71: {  	s24 =	sadd.s32 s20, s21  }
0x72: {  	[tilespmem:s24+$0x0] =	vst.add.f32.msk $0xffff, v1  }
0x73: {  	v1 =	vld.idx.msk [tilespmem:v0+s23+$0xFFFFFFD0 ss:$0x1], $0xffff;
	_ =	sdelay $0x4  }
0x74: {  	[tilespmem:s24+$0x10] =	vst.add.f32.msk $0xffff, v1  }
0x75: {  	v1 =	vld.idx.msk [tilespmem:v0+s23+$0xFFFFFFE0 ss:$0x1], $0xffff;
	_ =	sdelay $0x4  }
0x76: {  	[tilespmem:s24+$0x20] =	vst.add.f32.msk $0xffff, v1  }
0x77: {  	v1 =	vld.idx.msk [tilespmem:v0+s23+$0xFFFFFFF0 ss:$0x1], $0xffff;
	_ =	sdelay $0x4  }
0x78: {  	[tilespmem:s24+$0x30] =	vst.add.f32.msk $0xffff, v1  }
0x79: {  	v1 =	vld.idx.msk [tilespmem:v0+s23+$0x0 ss:$0x1], $0xffff;
	_ =	sdelay $0x4  }
0x7a: {  	[tilespmem:s24+$0x40] =	vst.add.f32.msk $0xffff, v1  }
0x7b: {  	v1 =	vld.idx.msk [tilespmem:v0+s23+$0x10 ss:$0x1], $0xffff;
	_ =	sdelay $0x4  }
0x7c: {  	[tilespmem:s24+$0x50] =	vst.add.f32.msk $0xffff, v1  }
0x7d: {  	v1 =	vld.idx.msk [tilespmem:v0+s23+$0x20 ss:$0x1], $0xffff;
	_ =	sdelay $0x4  }
0x7e: {  	[tilespmem:s24+$0x60] =	vst.add.f32.msk $0xffff, v1  }
0x7f: {  	v1 =	vld.idx.msk [tilespmem:v0+s23+$0x30 ss:$0x1], $0xffff;
	_ =	sdelay $0x4  }
0x80: {  	s22 =	simm.s32 $0x0;
	s23 =	sadd.s32 $0x400, s23;
	[tilespmem:s24+$0x70] =	vst.add.f32.msk $0xffff, v1  }
.LBB2_7:
0x81: {  	v1 =	vld.idx.msk [tilespmem:v0+s23+$0xFFFFFFC0 ss:$0x1], $0xffff;
	s22 =	sadd.s32 $0x8, s22  }
0x82: {  	p0 =	slt.u32 s22, $0x38;
	_ =	sdelay $0x2  }
0x83: {  	s21 =	sadd.s32 $0x400, s21  }
0x84: {  	s24 =	sadd.s32 s20, s21  }
0x85: {  	[tilespmem:s24+$0x0] =	vst.add.f32.msk $0xffff, v1  }
0x86: {  	v1 =	vld.idx.msk [tilespmem:v0+s23+$0xFFFFFFD0 ss:$0x1], $0xffff;
	_ =	sdelay $0x5  }
0x87: {  	[tilespmem:s24+$0x10] =	vst.add.f32.msk $0xffff, v1  }
0x88: {  	v1 =	vld.idx.msk [tilespmem:v0+s23+$0xFFFFFFE0 ss:$0x1], $0xffff;
	_ =	sdelay $0x5  }
0x89: {  	[tilespmem:s24+$0x20] =	vst.add.f32.msk $0xffff, v1  }
0x8a: {  	v1 =	vld.idx.msk [tilespmem:v0+s23+$0xFFFFFFF0 ss:$0x1], $0xffff;
	_ =	sdelay $0x5  }
0x8b: {  	[tilespmem:s24+$0x30] =	vst.add.f32.msk $0xffff, v1  }
0x8c: {  	v1 =	vld.idx.msk [tilespmem:v0+s23+$0x0 ss:$0x1], $0xffff;
	_ =	sdelay $0x5  }
0x8d: {  	[tilespmem:s24+$0x40] =	vst.add.f32.msk $0xffff, v1  }
0x8e: {  	v1 =	vld.idx.msk [tilespmem:v0+s23+$0x10 ss:$0x1], $0xffff;
	_ =	sdelay $0x5  }
0x8f: {  	[tilespmem:s24+$0x50] =	vst.add.f32.msk $0xffff, v1  }
0x90: {  	v1 =	vld.idx.msk [tilespmem:v0+s23+$0x20 ss:$0x1], $0xffff;
	_ =	sdelay $0x5  }
0x91: {  	[tilespmem:s24+$0x60] =	vst.add.f32.msk $0xffff, v1  }
0x92: {  	v1 =	vld.idx.msk [tilespmem:v0+s23+$0x30 ss:$0x1], $0xffff;
	_ =	sdelay $0x1  }
.Ltmp2:
0x93: {  	(pc) =	sbr.rel @p0 .LBB2_7-.Ltmp2, $2  }
0x94: {  	_ =	sdelay $0x2  }
0x95: {  	s23 =	sadd.s32 $0x400, s23;
	[tilespmem:s24+$0x70] =	vst.add.f32.msk $0xffff, v1  }
0x96: {  	s19 =	sadd.s32 $0x1, s19  }
0x97: {  	p0 =	sne.s32 s19, $0x20  }
.Ltmp3:
0x98: {  	_ = 	snop;
	(pc) =	sbr.rel @p0 .LBB2_6-.Ltmp3, $2  }
0x99: {  	_ =	sdelay $0x2  }
0x9a: {  	s18 =	sadd.s32 $0x1, s18;
	s17 =	sadd.s32 $0x400, s17  }
0x9b: {  	s17 =	simm.s32 $0x0;
	s18 =	rddreg [dreg:$0x6]  }
0x9c: {  	[hbm4b:s18+s17] =	stream.linear.scatter [tilespmem:s12], [sflag:$0x4], $0x8000, $0x38;
	[tilespmem:$0x18000] =	vst v63  }
0x9d: {  	_ =	swait.ge [sflag:s11], $0x8000  }
0x9e: {  	[sflag:s11] =	ssyncset.done $0x0  }
0x9f: {  	[sflag:s11] =	ssyncadd.s32 $0xFFFF8000  }
0xa0: {  	_ =	swait.ge [sflag:s15], $0x8000  }
0xa1: {  	s19 =	simm.s32 $0x0;
	[sflag:s15] =	ssyncset.done $0x0  }
0xa2: {  	s18 =	simm.s32 $0x0;
	s24 =	rddreg [dreg:$0x7];
	[sflag:s15] =	ssyncadd.s32 $0xFFFF8000  }
0xa3: {  	[tilespmem:s12], [sflag:$0x2] =	stream.linear.gather [hbm4b:s24+s17], $0x8000, $0x38;
	[tilespmem:$0x18000] =	vst v63  }
.LBB2_10:
0xa4: {  	s20 =	sand.u32 $0x7, s18  }
0xa5: {  	s20 =	sshll.u32 s20, $0x9  }
0xa6: {  	s20 =	sshrl.u32 s20, $0x2  }
0xa7: {  	v0 =	vmov s20;
	_ =	sdelay $0x2  }
0xa8: {  	s21 =	sand.u32 $0x3FFFE000, s17  }
0xa9: {  	s23 =	sadd.s32 $0x10040, s21  }
0xaa: {  	v1 =	vld.idx.msk [tilespmem:v0+s23+$0xFFFFFFC0 ss:$0x1], $0xffff;
	_ =	sdelay $0x3  }
0xab: {  	s24 =	sadd.s32 s20, s21  }
0xac: {  	[tilespmem:s24+$0x0] =	vst.add.f32.msk $0xffff, v1  }
0xad: {  	v1 =	vld.idx.msk [tilespmem:v0+s23+$0xFFFFFFD0 ss:$0x1], $0xffff;
	_ =	sdelay $0x4  }
0xae: {  	[tilespmem:s24+$0x10] =	vst.add.f32.msk $0xffff, v1  }
0xaf: {  	v1 =	vld.idx.msk [tilespmem:v0+s23+$0xFFFFFFE0 ss:$0x1], $0xffff;
	_ =	sdelay $0x4  }
0xb0: {  	[tilespmem:s24+$0x20] =	vst.add.f32.msk $0xffff, v1  }
0xb1: {  	v1 =	vld.idx.msk [tilespmem:v0+s23+$0xFFFFFFF0 ss:$0x1], $0xffff;
	_ =	sdelay $0x4  }
0xb2: {  	[tilespmem:s24+$0x30] =	vst.add.f32.msk $0xffff, v1  }
0xb3: {  	v1 =	vld.idx.msk [tilespmem:v0+s23+$0x0 ss:$0x1], $0xffff;
	_ =	sdelay $0x4  }
0xb4: {  	[tilespmem:s24+$0x40] =	vst.add.f32.msk $0xffff, v1  }
0xb5: {  	v1 =	vld.idx.msk [tilespmem:v0+s23+$0x10 ss:$0x1], $0xffff;
	_ =	sdelay $0x4  }
0xb6: {  	[tilespmem:s24+$0x50] =	vst.add.f32.msk $0xffff, v1  }
0xb7: {  	v1 =	vld.idx.msk [tilespmem:v0+s23+$0x20 ss:$0x1], $0xffff;
	_ =	sdelay $0x4  }
0xb8: {  	[tilespmem:s24+$0x60] =	vst.add.f32.msk $0xffff, v1  }
0xb9: {  	v1 =	vld.idx.msk [tilespmem:v0+s23+$0x30 ss:$0x1], $0xffff;
	_ =	sdelay $0x4  }
0xba: {  	s22 =	simm.s32 $0x0;
	s23 =	sadd.s32 $0x400, s23;
	[tilespmem:s24+$0x70] =	vst.add.f32.msk $0xffff, v1  }
.LBB2_11:
0xbb: {  	v1 =	vld.idx.msk [tilespmem:v0+s23+$0xFFFFFFC0 ss:$0x1], $0xffff;
	s22 =	sadd.s32 $0x8, s22  }
0xbc: {  	p0 =	slt.u32 s22, $0x38;
	_ =	sdelay $0x2  }
0xbd: {  	s21 =	sadd.s32 $0x400, s21  }
0xbe: {  	s24 =	sadd.s32 s20, s21  }
0xbf: {  	[tilespmem:s24+$0x0] =	vst.add.f32.msk $0xffff, v1  }
0xc0: {  	v1 =	vld.idx.msk [tilespmem:v0+s23+$0xFFFFFFD0 ss:$0x1], $0xffff;
	_ =	sdelay $0x5  }
0xc1: {  	[tilespmem:s24+$0x10] =	vst.add.f32.msk $0xffff, v1  }
0xc2: {  	v1 =	vld.idx.msk [tilespmem:v0+s23+$0xFFFFFFE0 ss:$0x1], $0xffff;
	_ =	sdelay $0x5  }
0xc3: {  	[tilespmem:s24+$0x20] =	vst.add.f32.msk $0xffff, v1  }
0xc4: {  	v1 =	vld.idx.msk [tilespmem:v0+s23+$0xFFFFFFF0 ss:$0x1], $0xffff;
	_ =	sdelay $0x5  }
0xc5: {  	[tilespmem:s24+$0x30] =	vst.add.f32.msk $0xffff, v1  }
0xc6: {  	v1 =	vld.idx.msk [tilespmem:v0+s23+$0x0 ss:$0x1], $0xffff;
	_ =	sdelay $0x5  }
0xc7: {  	[tilespmem:s24+$0x40] =	vst.add.f32.msk $0xffff, v1  }
0xc8: {  	v1 =	vld.idx.msk [tilespmem:v0+s23+$0x10 ss:$0x1], $0xffff;
	_ =	sdelay $0x5  }
0xc9: {  	[tilespmem:s24+$0x50] =	vst.add.f32.msk $0xffff, v1  }
0xca: {  	v1 =	vld.idx.msk [tilespmem:v0+s23+$0x20 ss:$0x1], $0xffff;
	_ =	sdelay $0x5  }
0xcb: {  	[tilespmem:s24+$0x60] =	vst.add.f32.msk $0xffff, v1  }
0xcc: {  	v1 =	vld.idx.msk [tilespmem:v0+s23+$0x30 ss:$0x1], $0xffff;
	_ =	sdelay $0x1  }
.Ltmp4:
0xcd: {  	(pc) =	sbr.rel @p0 .LBB2_11-.Ltmp4, $2  }
0xce: {  	_ =	sdelay $0x2  }
0xcf: {  	s23 =	sadd.s32 $0x400, s23;
	[tilespmem:s24+$0x70] =	vst.add.f32.msk $0xffff, v1  }
0xd0: {  	s19 =	sadd.s32 $0x1, s19  }
0xd1: {  	p0 =	sne.s32 s19, $0x20  }
.Ltmp5:
0xd2: {  	_ = 	snop;
	(pc) =	sbr.rel @p0 .LBB2_10-.Ltmp5, $2  }
0xd3: {  	_ =	sdelay $0x2  }
0xd4: {  	s18 =	sadd.s32 $0x1, s18;
	s17 =	sadd.s32 $0x400, s17  }
0xd5: {  	s17 =	simm.s32 $0x0;
	s18 =	rddreg [dreg:$0x8]  }
0xd6: {  	[hbm4b:s18+s17] =	stream.linear.scatter [tilespmem:s17], [sflag:$0x3], $0x8000, $0x38;
	[tilespmem:$0x18000] =	vst v63  }
0xd7: {  	_ =	swait.ge [sflag:s13], $0x8000  }
0xd8: {  	[sflag:s13] =	ssyncset.done $0x0  }
0xd9: {  	[sflag:s13] =	ssyncadd.s32 $0xFFFF8000  }
0xda: {  	_ =	swait.ge [sflag:s14], $0x8000  }
0xdb: {  	s19 =	simm.s32 $0x0;
	[sflag:s14] =	ssyncset.done $0x0  }
0xdc: {  	s18 =	simm.s32 $0x0;
	s24 =	rddreg [dreg:$0x9];
	[sflag:s14] =	ssyncadd.s32 $0xFFFF8000  }
0xdd: {  	[tilespmem:s17], [sflag:$0x1] =	stream.linear.gather [hbm4b:s24+s17], $0x8000, $0x38;
	[tilespmem:$0x18000] =	vst v63  }
.LBB2_14:
0xde: {  	s20 =	sand.u32 $0x7, s18  }
0xdf: {  	s20 =	sshll.u32 s20, $0x9  }
0xe0: {  	s20 =	sshrl.u32 s20, $0x2  }
0xe1: {  	v0 =	vmov s20;
	_ =	sdelay $0x2  }
0xe2: {  	s21 =	sand.u32 $0x3FFFE000, s17  }
0xe3: {  	s23 =	sadd.s32 $0x10040, s21  }
0xe4: {  	v1 =	vld.idx.msk [tilespmem:v0+s23+$0xFFFFFFC0 ss:$0x1], $0xffff;
	_ =	sdelay $0x2  }
0xe5: {  	s21 =	sadd.s32 $0x8000, s21  }
0xe6: {  	s24 =	sadd.s32 s20, s21  }
0xe7: {  	[tilespmem:s24+$0x0] =	vst.add.f32.msk $0xffff, v1  }
0xe8: {  	v1 =	vld.idx.msk [tilespmem:v0+s23+$0xFFFFFFD0 ss:$0x1], $0xffff;
	_ =	sdelay $0x4  }
0xe9: {  	[tilespmem:s24+$0x10] =	vst.add.f32.msk $0xffff, v1  }
0xea: {  	v1 =	vld.idx.msk [tilespmem:v0+s23+$0xFFFFFFE0 ss:$0x1], $0xffff;
	_ =	sdelay $0x4  }
0xeb: {  	[tilespmem:s24+$0x20] =	vst.add.f32.msk $0xffff, v1  }
0xec: {  	v1 =	vld.idx.msk [tilespmem:v0+s23+$0xFFFFFFF0 ss:$0x1], $0xffff;
	_ =	sdelay $0x4  }
0xed: {  	[tilespmem:s24+$0x30] =	vst.add.f32.msk $0xffff, v1  }
0xee: {  	v1 =	vld.idx.msk [tilespmem:v0+s23+$0x0 ss:$0x1], $0xffff;
	_ =	sdelay $0x4  }
0xef: {  	[tilespmem:s24+$0x40] =	vst.add.f32.msk $0xffff, v1  }
0xf0: {  	v1 =	vld.idx.msk [tilespmem:v0+s23+$0x10 ss:$0x1], $0xffff;
	_ =	sdelay $0x4  }
0xf1: {  	[tilespmem:s24+$0x50] =	vst.add.f32.msk $0xffff, v1  }
0xf2: {  	v1 =	vld.idx.msk [tilespmem:v0+s23+$0x20 ss:$0x1], $0xffff;
	_ =	sdelay $0x4  }
0xf3: {  	[tilespmem:s24+$0x60] =	vst.add.f32.msk $0xffff, v1  }
0xf4: {  	v1 =	vld.idx.msk [tilespmem:v0+s23+$0x30 ss:$0x1], $0xffff;
	_ =	sdelay $0x4  }
0xf5: {  	s22 =	simm.s32 $0x0;
	s23 =	sadd.s32 $0x400, s23;
	[tilespmem:s24+$0x70] =	vst.add.f32.msk $0xffff, v1  }
.LBB2_15:
0xf6: {  	v1 =	vld.idx.msk [tilespmem:v0+s23+$0xFFFFFFC0 ss:$0x1], $0xffff;
	s22 =	sadd.s32 $0x8, s22  }
0xf7: {  	p0 =	slt.u32 s22, $0x38;
	_ =	sdelay $0x2  }
0xf8: {  	s21 =	sadd.s32 $0x400, s21  }
0xf9: {  	s24 =	sadd.s32 s20, s21  }
0xfa: {  	[tilespmem:s24+$0x0] =	vst.add.f32.msk $0xffff, v1  }
0xfb: {  	v1 =	vld.idx.msk [tilespmem:v0+s23+$0xFFFFFFD0 ss:$0x1], $0xffff;
	_ =	sdelay $0x5  }
0xfc: {  	[tilespmem:s24+$0x10] =	vst.add.f32.msk $0xffff, v1  }
0xfd: {  	v1 =	vld.idx.msk [tilespmem:v0+s23+$0xFFFFFFE0 ss:$0x1], $0xffff;
	_ =	sdelay $0x5  }
0xfe: {  	[tilespmem:s24+$0x20] =	vst.add.f32.msk $0xffff, v1  }
0xff: {  	v1 =	vld.idx.msk [tilespmem:v0+s23+$0xFFFFFFF0 ss:$0x1], $0xffff;
	_ =	sdelay $0x5  }
0x100: {  	[tilespmem:s24+$0x30] =	vst.add.f32.msk $0xffff, v1  }
0x101: {  	v1 =	vld.idx.msk [tilespmem:v0+s23+$0x0 ss:$0x1], $0xffff;
	_ =	sdelay $0x5  }
0x102: {  	[tilespmem:s24+$0x40] =	vst.add.f32.msk $0xffff, v1  }
0x103: {  	v1 =	vld.idx.msk [tilespmem:v0+s23+$0x10 ss:$0x1], $0xffff;
	_ =	sdelay $0x5  }
0x104: {  	[tilespmem:s24+$0x50] =	vst.add.f32.msk $0xffff, v1  }
0x105: {  	v1 =	vld.idx.msk [tilespmem:v0+s23+$0x20 ss:$0x1], $0xffff;
	_ =	sdelay $0x5  }
0x106: {  	[tilespmem:s24+$0x60] =	vst.add.f32.msk $0xffff, v1  }
0x107: {  	v1 =	vld.idx.msk [tilespmem:v0+s23+$0x30 ss:$0x1], $0xffff;
	_ =	sdelay $0x1  }
.Ltmp6:
0x108: {  	(pc) =	sbr.rel @p0 .LBB2_15-.Ltmp6, $2  }
0x109: {  	_ =	sdelay $0x2  }
0x10a: {  	s23 =	sadd.s32 $0x400, s23;
	[tilespmem:s24+$0x70] =	vst.add.f32.msk $0xffff, v1  }
0x10b: {  	s19 =	sadd.s32 $0x1, s19  }
0x10c: {  	p0 =	sne.s32 s19, $0x20  }
.Ltmp7:
0x10d: {  	_ = 	snop;
	(pc) =	sbr.rel @p0 .LBB2_14-.Ltmp7, $2  }
0x10e: {  	_ =	sdelay $0x2  }
0x10f: {  	s18 =	sadd.s32 $0x1, s18;
	s17 =	sadd.s32 $0x400, s17  }
0x110: {  	s17 =	simm.s32 $0x0;
	s18 =	rddreg [dreg:$0xa]  }
0x111: {  	[hbm4b:s18+s17] =	stream.linear.scatter [tilespmem:s12], [sflag:$0x4], $0x8000, $0x38;
	[tilespmem:$0x18000] =	vst v63  }
0x112: {  	s23 =	rddreg [dreg:$0xb]  }
0x113: {  	[tilespmem:s9], [sflag:$0x5] =	stream.linear.gather [hbm4b:s23+s17], $0x8000, $0x38;
	[tilespmem:$0x18000] =	vst v63  }
0x114: {  	_ =	swait.ge [sflag:s10], $0x8000  }
0x115: {  	[sflag:s10] =	ssyncset.done $0x0  }
0x116: {  	[sflag:s10] =	ssyncadd.s32 $0xFFFF8000  }
0x117: {  	_ =	swait.ge [sflag:s11], $0x8000  }
0x118: {  	[sflag:s11] =	ssyncset.done $0x0  }
0x119: {  	[sflag:s11] =	ssyncadd.s32 $0xFFFF8000  }
0x11a: {  	_ =	swait.ge [sflag:s15], $0x8000  }
0x11b: {  	s19 =	simm.s32 $0x0;
	[sflag:s15] =	ssyncset.done $0x0  }
0x11c: {  	s18 =	simm.s32 $0x0;
	s24 =	rddreg [dreg:$0xc];
	[sflag:s15] =	ssyncadd.s32 $0xFFFF8000  }
0x11d: {  	[tilespmem:s12], [sflag:$0x2] =	stream.linear.gather [hbm4b:s24+s17], $0x8000, $0x38;
	[tilespmem:$0x18000] =	vst v63  }
.LBB2_18:
0x11e: {  	s20 =	sand.u32 $0x7, s18  }
0x11f: {  	s20 =	sshll.u32 s20, $0x9  }
0x120: {  	s20 =	sshrl.u32 s20, $0x2  }
0x121: {  	v0 =	vmov s20;
	_ =	sdelay $0x2  }
0x122: {  	s21 =	sand.u32 $0x3FFFE000, s17  }
0x123: {  	s23 =	sadd.s32 $0x10040, s21  }
0x124: {  	v1 =	vld.idx.msk [tilespmem:v0+s23+$0xFFFFFFC0 ss:$0x1], $0xffff;
	_ =	sdelay $0x3  }
0x125: {  	s24 =	sadd.s32 s20, s21  }
0x126: {  	[tilespmem:s24+$0x0] =	vst.add.f32.msk $0xffff, v1  }
0x127: {  	v1 =	vld.idx.msk [tilespmem:v0+s23+$0xFFFFFFD0 ss:$0x1], $0xffff;
	_ =	sdelay $0x4  }
0x128: {  	[tilespmem:s24+$0x10] =	vst.add.f32.msk $0xffff, v1  }
0x129: {  	v1 =	vld.idx.msk [tilespmem:v0+s23+$0xFFFFFFE0 ss:$0x1], $0xffff;
	_ =	sdelay $0x4  }
0x12a: {  	[tilespmem:s24+$0x20] =	vst.add.f32.msk $0xffff, v1  }
0x12b: {  	v1 =	vld.idx.msk [tilespmem:v0+s23+$0xFFFFFFF0 ss:$0x1], $0xffff;
	_ =	sdelay $0x4  }
0x12c: {  	[tilespmem:s24+$0x30] =	vst.add.f32.msk $0xffff, v1  }
0x12d: {  	v1 =	vld.idx.msk [tilespmem:v0+s23+$0x0 ss:$0x1], $0xffff;
	_ =	sdelay $0x4  }
0x12e: {  	[tilespmem:s24+$0x40] =	vst.add.f32.msk $0xffff, v1  }
0x12f: {  	v1 =	vld.idx.msk [tilespmem:v0+s23+$0x10 ss:$0x1], $0xffff;
	_ =	sdelay $0x4  }
0x130: {  	[tilespmem:s24+$0x50] =	vst.add.f32.msk $0xffff, v1  }
0x131: {  	v1 =	vld.idx.msk [tilespmem:v0+s23+$0x20 ss:$0x1], $0xffff;
	_ =	sdelay $0x4  }
0x132: {  	[tilespmem:s24+$0x60] =	vst.add.f32.msk $0xffff, v1  }
0x133: {  	v1 =	vld.idx.msk [tilespmem:v0+s23+$0x30 ss:$0x1], $0xffff;
	_ =	sdelay $0x4  }
0x134: {  	s22 =	simm.s32 $0x0;
	s23 =	sadd.s32 $0x400, s23;
	[tilespmem:s24+$0x70] =	vst.add.f32.msk $0xffff, v1  }
.LBB2_19:
0x135: {  	v1 =	vld.idx.msk [tilespmem:v0+s23+$0xFFFFFFC0 ss:$0x1], $0xffff;
	s22 =	sadd.s32 $0x8, s22  }
0x136: {  	p0 =	slt.u32 s22, $0x38;
	_ =	sdelay $0x2  }
0x137: {  	s21 =	sadd.s32 $0x400, s21  }
0x138: {  	s24 =	sadd.s32 s20, s21  }
0x139: {  	[tilespmem:s24+$0x0] =	vst.add.f32.msk $0xffff, v1  }
0x13a: {  	v1 =	vld.idx.msk [tilespmem:v0+s23+$0xFFFFFFD0 ss:$0x1], $0xffff;
	_ =	sdelay $0x5  }
0x13b: {  	[tilespmem:s24+$0x10] =	vst.add.f32.msk $0xffff, v1  }
0x13c: {  	v1 =	vld.idx.msk [tilespmem:v0+s23+$0xFFFFFFE0 ss:$0x1], $0xffff;
	_ =	sdelay $0x5  }
0x13d: {  	[tilespmem:s24+$0x20] =	vst.add.f32.msk $0xffff, v1  }
0x13e: {  	v1 =	vld.idx.msk [tilespmem:v0+s23+$0xFFFFFFF0 ss:$0x1], $0xffff;
	_ =	sdelay $0x5  }
0x13f: {  	[tilespmem:s24+$0x30] =	vst.add.f32.msk $0xffff, v1  }
0x140: {  	v1 =	vld.idx.msk [tilespmem:v0+s23+$0x0 ss:$0x1], $0xffff;
	_ =	sdelay $0x5  }
0x141: {  	[tilespmem:s24+$0x40] =	vst.add.f32.msk $0xffff, v1  }
0x142: {  	v1 =	vld.idx.msk [tilespmem:v0+s23+$0x10 ss:$0x1], $0xffff;
	_ =	sdelay $0x5  }
0x143: {  	[tilespmem:s24+$0x50] =	vst.add.f32.msk $0xffff, v1  }
0x144: {  	v1 =	vld.idx.msk [tilespmem:v0+s23+$0x20 ss:$0x1], $0xffff;
	_ =	sdelay $0x5  }
0x145: {  	[tilespmem:s24+$0x60] =	vst.add.f32.msk $0xffff, v1  }
0x146: {  	v1 =	vld.idx.msk [tilespmem:v0+s23+$0x30 ss:$0x1], $0xffff;
	_ =	sdelay $0x1  }
.Ltmp8:
0x147: {  	(pc) =	sbr.rel @p0 .LBB2_19-.Ltmp8, $2  }
0x148: {  	_ =	sdelay $0x2  }
0x149: {  	s23 =	sadd.s32 $0x400, s23;
	[tilespmem:s24+$0x70] =	vst.add.f32.msk $0xffff, v1  }
0x14a: {  	s19 =	sadd.s32 $0x1, s19  }
0x14b: {  	p0 =	sne.s32 s19, $0x20  }
.Ltmp9:
0x14c: {  	_ = 	snop;
	(pc) =	sbr.rel @p0 .LBB2_18-.Ltmp9, $2  }
0x14d: {  	_ =	sdelay $0x2  }
0x14e: {  	s18 =	sadd.s32 $0x1, s18;
	s17 =	sadd.s32 $0x400, s17  }
0x14f: {  	s17 =	simm.s32 $0x0;
	s18 =	rddreg [dreg:$0xd]  }
0x150: {  	[hbm4b:s18+s17] =	stream.linear.scatter [tilespmem:s17], [sflag:$0x3], $0x8000, $0x38;
	[tilespmem:$0x18000] =	vst v63  }
0x151: {  	_ =	swait.ge [sflag:s13], $0x8000  }
0x152: {  	[sflag:s13] =	ssyncset.done $0x0  }
0x153: {  	[sflag:s13] =	ssyncadd.s32 $0xFFFF8000  }
0x154: {  	_ =	swait.ge [sflag:s14], $0x8000  }
0x155: {  	s19 =	simm.s32 $0x0;
	[sflag:s14] =	ssyncset.done $0x0  }
0x156: {  	s18 =	simm.s32 $0x0;
	s24 =	rddreg [dreg:$0xe];
	[sflag:s14] =	ssyncadd.s32 $0xFFFF8000  }
0x157: {  	[tilespmem:s17], [sflag:$0x1] =	stream.linear.gather [hbm4b:s24+s17], $0x8000, $0x38;
	[tilespmem:$0x18000] =	vst v63  }
.LBB2_22:
0x158: {  	s20 =	sand.u32 $0x7, s18  }
0x159: {  	s20 =	sshll.u32 s20, $0x9  }
0x15a: {  	s20 =	sshrl.u32 s20, $0x2  }
0x15b: {  	v0 =	vmov s20;
	_ =	sdelay $0x2  }
0x15c: {  	s21 =	sand.u32 $0x3FFFE000, s17  }
0x15d: {  	s23 =	sadd.s32 $0x10040, s21  }
0x15e: {  	v1 =	vld.idx.msk [tilespmem:v0+s23+$0xFFFFFFC0 ss:$0x1], $0xffff;
	_ =	sdelay $0x2  }
0x15f: {  	s21 =	sadd.s32 $0x8000, s21  }
0x160: {  	s24 =	sadd.s32 s20, s21  }
0x161: {  	[tilespmem:s24+$0x0] =	vst.add.f32.msk $0xffff, v1  }
0x162: {  	v1 =	vld.idx.msk [tilespmem:v0+s23+$0xFFFFFFD0 ss:$0x1], $0xffff;
	_ =	sdelay $0x4  }
0x163: {  	[tilespmem:s24+$0x10] =	vst.add.f32.msk $0xffff, v1  }
0x164: {  	v1 =	vld.idx.msk [tilespmem:v0+s23+$0xFFFFFFE0 ss:$0x1], $0xffff;
	_ =	sdelay $0x4  }
0x165: {  	[tilespmem:s24+$0x20] =	vst.add.f32.msk $0xffff, v1  }
0x166: {  	v1 =	vld.idx.msk [tilespmem:v0+s23+$0xFFFFFFF0 ss:$0x1], $0xffff;
	_ =	sdelay $0x4  }
0x167: {  	[tilespmem:s24+$0x30] =	vst.add.f32.msk $0xffff, v1  }
0x168: {  	v1 =	vld.idx.msk [tilespmem:v0+s23+$0x0 ss:$0x1], $0xffff;
	_ =	sdelay $0x4  }
0x169: {  	[tilespmem:s24+$0x40] =	vst.add.f32.msk $0xffff, v1  }
0x16a: {  	v1 =	vld.idx.msk [tilespmem:v0+s23+$0x10 ss:$0x1], $0xffff;
	_ =	sdelay $0x4  }
0x16b: {  	[tilespmem:s24+$0x50] =	vst.add.f32.msk $0xffff, v1  }
0x16c: {  	v1 =	vld.idx.msk [tilespmem:v0+s23+$0x20 ss:$0x1], $0xffff;
	_ =	sdelay $0x4  }
0x16d: {  	[tilespmem:s24+$0x60] =	vst.add.f32.msk $0xffff, v1  }
0x16e: {  	v1 =	vld.idx.msk [tilespmem:v0+s23+$0x30 ss:$0x1], $0xffff;
	_ =	sdelay $0x4  }
0x16f: {  	s22 =	simm.s32 $0x0;
	s23 =	sadd.s32 $0x400, s23;
	[tilespmem:s24+$0x70] =	vst.add.f32.msk $0xffff, v1  }
.LBB2_23:
0x170: {  	v1 =	vld.idx.msk [tilespmem:v0+s23+$0xFFFFFFC0 ss:$0x1], $0xffff;
	s22 =	sadd.s32 $0x8, s22  }
0x171: {  	p0 =	slt.u32 s22, $0x38;
	_ =	sdelay $0x2  }
0x172: {  	s21 =	sadd.s32 $0x400, s21  }
0x173: {  	s24 =	sadd.s32 s20, s21  }
0x174: {  	[tilespmem:s24+$0x0] =	vst.add.f32.msk $0xffff, v1  }
0x175: {  	v1 =	vld.idx.msk [tilespmem:v0+s23+$0xFFFFFFD0 ss:$0x1], $0xffff;
	_ =	sdelay $0x5  }
0x176: {  	[tilespmem:s24+$0x10] =	vst.add.f32.msk $0xffff, v1  }
0x177: {  	v1 =	vld.idx.msk [tilespmem:v0+s23+$0xFFFFFFE0 ss:$0x1], $0xffff;
	_ =	sdelay $0x5  }
0x178: {  	[tilespmem:s24+$0x20] =	vst.add.f32.msk $0xffff, v1  }
0x179: {  	v1 =	vld.idx.msk [tilespmem:v0+s23+$0xFFFFFFF0 ss:$0x1], $0xffff;
	_ =	sdelay $0x5  }
0x17a: {  	[tilespmem:s24+$0x30] =	vst.add.f32.msk $0xffff, v1  }
0x17b: {  	v1 =	vld.idx.msk [tilespmem:v0+s23+$0x0 ss:$0x1], $0xffff;
	_ =	sdelay $0x5  }
0x17c: {  	[tilespmem:s24+$0x40] =	vst.add.f32.msk $0xffff, v1  }
0x17d: {  	v1 =	vld.idx.msk [tilespmem:v0+s23+$0x10 ss:$0x1], $0xffff;
	_ =	sdelay $0x5  }
0x17e: {  	[tilespmem:s24+$0x50] =	vst.add.f32.msk $0xffff, v1  }
0x17f: {  	v1 =	vld.idx.msk [tilespmem:v0+s23+$0x20 ss:$0x1], $0xffff;
	_ =	sdelay $0x5  }
0x180: {  	[tilespmem:s24+$0x60] =	vst.add.f32.msk $0xffff, v1  }
0x181: {  	v1 =	vld.idx.msk [tilespmem:v0+s23+$0x30 ss:$0x1], $0xffff;
	_ =	sdelay $0x1  }
.Ltmp10:
0x182: {  	(pc) =	sbr.rel @p0 .LBB2_23-.Ltmp10, $2  }
0x183: {  	_ =	sdelay $0x2  }
0x184: {  	s23 =	sadd.s32 $0x400, s23;
	[tilespmem:s24+$0x70] =	vst.add.f32.msk $0xffff, v1  }
0x185: {  	s19 =	sadd.s32 $0x1, s19  }
0x186: {  	p0 =	sne.s32 s19, $0x20  }
.Ltmp11:
0x187: {  	_ = 	snop;
	(pc) =	sbr.rel @p0 .LBB2_22-.Ltmp11, $2  }
0x188: {  	_ =	sdelay $0x2  }
0x189: {  	s18 =	sadd.s32 $0x1, s18;
	s17 =	sadd.s32 $0x400, s17  }
0x18a: {  	s17 =	simm.s32 $0x0;
	s18 =	rddreg [dreg:$0xf]  }
0x18b: {  	[hbm4b:s18+s17] =	stream.linear.scatter [tilespmem:s12], [sflag:$0x4], $0x8000, $0x38;
	[tilespmem:$0x18000] =	vst v63  }
0x18c: {  	_ =	swait.ge [sflag:s11], $0x8000  }
0x18d: {  	[sflag:s11] =	ssyncset.done $0x0  }
0x18e: {  	[sflag:s11] =	ssyncadd.s32 $0xFFFF8000  }
0x18f: {  	_ =	swait.ge [sflag:s15], $0x8000  }
0x190: {  	s19 =	simm.s32 $0x0;
	[sflag:s15] =	ssyncset.done $0x0  }
0x191: {  	s18 =	simm.s32 $0x0;
	s24 =	rddreg [dreg:$0x10];
	[sflag:s15] =	ssyncadd.s32 $0xFFFF8000  }
0x192: {  	[tilespmem:s12], [sflag:$0x2] =	stream.linear.gather [hbm4b:s24+s17], $0x8000, $0x38;
	[tilespmem:$0x18000] =	vst v63  }
.LBB2_26:
0x193: {  	s20 =	sand.u32 $0x7, s18  }
0x194: {  	s20 =	sshll.u32 s20, $0x9  }
0x195: {  	s20 =	sshrl.u32 s20, $0x2  }
0x196: {  	v0 =	vmov s20;
	_ =	sdelay $0x2  }
0x197: {  	s21 =	sand.u32 $0x3FFFE000, s17  }
0x198: {  	s23 =	sadd.s32 $0x10040, s21  }
0x199: {  	v1 =	vld.idx.msk [tilespmem:v0+s23+$0xFFFFFFC0 ss:$0x1], $0xffff;
	_ =	sdelay $0x3  }
0x19a: {  	s24 =	sadd.s32 s20, s21  }
0x19b: {  	[tilespmem:s24+$0x0] =	vst.add.f32.msk $0xffff, v1  }
0x19c: {  	v1 =	vld.idx.msk [tilespmem:v0+s23+$0xFFFFFFD0 ss:$0x1], $0xffff;
	_ =	sdelay $0x4  }
0x19d: {  	[tilespmem:s24+$0x10] =	vst.add.f32.msk $0xffff, v1  }
0x19e: {  	v1 =	vld.idx.msk [tilespmem:v0+s23+$0xFFFFFFE0 ss:$0x1], $0xffff;
	_ =	sdelay $0x4  }
0x19f: {  	[tilespmem:s24+$0x20] =	vst.add.f32.msk $0xffff, v1  }
0x1a0: {  	v1 =	vld.idx.msk [tilespmem:v0+s23+$0xFFFFFFF0 ss:$0x1], $0xffff;
	_ =	sdelay $0x4  }
0x1a1: {  	[tilespmem:s24+$0x30] =	vst.add.f32.msk $0xffff, v1  }
0x1a2: {  	v1 =	vld.idx.msk [tilespmem:v0+s23+$0x0 ss:$0x1], $0xffff;
	_ =	sdelay $0x4  }
0x1a3: {  	[tilespmem:s24+$0x40] =	vst.add.f32.msk $0xffff, v1  }
0x1a4: {  	v1 =	vld.idx.msk [tilespmem:v0+s23+$0x10 ss:$0x1], $0xffff;
	_ =	sdelay $0x4  }
0x1a5: {  	[tilespmem:s24+$0x50] =	vst.add.f32.msk $0xffff, v1  }
0x1a6: {  	v1 =	vld.idx.msk [tilespmem:v0+s23+$0x20 ss:$0x1], $0xffff;
	_ =	sdelay $0x4  }
0x1a7: {  	[tilespmem:s24+$0x60] =	vst.add.f32.msk $0xffff, v1  }
0x1a8: {  	v1 =	vld.idx.msk [tilespmem:v0+s23+$0x30 ss:$0x1], $0xffff;
	_ =	sdelay $0x4  }
0x1a9: {  	s22 =	simm.s32 $0x0;
	s23 =	sadd.s32 $0x400, s23;
	[tilespmem:s24+$0x70] =	vst.add.f32.msk $0xffff, v1  }
.LBB2_27:
0x1aa: {  	v1 =	vld.idx.msk [tilespmem:v0+s23+$0xFFFFFFC0 ss:$0x1], $0xffff;
	s22 =	sadd.s32 $0x8, s22  }
0x1ab: {  	p0 =	slt.u32 s22, $0x38;
	_ =	sdelay $0x2  }
0x1ac: {  	s21 =	sadd.s32 $0x400, s21  }
0x1ad: {  	s24 =	sadd.s32 s20, s21  }
0x1ae: {  	[tilespmem:s24+$0x0] =	vst.add.f32.msk $0xffff, v1  }
0x1af: {  	v1 =	vld.idx.msk [tilespmem:v0+s23+$0xFFFFFFD0 ss:$0x1], $0xffff;
	_ =	sdelay $0x5  }
0x1b0: {  	[tilespmem:s24+$0x10] =	vst.add.f32.msk $0xffff, v1  }
0x1b1: {  	v1 =	vld.idx.msk [tilespmem:v0+s23+$0xFFFFFFE0 ss:$0x1], $0xffff;
	_ =	sdelay $0x5  }
0x1b2: {  	[tilespmem:s24+$0x20] =	vst.add.f32.msk $0xffff, v1  }
0x1b3: {  	v1 =	vld.idx.msk [tilespmem:v0+s23+$0xFFFFFFF0 ss:$0x1], $0xffff;
	_ =	sdelay $0x5  }
0x1b4: {  	[tilespmem:s24+$0x30] =	vst.add.f32.msk $0xffff, v1  }
0x1b5: {  	v1 =	vld.idx.msk [tilespmem:v0+s23+$0x0 ss:$0x1], $0xffff;
	_ =	sdelay $0x5  }
0x1b6: {  	[tilespmem:s24+$0x40] =	vst.add.f32.msk $0xffff, v1  }
0x1b7: {  	v1 =	vld.idx.msk [tilespmem:v0+s23+$0x10 ss:$0x1], $0xffff;
	_ =	sdelay $0x5  }
0x1b8: {  	[tilespmem:s24+$0x50] =	vst.add.f32.msk $0xffff, v1  }
0x1b9: {  	v1 =	vld.idx.msk [tilespmem:v0+s23+$0x20 ss:$0x1], $0xffff;
	_ =	sdelay $0x5  }
0x1ba: {  	[tilespmem:s24+$0x60] =	vst.add.f32.msk $0xffff, v1  }
0x1bb: {  	v1 =	vld.idx.msk [tilespmem:v0+s23+$0x30 ss:$0x1], $0xffff;
	_ =	sdelay $0x1  }
.Ltmp12:
0x1bc: {  	(pc) =	sbr.rel @p0 .LBB2_27-.Ltmp12, $2  }
0x1bd: {  	_ =	sdelay $0x2  }
0x1be: {  	s23 =	sadd.s32 $0x400, s23;
	[tilespmem:s24+$0x70] =	vst.add.f32.msk $0xffff, v1  }
0x1bf: {  	s19 =	sadd.s32 $0x1, s19  }
0x1c0: {  	p0 =	sne.s32 s19, $0x20  }
.Ltmp13:
0x1c1: {  	_ = 	snop;
	(pc) =	sbr.rel @p0 .LBB2_26-.Ltmp13, $2  }
0x1c2: {  	_ =	sdelay $0x2  }
0x1c3: {  	s18 =	sadd.s32 $0x1, s18;
	s17 =	sadd.s32 $0x400, s17  }
0x1c4: {  	s17 =	simm.s32 $0x0;
	s18 =	rddreg [dreg:$0x11]  }
0x1c5: {  	[hbm4b:s18+s17] =	stream.linear.scatter [tilespmem:s17], [sflag:$0x3], $0x8000, $0x38;
	[tilespmem:$0x18000] =	vst v63  }
0x1c6: {  	_ =	swait.ge [sflag:s13], $0x8000  }
0x1c7: {  	[sflag:s13] =	ssyncset.done $0x0  }
0x1c8: {  	[sflag:s13] =	ssyncadd.s32 $0xFFFF8000  }
0x1c9: {  	_ =	swait.ge [sflag:s14], $0x8000  }
0x1ca: {  	s19 =	simm.s32 $0x0;
	[sflag:s14] =	ssyncset.done $0x0  }
0x1cb: {  	s18 =	simm.s32 $0x0;
	s24 =	rddreg [dreg:$0x12];
	[sflag:s14] =	ssyncadd.s32 $0xFFFF8000  }
0x1cc: {  	[tilespmem:s17], [sflag:$0x1] =	stream.linear.gather [hbm4b:s24+s17], $0x8000, $0x38;
	[tilespmem:$0x18000] =	vst v63  }
.LBB2_30:
0x1cd: {  	s20 =	sand.u32 $0x7, s18  }
0x1ce: {  	s20 =	sshll.u32 s20, $0x9  }
0x1cf: {  	s20 =	sshrl.u32 s20, $0x2  }
0x1d0: {  	v0 =	vmov s20;
	_ =	sdelay $0x2  }
0x1d1: {  	s21 =	sand.u32 $0x3FFFE000, s17  }
0x1d2: {  	s23 =	sadd.s32 $0x10040, s21  }
0x1d3: {  	v1 =	vld.idx.msk [tilespmem:v0+s23+$0xFFFFFFC0 ss:$0x1], $0xffff;
	_ =	sdelay $0x2  }
0x1d4: {  	s21 =	sadd.s32 $0x8000, s21  }
0x1d5: {  	s24 =	sadd.s32 s20, s21  }
0x1d6: {  	[tilespmem:s24+$0x0] =	vst.add.f32.msk $0xffff, v1  }
0x1d7: {  	v1 =	vld.idx.msk [tilespmem:v0+s23+$0xFFFFFFD0 ss:$0x1], $0xffff;
	_ =	sdelay $0x4  }
0x1d8: {  	[tilespmem:s24+$0x10] =	vst.add.f32.msk $0xffff, v1  }
0x1d9: {  	v1 =	vld.idx.msk [tilespmem:v0+s23+$0xFFFFFFE0 ss:$0x1], $0xffff;
	_ =	sdelay $0x4  }
0x1da: {  	[tilespmem:s24+$0x20] =	vst.add.f32.msk $0xffff, v1  }
0x1db: {  	v1 =	vld.idx.msk [tilespmem:v0+s23+$0xFFFFFFF0 ss:$0x1], $0xffff;
	_ =	sdelay $0x4  }
0x1dc: {  	[tilespmem:s24+$0x30] =	vst.add.f32.msk $0xffff, v1  }
0x1dd: {  	v1 =	vld.idx.msk [tilespmem:v0+s23+$0x0 ss:$0x1], $0xffff;
	_ =	sdelay $0x4  }
0x1de: {  	[tilespmem:s24+$0x40] =	vst.add.f32.msk $0xffff, v1  }
0x1df: {  	v1 =	vld.idx.msk [tilespmem:v0+s23+$0x10 ss:$0x1], $0xffff;
	_ =	sdelay $0x4  }
0x1e0: {  	[tilespmem:s24+$0x50] =	vst.add.f32.msk $0xffff, v1  }
0x1e1: {  	v1 =	vld.idx.msk [tilespmem:v0+s23+$0x20 ss:$0x1], $0xffff;
	_ =	sdelay $0x4  }
0x1e2: {  	[tilespmem:s24+$0x60] =	vst.add.f32.msk $0xffff, v1  }
0x1e3: {  	v1 =	vld.idx.msk [tilespmem:v0+s23+$0x30 ss:$0x1], $0xffff;
	_ =	sdelay $0x4  }
0x1e4: {  	s22 =	simm.s32 $0x0;
	s23 =	sadd.s32 $0x400, s23;
	[tilespmem:s24+$0x70] =	vst.add.f32.msk $0xffff, v1  }
.LBB2_31:
0x1e5: {  	v1 =	vld.idx.msk [tilespmem:v0+s23+$0xFFFFFFC0 ss:$0x1], $0xffff;
	s22 =	sadd.s32 $0x8, s22  }
0x1e6: {  	p0 =	slt.u32 s22, $0x38;
	_ =	sdelay $0x2  }
0x1e7: {  	s21 =	sadd.s32 $0x400, s21  }
0x1e8: {  	s24 =	sadd.s32 s20, s21  }
0x1e9: {  	[tilespmem:s24+$0x0] =	vst.add.f32.msk $0xffff, v1  }
0x1ea: {  	v1 =	vld.idx.msk [tilespmem:v0+s23+$0xFFFFFFD0 ss:$0x1], $0xffff;
	_ =	sdelay $0x5  }
0x1eb: {  	[tilespmem:s24+$0x10] =	vst.add.f32.msk $0xffff, v1  }
0x1ec: {  	v1 =	vld.idx.msk [tilespmem:v0+s23+$0xFFFFFFE0 ss:$0x1], $0xffff;
	_ =	sdelay $0x5  }
0x1ed: {  	[tilespmem:s24+$0x20] =	vst.add.f32.msk $0xffff, v1  }
0x1ee: {  	v1 =	vld.idx.msk [tilespmem:v0+s23+$0xFFFFFFF0 ss:$0x1], $0xffff;
	_ =	sdelay $0x5  }
0x1ef: {  	[tilespmem:s24+$0x30] =	vst.add.f32.msk $0xffff, v1  }
0x1f0: {  	v1 =	vld.idx.msk [tilespmem:v0+s23+$0x0 ss:$0x1], $0xffff;
	_ =	sdelay $0x5  }
0x1f1: {  	[tilespmem:s24+$0x40] =	vst.add.f32.msk $0xffff, v1  }
0x1f2: {  	v1 =	vld.idx.msk [tilespmem:v0+s23+$0x10 ss:$0x1], $0xffff;
	_ =	sdelay $0x5  }
0x1f3: {  	[tilespmem:s24+$0x50] =	vst.add.f32.msk $0xffff, v1  }
0x1f4: {  	v1 =	vld.idx.msk [tilespmem:v0+s23+$0x20 ss:$0x1], $0xffff;
	_ =	sdelay $0x5  }
0x1f5: {  	[tilespmem:s24+$0x60] =	vst.add.f32.msk $0xffff, v1  }
0x1f6: {  	v1 =	vld.idx.msk [tilespmem:v0+s23+$0x30 ss:$0x1], $0xffff;
	_ =	sdelay $0x1  }
.Ltmp14:
0x1f7: {  	(pc) =	sbr.rel @p0 .LBB2_31-.Ltmp14, $2  }
0x1f8: {  	_ =	sdelay $0x2  }
0x1f9: {  	s23 =	sadd.s32 $0x400, s23;
	[tilespmem:s24+$0x70] =	vst.add.f32.msk $0xffff, v1  }
0x1fa: {  	s19 =	sadd.s32 $0x1, s19  }
0x1fb: {  	p0 =	sne.s32 s19, $0x20  }
.Ltmp15:
0x1fc: {  	_ = 	snop;
	(pc) =	sbr.rel @p0 .LBB2_30-.Ltmp15, $2  }
0x1fd: {  	_ =	sdelay $0x2  }
0x1fe: {  	s18 =	sadd.s32 $0x1, s18;
	s17 =	sadd.s32 $0x400, s17  }
0x1ff: {  	s17 =	simm.s32 $0x0;
	s18 =	rddreg [dreg:$0x13]  }
0x200: {  	[hbm4b:s18+s17] =	stream.linear.scatter [tilespmem:s12], [sflag:$0x4], $0x8000, $0x38;
	[tilespmem:$0x18000] =	vst v63  }
0x201: {  	s23 =	rddreg [dreg:$0x14]  }
0x202: {  	[tilespmem:s9], [sflag:$0x5] =	stream.linear.gather [hbm4b:s23+s17], $0x8000, $0x38;
	[tilespmem:$0x18000] =	vst v63  }
0x203: {  	_ =	swait.ge [sflag:s10], $0x8000  }
0x204: {  	[sflag:s10] =	ssyncset.done $0x0  }
0x205: {  	[sflag:s10] =	ssyncadd.s32 $0xFFFF8000  }
0x206: {  	_ =	swait.ge [sflag:s11], $0x8000  }
0x207: {  	[sflag:s11] =	ssyncset.done $0x0  }
0x208: {  	[sflag:s11] =	ssyncadd.s32 $0xFFFF8000  }
0x209: {  	_ =	swait.ge [sflag:s15], $0x8000  }
0x20a: {  	s19 =	simm.s32 $0x0;
	[sflag:s15] =	ssyncset.done $0x0  }
0x20b: {  	s18 =	simm.s32 $0x0;
	s24 =	rddreg [dreg:$0x16];
	[sflag:s15] =	ssyncadd.s32 $0xFFFF8000  }
0x20c: {  	[tilespmem:s12], [sflag:$0x2] =	stream.linear.gather [hbm4b:s24+s17], $0x8000, $0x38;
	[tilespmem:$0x18000] =	vst v63  }
.LBB2_34:
0x20d: {  	s20 =	sand.u32 $0x7, s18  }
0x20e: {  	s20 =	sshll.u32 s20, $0x9  }
0x20f: {  	s20 =	sshrl.u32 s20, $0x2  }
0x210: {  	v0 =	vmov s20;
	_ =	sdelay $0x2  }
0x211: {  	s21 =	sand.u32 $0x3FFFE000, s17  }
0x212: {  	s23 =	sadd.s32 $0x10040, s21  }
0x213: {  	v1 =	vld.idx.msk [tilespmem:v0+s23+$0xFFFFFFC0 ss:$0x1], $0xffff;
	_ =	sdelay $0x3  }
0x214: {  	s24 =	sadd.s32 s20, s21  }
0x215: {  	[tilespmem:s24+$0x0] =	vst.add.f32.msk $0xffff, v1  }
0x216: {  	v1 =	vld.idx.msk [tilespmem:v0+s23+$0xFFFFFFD0 ss:$0x1], $0xffff;
	_ =	sdelay $0x4  }
0x217: {  	[tilespmem:s24+$0x10] =	vst.add.f32.msk $0xffff, v1  }
0x218: {  	v1 =	vld.idx.msk [tilespmem:v0+s23+$0xFFFFFFE0 ss:$0x1], $0xffff;
	_ =	sdelay $0x4  }
0x219: {  	[tilespmem:s24+$0x20] =	vst.add.f32.msk $0xffff, v1  }
0x21a: {  	v1 =	vld.idx.msk [tilespmem:v0+s23+$0xFFFFFFF0 ss:$0x1], $0xffff;
	_ =	sdelay $0x4  }
0x21b: {  	[tilespmem:s24+$0x30] =	vst.add.f32.msk $0xffff, v1  }
0x21c: {  	v1 =	vld.idx.msk [tilespmem:v0+s23+$0x0 ss:$0x1], $0xffff;
	_ =	sdelay $0x4  }
0x21d: {  	[tilespmem:s24+$0x40] =	vst.add.f32.msk $0xffff, v1  }
0x21e: {  	v1 =	vld.idx.msk [tilespmem:v0+s23+$0x10 ss:$0x1], $0xffff;
	_ =	sdelay $0x4  }
0x21f: {  	[tilespmem:s24+$0x50] =	vst.add.f32.msk $0xffff, v1  }
0x220: {  	v1 =	vld.idx.msk [tilespmem:v0+s23+$0x20 ss:$0x1], $0xffff;
	_ =	sdelay $0x4  }
0x221: {  	[tilespmem:s24+$0x60] =	vst.add.f32.msk $0xffff, v1  }
0x222: {  	v1 =	vld.idx.msk [tilespmem:v0+s23+$0x30 ss:$0x1], $0xffff;
	_ =	sdelay $0x4  }
0x223: {  	s22 =	simm.s32 $0x0;
	s23 =	sadd.s32 $0x400, s23;
	[tilespmem:s24+$0x70] =	vst.add.f32.msk $0xffff, v1  }
.LBB2_35:
0x224: {  	v1 =	vld.idx.msk [tilespmem:v0+s23+$0xFFFFFFC0 ss:$0x1], $0xffff;
	s22 =	sadd.s32 $0x8, s22  }
0x225: {  	p0 =	slt.u32 s22, $0x38;
	_ =	sdelay $0x2  }
0x226: {  	s21 =	sadd.s32 $0x400, s21  }
0x227: {  	s24 =	sadd.s32 s20, s21  }
0x228: {  	[tilespmem:s24+$0x0] =	vst.add.f32.msk $0xffff, v1  }
0x229: {  	v1 =	vld.idx.msk [tilespmem:v0+s23+$0xFFFFFFD0 ss:$0x1], $0xffff;
	_ =	sdelay $0x5  }
0x22a: {  	[tilespmem:s24+$0x10] =	vst.add.f32.msk $0xffff, v1  }
0x22b: {  	v1 =	vld.idx.msk [tilespmem:v0+s23+$0xFFFFFFE0 ss:$0x1], $0xffff;
	_ =	sdelay $0x5  }
0x22c: {  	[tilespmem:s24+$0x20] =	vst.add.f32.msk $0xffff, v1  }
0x22d: {  	v1 =	vld.idx.msk [tilespmem:v0+s23+$0xFFFFFFF0 ss:$0x1], $0xffff;
	_ =	sdelay $0x5  }
0x22e: {  	[tilespmem:s24+$0x30] =	vst.add.f32.msk $0xffff, v1  }
0x22f: {  	v1 =	vld.idx.msk [tilespmem:v0+s23+$0x0 ss:$0x1], $0xffff;
	_ =	sdelay $0x5  }
0x230: {  	[tilespmem:s24+$0x40] =	vst.add.f32.msk $0xffff, v1  }
0x231: {  	v1 =	vld.idx.msk [tilespmem:v0+s23+$0x10 ss:$0x1], $0xffff;
	_ =	sdelay $0x5  }
0x232: {  	[tilespmem:s24+$0x50] =	vst.add.f32.msk $0xffff, v1  }
0x233: {  	v1 =	vld.idx.msk [tilespmem:v0+s23+$0x20 ss:$0x1], $0xffff;
	_ =	sdelay $0x5  }
0x234: {  	[tilespmem:s24+$0x60] =	vst.add.f32.msk $0xffff, v1  }
0x235: {  	v1 =	vld.idx.msk [tilespmem:v0+s23+$0x30 ss:$0x1], $0xffff;
	_ =	sdelay $0x1  }
.Ltmp16:
0x236: {  	(pc) =	sbr.rel @p0 .LBB2_35-.Ltmp16, $2  }
0x237: {  	_ =	sdelay $0x2  }
0x238: {  	s23 =	sadd.s32 $0x400, s23;
	[tilespmem:s24+$0x70] =	vst.add.f32.msk $0xffff, v1  }
0x239: {  	s19 =	sadd.s32 $0x1, s19  }
0x23a: {  	p0 =	sne.s32 s19, $0x20  }
.Ltmp17:
0x23b: {  	_ = 	snop;
	(pc) =	sbr.rel @p0 .LBB2_34-.Ltmp17, $2  }
0x23c: {  	_ =	sdelay $0x2  }
0x23d: {  	s18 =	sadd.s32 $0x1, s18;
	s17 =	sadd.s32 $0x400, s17  }
0x23e: {  	s17 =	simm.s32 $0x0;
	s18 =	rddreg [dreg:$0x15]  }
0x23f: {  	[hbm4b:s18+s17] =	stream.linear.scatter [tilespmem:s17], [sflag:$0x3], $0x8000, $0x38;
	[tilespmem:$0x18000] =	vst v63  }
0x240: {  	_ =	swait.ge [sflag:s13], $0x8000  }
0x241: {  	[sflag:s13] =	ssyncset.done $0x0  }
0x242: {  	[sflag:s13] =	ssyncadd.s32 $0xFFFF8000  }
0x243: {  	_ =	swait.ge [sflag:s14], $0x8000  }
0x244: {  	s19 =	simm.s32 $0x0;
	[sflag:s14] =	ssyncset.done $0x0  }
0x245: {  	s18 =	simm.s32 $0x0;
	s24 =	rddreg [dreg:$0x18];
	[sflag:s14] =	ssyncadd.s32 $0xFFFF8000  }
0x246: {  	[tilespmem:s17], [sflag:$0x1] =	stream.linear.gather [hbm4b:s24+s17], $0x8000, $0x38;
	[tilespmem:$0x18000] =	vst v63  }
.LBB2_38:
0x247: {  	s20 =	sand.u32 $0x7, s18  }
0x248: {  	s20 =	sshll.u32 s20, $0x9  }
0x249: {  	s20 =	sshrl.u32 s20, $0x2  }
0x24a: {  	v0 =	vmov s20;
	_ =	sdelay $0x2  }
0x24b: {  	s21 =	sand.u32 $0x3FFFE000, s17  }
0x24c: {  	s23 =	sadd.s32 $0x10040, s21  }
0x24d: {  	v1 =	vld.idx.msk [tilespmem:v0+s23+$0xFFFFFFC0 ss:$0x1], $0xffff;
	_ =	sdelay $0x2  }
0x24e: {  	s21 =	sadd.s32 $0x8000, s21  }
0x24f: {  	s24 =	sadd.s32 s20, s21  }
0x250: {  	[tilespmem:s24+$0x0] =	vst.add.f32.msk $0xffff, v1  }
0x251: {  	v1 =	vld.idx.msk [tilespmem:v0+s23+$0xFFFFFFD0 ss:$0x1], $0xffff;
	_ =	sdelay $0x4  }
0x252: {  	[tilespmem:s24+$0x10] =	vst.add.f32.msk $0xffff, v1  }
0x253: {  	v1 =	vld.idx.msk [tilespmem:v0+s23+$0xFFFFFFE0 ss:$0x1], $0xffff;
	_ =	sdelay $0x4  }
0x254: {  	[tilespmem:s24+$0x20] =	vst.add.f32.msk $0xffff, v1  }
0x255: {  	v1 =	vld.idx.msk [tilespmem:v0+s23+$0xFFFFFFF0 ss:$0x1], $0xffff;
	_ =	sdelay $0x4  }
0x256: {  	[tilespmem:s24+$0x30] =	vst.add.f32.msk $0xffff, v1  }
0x257: {  	v1 =	vld.idx.msk [tilespmem:v0+s23+$0x0 ss:$0x1], $0xffff;
	_ =	sdelay $0x4  }
0x258: {  	[tilespmem:s24+$0x40] =	vst.add.f32.msk $0xffff, v1  }
0x259: {  	v1 =	vld.idx.msk [tilespmem:v0+s23+$0x10 ss:$0x1], $0xffff;
	_ =	sdelay $0x4  }
0x25a: {  	[tilespmem:s24+$0x50] =	vst.add.f32.msk $0xffff, v1  }
0x25b: {  	v1 =	vld.idx.msk [tilespmem:v0+s23+$0x20 ss:$0x1], $0xffff;
	_ =	sdelay $0x4  }
0x25c: {  	[tilespmem:s24+$0x60] =	vst.add.f32.msk $0xffff, v1  }
0x25d: {  	v1 =	vld.idx.msk [tilespmem:v0+s23+$0x30 ss:$0x1], $0xffff;
	_ =	sdelay $0x4  }
0x25e: {  	s22 =	simm.s32 $0x0;
	s23 =	sadd.s32 $0x400, s23;
	[tilespmem:s24+$0x70] =	vst.add.f32.msk $0xffff, v1  }
.LBB2_39:
0x25f: {  	v1 =	vld.idx.msk [tilespmem:v0+s23+$0xFFFFFFC0 ss:$0x1], $0xffff;
	s22 =	sadd.s32 $0x8, s22  }
0x260: {  	p0 =	slt.u32 s22, $0x38;
	_ =	sdelay $0x2  }
0x261: {  	s21 =	sadd.s32 $0x400, s21  }
0x262: {  	s24 =	sadd.s32 s20, s21  }
0x263: {  	[tilespmem:s24+$0x0] =	vst.add.f32.msk $0xffff, v1  }
0x264: {  	v1 =	vld.idx.msk [tilespmem:v0+s23+$0xFFFFFFD0 ss:$0x1], $0xffff;
	_ =	sdelay $0x5  }
0x265: {  	[tilespmem:s24+$0x10] =	vst.add.f32.msk $0xffff, v1  }
0x266: {  	v1 =	vld.idx.msk [tilespmem:v0+s23+$0xFFFFFFE0 ss:$0x1], $0xffff;
	_ =	sdelay $0x5  }
0x267: {  	[tilespmem:s24+$0x20] =	vst.add.f32.msk $0xffff, v1  }
0x268: {  	v1 =	vld.idx.msk [tilespmem:v0+s23+$0xFFFFFFF0 ss:$0x1], $0xffff;
	_ =	sdelay $0x5  }
0x269: {  	[tilespmem:s24+$0x30] =	vst.add.f32.msk $0xffff, v1  }
0x26a: {  	v1 =	vld.idx.msk [tilespmem:v0+s23+$0x0 ss:$0x1], $0xffff;
	_ =	sdelay $0x5  }
0x26b: {  	[tilespmem:s24+$0x40] =	vst.add.f32.msk $0xffff, v1  }
0x26c: {  	v1 =	vld.idx.msk [tilespmem:v0+s23+$0x10 ss:$0x1], $0xffff;
	_ =	sdelay $0x5  }
0x26d: {  	[tilespmem:s24+$0x50] =	vst.add.f32.msk $0xffff, v1  }
0x26e: {  	v1 =	vld.idx.msk [tilespmem:v0+s23+$0x20 ss:$0x1], $0xffff;
	_ =	sdelay $0x5  }
0x26f: {  	[tilespmem:s24+$0x60] =	vst.add.f32.msk $0xffff, v1  }
0x270: {  	v1 =	vld.idx.msk [tilespmem:v0+s23+$0x30 ss:$0x1], $0xffff;
	_ =	sdelay $0x1  }
.Ltmp18:
0x271: {  	(pc) =	sbr.rel @p0 .LBB2_39-.Ltmp18, $2  }
0x272: {  	_ =	sdelay $0x2  }
0x273: {  	s23 =	sadd.s32 $0x400, s23;
	[tilespmem:s24+$0x70] =	vst.add.f32.msk $0xffff, v1  }
0x274: {  	s19 =	sadd.s32 $0x1, s19  }
0x275: {  	p0 =	sne.s32 s19, $0x20  }
.Ltmp19:
0x276: {  	_ = 	snop;
	(pc) =	sbr.rel @p0 .LBB2_38-.Ltmp19, $2  }
0x277: {  	_ =	sdelay $0x2  }
0x278: {  	s18 =	sadd.s32 $0x1, s18;
	s17 =	sadd.s32 $0x400, s17  }
0x279: {  	s17 =	simm.s32 $0x0;
	s18 =	rddreg [dreg:$0x17]  }
0x27a: {  	[hbm4b:s18+s17] =	stream.linear.scatter [tilespmem:s12], [sflag:$0x4], $0x8000, $0x38;
	[tilespmem:$0x18000] =	vst v63  }
0x27b: {  	_ =	swait.ge [sflag:s11], $0x8000  }
0x27c: {  	[sflag:s11] =	ssyncset.done $0x0  }
0x27d: {  	[sflag:s11] =	ssyncadd.s32 $0xFFFF8000  }
0x27e: {  	_ =	swait.ge [sflag:s15], $0x8000  }
0x27f: {  	s19 =	simm.s32 $0x0;
	[sflag:s15] =	ssyncset.done $0x0  }
0x280: {  	s18 =	simm.s32 $0x0;
	s24 =	rddreg [dreg:$0x1a];
	[sflag:s15] =	ssyncadd.s32 $0xFFFF8000  }
0x281: {  	[tilespmem:s12], [sflag:$0x2] =	stream.linear.gather [hbm4b:s24+s17], $0x8000, $0x38;
	[tilespmem:$0x18000] =	vst v63  }
.LBB2_42:
0x282: {  	s20 =	sand.u32 $0x7, s18  }
0x283: {  	s20 =	sshll.u32 s20, $0x9  }
0x284: {  	s20 =	sshrl.u32 s20, $0x2  }
0x285: {  	v0 =	vmov s20;
	_ =	sdelay $0x2  }
0x286: {  	s21 =	sand.u32 $0x3FFFE000, s17  }
0x287: {  	s23 =	sadd.s32 $0x10040, s21  }
0x288: {  	v1 =	vld.idx.msk [tilespmem:v0+s23+$0xFFFFFFC0 ss:$0x1], $0xffff;
	_ =	sdelay $0x3  }
0x289: {  	s24 =	sadd.s32 s20, s21  }
0x28a: {  	[tilespmem:s24+$0x0] =	vst.add.f32.msk $0xffff, v1  }
0x28b: {  	v1 =	vld.idx.msk [tilespmem:v0+s23+$0xFFFFFFD0 ss:$0x1], $0xffff;
	_ =	sdelay $0x4  }
0x28c: {  	[tilespmem:s24+$0x10] =	vst.add.f32.msk $0xffff, v1  }
0x28d: {  	v1 =	vld.idx.msk [tilespmem:v0+s23+$0xFFFFFFE0 ss:$0x1], $0xffff;
	_ =	sdelay $0x4  }
0x28e: {  	[tilespmem:s24+$0x20] =	vst.add.f32.msk $0xffff, v1  }
0x28f: {  	v1 =	vld.idx.msk [tilespmem:v0+s23+$0xFFFFFFF0 ss:$0x1], $0xffff;
	_ =	sdelay $0x4  }
0x290: {  	[tilespmem:s24+$0x30] =	vst.add.f32.msk $0xffff, v1  }
0x291: {  	v1 =	vld.idx.msk [tilespmem:v0+s23+$0x0 ss:$0x1], $0xffff;
	_ =	sdelay $0x4  }
0x292: {  	[tilespmem:s24+$0x40] =	vst.add.f32.msk $0xffff, v1  }
0x293: {  	v1 =	vld.idx.msk [tilespmem:v0+s23+$0x10 ss:$0x1], $0xffff;
	_ =	sdelay $0x4  }
0x294: {  	[tilespmem:s24+$0x50] =	vst.add.f32.msk $0xffff, v1  }
0x295: {  	v1 =	vld.idx.msk [tilespmem:v0+s23+$0x20 ss:$0x1], $0xffff;
	_ =	sdelay $0x4  }
0x296: {  	[tilespmem:s24+$0x60] =	vst.add.f32.msk $0xffff, v1  }
0x297: {  	v1 =	vld.idx.msk [tilespmem:v0+s23+$0x30 ss:$0x1], $0xffff;
	_ =	sdelay $0x4  }
0x298: {  	s22 =	simm.s32 $0x0;
	s23 =	sadd.s32 $0x400, s23;
	[tilespmem:s24+$0x70] =	vst.add.f32.msk $0xffff, v1  }
.LBB2_43:
0x299: {  	v1 =	vld.idx.msk [tilespmem:v0+s23+$0xFFFFFFC0 ss:$0x1], $0xffff;
	s22 =	sadd.s32 $0x8, s22  }
0x29a: {  	p0 =	slt.u32 s22, $0x38;
	_ =	sdelay $0x2  }
0x29b: {  	s21 =	sadd.s32 $0x400, s21  }
0x29c: {  	s24 =	sadd.s32 s20, s21  }
0x29d: {  	[tilespmem:s24+$0x0] =	vst.add.f32.msk $0xffff, v1  }
0x29e: {  	v1 =	vld.idx.msk [tilespmem:v0+s23+$0xFFFFFFD0 ss:$0x1], $0xffff;
	_ =	sdelay $0x5  }
0x29f: {  	[tilespmem:s24+$0x10] =	vst.add.f32.msk $0xffff, v1  }
0x2a0: {  	v1 =	vld.idx.msk [tilespmem:v0+s23+$0xFFFFFFE0 ss:$0x1], $0xffff;
	_ =	sdelay $0x5  }
0x2a1: {  	[tilespmem:s24+$0x20] =	vst.add.f32.msk $0xffff, v1  }
0x2a2: {  	v1 =	vld.idx.msk [tilespmem:v0+s23+$0xFFFFFFF0 ss:$0x1], $0xffff;
	_ =	sdelay $0x5  }
0x2a3: {  	[tilespmem:s24+$0x30] =	vst.add.f32.msk $0xffff, v1  }
0x2a4: {  	v1 =	vld.idx.msk [tilespmem:v0+s23+$0x0 ss:$0x1], $0xffff;
	_ =	sdelay $0x5  }
0x2a5: {  	[tilespmem:s24+$0x40] =	vst.add.f32.msk $0xffff, v1  }
0x2a6: {  	v1 =	vld.idx.msk [tilespmem:v0+s23+$0x10 ss:$0x1], $0xffff;
	_ =	sdelay $0x5  }
0x2a7: {  	[tilespmem:s24+$0x50] =	vst.add.f32.msk $0xffff, v1  }
0x2a8: {  	v1 =	vld.idx.msk [tilespmem:v0+s23+$0x20 ss:$0x1], $0xffff;
	_ =	sdelay $0x5  }
0x2a9: {  	[tilespmem:s24+$0x60] =	vst.add.f32.msk $0xffff, v1  }
0x2aa: {  	v1 =	vld.idx.msk [tilespmem:v0+s23+$0x30 ss:$0x1], $0xffff;
	_ =	sdelay $0x1  }
.Ltmp20:
0x2ab: {  	(pc) =	sbr.rel @p0 .LBB2_43-.Ltmp20, $2  }
0x2ac: {  	_ =	sdelay $0x2  }
0x2ad: {  	s23 =	sadd.s32 $0x400, s23;
	[tilespmem:s24+$0x70] =	vst.add.f32.msk $0xffff, v1  }
0x2ae: {  	s19 =	sadd.s32 $0x1, s19  }
0x2af: {  	p0 =	sne.s32 s19, $0x20  }
.Ltmp21:
0x2b0: {  	_ = 	snop;
	(pc) =	sbr.rel @p0 .LBB2_42-.Ltmp21, $2  }
0x2b1: {  	_ =	sdelay $0x2  }
0x2b2: {  	s18 =	sadd.s32 $0x1, s18;
	s17 =	sadd.s32 $0x400, s17  }
0x2b3: {  	s17 =	simm.s32 $0x0;
	s18 =	rddreg [dreg:$0x19]  }
0x2b4: {  	[hbm4b:s18+s17] =	stream.linear.scatter [tilespmem:s17], [sflag:$0x3], $0x8000, $0x38;
	[tilespmem:$0x18000] =	vst v63  }
0x2b5: {  	_ =	swait.ge [sflag:s13], $0x8000  }
0x2b6: {  	[sflag:s13] =	ssyncset.done $0x0  }
0x2b7: {  	[sflag:s13] =	ssyncadd.s32 $0xFFFF8000  }
0x2b8: {  	_ =	swait.ge [sflag:s14], $0x8000  }
0x2b9: {  	[sflag:s14] =	ssyncset.done $0x0  }
0x2ba: {  	s19 =	simm.s32 $0x0;
	s18 =	simm.s32 $0x0;
	[sflag:s14] =	ssyncadd.s32 $0xFFFF8000  }
0x2bb: {  	[tilespmem:s17], [sflag:$0x1] =	stream.linear.gather [hbm4b:s29+s17], $0x8000, $0x38;
	[tilespmem:$0x18000] =	vst v63  }
.LBB2_46:
0x2bc: {  	s20 =	sand.u32 $0x7, s18  }
0x2bd: {  	s20 =	sshll.u32 s20, $0x9  }
0x2be: {  	s20 =	sshrl.u32 s20, $0x2  }
0x2bf: {  	v0 =	vmov s20;
	_ =	sdelay $0x2  }
0x2c0: {  	s21 =	sand.u32 $0x3FFFE000, s17  }
0x2c1: {  	s23 =	sadd.s32 $0x10040, s21  }
0x2c2: {  	v1 =	vld.idx.msk [tilespmem:v0+s23+$0xFFFFFFC0 ss:$0x1], $0xffff;
	_ =	sdelay $0x2  }
0x2c3: {  	s21 =	sadd.s32 $0x8000, s21  }
0x2c4: {  	s24 =	sadd.s32 s20, s21  }
0x2c5: {  	[tilespmem:s24+$0x0] =	vst.add.f32.msk $0xffff, v1  }
0x2c6: {  	v1 =	vld.idx.msk [tilespmem:v0+s23+$0xFFFFFFD0 ss:$0x1], $0xffff;
	_ =	sdelay $0x4  }
0x2c7: {  	[tilespmem:s24+$0x10] =	vst.add.f32.msk $0xffff, v1  }
0x2c8: {  	v1 =	vld.idx.msk [tilespmem:v0+s23+$0xFFFFFFE0 ss:$0x1], $0xffff;
	_ =	sdelay $0x4  }
0x2c9: {  	[tilespmem:s24+$0x20] =	vst.add.f32.msk $0xffff, v1  }
0x2ca: {  	v1 =	vld.idx.msk [tilespmem:v0+s23+$0xFFFFFFF0 ss:$0x1], $0xffff;
	_ =	sdelay $0x4  }
0x2cb: {  	[tilespmem:s24+$0x30] =	vst.add.f32.msk $0xffff, v1  }
0x2cc: {  	v1 =	vld.idx.msk [tilespmem:v0+s23+$0x0 ss:$0x1], $0xffff;
	_ =	sdelay $0x4  }
0x2cd: {  	[tilespmem:s24+$0x40] =	vst.add.f32.msk $0xffff, v1  }
0x2ce: {  	v1 =	vld.idx.msk [tilespmem:v0+s23+$0x10 ss:$0x1], $0xffff;
	_ =	sdelay $0x4  }
0x2cf: {  	[tilespmem:s24+$0x50] =	vst.add.f32.msk $0xffff, v1  }
0x2d0: {  	v1 =	vld.idx.msk [tilespmem:v0+s23+$0x20 ss:$0x1], $0xffff;
	_ =	sdelay $0x4  }
0x2d1: {  	[tilespmem:s24+$0x60] =	vst.add.f32.msk $0xffff, v1  }
0x2d2: {  	v1 =	vld.idx.msk [tilespmem:v0+s23+$0x30 ss:$0x1], $0xffff;
	_ =	sdelay $0x4  }
0x2d3: {  	s22 =	simm.s32 $0x0;
	s23 =	sadd.s32 $0x400, s23;
	[tilespmem:s24+$0x70] =	vst.add.f32.msk $0xffff, v1  }
.LBB2_47:
0x2d4: {  	v1 =	vld.idx.msk [tilespmem:v0+s23+$0xFFFFFFC0 ss:$0x1], $0xffff;
	s22 =	sadd.s32 $0x8, s22  }
0x2d5: {  	p0 =	slt.u32 s22, $0x38;
	_ =	sdelay $0x2  }
0x2d6: {  	s21 =	sadd.s32 $0x400, s21  }
0x2d7: {  	s24 =	sadd.s32 s20, s21  }
0x2d8: {  	[tilespmem:s24+$0x0] =	vst.add.f32.msk $0xffff, v1  }
0x2d9: {  	v1 =	vld.idx.msk [tilespmem:v0+s23+$0xFFFFFFD0 ss:$0x1], $0xffff;
	_ =	sdelay $0x5  }
0x2da: {  	[tilespmem:s24+$0x10] =	vst.add.f32.msk $0xffff, v1  }
0x2db: {  	v1 =	vld.idx.msk [tilespmem:v0+s23+$0xFFFFFFE0 ss:$0x1], $0xffff;
	_ =	sdelay $0x5  }
0x2dc: {  	[tilespmem:s24+$0x20] =	vst.add.f32.msk $0xffff, v1  }
0x2dd: {  	v1 =	vld.idx.msk [tilespmem:v0+s23+$0xFFFFFFF0 ss:$0x1], $0xffff;
	_ =	sdelay $0x5  }
0x2de: {  	[tilespmem:s24+$0x30] =	vst.add.f32.msk $0xffff, v1  }
0x2df: {  	v1 =	vld.idx.msk [tilespmem:v0+s23+$0x0 ss:$0x1], $0xffff;
	_ =	sdelay $0x5  }
0x2e0: {  	[tilespmem:s24+$0x40] =	vst.add.f32.msk $0xffff, v1  }
0x2e1: {  	v1 =	vld.idx.msk [tilespmem:v0+s23+$0x10 ss:$0x1], $0xffff;
	_ =	sdelay $0x5  }
0x2e2: {  	[tilespmem:s24+$0x50] =	vst.add.f32.msk $0xffff, v1  }
0x2e3: {  	v1 =	vld.idx.msk [tilespmem:v0+s23+$0x20 ss:$0x1], $0xffff;
	_ =	sdelay $0x5  }
0x2e4: {  	[tilespmem:s24+$0x60] =	vst.add.f32.msk $0xffff, v1  }
0x2e5: {  	v1 =	vld.idx.msk [tilespmem:v0+s23+$0x30 ss:$0x1], $0xffff;
	_ =	sdelay $0x1  }
.Ltmp22:
0x2e6: {  	(pc) =	sbr.rel @p0 .LBB2_47-.Ltmp22, $2  }
0x2e7: {  	_ =	sdelay $0x2  }
0x2e8: {  	s23 =	sadd.s32 $0x400, s23;
	[tilespmem:s24+$0x70] =	vst.add.f32.msk $0xffff, v1  }
0x2e9: {  	s19 =	sadd.s32 $0x1, s19  }
0x2ea: {  	p0 =	sne.s32 s19, $0x20  }
.Ltmp23:
0x2eb: {  	_ = 	snop;
	(pc) =	sbr.rel @p0 .LBB2_46-.Ltmp23, $2  }
0x2ec: {  	_ =	sdelay $0x2  }
0x2ed: {  	s18 =	sadd.s32 $0x1, s18;
	s17 =	sadd.s32 $0x400, s17  }
0x2ee: {  	s17 =	simm.s32 $0x0  }
0x2ef: {  	[hbm4b:s25+s17] =	stream.linear.scatter [tilespmem:s12], [sflag:$0x4], $0x8000, $0x38;
	[tilespmem:$0x18000] =	vst v63  }
0x2f0: {  	_ = 	snop  }
0x2f1: {  	[tilespmem:s9], [sflag:$0x5] =	stream.linear.gather [hbm4b:s28+s17], $0x8000, $0x38;
	[tilespmem:$0x18000] =	vst v63  }
0x2f2: {  	_ =	swait.ge [sflag:s10], $0x8000  }
0x2f3: {  	[sflag:s10] =	ssyncset.done $0x0  }
0x2f4: {  	[sflag:s10] =	ssyncadd.s32 $0xFFFF8000  }
0x2f5: {  	_ =	swait.ge [sflag:s11], $0x8000  }
0x2f6: {  	[sflag:s11] =	ssyncset.done $0x0  }
0x2f7: {  	[sflag:s11] =	ssyncadd.s32 $0xFFFF8000  }
0x2f8: {  	_ =	swait.ge [sflag:s15], $0x8000  }
0x2f9: {  	[sflag:s15] =	ssyncset.done $0x0  }
0x2fa: {  	s18 =	simm.s32 $0x0;
	s19 =	simm.s32 $0x0;
	[sflag:s15] =	ssyncadd.s32 $0xFFFF8000  }
0x2fb: {  	[tilespmem:s12], [sflag:$0x2] =	stream.linear.gather [hbm4b:s31+s17], $0x8000, $0x38;
	[tilespmem:$0x18000] =	vst v63  }
.LBB2_50:
0x2fc: {  	s20 =	sand.u32 $0x7, s18  }
0x2fd: {  	s20 =	sshll.u32 s20, $0x9  }
0x2fe: {  	s20 =	sshrl.u32 s20, $0x2  }
0x2ff: {  	v0 =	vmov s20;
	_ =	sdelay $0x2  }
0x300: {  	s21 =	sand.u32 $0x3FFFE000, s17  }
0x301: {  	s23 =	sadd.s32 $0x10040, s21  }
0x302: {  	v1 =	vld.idx.msk [tilespmem:v0+s23+$0xFFFFFFC0 ss:$0x1], $0xffff;
	_ =	sdelay $0x3  }
0x303: {  	s24 =	sadd.s32 s20, s21  }
0x304: {  	[tilespmem:s24+$0x0] =	vst.add.f32.msk $0xffff, v1  }
0x305: {  	v1 =	vld.idx.msk [tilespmem:v0+s23+$0xFFFFFFD0 ss:$0x1], $0xffff;
	_ =	sdelay $0x4  }
0x306: {  	[tilespmem:s24+$0x10] =	vst.add.f32.msk $0xffff, v1  }
0x307: {  	v1 =	vld.idx.msk [tilespmem:v0+s23+$0xFFFFFFE0 ss:$0x1], $0xffff;
	_ =	sdelay $0x4  }
0x308: {  	[tilespmem:s24+$0x20] =	vst.add.f32.msk $0xffff, v1  }
0x309: {  	v1 =	vld.idx.msk [tilespmem:v0+s23+$0xFFFFFFF0 ss:$0x1], $0xffff;
	_ =	sdelay $0x4  }
0x30a: {  	[tilespmem:s24+$0x30] =	vst.add.f32.msk $0xffff, v1  }
0x30b: {  	v1 =	vld.idx.msk [tilespmem:v0+s23+$0x0 ss:$0x1], $0xffff;
	_ =	sdelay $0x4  }
0x30c: {  	[tilespmem:s24+$0x40] =	vst.add.f32.msk $0xffff, v1  }
0x30d: {  	v1 =	vld.idx.msk [tilespmem:v0+s23+$0x10 ss:$0x1], $0xffff;
	_ =	sdelay $0x4  }
0x30e: {  	[tilespmem:s24+$0x50] =	vst.add.f32.msk $0xffff, v1  }
0x30f: {  	v1 =	vld.idx.msk [tilespmem:v0+s23+$0x20 ss:$0x1], $0xffff;
	_ =	sdelay $0x4  }
0x310: {  	[tilespmem:s24+$0x60] =	vst.add.f32.msk $0xffff, v1  }
0x311: {  	v1 =	vld.idx.msk [tilespmem:v0+s23+$0x30 ss:$0x1], $0xffff;
	_ =	sdelay $0x4  }
0x312: {  	s22 =	simm.s32 $0x0;
	s23 =	sadd.s32 $0x400, s23;
	[tilespmem:s24+$0x70] =	vst.add.f32.msk $0xffff, v1  }
.LBB2_51:
0x313: {  	v1 =	vld.idx.msk [tilespmem:v0+s23+$0xFFFFFFC0 ss:$0x1], $0xffff;
	s22 =	sadd.s32 $0x8, s22  }
0x314: {  	p0 =	slt.u32 s22, $0x38;
	_ =	sdelay $0x2  }
0x315: {  	s21 =	sadd.s32 $0x400, s21  }
0x316: {  	s24 =	sadd.s32 s20, s21  }
0x317: {  	[tilespmem:s24+$0x0] =	vst.add.f32.msk $0xffff, v1  }
0x318: {  	v1 =	vld.idx.msk [tilespmem:v0+s23+$0xFFFFFFD0 ss:$0x1], $0xffff;
	_ =	sdelay $0x5  }
0x319: {  	[tilespmem:s24+$0x10] =	vst.add.f32.msk $0xffff, v1  }
0x31a: {  	v1 =	vld.idx.msk [tilespmem:v0+s23+$0xFFFFFFE0 ss:$0x1], $0xffff;
	_ =	sdelay $0x5  }
0x31b: {  	[tilespmem:s24+$0x20] =	vst.add.f32.msk $0xffff, v1  }
0x31c: {  	v1 =	vld.idx.msk [tilespmem:v0+s23+$0xFFFFFFF0 ss:$0x1], $0xffff;
	_ =	sdelay $0x5  }
0x31d: {  	[tilespmem:s24+$0x30] =	vst.add.f32.msk $0xffff, v1  }
0x31e: {  	v1 =	vld.idx.msk [tilespmem:v0+s23+$0x0 ss:$0x1], $0xffff;
	_ =	sdelay $0x5  }
0x31f: {  	[tilespmem:s24+$0x40] =	vst.add.f32.msk $0xffff, v1  }
0x320: {  	v1 =	vld.idx.msk [tilespmem:v0+s23+$0x10 ss:$0x1], $0xffff;
	_ =	sdelay $0x5  }
0x321: {  	[tilespmem:s24+$0x50] =	vst.add.f32.msk $0xffff, v1  }
0x322: {  	v1 =	vld.idx.msk [tilespmem:v0+s23+$0x20 ss:$0x1], $0xffff;
	_ =	sdelay $0x5  }
0x323: {  	[tilespmem:s24+$0x60] =	vst.add.f32.msk $0xffff, v1  }
0x324: {  	v1 =	vld.idx.msk [tilespmem:v0+s23+$0x30 ss:$0x1], $0xffff;
	_ =	sdelay $0x1  }
.Ltmp24:
0x325: {  	(pc) =	sbr.rel @p0 .LBB2_51-.Ltmp24, $2  }
0x326: {  	_ =	sdelay $0x2  }
0x327: {  	s23 =	sadd.s32 $0x400, s23;
	[tilespmem:s24+$0x70] =	vst.add.f32.msk $0xffff, v1  }
0x328: {  	s19 =	sadd.s32 $0x1, s19  }
0x329: {  	p0 =	sne.s32 s19, $0x20  }
.Ltmp25:
0x32a: {  	_ = 	snop;
	(pc) =	sbr.rel @p0 .LBB2_50-.Ltmp25, $2  }
0x32b: {  	_ =	sdelay $0x2  }
0x32c: {  	s18 =	sadd.s32 $0x1, s18;
	s17 =	sadd.s32 $0x400, s17  }
0x32d: {  	s17 =	simm.s32 $0x0  }
0x32e: {  	[hbm4b:s30+s17] =	stream.linear.scatter [tilespmem:s17], [sflag:$0x3], $0x8000, $0x38;
	[tilespmem:$0x18000] =	vst v63  }
0x32f: {  	_ =	swait.ge [sflag:s13], $0x8000  }
0x330: {  	[sflag:s13] =	ssyncset.done $0x0  }
0x331: {  	[sflag:s13] =	ssyncadd.s32 $0xFFFF8000  }
0x332: {  	_ =	swait.ge [sflag:s14], $0x8000  }
0x333: {  	[sflag:s14] =	ssyncset.done $0x0  }
0x334: {  	s18 =	simm.s32 $0x0;
	s19 =	simm.s32 $0x0;
	[sflag:s14] =	ssyncadd.s32 $0xFFFF8000  }
0x335: {  	[tilespmem:s17], [sflag:$0x1] =	stream.linear.gather [hbm4b:s4+s17], $0x8000, $0x38;
	[tilespmem:$0x18000] =	vst v63  }
.LBB2_54:
0x336: {  	s20 =	sand.u32 $0x7, s18  }
0x337: {  	s20 =	sshll.u32 s20, $0x9  }
0x338: {  	s20 =	sshrl.u32 s20, $0x2  }
0x339: {  	v0 =	vmov s20;
	_ =	sdelay $0x2  }
0x33a: {  	s21 =	sand.u32 $0x3FFFE000, s17  }
0x33b: {  	s23 =	sadd.s32 $0x10040, s21  }
0x33c: {  	v1 =	vld.idx.msk [tilespmem:v0+s23+$0xFFFFFFC0 ss:$0x1], $0xffff;
	_ =	sdelay $0x2  }
0x33d: {  	s21 =	sadd.s32 $0x8000, s21  }
0x33e: {  	s24 =	sadd.s32 s20, s21  }
0x33f: {  	[tilespmem:s24+$0x0] =	vst.add.f32.msk $0xffff, v1  }
0x340: {  	v1 =	vld.idx.msk [tilespmem:v0+s23+$0xFFFFFFD0 ss:$0x1], $0xffff;
	_ =	sdelay $0x4  }
0x341: {  	[tilespmem:s24+$0x10] =	vst.add.f32.msk $0xffff, v1  }
0x342: {  	v1 =	vld.idx.msk [tilespmem:v0+s23+$0xFFFFFFE0 ss:$0x1], $0xffff;
	_ =	sdelay $0x4  }
0x343: {  	[tilespmem:s24+$0x20] =	vst.add.f32.msk $0xffff, v1  }
0x344: {  	v1 =	vld.idx.msk [tilespmem:v0+s23+$0xFFFFFFF0 ss:$0x1], $0xffff;
	_ =	sdelay $0x4  }
0x345: {  	[tilespmem:s24+$0x30] =	vst.add.f32.msk $0xffff, v1  }
0x346: {  	v1 =	vld.idx.msk [tilespmem:v0+s23+$0x0 ss:$0x1], $0xffff;
	_ =	sdelay $0x4  }
0x347: {  	[tilespmem:s24+$0x40] =	vst.add.f32.msk $0xffff, v1  }
0x348: {  	v1 =	vld.idx.msk [tilespmem:v0+s23+$0x10 ss:$0x1], $0xffff;
	_ =	sdelay $0x4  }
0x349: {  	[tilespmem:s24+$0x50] =	vst.add.f32.msk $0xffff, v1  }
0x34a: {  	v1 =	vld.idx.msk [tilespmem:v0+s23+$0x20 ss:$0x1], $0xffff;
	_ =	sdelay $0x4  }
0x34b: {  	[tilespmem:s24+$0x60] =	vst.add.f32.msk $0xffff, v1  }
0x34c: {  	v1 =	vld.idx.msk [tilespmem:v0+s23+$0x30 ss:$0x1], $0xffff;
	_ =	sdelay $0x4  }
0x34d: {  	s22 =	simm.s32 $0x0;
	s23 =	sadd.s32 $0x400, s23;
	[tilespmem:s24+$0x70] =	vst.add.f32.msk $0xffff, v1  }
.LBB2_55:
0x34e: {  	v1 =	vld.idx.msk [tilespmem:v0+s23+$0xFFFFFFC0 ss:$0x1], $0xffff;
	s22 =	sadd.s32 $0x8, s22  }
0x34f: {  	p0 =	slt.u32 s22, $0x38;
	_ =	sdelay $0x2  }
0x350: {  	s21 =	sadd.s32 $0x400, s21  }
0x351: {  	s24 =	sadd.s32 s20, s21  }
0x352: {  	[tilespmem:s24+$0x0] =	vst.add.f32.msk $0xffff, v1  }
0x353: {  	v1 =	vld.idx.msk [tilespmem:v0+s23+$0xFFFFFFD0 ss:$0x1], $0xffff;
	_ =	sdelay $0x5  }
0x354: {  	[tilespmem:s24+$0x10] =	vst.add.f32.msk $0xffff, v1  }
0x355: {  	v1 =	vld.idx.msk [tilespmem:v0+s23+$0xFFFFFFE0 ss:$0x1], $0xffff;
	_ =	sdelay $0x5  }
0x356: {  	[tilespmem:s24+$0x20] =	vst.add.f32.msk $0xffff, v1  }
0x357: {  	v1 =	vld.idx.msk [tilespmem:v0+s23+$0xFFFFFFF0 ss:$0x1], $0xffff;
	_ =	sdelay $0x5  }
0x358: {  	[tilespmem:s24+$0x30] =	vst.add.f32.msk $0xffff, v1  }
0x359: {  	v1 =	vld.idx.msk [tilespmem:v0+s23+$0x0 ss:$0x1], $0xffff;
	_ =	sdelay $0x5  }
0x35a: {  	[tilespmem:s24+$0x40] =	vst.add.f32.msk $0xffff, v1  }
0x35b: {  	v1 =	vld.idx.msk [tilespmem:v0+s23+$0x10 ss:$0x1], $0xffff;
	_ =	sdelay $0x5  }
0x35c: {  	[tilespmem:s24+$0x50] =	vst.add.f32.msk $0xffff, v1  }
0x35d: {  	v1 =	vld.idx.msk [tilespmem:v0+s23+$0x20 ss:$0x1], $0xffff;
	_ =	sdelay $0x5  }
0x35e: {  	[tilespmem:s24+$0x60] =	vst.add.f32.msk $0xffff, v1  }
0x35f: {  	v1 =	vld.idx.msk [tilespmem:v0+s23+$0x30 ss:$0x1], $0xffff;
	_ =	sdelay $0x1  }
.Ltmp26:
0x360: {  	(pc) =	sbr.rel @p0 .LBB2_55-.Ltmp26, $2  }
0x361: {  	_ =	sdelay $0x2  }
0x362: {  	s23 =	sadd.s32 $0x400, s23;
	[tilespmem:s24+$0x70] =	vst.add.f32.msk $0xffff, v1  }
0x363: {  	s19 =	sadd.s32 $0x1, s19  }
0x364: {  	p0 =	sne.s32 s19, $0x20  }
.Ltmp27:
0x365: {  	_ = 	snop;
	(pc) =	sbr.rel @p0 .LBB2_54-.Ltmp27, $2  }
0x366: {  	_ =	sdelay $0x2  }
0x367: {  	s18 =	sadd.s32 $0x1, s18;
	s17 =	sadd.s32 $0x400, s17  }
0x368: {  	s17 =	simm.s32 $0x0  }
0x369: {  	[hbm4b:s0+s17] =	stream.linear.scatter [tilespmem:s12], [sflag:$0x4], $0x8000, $0x38;
	[tilespmem:$0x18000] =	vst v63  }
0x36a: {  	_ =	swait.ge [sflag:s11], $0x8000  }
0x36b: {  	[sflag:s11] =	ssyncset.done $0x0  }
0x36c: {  	[sflag:s11] =	ssyncadd.s32 $0xFFFF8000  }
0x36d: {  	_ =	swait.ge [sflag:s15], $0x8000  }
0x36e: {  	[sflag:s15] =	ssyncset.done $0x0  }
0x36f: {  	s18 =	simm.s32 $0x0;
	s19 =	simm.s32 $0x0;
	[sflag:s15] =	ssyncadd.s32 $0xFFFF8000  }
0x370: {  	[tilespmem:s12], [sflag:$0x2] =	stream.linear.gather [hbm4b:s5+s17], $0x8000, $0x38;
	[tilespmem:$0x18000] =	vst v63  }
.LBB2_58:
0x371: {  	s20 =	sand.u32 $0x7, s18  }
0x372: {  	s20 =	sshll.u32 s20, $0x9  }
0x373: {  	s20 =	sshrl.u32 s20, $0x2  }
0x374: {  	v0 =	vmov s20;
	_ =	sdelay $0x2  }
0x375: {  	s21 =	sand.u32 $0x3FFFE000, s17  }
0x376: {  	s23 =	sadd.s32 $0x10040, s21  }
0x377: {  	v1 =	vld.idx.msk [tilespmem:v0+s23+$0xFFFFFFC0 ss:$0x1], $0xffff;
	_ =	sdelay $0x3  }
0x378: {  	s24 =	sadd.s32 s20, s21  }
0x379: {  	[tilespmem:s24+$0x0] =	vst.add.f32.msk $0xffff, v1  }
0x37a: {  	v1 =	vld.idx.msk [tilespmem:v0+s23+$0xFFFFFFD0 ss:$0x1], $0xffff;
	_ =	sdelay $0x4  }
0x37b: {  	[tilespmem:s24+$0x10] =	vst.add.f32.msk $0xffff, v1  }
0x37c: {  	v1 =	vld.idx.msk [tilespmem:v0+s23+$0xFFFFFFE0 ss:$0x1], $0xffff;
	_ =	sdelay $0x4  }
0x37d: {  	[tilespmem:s24+$0x20] =	vst.add.f32.msk $0xffff, v1  }
0x37e: {  	v1 =	vld.idx.msk [tilespmem:v0+s23+$0xFFFFFFF0 ss:$0x1], $0xffff;
	_ =	sdelay $0x4  }
0x37f: {  	[tilespmem:s24+$0x30] =	vst.add.f32.msk $0xffff, v1  }
0x380: {  	v1 =	vld.idx.msk [tilespmem:v0+s23+$0x0 ss:$0x1], $0xffff;
	_ =	sdelay $0x4  }
0x381: {  	[tilespmem:s24+$0x40] =	vst.add.f32.msk $0xffff, v1  }
0x382: {  	v1 =	vld.idx.msk [tilespmem:v0+s23+$0x10 ss:$0x1], $0xffff;
	_ =	sdelay $0x4  }
0x383: {  	[tilespmem:s24+$0x50] =	vst.add.f32.msk $0xffff, v1  }
0x384: {  	v1 =	vld.idx.msk [tilespmem:v0+s23+$0x20 ss:$0x1], $0xffff;
	_ =	sdelay $0x4  }
0x385: {  	[tilespmem:s24+$0x60] =	vst.add.f32.msk $0xffff, v1  }
0x386: {  	v1 =	vld.idx.msk [tilespmem:v0+s23+$0x30 ss:$0x1], $0xffff;
	_ =	sdelay $0x4  }
0x387: {  	s22 =	simm.s32 $0x0;
	s23 =	sadd.s32 $0x400, s23;
	[tilespmem:s24+$0x70] =	vst.add.f32.msk $0xffff, v1  }
.LBB2_59:
0x388: {  	v1 =	vld.idx.msk [tilespmem:v0+s23+$0xFFFFFFC0 ss:$0x1], $0xffff;
	s22 =	sadd.s32 $0x8, s22  }
0x389: {  	p0 =	slt.u32 s22, $0x38;
	_ =	sdelay $0x2  }
0x38a: {  	s21 =	sadd.s32 $0x400, s21  }
0x38b: {  	s24 =	sadd.s32 s20, s21  }
0x38c: {  	[tilespmem:s24+$0x0] =	vst.add.f32.msk $0xffff, v1  }
0x38d: {  	v1 =	vld.idx.msk [tilespmem:v0+s23+$0xFFFFFFD0 ss:$0x1], $0xffff;
	_ =	sdelay $0x5  }
0x38e: {  	[tilespmem:s24+$0x10] =	vst.add.f32.msk $0xffff, v1  }
0x38f: {  	v1 =	vld.idx.msk [tilespmem:v0+s23+$0xFFFFFFE0 ss:$0x1], $0xffff;
	_ =	sdelay $0x5  }
0x390: {  	[tilespmem:s24+$0x20] =	vst.add.f32.msk $0xffff, v1  }
0x391: {  	v1 =	vld.idx.msk [tilespmem:v0+s23+$0xFFFFFFF0 ss:$0x1], $0xffff;
	_ =	sdelay $0x5  }
0x392: {  	[tilespmem:s24+$0x30] =	vst.add.f32.msk $0xffff, v1  }
0x393: {  	v1 =	vld.idx.msk [tilespmem:v0+s23+$0x0 ss:$0x1], $0xffff;
	_ =	sdelay $0x5  }
0x394: {  	[tilespmem:s24+$0x40] =	vst.add.f32.msk $0xffff, v1  }
0x395: {  	v1 =	vld.idx.msk [tilespmem:v0+s23+$0x10 ss:$0x1], $0xffff;
	_ =	sdelay $0x5  }
0x396: {  	[tilespmem:s24+$0x50] =	vst.add.f32.msk $0xffff, v1  }
0x397: {  	v1 =	vld.idx.msk [tilespmem:v0+s23+$0x20 ss:$0x1], $0xffff;
	_ =	sdelay $0x5  }
0x398: {  	[tilespmem:s24+$0x60] =	vst.add.f32.msk $0xffff, v1  }
0x399: {  	v1 =	vld.idx.msk [tilespmem:v0+s23+$0x30 ss:$0x1], $0xffff;
	_ =	sdelay $0x1  }
.Ltmp28:
0x39a: {  	(pc) =	sbr.rel @p0 .LBB2_59-.Ltmp28, $2  }
0x39b: {  	_ =	sdelay $0x2  }
0x39c: {  	s23 =	sadd.s32 $0x400, s23;
	[tilespmem:s24+$0x70] =	vst.add.f32.msk $0xffff, v1  }
0x39d: {  	s19 =	sadd.s32 $0x1, s19  }
0x39e: {  	p0 =	sne.s32 s19, $0x20  }
.Ltmp29:
0x39f: {  	_ = 	snop;
	(pc) =	sbr.rel @p0 .LBB2_58-.Ltmp29, $2  }
0x3a0: {  	_ =	sdelay $0x2  }
0x3a1: {  	s18 =	sadd.s32 $0x1, s18;
	s17 =	sadd.s32 $0x400, s17  }
0x3a2: {  	s17 =	simm.s32 $0x0  }
0x3a3: {  	[hbm4b:s6+s17] =	stream.linear.scatter [tilespmem:s17], [sflag:$0x3], $0x8000, $0x38;
	[tilespmem:$0x18000] =	vst v63  }
0x3a4: {  	_ =	swait.ge [sflag:s13], $0x8000  }
0x3a5: {  	[sflag:s13] =	ssyncset.done $0x0  }
0x3a6: {  	s18 =	simm.s32 $0x0;
	s19 =	simm.s32 $0x0;
	[sflag:s13] =	ssyncadd.s32 $0xFFFF8000  }
.LBB2_62:
0x3a7: {  	s20 =	sand.u32 $0x7, s18  }
0x3a8: {  	s20 =	sshll.u32 s20, $0x9  }
0x3a9: {  	s20 =	sshrl.u32 s20, $0x2  }
0x3aa: {  	v0 =	vmov s20;
	_ =	sdelay $0x2  }
0x3ab: {  	s21 =	sand.u32 $0x3FFFE000, s17  }
0x3ac: {  	s23 =	sadd.s32 $0x10040, s21  }
0x3ad: {  	v1 =	vld.idx.msk [tilespmem:v0+s23+$0xFFFFFFC0 ss:$0x1], $0xffff;
	_ =	sdelay $0x2  }
0x3ae: {  	s21 =	sadd.s32 $0x8000, s21  }
0x3af: {  	s24 =	sadd.s32 s20, s21  }
0x3b0: {  	[tilespmem:s24+$0x0] =	vst.add.f32.msk $0xffff, v1  }
0x3b1: {  	v1 =	vld.idx.msk [tilespmem:v0+s23+$0xFFFFFFD0 ss:$0x1], $0xffff;
	_ =	sdelay $0x4  }
0x3b2: {  	[tilespmem:s24+$0x10] =	vst.add.f32.msk $0xffff, v1  }
0x3b3: {  	v1 =	vld.idx.msk [tilespmem:v0+s23+$0xFFFFFFE0 ss:$0x1], $0xffff;
	_ =	sdelay $0x4  }
0x3b4: {  	[tilespmem:s24+$0x20] =	vst.add.f32.msk $0xffff, v1  }
0x3b5: {  	v1 =	vld.idx.msk [tilespmem:v0+s23+$0xFFFFFFF0 ss:$0x1], $0xffff;
	_ =	sdelay $0x4  }
0x3b6: {  	[tilespmem:s24+$0x30] =	vst.add.f32.msk $0xffff, v1  }
0x3b7: {  	v1 =	vld.idx.msk [tilespmem:v0+s23+$0x0 ss:$0x1], $0xffff;
	_ =	sdelay $0x4  }
0x3b8: {  	[tilespmem:s24+$0x40] =	vst.add.f32.msk $0xffff, v1  }
0x3b9: {  	v1 =	vld.idx.msk [tilespmem:v0+s23+$0x10 ss:$0x1], $0xffff;
	_ =	sdelay $0x4  }
0x3ba: {  	[tilespmem:s24+$0x50] =	vst.add.f32.msk $0xffff, v1  }
0x3bb: {  	v1 =	vld.idx.msk [tilespmem:v0+s23+$0x20 ss:$0x1], $0xffff;
	_ =	sdelay $0x4  }
0x3bc: {  	[tilespmem:s24+$0x60] =	vst.add.f32.msk $0xffff, v1  }
0x3bd: {  	v1 =	vld.idx.msk [tilespmem:v0+s23+$0x30 ss:$0x1], $0xffff;
	_ =	sdelay $0x4  }
0x3be: {  	s22 =	simm.s32 $0x0;
	s23 =	sadd.s32 $0x400, s23;
	[tilespmem:s24+$0x70] =	vst.add.f32.msk $0xffff, v1  }
.LBB2_63:
0x3bf: {  	v1 =	vld.idx.msk [tilespmem:v0+s23+$0xFFFFFFC0 ss:$0x1], $0xffff;
	s22 =	sadd.s32 $0x8, s22  }
0x3c0: {  	p0 =	slt.u32 s22, $0x38;
	_ =	sdelay $0x2  }
0x3c1: {  	s21 =	sadd.s32 $0x400, s21  }
0x3c2: {  	s24 =	sadd.s32 s20, s21  }
0x3c3: {  	[tilespmem:s24+$0x0] =	vst.add.f32.msk $0xffff, v1  }
0x3c4: {  	v1 =	vld.idx.msk [tilespmem:v0+s23+$0xFFFFFFD0 ss:$0x1], $0xffff;
	_ =	sdelay $0x5  }
0x3c5: {  	[tilespmem:s24+$0x10] =	vst.add.f32.msk $0xffff, v1  }
0x3c6: {  	v1 =	vld.idx.msk [tilespmem:v0+s23+$0xFFFFFFE0 ss:$0x1], $0xffff;
	_ =	sdelay $0x5  }
0x3c7: {  	[tilespmem:s24+$0x20] =	vst.add.f32.msk $0xffff, v1  }
0x3c8: {  	v1 =	vld.idx.msk [tilespmem:v0+s23+$0xFFFFFFF0 ss:$0x1], $0xffff;
	_ =	sdelay $0x5  }
0x3c9: {  	[tilespmem:s24+$0x30] =	vst.add.f32.msk $0xffff, v1  }
0x3ca: {  	v1 =	vld.idx.msk [tilespmem:v0+s23+$0x0 ss:$0x1], $0xffff;
	_ =	sdelay $0x5  }
0x3cb: {  	[tilespmem:s24+$0x40] =	vst.add.f32.msk $0xffff, v1  }
0x3cc: {  	v1 =	vld.idx.msk [tilespmem:v0+s23+$0x10 ss:$0x1], $0xffff;
	_ =	sdelay $0x5  }
0x3cd: {  	[tilespmem:s24+$0x50] =	vst.add.f32.msk $0xffff, v1  }
0x3ce: {  	v1 =	vld.idx.msk [tilespmem:v0+s23+$0x20 ss:$0x1], $0xffff;
	_ =	sdelay $0x5  }
0x3cf: {  	[tilespmem:s24+$0x60] =	vst.add.f32.msk $0xffff, v1  }
0x3d0: {  	v1 =	vld.idx.msk [tilespmem:v0+s23+$0x30 ss:$0x1], $0xffff;
	_ =	sdelay $0x1  }
.Ltmp30:
0x3d1: {  	(pc) =	sbr.rel @p0 .LBB2_63-.Ltmp30, $2  }
0x3d2: {  	_ =	sdelay $0x2  }
0x3d3: {  	s23 =	sadd.s32 $0x400, s23;
	[tilespmem:s24+$0x70] =	vst.add.f32.msk $0xffff, v1  }
0x3d4: {  	s19 =	sadd.s32 $0x1, s19  }
0x3d5: {  	p0 =	sne.s32 s19, $0x20  }
.Ltmp31:
0x3d6: {  	_ = 	snop;
	(pc) =	sbr.rel @p0 .LBB2_62-.Ltmp31, $2  }
0x3d7: {  	_ =	sdelay $0x2  }
0x3d8: {  	s18 =	sadd.s32 $0x1, s18;
	s17 =	sadd.s32 $0x400, s17  }
0x3d9: {  	[hbm4b:s7+s1] =	stream.linear.scatter [tilespmem:s12], [sflag:$0x4], $0x8000, $0x38;
	[tilespmem:$0x18000] =	vst v63  }
0x3da: {  	s16 =	sadd.s32 $0x1, s16  }
0x3db: {  	_ =	swait.ge [sflag:s14], $0x8000;
	p0 =	sne.s32 s16, s8  }
.Ltmp32:
0x3dc: {  	[sflag:s14] =	ssyncset.done $0x0;
	(pc) =	sbr.rel @p0 .LBB2_1-.Ltmp32, $4  }
0x3dd: {  	[sflag:s14] =	ssyncadd.s32 $0xFFFF8000  }
0x3de: {  	_ =	swait.ge [sflag:s15], $0x8000  }
0x3df: {  	[sflag:s15] =	ssyncset.done $0x0  }
0x3e0: {  	[sflag:s15] =	ssyncadd.s32 $0xFFFF8000  }
0x3e1: {  	_ =	sfence.sel $0x180000  }
0x3e2: {  	[bflag:$0x0] =	sbarrier.arrive $0xFFFF  }
0x3e3: {  	_ =	strace $0x90000047  }
0x3e4: {  	s0 =	stileid.u32;
	[bflag:$0x2] =	sbarrier.arrive $0xFFFF  }
0x3e5: {  	p0 =	sne.s32 s0, $0x0;
	s0 =	rddreg [dreg:$0x3]  }
0x3e6: {  	s0 =	sadd.s32 @!p0 $0x100000, s0  }
0x3e7: {  	[sflag:s0] =	ssyncadd.tile.s32 @!p0 $0x1;
	_ =	shalt  }
.Lfunc_end2:
_tile_overlayer_lowered:
.L_overlay_start_2:
0x3e8: {  	(tag) =	ssettag $0x2  }
0x3e9: {  	s0 =	rddreg [dreg:$0x0];
	s2 =	stileid.u32  }
0x3ea: {  	s1 =	rddreg [dreg:$0x1];
	p0 =	sne.s32 s2, $0x0  }
0x3eb: {  	s3 =	rddreg [dreg:$0x2];
	[bflag:$0x3] =	sbarrier.arrive $0xFFFF;
	s2 =	simm.s32 @!p0 $0x1C05  }
0x3ec: {  	[timem:s3], [sflag:s2] =	dma.local @!p0 [hbm:s0], s1  }
0x3ed: {  	s0 =	simm.s32 @!p0 $0x5  }
0x3ee: {  	_ =	swait.ge @!p0 [sflag:s0], s1  }
0x3ef: {  	s1 =	ssub.s32 @!p0 $0x0, s1;
	[sflag:s0] =	ssyncset.done @!p0 $0x0  }
0x3f0: {  	[sflag:s0] =	ssyncadd.s32 @!p0 s1  }
0x3f1: {  	[bflag:$0x3] =	sbarrier.arrive $0xFFFF  }
0x3f2: {  	_ =	shalt  }

</sc_bundles>
